<compile_context>
chip_gen: v7x
topology: tpu7x:2x2x1
jax: 0.10.2.dev20260603
libtpu: 0.0.44.dev20260713+nightly
codegen_flags: <defaults>
</compile_context>

<pallas_src>
import functools

import jax
import jax.numpy as jnp
from jax import lax
from jax.experimental import pallas as pl
from jax.experimental.pallas import tpu as pltpu
from jax.experimental.pallas import tpu_sc as plsc

EMBED = 32
NUM_WORKERS = 32


def _gather_body(batch, hist, table, idx, out,
                 idx_v, rows_v, col_v, gsem, ssem, isem):
    wid = lax.axis_index("s") * 2 + lax.axis_index("c")
    bpw = batch // NUM_WORKERS
    b0 = wid * bpw
    n_streams = bpw // 128
    n_pairs = hist // 2
    lanes = lax.iota(jnp.int32, 16)
    bsub = [lanes + (16 * i) % 128 for i in range(8)]

    def stage_idx(h, p):
        pltpu.async_copy(idx.at[h, pl.ds(b0, bpw)], idx_v.at[p], isem[p])

    def wait_idx(p):
        pltpu.make_async_copy(idx.at[0, pl.ds(b0, bpw)], idx_v.at[p],
                              isem[p]).wait()

    def fire_gathers(p):
        for s in range(n_streams):
            pltpu.async_copy(
                table.at[idx_v.at[p, pl.ds(s * 128, 128)]],
                rows_v.at[p, pl.ds(s * 128, 128)], gsem[p])

    def drain_gathers(p):
        for s in range(n_streams):
            pltpu.make_async_copy(
                table.at[idx_v.at[p, pl.ds(s * 128, 128)]],
                rows_v.at[p, pl.ds(s * 128, 128)], gsem[p]).wait()

    def transpose(p):
        @plsc.parallel_loop(0, EMBED)
        def t_body(k):
            col = lax.rem(lanes + k, jnp.int32(EMBED))
            ti = lax.shift_right_logical(col, 3)
            ibase = (col & 7) << 7
            for i in range(32):
                ri = lanes + i * 16
                v = plsc.load_gather(rows_v.at[p], [ri, col])
                inner = ibase + ((i // 8) * 1024) + bsub[i % 8]
                plsc.store_scatter(col_v.at[p], [ti, inner], v)

    def store_out(h, p):
        pltpu.async_copy(col_v.at[p],
                         out.at[h, pl.ds(0, EMBED // 8),
                                pl.ds((b0 // 128) * 1024, bpw * 8)], ssem[p])

    def wait_store(p):
        pltpu.make_async_copy(col_v.at[p],
                              out.at[0, pl.ds(0, EMBED // 8),
                                     pl.ds((b0 // 128) * 1024, bpw * 8)],
                              ssem[p]).wait()

    for p in (0, 1):
        stage_idx(p, p)
        wait_idx(p)
        fire_gathers(p)

    def body(g, carry):
        h0 = 2 * g
        for p in (0, 1):
            h = h0 + p
            drain_gathers(p)

            @pl.when(g < n_pairs - 1)
            def _():
                stage_idx(h + 2, p)

            @pl.when(g > 0)
            def _():
                wait_store(p)
            transpose(p)
            store_out(h, p)

            @pl.when(g < n_pairs - 1)
            def _():
                wait_idx(p)
                fire_gathers(p)
        return carry

    lax.fori_loop(0, n_pairs, body, 0)
    wait_store(0)
    wait_store(1)


def kernel(x, embedding):
    batch, hist = x.shape
    idx = jnp.transpose(x.astype(jnp.int32))
    bpw = batch // NUM_WORKERS

    gather = pl.kernel(
        functools.partial(_gather_body, batch, hist),
        out_type=jax.ShapeDtypeStruct((hist, EMBED // 8, 8 * batch),
                                      jnp.float32),
        mesh=plsc.VectorSubcoreMesh(core_axis_name="c", subcore_axis_name="s"),
        scratch_types=[
            pltpu.VMEM((2, bpw), jnp.int32),
            pltpu.VMEM((2, bpw, EMBED), jnp.float32),
            pltpu.VMEM((2, EMBED // 8, bpw * 8), jnp.float32),
            [pltpu.SemaphoreType.DMA, pltpu.SemaphoreType.DMA],
            [pltpu.SemaphoreType.DMA, pltpu.SemaphoreType.DMA],
            [pltpu.SemaphoreType.DMA, pltpu.SemaphoreType.DMA],
        ],
        compiler_params=pltpu.CompilerParams(
            use_tc_tiling_on_sc=False, needs_layout_passes=False),
    )
    out = gather(embedding, idx)
    y = out.reshape(hist, EMBED // 8, batch // 128, 8, 128)
    y = jnp.transpose(y, (2, 4, 0, 1, 3))
    return y.reshape(batch, hist, EMBED)

# --- scband reference (transcript-rebuilt; emitter-appended) ---
"""Pipeline reference for scband-embedding-8787503087760 (READ-ONLY COPY).

The authoritative reference and input builder live on the scoring server;
editing this copy changes nothing except your own understanding.
"""

import jax, jax.numpy as jnp
import numpy as np

VOCAB = 1000000
EMBED_DIM = 32
BATCH = 16384
HIST = 200

def setup_inputs(seed: int = 0) -> dict:
    key = jax.random.key(seed)
    k1, k2 = jax.random.split(key)
    x = jax.random.randint(k1, (BATCH, HIST), 0, VOCAB, dtype=jnp.int64)
    embedding = jax.random.uniform(k2, (VOCAB, EMBED_DIM), dtype=jnp.float32, minval=-0.1, maxval=0.1)
    return {"x": x, "embedding": embedding}

def reference(x, embedding):
    # tf.nn.embedding_lookup(embedding, x)
    return jnp.take(embedding, x, axis=0)

if __name__ == "__main__":
    import jax
    _d = setup_inputs()
    print(jax.jit(kernel)(*tuple(_d.values())))

</pallas_src>

<mosaic_0001>
#map = affine_map<(d0, d1) -> (0, 0)>
#map1 = affine_map<(d0, d1) -> (0, 0, 0)>
module attributes {stable_mosaic.version = 14 : i64} {
  func.func @_gather_body(%arg0: i32, %arg1: i32, %arg2: memref<1000000x32xf32, #tpu.memory_space<hbm>>, %arg3: memref<200x16384xi32, #tpu.memory_space<hbm>>, %arg4: memref<200x4x131072xf32, #tpu.memory_space<hbm>>, %arg5: memref<2x512xi32, #tpu.memory_space<vmem>>, %arg6: memref<2x512x32xf32, #tpu.memory_space<vmem>>, %arg7: memref<2x4x4096xf32, #tpu.memory_space<vmem>>, %arg8: memref<!tpu.dma_semaphore, #tpu.memory_space<semaphore_mem>>, %arg9: memref<!tpu.dma_semaphore, #tpu.memory_space<semaphore_mem>>, %arg10: memref<!tpu.dma_semaphore, #tpu.memory_space<semaphore_mem>>, %arg11: memref<!tpu.dma_semaphore, #tpu.memory_space<semaphore_mem>>, %arg12: memref<!tpu.dma_semaphore, #tpu.memory_space<semaphore_mem>>, %arg13: memref<!tpu.dma_semaphore, #tpu.memory_space<semaphore_mem>>) attributes {dimension_semantics = [#tpu.dimension_semantics<core_parallel>, #tpu.dimension_semantics<subcore_parallel>], iteration_bounds = array<i64: 2, 16>, scalar_prefetch = 0 : i64, scratch_operands = 9 : i64, tpu.core_type = #tpu.core_type<sc_vector_subcore>, window_params = [{transform_indices = #map}, {transform_indices = #map}, {transform_indices = #map1}]} {
    %mul3A = arith.constant 2 : i32
    %mul3A_0 = arith.muli %arg1, %mul3A : i32
    %add3A = arith.addi %mul3A_0, %arg0 : i32
    %mul3A_1 = arith.constant 512 : i32
    %mul3A_2 = arith.muli %add3A, %mul3A_1 : i32
    %iota3A = tpu.iota {dimensions = array<i32: 0>} : vector<16xi32>
    %add3A_3 = arith.constant 0 : i32
    %add3A_4 = vector.broadcast %add3A_3 : i32 to vector<16xi32>
    %add3A_5 = arith.addi %iota3A, %add3A_4 : vector<16xi32>
    %add3A_6 = arith.constant 16 : i32
    %add3A_7 = vector.broadcast %add3A_6 : i32 to vector<16xi32>
    %add3A_8 = arith.addi %iota3A, %add3A_7 : vector<16xi32>
    %add3A_9 = arith.constant 32 : i32
    %add3A_10 = vector.broadcast %add3A_9 : i32 to vector<16xi32>
    %add3A_11 = arith.addi %iota3A, %add3A_10 : vector<16xi32>
    %add3A_12 = arith.constant 48 : i32
    %add3A_13 = vector.broadcast %add3A_12 : i32 to vector<16xi32>
    %add3A_14 = arith.addi %iota3A, %add3A_13 : vector<16xi32>
    %add3A_15 = arith.constant 64 : i32
    %add3A_16 = vector.broadcast %add3A_15 : i32 to vector<16xi32>
    %add3A_17 = arith.addi %iota3A, %add3A_16 : vector<16xi32>
    %add3A_18 = arith.constant 80 : i32
    %add3A_19 = vector.broadcast %add3A_18 : i32 to vector<16xi32>
    %add3A_20 = arith.addi %iota3A, %add3A_19 : vector<16xi32>
    %add3A_21 = arith.constant 96 : i32
    %add3A_22 = vector.broadcast %add3A_21 : i32 to vector<16xi32>
    %add3A_23 = arith.addi %iota3A, %add3A_22 : vector<16xi32>
    %add3A_24 = arith.constant 112 : i32
    %add3A_25 = vector.broadcast %add3A_24 : i32 to vector<16xi32>
    %add3A_26 = arith.addi %iota3A, %add3A_25 : vector<16xi32>
    %dma_start3A = arith.constant 0 : i32
    %dma_start3A_27 = arith.constant 0 : i32
    %dma_start3A_28 = arith.constant 0 : i32
    %dma_start3A_29 = tpu.memref_slice %arg5[%dma_start3A_27, %dma_start3A_28] : memref<2x512xi32, #tpu.memory_space<vmem>> -> memref<1x512xi32, #tpu.memory_space<vmem>>
    %dma_start3A_30 = tpu.memref_squeeze %dma_start3A_29 : memref<1x512xi32, #tpu.memory_space<vmem>> -> memref<512xi32, #tpu.memory_space<vmem>>
    %dma_start3A_31 = tpu.memref_slice %arg3[%dma_start3A, %mul3A_2] : memref<200x16384xi32, #tpu.memory_space<hbm>> -> memref<1x512xi32, #tpu.memory_space<hbm>>
    %dma_start3A_32 = tpu.memref_squeeze %dma_start3A_31 : memref<1x512xi32, #tpu.memory_space<hbm>> -> memref<512xi32, #tpu.memory_space<hbm>>
    %dma_start3A_33 = arith.constant 0 : i32
    %dma_start3A_34 = tpu.memref_slice %arg5[%dma_start3A_27, %dma_start3A_33] : memref<2x512xi32, #tpu.memory_space<vmem>> -> memref<1x512xi32, #tpu.memory_space<vmem>>
    %dma_start3A_35 = tpu.memref_squeeze %dma_start3A_34 : memref<1x512xi32, #tpu.memory_space<vmem>> -> memref<512xi32, #tpu.memory_space<vmem>>
    %dma_start3A_36 = tpu.memref_slice %arg3[%dma_start3A, %mul3A_2] : memref<200x16384xi32, #tpu.memory_space<hbm>> -> memref<1x512xi32, #tpu.memory_space<hbm>>
    %dma_start3A_37 = tpu.memref_squeeze %dma_start3A_36 : memref<1x512xi32, #tpu.memory_space<hbm>> -> memref<512xi32, #tpu.memory_space<hbm>>
    tpu.enqueue_dma source(%dma_start3A_37 : memref<512xi32, #tpu.memory_space<hbm>>) target(%dma_start3A_35 : memref<512xi32, #tpu.memory_space<vmem>>) target_semaphore(%arg12 : memref<!tpu.dma_semaphore, #tpu.memory_space<semaphore_mem>>)
    %dma_wait3A = arith.constant 0 : i32
    %dma_wait3A_38 = arith.constant 0 : i32
    %dma_wait3A_39 = arith.constant 0 : i32
    %dma_wait3A_40 = tpu.memref_slice %arg5[%dma_wait3A_38, %dma_wait3A_39] : memref<2x512xi32, #tpu.memory_space<vmem>> -> memref<1x512xi32, #tpu.memory_space<vmem>>
    %dma_wait3A_41 = tpu.memref_squeeze %dma_wait3A_40 : memref<1x512xi32, #tpu.memory_space<vmem>> -> memref<512xi32, #tpu.memory_space<vmem>>
    %dma_wait3A_42 = tpu.memref_slice %arg3[%dma_wait3A, %mul3A_2] : memref<200x16384xi32, #tpu.memory_space<hbm>> -> memref<1x512xi32, #tpu.memory_space<hbm>>
    %dma_wait3A_43 = tpu.memref_squeeze %dma_wait3A_42 : memref<1x512xi32, #tpu.memory_space<hbm>> -> memref<512xi32, #tpu.memory_space<hbm>>
    %dma_wait3A_44 = arith.constant 0 : i32
    %dma_wait3A_45 = tpu.memref_slice %arg5[%dma_wait3A_38, %dma_wait3A_44] : memref<2x512xi32, #tpu.memory_space<vmem>> -> memref<1x512xi32, #tpu.memory_space<vmem>>
    %dma_wait3A_46 = tpu.memref_squeeze %dma_wait3A_45 : memref<1x512xi32, #tpu.memory_space<vmem>> -> memref<512xi32, #tpu.memory_space<vmem>>
    %dma_wait3A_47 = tpu.memref_slice %arg3[%dma_wait3A, %mul3A_2] : memref<200x16384xi32, #tpu.memory_space<hbm>> -> memref<1x512xi32, #tpu.memory_space<hbm>>
    %dma_wait3A_48 = tpu.memref_squeeze %dma_wait3A_47 : memref<1x512xi32, #tpu.memory_space<hbm>> -> memref<512xi32, #tpu.memory_space<hbm>>
    tpu.wait_dma2 semaphore(%arg12 : memref<!tpu.dma_semaphore, #tpu.memory_space<semaphore_mem>>) src(%dma_wait3A_48 : memref<512xi32, #tpu.memory_space<hbm>>) dst(%dma_wait3A_46 : memref<512xi32, #tpu.memory_space<vmem>>)
    %dma_start3A_49 = arith.constant 0 : i32
    %dma_start3A_50 = arith.constant 0 : i32
    %dma_start3A_51 = arith.constant 0 : i32
    %dma_start3A_52 = arith.constant 0 : i32
    %dma_start3A_53 = tpu.memref_slice %arg6[%dma_start3A_50, %dma_start3A_51, %dma_start3A_52] : memref<2x512x32xf32, #tpu.memory_space<vmem>> -> memref<1x128x32xf32, #tpu.memory_space<vmem>>
    %dma_start3A_54 = tpu.memref_squeeze %dma_start3A_53 : memref<1x128x32xf32, #tpu.memory_space<vmem>> -> memref<128x32xf32, #tpu.memory_space<vmem>>
    %dma_start3A_55 = arith.constant 0 : i32
    %dma_start3A_56 = tpu.memref_slice %arg5[%dma_start3A_49, %dma_start3A_55] : memref<2x512xi32, #tpu.memory_space<vmem>> -> memref<1x128xi32, #tpu.memory_space<vmem>>
    %dma_start3A_57 = tpu.memref_squeeze %dma_start3A_56 : memref<1x128xi32, #tpu.memory_space<vmem>> -> memref<128xi32, #tpu.memory_space<vmem>>
    %dma_start3A_58 = arith.constant 0 : i32
    %dma_start3A_59 = arith.constant 0 : i32
    %dma_start3A_60 = tpu.memref_slice %arg2[%dma_start3A_58, %dma_start3A_59] : memref<1000000x32xf32, #tpu.memory_space<hbm>> -> memref<1000000x32xf32, #tpu.memory_space<hbm>>
    tpu.enqueue_indirect_dma source(%dma_start3A_60 : memref<1000000x32xf32, #tpu.memory_space<hbm>>) target(%dma_start3A_54 : memref<128x32xf32, #tpu.memory_space<vmem>>) offsets(%dma_start3A_57 : memref<128xi32, #tpu.memory_space<vmem>>) semaphore(%arg8 : memref<!tpu.dma_semaphore, #tpu.memory_space<semaphore_mem>>)
    %dma_start3A_61 = arith.constant 0 : i32
    %dma_start3A_62 = arith.constant 0 : i32
    %dma_start3A_63 = arith.constant 128 : i32
    %dma_start3A_64 = arith.constant 0 : i32
    %dma_start3A_65 = tpu.memref_slice %arg6[%dma_start3A_62, %dma_start3A_63, %dma_start3A_64] : memref<2x512x32xf32, #tpu.memory_space<vmem>> -> memref<1x128x32xf32, #tpu.memory_space<vmem>>
    %dma_start3A_66 = tpu.memref_squeeze %dma_start3A_65 : memref<1x128x32xf32, #tpu.memory_space<vmem>> -> memref<128x32xf32, #tpu.memory_space<vmem>>
    %dma_start3A_67 = arith.constant 128 : i32
    %dma_start3A_68 = tpu.memref_slice %arg5[%dma_start3A_61, %dma_start3A_67] : memref<2x512xi32, #tpu.memory_space<vmem>> -> memref<1x128xi32, #tpu.memory_space<vmem>>
    %dma_start3A_69 = tpu.memref_squeeze %dma_start3A_68 : memref<1x128xi32, #tpu.memory_space<vmem>> -> memref<128xi32, #tpu.memory_space<vmem>>
    %dma_start3A_70 = arith.constant 0 : i32
    %dma_start3A_71 = arith.constant 0 : i32
    %dma_start3A_72 = tpu.memref_slice %arg2[%dma_start3A_70, %dma_start3A_71] : memref<1000000x32xf32, #tpu.memory_space<hbm>> -> memref<1000000x32xf32, #tpu.memory_space<hbm>>
    tpu.enqueue_indirect_dma source(%dma_start3A_72 : memref<1000000x32xf32, #tpu.memory_space<hbm>>) target(%dma_start3A_66 : memref<128x32xf32, #tpu.memory_space<vmem>>) offsets(%dma_start3A_69 : memref<128xi32, #tpu.memory_space<vmem>>) semaphore(%arg8 : memref<!tpu.dma_semaphore, #tpu.memory_space<semaphore_mem>>)
    %dma_start3A_73 = arith.constant 0 : i32
    %dma_start3A_74 = arith.constant 0 : i32
    %dma_start3A_75 = arith.constant 256 : i32
    %dma_start3A_76 = arith.constant 0 : i32
    %dma_start3A_77 = tpu.memref_slice %arg6[%dma_start3A_74, %dma_start3A_75, %dma_start3A_76] : memref<2x512x32xf32, #tpu.memory_space<vmem>> -> memref<1x128x32xf32, #tpu.memory_space<vmem>>
    %dma_start3A_78 = tpu.memref_squeeze %dma_start3A_77 : memref<1x128x32xf32, #tpu.memory_space<vmem>> -> memref<128x32xf32, #tpu.memory_space<vmem>>
    %dma_start3A_79 = arith.constant 256 : i32
    %dma_start3A_80 = tpu.memref_slice %arg5[%dma_start3A_73, %dma_start3A_79] : memref<2x512xi32, #tpu.memory_space<vmem>> -> memref<1x128xi32, #tpu.memory_space<vmem>>
    %dma_start3A_81 = tpu.memref_squeeze %dma_start3A_80 : memref<1x128xi32, #tpu.memory_space<vmem>> -> memref<128xi32, #tpu.memory_space<vmem>>
    %dma_start3A_82 = arith.constant 0 : i32
    %dma_start3A_83 = arith.constant 0 : i32
    %dma_start3A_84 = tpu.memref_slice %arg2[%dma_start3A_82, %dma_start3A_83] : memref<1000000x32xf32, #tpu.memory_space<hbm>> -> memref<1000000x32xf32, #tpu.memory_space<hbm>>
    tpu.enqueue_indirect_dma source(%dma_start3A_84 : memref<1000000x32xf32, #tpu.memory_space<hbm>>) target(%dma_start3A_78 : memref<128x32xf32, #tpu.memory_space<vmem>>) offsets(%dma_start3A_81 : memref<128xi32, #tpu.memory_space<vmem>>) semaphore(%arg8 : memref<!tpu.dma_semaphore, #tpu.memory_space<semaphore_mem>>)
    %dma_start3A_85 = arith.constant 0 : i32
    %dma_start3A_86 = arith.constant 0 : i32
    %dma_start3A_87 = arith.constant 384 : i32
    %dma_start3A_88 = arith.constant 0 : i32
    %dma_start3A_89 = tpu.memref_slice %arg6[%dma_start3A_86, %dma_start3A_87, %dma_start3A_88] : memref<2x512x32xf32, #tpu.memory_space<vmem>> -> memref<1x128x32xf32, #tpu.memory_space<vmem>>
    %dma_start3A_90 = tpu.memref_squeeze %dma_start3A_89 : memref<1x128x32xf32, #tpu.memory_space<vmem>> -> memref<128x32xf32, #tpu.memory_space<vmem>>
    %dma_start3A_91 = arith.constant 384 : i32
    %dma_start3A_92 = tpu.memref_slice %arg5[%dma_start3A_85, %dma_start3A_91] : memref<2x512xi32, #tpu.memory_space<vmem>> -> memref<1x128xi32, #tpu.memory_space<vmem>>
    %dma_start3A_93 = tpu.memref_squeeze %dma_start3A_92 : memref<1x128xi32, #tpu.memory_space<vmem>> -> memref<128xi32, #tpu.memory_space<vmem>>
    %dma_start3A_94 = arith.constant 0 : i32
    %dma_start3A_95 = arith.constant 0 : i32
    %dma_start3A_96 = tpu.memref_slice %arg2[%dma_start3A_94, %dma_start3A_95] : memref<1000000x32xf32, #tpu.memory_space<hbm>> -> memref<1000000x32xf32, #tpu.memory_space<hbm>>
    tpu.enqueue_indirect_dma source(%dma_start3A_96 : memref<1000000x32xf32, #tpu.memory_space<hbm>>) target(%dma_start3A_90 : memref<128x32xf32, #tpu.memory_space<vmem>>) offsets(%dma_start3A_93 : memref<128xi32, #tpu.memory_space<vmem>>) semaphore(%arg8 : memref<!tpu.dma_semaphore, #tpu.memory_space<semaphore_mem>>)
    %dma_start3A_97 = arith.constant 1 : i32
    %dma_start3A_98 = arith.constant 1 : i32
    %dma_start3A_99 = arith.constant 0 : i32
    %dma_start3A_100 = tpu.memref_slice %arg5[%dma_start3A_98, %dma_start3A_99] : memref<2x512xi32, #tpu.memory_space<vmem>> -> memref<1x512xi32, #tpu.memory_space<vmem>>
    %dma_start3A_101 = tpu.memref_squeeze %dma_start3A_100 : memref<1x512xi32, #tpu.memory_space<vmem>> -> memref<512xi32, #tpu.memory_space<vmem>>
    %dma_start3A_102 = tpu.memref_slice %arg3[%dma_start3A_97, %mul3A_2] : memref<200x16384xi32, #tpu.memory_space<hbm>> -> memref<1x512xi32, #tpu.memory_space<hbm>>
    %dma_start3A_103 = tpu.memref_squeeze %dma_start3A_102 : memref<1x512xi32, #tpu.memory_space<hbm>> -> memref<512xi32, #tpu.memory_space<hbm>>
    %dma_start3A_104 = arith.constant 0 : i32
    %dma_start3A_105 = tpu.memref_slice %arg5[%dma_start3A_98, %dma_start3A_104] : memref<2x512xi32, #tpu.memory_space<vmem>> -> memref<1x512xi32, #tpu.memory_space<vmem>>
    %dma_start3A_106 = tpu.memref_squeeze %dma_start3A_105 : memref<1x512xi32, #tpu.memory_space<vmem>> -> memref<512xi32, #tpu.memory_space<vmem>>
    %dma_start3A_107 = tpu.memref_slice %arg3[%dma_start3A_97, %mul3A_2] : memref<200x16384xi32, #tpu.memory_space<hbm>> -> memref<1x512xi32, #tpu.memory_space<hbm>>
    %dma_start3A_108 = tpu.memref_squeeze %dma_start3A_107 : memref<1x512xi32, #tpu.memory_space<hbm>> -> memref<512xi32, #tpu.memory_space<hbm>>
    tpu.enqueue_dma source(%dma_start3A_108 : memref<512xi32, #tpu.memory_space<hbm>>) target(%dma_start3A_106 : memref<512xi32, #tpu.memory_space<vmem>>) target_semaphore(%arg13 : memref<!tpu.dma_semaphore, #tpu.memory_space<semaphore_mem>>)
    %dma_wait3A_109 = arith.constant 0 : i32
    %dma_wait3A_110 = arith.constant 1 : i32
    %dma_wait3A_111 = arith.constant 0 : i32
    %dma_wait3A_112 = tpu.memref_slice %arg5[%dma_wait3A_110, %dma_wait3A_111] : memref<2x512xi32, #tpu.memory_space<vmem>> -> memref<1x512xi32, #tpu.memory_space<vmem>>
    %dma_wait3A_113 = tpu.memref_squeeze %dma_wait3A_112 : memref<1x512xi32, #tpu.memory_space<vmem>> -> memref<512xi32, #tpu.memory_space<vmem>>
    %dma_wait3A_114 = tpu.memref_slice %arg3[%dma_wait3A_109, %mul3A_2] : memref<200x16384xi32, #tpu.memory_space<hbm>> -> memref<1x512xi32, #tpu.memory_space<hbm>>
    %dma_wait3A_115 = tpu.memref_squeeze %dma_wait3A_114 : memref<1x512xi32, #tpu.memory_space<hbm>> -> memref<512xi32, #tpu.memory_space<hbm>>
    %dma_wait3A_116 = arith.constant 0 : i32
    %dma_wait3A_117 = tpu.memref_slice %arg5[%dma_wait3A_110, %dma_wait3A_116] : memref<2x512xi32, #tpu.memory_space<vmem>> -> memref<1x512xi32, #tpu.memory_space<vmem>>
    %dma_wait3A_118 = tpu.memref_squeeze %dma_wait3A_117 : memref<1x512xi32, #tpu.memory_space<vmem>> -> memref<512xi32, #tpu.memory_space<vmem>>
    %dma_wait3A_119 = tpu.memref_slice %arg3[%dma_wait3A_109, %mul3A_2] : memref<200x16384xi32, #tpu.memory_space<hbm>> -> memref<1x512xi32, #tpu.memory_space<hbm>>
    %dma_wait3A_120 = tpu.memref_squeeze %dma_wait3A_119 : memref<1x512xi32, #tpu.memory_space<hbm>> -> memref<512xi32, #tpu.memory_space<hbm>>
    tpu.wait_dma2 semaphore(%arg13 : memref<!tpu.dma_semaphore, #tpu.memory_space<semaphore_mem>>) src(%dma_wait3A_120 : memref<512xi32, #tpu.memory_space<hbm>>) dst(%dma_wait3A_118 : memref<512xi32, #tpu.memory_space<vmem>>)
    %dma_start3A_121 = arith.constant 1 : i32
    %dma_start3A_122 = arith.constant 1 : i32
    %dma_start3A_123 = arith.constant 0 : i32
    %dma_start3A_124 = arith.constant 0 : i32
    %dma_start3A_125 = tpu.memref_slice %arg6[%dma_start3A_122, %dma_start3A_123, %dma_start3A_124] : memref<2x512x32xf32, #tpu.memory_space<vmem>> -> memref<1x128x32xf32, #tpu.memory_space<vmem>>
    %dma_start3A_126 = tpu.memref_squeeze %dma_start3A_125 : memref<1x128x32xf32, #tpu.memory_space<vmem>> -> memref<128x32xf32, #tpu.memory_space<vmem>>
    %dma_start3A_127 = arith.constant 0 : i32
    %dma_start3A_128 = tpu.memref_slice %arg5[%dma_start3A_121, %dma_start3A_127] : memref<2x512xi32, #tpu.memory_space<vmem>> -> memref<1x128xi32, #tpu.memory_space<vmem>>
    %dma_start3A_129 = tpu.memref_squeeze %dma_start3A_128 : memref<1x128xi32, #tpu.memory_space<vmem>> -> memref<128xi32, #tpu.memory_space<vmem>>
    %dma_start3A_130 = arith.constant 0 : i32
    %dma_start3A_131 = arith.constant 0 : i32
    %dma_start3A_132 = tpu.memref_slice %arg2[%dma_start3A_130, %dma_start3A_131] : memref<1000000x32xf32, #tpu.memory_space<hbm>> -> memref<1000000x32xf32, #tpu.memory_space<hbm>>
    tpu.enqueue_indirect_dma source(%dma_start3A_132 : memref<1000000x32xf32, #tpu.memory_space<hbm>>) target(%dma_start3A_126 : memref<128x32xf32, #tpu.memory_space<vmem>>) offsets(%dma_start3A_129 : memref<128xi32, #tpu.memory_space<vmem>>) semaphore(%arg9 : memref<!tpu.dma_semaphore, #tpu.memory_space<semaphore_mem>>)
    %dma_start3A_133 = arith.constant 1 : i32
    %dma_start3A_134 = arith.constant 1 : i32
    %dma_start3A_135 = arith.constant 128 : i32
    %dma_start3A_136 = arith.constant 0 : i32
    %dma_start3A_137 = tpu.memref_slice %arg6[%dma_start3A_134, %dma_start3A_135, %dma_start3A_136] : memref<2x512x32xf32, #tpu.memory_space<vmem>> -> memref<1x128x32xf32, #tpu.memory_space<vmem>>
    %dma_start3A_138 = tpu.memref_squeeze %dma_start3A_137 : memref<1x128x32xf32, #tpu.memory_space<vmem>> -> memref<128x32xf32, #tpu.memory_space<vmem>>
    %dma_start3A_139 = arith.constant 128 : i32
    %dma_start3A_140 = tpu.memref_slice %arg5[%dma_start3A_133, %dma_start3A_139] : memref<2x512xi32, #tpu.memory_space<vmem>> -> memref<1x128xi32, #tpu.memory_space<vmem>>
    %dma_start3A_141 = tpu.memref_squeeze %dma_start3A_140 : memref<1x128xi32, #tpu.memory_space<vmem>> -> memref<128xi32, #tpu.memory_space<vmem>>
    %dma_start3A_142 = arith.constant 0 : i32
    %dma_start3A_143 = arith.constant 0 : i32
    %dma_start3A_144 = tpu.memref_slice %arg2[%dma_start3A_142, %dma_start3A_143] : memref<1000000x32xf32, #tpu.memory_space<hbm>> -> memref<1000000x32xf32, #tpu.memory_space<hbm>>
    tpu.enqueue_indirect_dma source(%dma_start3A_144 : memref<1000000x32xf32, #tpu.memory_space<hbm>>) target(%dma_start3A_138 : memref<128x32xf32, #tpu.memory_space<vmem>>) offsets(%dma_start3A_141 : memref<128xi32, #tpu.memory_space<vmem>>) semaphore(%arg9 : memref<!tpu.dma_semaphore, #tpu.memory_space<semaphore_mem>>)
    %dma_start3A_145 = arith.constant 1 : i32
    %dma_start3A_146 = arith.constant 1 : i32
    %dma_start3A_147 = arith.constant 256 : i32
    %dma_start3A_148 = arith.constant 0 : i32
    %dma_start3A_149 = tpu.memref_slice %arg6[%dma_start3A_146, %dma_start3A_147, %dma_start3A_148] : memref<2x512x32xf32, #tpu.memory_space<vmem>> -> memref<1x128x32xf32, #tpu.memory_space<vmem>>
    %dma_start3A_150 = tpu.memref_squeeze %dma_start3A_149 : memref<1x128x32xf32, #tpu.memory_space<vmem>> -> memref<128x32xf32, #tpu.memory_space<vmem>>
    %dma_start3A_151 = arith.constant 256 : i32
    %dma_start3A_152 = tpu.memref_slice %arg5[%dma_start3A_145, %dma_start3A_151] : memref<2x512xi32, #tpu.memory_space<vmem>> -> memref<1x128xi32, #tpu.memory_space<vmem>>
    %dma_start3A_153 = tpu.memref_squeeze %dma_start3A_152 : memref<1x128xi32, #tpu.memory_space<vmem>> -> memref<128xi32, #tpu.memory_space<vmem>>
    %dma_start3A_154 = arith.constant 0 : i32
    %dma_start3A_155 = arith.constant 0 : i32
    %dma_start3A_156 = tpu.memref_slice %arg2[%dma_start3A_154, %dma_start3A_155] : memref<1000000x32xf32, #tpu.memory_space<hbm>> -> memref<1000000x32xf32, #tpu.memory_space<hbm>>
    tpu.enqueue_indirect_dma source(%dma_start3A_156 : memref<1000000x32xf32, #tpu.memory_space<hbm>>) target(%dma_start3A_150 : memref<128x32xf32, #tpu.memory_space<vmem>>) offsets(%dma_start3A_153 : memref<128xi32, #tpu.memory_space<vmem>>) semaphore(%arg9 : memref<!tpu.dma_semaphore, #tpu.memory_space<semaphore_mem>>)
    %dma_start3A_157 = arith.constant 1 : i32
    %dma_start3A_158 = arith.constant 1 : i32
    %dma_start3A_159 = arith.constant 384 : i32
    %dma_start3A_160 = arith.constant 0 : i32
    %dma_start3A_161 = tpu.memref_slice %arg6[%dma_start3A_158, %dma_start3A_159, %dma_start3A_160] : memref<2x512x32xf32, #tpu.memory_space<vmem>> -> memref<1x128x32xf32, #tpu.memory_space<vmem>>
    %dma_start3A_162 = tpu.memref_squeeze %dma_start3A_161 : memref<1x128x32xf32, #tpu.memory_space<vmem>> -> memref<128x32xf32, #tpu.memory_space<vmem>>
    %dma_start3A_163 = arith.constant 384 : i32
    %dma_start3A_164 = tpu.memref_slice %arg5[%dma_start3A_157, %dma_start3A_163] : memref<2x512xi32, #tpu.memory_space<vmem>> -> memref<1x128xi32, #tpu.memory_space<vmem>>
    %dma_start3A_165 = tpu.memref_squeeze %dma_start3A_164 : memref<1x128xi32, #tpu.memory_space<vmem>> -> memref<128xi32, #tpu.memory_space<vmem>>
    %dma_start3A_166 = arith.constant 0 : i32
    %dma_start3A_167 = arith.constant 0 : i32
    %dma_start3A_168 = tpu.memref_slice %arg2[%dma_start3A_166, %dma_start3A_167] : memref<1000000x32xf32, #tpu.memory_space<hbm>> -> memref<1000000x32xf32, #tpu.memory_space<hbm>>
    tpu.enqueue_indirect_dma source(%dma_start3A_168 : memref<1000000x32xf32, #tpu.memory_space<hbm>>) target(%dma_start3A_162 : memref<128x32xf32, #tpu.memory_space<vmem>>) offsets(%dma_start3A_165 : memref<128xi32, #tpu.memory_space<vmem>>) semaphore(%arg9 : memref<!tpu.dma_semaphore, #tpu.memory_space<semaphore_mem>>)
    %scan3A = arith.constant 0 : i32
    %scan3A_169 = arith.constant 0 : i32
    %scan3A_170 = arith.constant 100 : i32
    %scan3A_171 = arith.addi %scan3A_169, %scan3A_170 : i32
    %scan3A_172 = arith.constant 1 : i32
    scf.for %scan3A_250 = %scan3A_169 to %scan3A_171 step %scan3A_172  : i32 {
      %mul3A_251 = arith.constant 2 : i32
      %mul3A_252 = arith.muli %mul3A_251, %scan3A_250 : i32
      %add3A_253 = arith.constant 0 : i32
      %add3A_254 = arith.addi %mul3A_252, %add3A_253 : i32
      %dma_wait3A_255 = arith.constant 0 : i32
      %dma_wait3A_256 = arith.constant 0 : i32
      %dma_wait3A_257 = arith.constant 0 : i32
      %dma_wait3A_258 = arith.constant 0 : i32
      %dma_wait3A_259 = tpu.memref_slice %arg6[%dma_wait3A_256, %dma_wait3A_257, %dma_wait3A_258] : memref<2x512x32xf32, #tpu.memory_space<vmem>> -> memref<1x128x32xf32, #tpu.memory_space<vmem>>
      %dma_wait3A_260 = tpu.memref_squeeze %dma_wait3A_259 : memref<1x128x32xf32, #tpu.memory_space<vmem>> -> memref<128x32xf32, #tpu.memory_space<vmem>>
      %dma_wait3A_261 = arith.constant 0 : i32
      %dma_wait3A_262 = tpu.memref_slice %arg5[%dma_wait3A_255, %dma_wait3A_261] : memref<2x512xi32, #tpu.memory_space<vmem>> -> memref<1x128xi32, #tpu.memory_space<vmem>>
      %dma_wait3A_263 = tpu.memref_squeeze %dma_wait3A_262 : memref<1x128xi32, #tpu.memory_space<vmem>> -> memref<128xi32, #tpu.memory_space<vmem>>
      %dma_wait3A_264 = arith.constant 0 : i32
      %dma_wait3A_265 = arith.constant 0 : i32
      %dma_wait3A_266 = tpu.memref_slice %arg2[%dma_wait3A_264, %dma_wait3A_265] : memref<1000000x32xf32, #tpu.memory_space<hbm>> -> memref<1000000x32xf32, #tpu.memory_space<hbm>>
      tpu.wait_indirect_dma semaphore(%arg8 : memref<!tpu.dma_semaphore, #tpu.memory_space<semaphore_mem>>) src(%dma_wait3A_266 : memref<1000000x32xf32, #tpu.memory_space<hbm>>) dst(%dma_wait3A_260 : memref<128x32xf32, #tpu.memory_space<vmem>>)
      %dma_wait3A_267 = arith.constant 0 : i32
      %dma_wait3A_268 = arith.constant 0 : i32
      %dma_wait3A_269 = arith.constant 128 : i32
      %dma_wait3A_270 = arith.constant 0 : i32
      %dma_wait3A_271 = tpu.memref_slice %arg6[%dma_wait3A_268, %dma_wait3A_269, %dma_wait3A_270] : memref<2x512x32xf32, #tpu.memory_space<vmem>> -> memref<1x128x32xf32, #tpu.memory_space<vmem>>
      %dma_wait3A_272 = tpu.memref_squeeze %dma_wait3A_271 : memref<1x128x32xf32, #tpu.memory_space<vmem>> -> memref<128x32xf32, #tpu.memory_space<vmem>>
      %dma_wait3A_273 = arith.constant 128 : i32
      %dma_wait3A_274 = tpu.memref_slice %arg5[%dma_wait3A_267, %dma_wait3A_273] : memref<2x512xi32, #tpu.memory_space<vmem>> -> memref<1x128xi32, #tpu.memory_space<vmem>>
      %dma_wait3A_275 = tpu.memref_squeeze %dma_wait3A_274 : memref<1x128xi32, #tpu.memory_space<vmem>> -> memref<128xi32, #tpu.memory_space<vmem>>
      %dma_wait3A_276 = arith.constant 0 : i32
      %dma_wait3A_277 = arith.constant 0 : i32
      %dma_wait3A_278 = tpu.memref_slice %arg2[%dma_wait3A_276, %dma_wait3A_277] : memref<1000000x32xf32, #tpu.memory_space<hbm>> -> memref<1000000x32xf32, #tpu.memory_space<hbm>>
      tpu.wait_indirect_dma semaphore(%arg8 : memref<!tpu.dma_semaphore, #tpu.memory_space<semaphore_mem>>) src(%dma_wait3A_278 : memref<1000000x32xf32, #tpu.memory_space<hbm>>) dst(%dma_wait3A_272 : memref<128x32xf32, #tpu.memory_space<vmem>>)
      %dma_wait3A_279 = arith.constant 0 : i32
      %dma_wait3A_280 = arith.constant 0 : i32
      %dma_wait3A_281 = arith.constant 256 : i32
      %dma_wait3A_282 = arith.constant 0 : i32
      %dma_wait3A_283 = tpu.memref_slice %arg6[%dma_wait3A_280, %dma_wait3A_281, %dma_wait3A_282] : memref<2x512x32xf32, #tpu.memory_space<vmem>> -> memref<1x128x32xf32, #tpu.memory_space<vmem>>
      %dma_wait3A_284 = tpu.memref_squeeze %dma_wait3A_283 : memref<1x128x32xf32, #tpu.memory_space<vmem>> -> memref<128x32xf32, #tpu.memory_space<vmem>>
      %dma_wait3A_285 = arith.constant 256 : i32
      %dma_wait3A_286 = tpu.memref_slice %arg5[%dma_wait3A_279, %dma_wait3A_285] : memref<2x512xi32, #tpu.memory_space<vmem>> -> memref<1x128xi32, #tpu.memory_space<vmem>>
      %dma_wait3A_287 = tpu.memref_squeeze %dma_wait3A_286 : memref<1x128xi32, #tpu.memory_space<vmem>> -> memref<128xi32, #tpu.memory_space<vmem>>
      %dma_wait3A_288 = arith.constant 0 : i32
      %dma_wait3A_289 = arith.constant 0 : i32
      %dma_wait3A_290 = tpu.memref_slice %arg2[%dma_wait3A_288, %dma_wait3A_289] : memref<1000000x32xf32, #tpu.memory_space<hbm>> -> memref<1000000x32xf32, #tpu.memory_space<hbm>>
      tpu.wait_indirect_dma semaphore(%arg8 : memref<!tpu.dma_semaphore, #tpu.memory_space<semaphore_mem>>) src(%dma_wait3A_290 : memref<1000000x32xf32, #tpu.memory_space<hbm>>) dst(%dma_wait3A_284 : memref<128x32xf32, #tpu.memory_space<vmem>>)
      %dma_wait3A_291 = arith.constant 0 : i32
      %dma_wait3A_292 = arith.constant 0 : i32
      %dma_wait3A_293 = arith.constant 384 : i32
      %dma_wait3A_294 = arith.constant 0 : i32
      %dma_wait3A_295 = tpu.memref_slice %arg6[%dma_wait3A_292, %dma_wait3A_293, %dma_wait3A_294] : memref<2x512x32xf32, #tpu.memory_space<vmem>> -> memref<1x128x32xf32, #tpu.memory_space<vmem>>
      %dma_wait3A_296 = tpu.memref_squeeze %dma_wait3A_295 : memref<1x128x32xf32, #tpu.memory_space<vmem>> -> memref<128x32xf32, #tpu.memory_space<vmem>>
      %dma_wait3A_297 = arith.constant 384 : i32
      %dma_wait3A_298 = tpu.memref_slice %arg5[%dma_wait3A_291, %dma_wait3A_297] : memref<2x512xi32, #tpu.memory_space<vmem>> -> memref<1x128xi32, #tpu.memory_space<vmem>>
      %dma_wait3A_299 = tpu.memref_squeeze %dma_wait3A_298 : memref<1x128xi32, #tpu.memory_space<vmem>> -> memref<128xi32, #tpu.memory_space<vmem>>
      %dma_wait3A_300 = arith.constant 0 : i32
      %dma_wait3A_301 = arith.constant 0 : i32
      %dma_wait3A_302 = tpu.memref_slice %arg2[%dma_wait3A_300, %dma_wait3A_301] : memref<1000000x32xf32, #tpu.memory_space<hbm>> -> memref<1000000x32xf32, #tpu.memory_space<hbm>>
      tpu.wait_indirect_dma semaphore(%arg8 : memref<!tpu.dma_semaphore, #tpu.memory_space<semaphore_mem>>) src(%dma_wait3A_302 : memref<1000000x32xf32, #tpu.memory_space<hbm>>) dst(%dma_wait3A_296 : memref<128x32xf32, #tpu.memory_space<vmem>>)
      %lt3A = arith.constant 99 : i32
      %lt3A_303 = arith.cmpi slt, %scan3A_250, %lt3A : i32
      %convert_element_type3A = arith.extui %lt3A_303 : i1 to i32
      %cond3A = arith.constant 0 : i32
      %cond3A_304 = arith.cmpi ne, %convert_element_type3A, %cond3A : i32
      scf.if %cond3A_304 {
        %add3A_466 = arith.constant 2 : i32
        %add3A_467 = arith.addi %add3A_254, %add3A_466 : i32
        %dma_start3A_468 = arith.constant 0 : i32
        %dma_start3A_469 = arith.constant 0 : i32
        %dma_start3A_470 = tpu.memref_slice %arg5[%dma_start3A_468, %dma_start3A_469] : memref<2x512xi32, #tpu.memory_space<vmem>> -> memref<1x512xi32, #tpu.memory_space<vmem>>
        %dma_start3A_471 = tpu.memref_squeeze %dma_start3A_470 : memref<1x512xi32, #tpu.memory_space<vmem>> -> memref<512xi32, #tpu.memory_space<vmem>>
        %dma_start3A_472 = tpu.memref_slice %arg3[%add3A_467, %mul3A_2] : memref<200x16384xi32, #tpu.memory_space<hbm>> -> memref<1x512xi32, #tpu.memory_space<hbm>>
        %dma_start3A_473 = tpu.memref_squeeze %dma_start3A_472 : memref<1x512xi32, #tpu.memory_space<hbm>> -> memref<512xi32, #tpu.memory_space<hbm>>
        %dma_start3A_474 = arith.constant 0 : i32
        %dma_start3A_475 = tpu.memref_slice %arg5[%dma_start3A_468, %dma_start3A_474] : memref<2x512xi32, #tpu.memory_space<vmem>> -> memref<1x512xi32, #tpu.memory_space<vmem>>
        %dma_start3A_476 = tpu.memref_squeeze %dma_start3A_475 : memref<1x512xi32, #tpu.memory_space<vmem>> -> memref<512xi32, #tpu.memory_space<vmem>>
        %dma_start3A_477 = tpu.memref_slice %arg3[%add3A_467, %mul3A_2] : memref<200x16384xi32, #tpu.memory_space<hbm>> -> memref<1x512xi32, #tpu.memory_space<hbm>>
        %dma_start3A_478 = tpu.memref_squeeze %dma_start3A_477 : memref<1x512xi32, #tpu.memory_space<hbm>> -> memref<512xi32, #tpu.memory_space<hbm>>
        tpu.enqueue_dma source(%dma_start3A_478 : memref<512xi32, #tpu.memory_space<hbm>>) target(%dma_start3A_476 : memref<512xi32, #tpu.memory_space<vmem>>) target_semaphore(%arg12 : memref<!tpu.dma_semaphore, #tpu.memory_space<semaphore_mem>>)
      } else {
      }
      %gt3A = arith.constant 0 : i32
      %gt3A_305 = arith.cmpi sgt, %scan3A_250, %gt3A : i32
      %convert_element_type3A_306 = arith.extui %gt3A_305 : i1 to i32
      %cond3A_307 = arith.constant 0 : i32
      %cond3A_308 = arith.cmpi ne, %convert_element_type3A_306, %cond3A_307 : i32
      scf.if %cond3A_308 {
        %jit3A_466 = arith.constant 128 : i32
        %div3A_467 = arith.divsi %mul3A_2, %jit3A_466 : i32
        %sign3A_468 = arith.constant 0 : i32
        %sign3A_469 = arith.cmpi sgt, %mul3A_2, %sign3A_468 : i32
        %sign3A_470 = arith.extui %sign3A_469 : i1 to i32
        %sign3A_471 = arith.constant 0 : i32
        %sign3A_472 = arith.cmpi slt, %mul3A_2, %sign3A_471 : i32
        %sign3A_473 = arith.extui %sign3A_472 : i1 to i32
        %sign3A_474 = arith.subi %sign3A_470, %sign3A_473 : i32
        %sign3A_475 = arith.constant 0 : i32
        %sign3A_476 = arith.cmpi sgt, %jit3A_466, %sign3A_475 : i32
        %sign3A_477 = arith.extui %sign3A_476 : i1 to i32
        %sign3A_478 = arith.constant 0 : i32
        %sign3A_479 = arith.cmpi slt, %jit3A_466, %sign3A_478 : i32
        %sign3A_480 = arith.extui %sign3A_479 : i1 to i32
        %sign3A_481 = arith.subi %sign3A_477, %sign3A_480 : i32
        %ne3A_482 = arith.cmpi ne, %sign3A_474, %sign3A_481 : i32
        %rem3A_483 = arith.remsi %mul3A_2, %jit3A_466 : i32
        %ne3A_484 = arith.constant 0 : i32
        %ne3A_485 = arith.cmpi ne, %rem3A_483, %ne3A_484 : i32
        %and3A_486 = arith.andi %ne3A_482, %ne3A_485 : i1
        %sub3A_487 = arith.constant 1 : i32
        %sub3A_488 = arith.subi %div3A_467, %sub3A_487 : i32
        %select_n3A_489 = arith.select %and3A_486, %sub3A_488, %div3A_467 : i32
        %mul3A_490 = arith.constant 1024 : i32
        %mul3A_491 = arith.muli %select_n3A_489, %mul3A_490 : i32
        %dma_wait3A_492 = arith.constant 0 : i32
        %dma_wait3A_493 = arith.constant 0 : i32
        %dma_wait3A_494 = arith.constant 0 : i32
        %dma_wait3A_495 = arith.constant 0 : i32
        %dma_wait3A_496 = tpu.memref_slice %arg7[%dma_wait3A_492, %dma_wait3A_494, %dma_wait3A_495] : memref<2x4x4096xf32, #tpu.memory_space<vmem>> -> memref<1x4x4096xf32, #tpu.memory_space<vmem>>
        %dma_wait3A_497 = tpu.memref_squeeze %dma_wait3A_496 : memref<1x4x4096xf32, #tpu.memory_space<vmem>> -> memref<4x4096xf32, #tpu.memory_space<vmem>>
        %dma_wait3A_498 = arith.constant 0 : i32
        %dma_wait3A_499 = tpu.memref_slice %arg4[%dma_wait3A_493, %dma_wait3A_498, %mul3A_491] : memref<200x4x131072xf32, #tpu.memory_space<hbm>> -> memref<1x4x4096xf32, #tpu.memory_space<hbm>>
        %dma_wait3A_500 = tpu.memref_squeeze %dma_wait3A_499 : memref<1x4x4096xf32, #tpu.memory_space<hbm>> -> memref<4x4096xf32, #tpu.memory_space<hbm>>
        %dma_wait3A_501 = arith.constant 0 : i32
        %dma_wait3A_502 = tpu.memref_slice %arg4[%dma_wait3A_493, %dma_wait3A_501, %mul3A_491] : memref<200x4x131072xf32, #tpu.memory_space<hbm>> -> memref<1x4x4096xf32, #tpu.memory_space<hbm>>
        %dma_wait3A_503 = tpu.memref_squeeze %dma_wait3A_502 : memref<1x4x4096xf32, #tpu.memory_space<hbm>> -> memref<4x4096xf32, #tpu.memory_space<hbm>>
        %dma_wait3A_504 = arith.constant 0 : i32
        %dma_wait3A_505 = arith.constant 0 : i32
        %dma_wait3A_506 = tpu.memref_slice %arg7[%dma_wait3A_492, %dma_wait3A_504, %dma_wait3A_505] : memref<2x4x4096xf32, #tpu.memory_space<vmem>> -> memref<1x4x4096xf32, #tpu.memory_space<vmem>>
        %dma_wait3A_507 = tpu.memref_squeeze %dma_wait3A_506 : memref<1x4x4096xf32, #tpu.memory_space<vmem>> -> memref<4x4096xf32, #tpu.memory_space<vmem>>
        tpu.wait_dma2 semaphore(%arg10 : memref<!tpu.dma_semaphore, #tpu.memory_space<semaphore_mem>>) src(%dma_wait3A_507 : memref<4x4096xf32, #tpu.memory_space<vmem>>) dst(%dma_wait3A_503 : memref<4x4096xf32, #tpu.memory_space<hbm>>)
      } else {
      }
      %parallel_loop3A = arith.constant 0 : i32
      %parallel_loop3A_309 = arith.constant 32 : i32
      %parallel_loop3A_310 = arith.constant 1 : i32
      scf.for %parallel_loop3A_466 = %parallel_loop3A to %parallel_loop3A_309 step %parallel_loop3A_310  : i32 {
        %parallel_loop3A_467 = vector.broadcast %parallel_loop3A_466 : i32 to vector<16xi32>
        %parallel_loop3A_468 = arith.addi %iota3A, %parallel_loop3A_467 : vector<16xi32>
        %parallel_loop3A_469 = arith.constant 32 : i32
        %parallel_loop3A_470 = vector.broadcast %parallel_loop3A_469 : i32 to vector<16xi32>
        %parallel_loop3A_471 = arith.remsi %parallel_loop3A_468, %parallel_loop3A_470 : vector<16xi32>
        %parallel_loop3A_472 = arith.constant 3 : i32
        %parallel_loop3A_473 = vector.broadcast %parallel_loop3A_472 : i32 to vector<16xi32>
        %parallel_loop3A_474 = arith.shrui %parallel_loop3A_471, %parallel_loop3A_473 : vector<16xi32>
        %parallel_loop3A_475 = arith.constant 7 : i32
        %parallel_loop3A_476 = vector.broadcast %parallel_loop3A_475 : i32 to vector<16xi32>
        %parallel_loop3A_477 = arith.andi %parallel_loop3A_471, %parallel_loop3A_476 : vector<16xi32>
        %parallel_loop3A_478 = arith.constant 7 : i32
        %parallel_loop3A_479 = vector.broadcast %parallel_loop3A_478 : i32 to vector<16xi32>
        %parallel_loop3A_480 = arith.shli %parallel_loop3A_477, %parallel_loop3A_479 : vector<16xi32>
        %parallel_loop3A_481 = arith.constant 0 : i32
        %parallel_loop3A_482 = vector.broadcast %parallel_loop3A_481 : i32 to vector<16xi32>
        %parallel_loop3A_483 = arith.addi %iota3A, %parallel_loop3A_482 : vector<16xi32>
        %parallel_loop3A_484 = arith.constant 0 : i32
        %parallel_loop3A_485 = arith.constant 0 : i32
        %parallel_loop3A_486 = arith.constant 0 : i32
        %parallel_loop3A_487 = tpu.memref_slice %arg6[%parallel_loop3A_484, %parallel_loop3A_485, %parallel_loop3A_486] : memref<2x512x32xf32, #tpu.memory_space<vmem>> -> memref<1x512x32xf32, #tpu.memory_space<vmem>>
        %parallel_loop3A_488 = tpu.memref_squeeze %parallel_loop3A_487 : memref<1x512x32xf32, #tpu.memory_space<vmem>> -> memref<512x32xf32, #tpu.memory_space<vmem>>
        %parallel_loop3A_489 = tpu.vector_load_idx %parallel_loop3A_488[%parallel_loop3A_483, %parallel_loop3A_471] : memref<512x32xf32, #tpu.memory_space<vmem>>[vector<16xi32>, vector<16xi32>], vector<16xf32>,
        %parallel_loop3A_490 = arith.constant 0 : i32
        %parallel_loop3A_491 = vector.broadcast %parallel_loop3A_490 : i32 to vector<16xi32>
        %parallel_loop3A_492 = arith.addi %parallel_loop3A_480, %parallel_loop3A_491 : vector<16xi32>
        %parallel_loop3A_493 = arith.addi %parallel_loop3A_492, %add3A_5 : vector<16xi32>
        %parallel_loop3A_494 = arith.constant 0 : i32
        %parallel_loop3A_495 = arith.constant 0 : i32
        %parallel_loop3A_496 = arith.constant 0 : i32
        %parallel_loop3A_497 = tpu.memref_slice %arg7[%parallel_loop3A_494, %parallel_loop3A_495, %parallel_loop3A_496] : memref<2x4x4096xf32, #tpu.memory_space<vmem>> -> memref<1x4x4096xf32, #tpu.memory_space<vmem>>
        %parallel_loop3A_498 = tpu.memref_squeeze %parallel_loop3A_497 : memref<1x4x4096xf32, #tpu.memory_space<vmem>> -> memref<4x4096xf32, #tpu.memory_space<vmem>>
        tpu.vector_store_idx %parallel_loop3A_498[%parallel_loop3A_474, %parallel_loop3A_493], %parallel_loop3A_489 : memref<4x4096xf32, #tpu.memory_space<vmem>>[vector<16xi32>, vector<16xi32>], vector<16xf32>,
        %parallel_loop3A_499 = arith.constant 16 : i32
        %parallel_loop3A_500 = vector.broadcast %parallel_loop3A_499 : i32 to vector<16xi32>
        %parallel_loop3A_501 = arith.addi %iota3A, %parallel_loop3A_500 : vector<16xi32>
        %parallel_loop3A_502 = arith.constant 0 : i32
        %parallel_loop3A_503 = arith.constant 0 : i32
        %parallel_loop3A_504 = arith.constant 0 : i32
        %parallel_loop3A_505 = tpu.memref_slice %arg6[%parallel_loop3A_502, %parallel_loop3A_503, %parallel_loop3A_504] : memref<2x512x32xf32, #tpu.memory_space<vmem>> -> memref<1x512x32xf32, #tpu.memory_space<vmem>>
        %parallel_loop3A_506 = tpu.memref_squeeze %parallel_loop3A_505 : memref<1x512x32xf32, #tpu.memory_space<vmem>> -> memref<512x32xf32, #tpu.memory_space<vmem>>
        %parallel_loop3A_507 = tpu.vector_load_idx %parallel_loop3A_506[%parallel_loop3A_501, %parallel_loop3A_471] : memref<512x32xf32, #tpu.memory_space<vmem>>[vector<16xi32>, vector<16xi32>], vector<16xf32>,
        %parallel_loop3A_508 = arith.constant 0 : i32
        %parallel_loop3A_509 = vector.broadcast %parallel_loop3A_508 : i32 to vector<16xi32>
        %parallel_loop3A_510 = arith.addi %parallel_loop3A_480, %parallel_loop3A_509 : vector<16xi32>
        %parallel_loop3A_511 = arith.addi %parallel_loop3A_510, %add3A_8 : vector<16xi32>
        %parallel_loop3A_512 = arith.constant 0 : i32
        %parallel_loop3A_513 = arith.constant 0 : i32
        %parallel_loop3A_514 = arith.constant 0 : i32
        %parallel_loop3A_515 = tpu.memref_slice %arg7[%parallel_loop3A_512, %parallel_loop3A_513, %parallel_loop3A_514] : memref<2x4x4096xf32, #tpu.memory_space<vmem>> -> memref<1x4x4096xf32, #tpu.memory_space<vmem>>
        %parallel_loop3A_516 = tpu.memref_squeeze %parallel_loop3A_515 : memref<1x4x4096xf32, #tpu.memory_space<vmem>> -> memref<4x4096xf32, #tpu.memory_space<vmem>>
        tpu.vector_store_idx %parallel_loop3A_516[%parallel_loop3A_474, %parallel_loop3A_511], %parallel_loop3A_507 : memref<4x4096xf32, #tpu.memory_space<vmem>>[vector<16xi32>, vector<16xi32>], vector<16xf32>,
        %parallel_loop3A_517 = arith.constant 32 : i32
        %parallel_loop3A_518 = vector.broadcast %parallel_loop3A_517 : i32 to vector<16xi32>
        %parallel_loop3A_519 = arith.addi %iota3A, %parallel_loop3A_518 : vector<16xi32>
        %parallel_loop3A_520 = arith.constant 0 : i32
        %parallel_loop3A_521 = arith.constant 0 : i32
        %parallel_loop3A_522 = arith.constant 0 : i32
        %parallel_loop3A_523 = tpu.memref_slice %arg6[%parallel_loop3A_520, %parallel_loop3A_521, %parallel_loop3A_522] : memref<2x512x32xf32, #tpu.memory_space<vmem>> -> memref<1x512x32xf32, #tpu.memory_space<vmem>>
        %parallel_loop3A_524 = tpu.memref_squeeze %parallel_loop3A_523 : memref<1x512x32xf32, #tpu.memory_space<vmem>> -> memref<512x32xf32, #tpu.memory_space<vmem>>
        %parallel_loop3A_525 = tpu.vector_load_idx %parallel_loop3A_524[%parallel_loop3A_519, %parallel_loop3A_471] : memref<512x32xf32, #tpu.memory_space<vmem>>[vector<16xi32>, vector<16xi32>], vector<16xf32>,
        %parallel_loop3A_526 = arith.constant 0 : i32
        %parallel_loop3A_527 = vector.broadcast %parallel_loop3A_526 : i32 to vector<16xi32>
        %parallel_loop3A_528 = arith.addi %parallel_loop3A_480, %parallel_loop3A_527 : vector<16xi32>
        %parallel_loop3A_529 = arith.addi %parallel_loop3A_528, %add3A_11 : vector<16xi32>
        %parallel_loop3A_530 = arith.constant 0 : i32
        %parallel_loop3A_531 = arith.constant 0 : i32
        %parallel_loop3A_532 = arith.constant 0 : i32
        %parallel_loop3A_533 = tpu.memref_slice %arg7[%parallel_loop3A_530, %parallel_loop3A_531, %parallel_loop3A_532] : memref<2x4x4096xf32, #tpu.memory_space<vmem>> -> memref<1x4x4096xf32, #tpu.memory_space<vmem>>
        %parallel_loop3A_534 = tpu.memref_squeeze %parallel_loop3A_533 : memref<1x4x4096xf32, #tpu.memory_space<vmem>> -> memref<4x4096xf32, #tpu.memory_space<vmem>>
        tpu.vector_store_idx %parallel_loop3A_534[%parallel_loop3A_474, %parallel_loop3A_529], %parallel_loop3A_525 : memref<4x4096xf32, #tpu.memory_space<vmem>>[vector<16xi32>, vector<16xi32>], vector<16xf32>,
        %parallel_loop3A_535 = arith.constant 48 : i32
        %parallel_loop3A_536 = vector.broadcast %parallel_loop3A_535 : i32 to vector<16xi32>
        %parallel_loop3A_537 = arith.addi %iota3A, %parallel_loop3A_536 : vector<16xi32>
        %parallel_loop3A_538 = arith.constant 0 : i32
        %parallel_loop3A_539 = arith.constant 0 : i32
        %parallel_loop3A_540 = arith.constant 0 : i32
        %parallel_loop3A_541 = tpu.memref_slice %arg6[%parallel_loop3A_538, %parallel_loop3A_539, %parallel_loop3A_540] : memref<2x512x32xf32, #tpu.memory_space<vmem>> -> memref<1x512x32xf32, #tpu.memory_space<vmem>>
        %parallel_loop3A_542 = tpu.memref_squeeze %parallel_loop3A_541 : memref<1x512x32xf32, #tpu.memory_space<vmem>> -> memref<512x32xf32, #tpu.memory_space<vmem>>
        %parallel_loop3A_543 = tpu.vector_load_idx %parallel_loop3A_542[%parallel_loop3A_537, %parallel_loop3A_471] : memref<512x32xf32, #tpu.memory_space<vmem>>[vector<16xi32>, vector<16xi32>], vector<16xf32>,
        %parallel_loop3A_544 = arith.constant 0 : i32
        %parallel_loop3A_545 = vector.broadcast %parallel_loop3A_544 : i32 to vector<16xi32>
        %parallel_loop3A_546 = arith.addi %parallel_loop3A_480, %parallel_loop3A_545 : vector<16xi32>
        %parallel_loop3A_547 = arith.addi %parallel_loop3A_546, %add3A_14 : vector<16xi32>
        %parallel_loop3A_548 = arith.constant 0 : i32
        %parallel_loop3A_549 = arith.constant 0 : i32
        %parallel_loop3A_550 = arith.constant 0 : i32
        %parallel_loop3A_551 = tpu.memref_slice %arg7[%parallel_loop3A_548, %parallel_loop3A_549, %parallel_loop3A_550] : memref<2x4x4096xf32, #tpu.memory_space<vmem>> -> memref<1x4x4096xf32, #tpu.memory_space<vmem>>
        %parallel_loop3A_552 = tpu.memref_squeeze %parallel_loop3A_551 : memref<1x4x4096xf32, #tpu.memory_space<vmem>> -> memref<4x4096xf32, #tpu.memory_space<vmem>>
        tpu.vector_store_idx %parallel_loop3A_552[%parallel_loop3A_474, %parallel_loop3A_547], %parallel_loop3A_543 : memref<4x4096xf32, #tpu.memory_space<vmem>>[vector<16xi32>, vector<16xi32>], vector<16xf32>,
        %parallel_loop3A_553 = arith.constant 64 : i32
        %parallel_loop3A_554 = vector.broadcast %parallel_loop3A_553 : i32 to vector<16xi32>
        %parallel_loop3A_555 = arith.addi %iota3A, %parallel_loop3A_554 : vector<16xi32>
        %parallel_loop3A_556 = arith.constant 0 : i32
        %parallel_loop3A_557 = arith.constant 0 : i32
        %parallel_loop3A_558 = arith.constant 0 : i32
        %parallel_loop3A_559 = tpu.memref_slice %arg6[%parallel_loop3A_556, %parallel_loop3A_557, %parallel_loop3A_558] : memref<2x512x32xf32, #tpu.memory_space<vmem>> -> memref<1x512x32xf32, #tpu.memory_space<vmem>>
        %parallel_loop3A_560 = tpu.memref_squeeze %parallel_loop3A_559 : memref<1x512x32xf32, #tpu.memory_space<vmem>> -> memref<512x32xf32, #tpu.memory_space<vmem>>
        %parallel_loop3A_561 = tpu.vector_load_idx %parallel_loop3A_560[%parallel_loop3A_555, %parallel_loop3A_471] : memref<512x32xf32, #tpu.memory_space<vmem>>[vector<16xi32>, vector<16xi32>], vector<16xf32>,
        %parallel_loop3A_562 = arith.constant 0 : i32
        %parallel_loop3A_563 = vector.broadcast %parallel_loop3A_562 : i32 to vector<16xi32>
        %parallel_loop3A_564 = arith.addi %parallel_loop3A_480, %parallel_loop3A_563 : vector<16xi32>
        %parallel_loop3A_565 = arith.addi %parallel_loop3A_564, %add3A_17 : vector<16xi32>
        %parallel_loop3A_566 = arith.constant 0 : i32
        %parallel_loop3A_567 = arith.constant 0 : i32
        %parallel_loop3A_568 = arith.constant 0 : i32
        %parallel_loop3A_569 = tpu.memref_slice %arg7[%parallel_loop3A_566, %parallel_loop3A_567, %parallel_loop3A_568] : memref<2x4x4096xf32, #tpu.memory_space<vmem>> -> memref<1x4x4096xf32, #tpu.memory_space<vmem>>
        %parallel_loop3A_570 = tpu.memref_squeeze %parallel_loop3A_569 : memref<1x4x4096xf32, #tpu.memory_space<vmem>> -> memref<4x4096xf32, #tpu.memory_space<vmem>>
        tpu.vector_store_idx %parallel_loop3A_570[%parallel_loop3A_474, %parallel_loop3A_565], %parallel_loop3A_561 : memref<4x4096xf32, #tpu.memory_space<vmem>>[vector<16xi32>, vector<16xi32>], vector<16xf32>,
        %parallel_loop3A_571 = arith.constant 80 : i32
        %parallel_loop3A_572 = vector.broadcast %parallel_loop3A_571 : i32 to vector<16xi32>
        %parallel_loop3A_573 = arith.addi %iota3A, %parallel_loop3A_572 : vector<16xi32>
        %parallel_loop3A_574 = arith.constant 0 : i32
        %parallel_loop3A_575 = arith.constant 0 : i32
        %parallel_loop3A_576 = arith.constant 0 : i32
        %parallel_loop3A_577 = tpu.memref_slice %arg6[%parallel_loop3A_574, %parallel_loop3A_575, %parallel_loop3A_576] : memref<2x512x32xf32, #tpu.memory_space<vmem>> -> memref<1x512x32xf32, #tpu.memory_space<vmem>>
        %parallel_loop3A_578 = tpu.memref_squeeze %parallel_loop3A_577 : memref<1x512x32xf32, #tpu.memory_space<vmem>> -> memref<512x32xf32, #tpu.memory_space<vmem>>
        %parallel_loop3A_579 = tpu.vector_load_idx %parallel_loop3A_578[%parallel_loop3A_573, %parallel_loop3A_471] : memref<512x32xf32, #tpu.memory_space<vmem>>[vector<16xi32>, vector<16xi32>], vector<16xf32>,
        %parallel_loop3A_580 = arith.constant 0 : i32
        %parallel_loop3A_581 = vector.broadcast %parallel_loop3A_580 : i32 to vector<16xi32>
        %parallel_loop3A_582 = arith.addi %parallel_loop3A_480, %parallel_loop3A_581 : vector<16xi32>
        %parallel_loop3A_583 = arith.addi %parallel_loop3A_582, %add3A_20 : vector<16xi32>
        %parallel_loop3A_584 = arith.constant 0 : i32
        %parallel_loop3A_585 = arith.constant 0 : i32
        %parallel_loop3A_586 = arith.constant 0 : i32
        %parallel_loop3A_587 = tpu.memref_slice %arg7[%parallel_loop3A_584, %parallel_loop3A_585, %parallel_loop3A_586] : memref<2x4x4096xf32, #tpu.memory_space<vmem>> -> memref<1x4x4096xf32, #tpu.memory_space<vmem>>
        %parallel_loop3A_588 = tpu.memref_squeeze %parallel_loop3A_587 : memref<1x4x4096xf32, #tpu.memory_space<vmem>> -> memref<4x4096xf32, #tpu.memory_space<vmem>>
        tpu.vector_store_idx %parallel_loop3A_588[%parallel_loop3A_474, %parallel_loop3A_583], %parallel_loop3A_579 : memref<4x4096xf32, #tpu.memory_space<vmem>>[vector<16xi32>, vector<16xi32>], vector<16xf32>,
        %parallel_loop3A_589 = arith.constant 96 : i32
        %parallel_loop3A_590 = vector.broadcast %parallel_loop3A_589 : i32 to vector<16xi32>
        %parallel_loop3A_591 = arith.addi %iota3A, %parallel_loop3A_590 : vector<16xi32>
        %parallel_loop3A_592 = arith.constant 0 : i32
        %parallel_loop3A_593 = arith.constant 0 : i32
        %parallel_loop3A_594 = arith.constant 0 : i32
        %parallel_loop3A_595 = tpu.memref_slice %arg6[%parallel_loop3A_592, %parallel_loop3A_593, %parallel_loop3A_594] : memref<2x512x32xf32, #tpu.memory_space<vmem>> -> memref<1x512x32xf32, #tpu.memory_space<vmem>>
        %parallel_loop3A_596 = tpu.memref_squeeze %parallel_loop3A_595 : memref<1x512x32xf32, #tpu.memory_space<vmem>> -> memref<512x32xf32, #tpu.memory_space<vmem>>
        %parallel_loop3A_597 = tpu.vector_load_idx %parallel_loop3A_596[%parallel_loop3A_591, %parallel_loop3A_471] : memref<512x32xf32, #tpu.memory_space<vmem>>[vector<16xi32>, vector<16xi32>], vector<16xf32>,
        %parallel_loop3A_598 = arith.constant 0 : i32
        %parallel_loop3A_599 = vector.broadcast %parallel_loop3A_598 : i32 to vector<16xi32>
        %parallel_loop3A_600 = arith.addi %parallel_loop3A_480, %parallel_loop3A_599 : vector<16xi32>
        %parallel_loop3A_601 = arith.addi %parallel_loop3A_600, %add3A_23 : vector<16xi32>
        %parallel_loop3A_602 = arith.constant 0 : i32
        %parallel_loop3A_603 = arith.constant 0 : i32
        %parallel_loop3A_604 = arith.constant 0 : i32
        %parallel_loop3A_605 = tpu.memref_slice %arg7[%parallel_loop3A_602, %parallel_loop3A_603, %parallel_loop3A_604] : memref<2x4x4096xf32, #tpu.memory_space<vmem>> -> memref<1x4x4096xf32, #tpu.memory_space<vmem>>
        %parallel_loop3A_606 = tpu.memref_squeeze %parallel_loop3A_605 : memref<1x4x4096xf32, #tpu.memory_space<vmem>> -> memref<4x4096xf32, #tpu.memory_space<vmem>>
        tpu.vector_store_idx %parallel_loop3A_606[%parallel_loop3A_474, %parallel_loop3A_601], %parallel_loop3A_597 : memref<4x4096xf32, #tpu.memory_space<vmem>>[vector<16xi32>, vector<16xi32>], vector<16xf32>,
        %parallel_loop3A_607 = arith.constant 112 : i32
        %parallel_loop3A_608 = vector.broadcast %parallel_loop3A_607 : i32 to vector<16xi32>
        %parallel_loop3A_609 = arith.addi %iota3A, %parallel_loop3A_608 : vector<16xi32>
        %parallel_loop3A_610 = arith.constant 0 : i32
        %parallel_loop3A_611 = arith.constant 0 : i32
        %parallel_loop3A_612 = arith.constant 0 : i32
        %parallel_loop3A_613 = tpu.memref_slice %arg6[%parallel_loop3A_610, %parallel_loop3A_611, %parallel_loop3A_612] : memref<2x512x32xf32, #tpu.memory_space<vmem>> -> memref<1x512x32xf32, #tpu.memory_space<vmem>>
        %parallel_loop3A_614 = tpu.memref_squeeze %parallel_loop3A_613 : memref<1x512x32xf32, #tpu.memory_space<vmem>> -> memref<512x32xf32, #tpu.memory_space<vmem>>
        %parallel_loop3A_615 = tpu.vector_load_idx %parallel_loop3A_614[%parallel_loop3A_609, %parallel_loop3A_471] : memref<512x32xf32, #tpu.memory_space<vmem>>[vector<16xi32>, vector<16xi32>], vector<16xf32>,
        %parallel_loop3A_616 = arith.constant 0 : i32
        %parallel_loop3A_617 = vector.broadcast %parallel_loop3A_616 : i32 to vector<16xi32>
        %parallel_loop3A_618 = arith.addi %parallel_loop3A_480, %parallel_loop3A_617 : vector<16xi32>
        %parallel_loop3A_619 = arith.addi %parallel_loop3A_618, %add3A_26 : vector<16xi32>
        %parallel_loop3A_620 = arith.constant 0 : i32
        %parallel_loop3A_621 = arith.constant 0 : i32
        %parallel_loop3A_622 = arith.constant 0 : i32
        %parallel_loop3A_623 = tpu.memref_slice %arg7[%parallel_loop3A_620, %parallel_loop3A_621, %parallel_loop3A_622] : memref<2x4x4096xf32, #tpu.memory_space<vmem>> -> memref<1x4x4096xf32, #tpu.memory_space<vmem>>
        %parallel_loop3A_624 = tpu.memref_squeeze %parallel_loop3A_623 : memref<1x4x4096xf32, #tpu.memory_space<vmem>> -> memref<4x4096xf32, #tpu.memory_space<vmem>>
        tpu.vector_store_idx %parallel_loop3A_624[%parallel_loop3A_474, %parallel_loop3A_619], %parallel_loop3A_615 : memref<4x4096xf32, #tpu.memory_space<vmem>>[vector<16xi32>, vector<16xi32>], vector<16xf32>,
        %parallel_loop3A_625 = arith.constant 128 : i32
        %parallel_loop3A_626 = vector.broadcast %parallel_loop3A_625 : i32 to vector<16xi32>
        %parallel_loop3A_627 = arith.addi %iota3A, %parallel_loop3A_626 : vector<16xi32>
        %parallel_loop3A_628 = arith.constant 0 : i32
        %parallel_loop3A_629 = arith.constant 0 : i32
        %parallel_loop3A_630 = arith.constant 0 : i32
        %parallel_loop3A_631 = tpu.memref_slice %arg6[%parallel_loop3A_628, %parallel_loop3A_629, %parallel_loop3A_630] : memref<2x512x32xf32, #tpu.memory_space<vmem>> -> memref<1x512x32xf32, #tpu.memory_space<vmem>>
        %parallel_loop3A_632 = tpu.memref_squeeze %parallel_loop3A_631 : memref<1x512x32xf32, #tpu.memory_space<vmem>> -> memref<512x32xf32, #tpu.memory_space<vmem>>
        %parallel_loop3A_633 = tpu.vector_load_idx %parallel_loop3A_632[%parallel_loop3A_627, %parallel_loop3A_471] : memref<512x32xf32, #tpu.memory_space<vmem>>[vector<16xi32>, vector<16xi32>], vector<16xf32>,
        %parallel_loop3A_634 = arith.constant 1024 : i32
        %parallel_loop3A_635 = vector.broadcast %parallel_loop3A_634 : i32 to vector<16xi32>
        %parallel_loop3A_636 = arith.addi %parallel_loop3A_480, %parallel_loop3A_635 : vector<16xi32>
        %parallel_loop3A_637 = arith.addi %parallel_loop3A_636, %add3A_5 : vector<16xi32>
        %parallel_loop3A_638 = arith.constant 0 : i32
        %parallel_loop3A_639 = arith.constant 0 : i32
        %parallel_loop3A_640 = arith.constant 0 : i32
        %parallel_loop3A_641 = tpu.memref_slice %arg7[%parallel_loop3A_638, %parallel_loop3A_639, %parallel_loop3A_640] : memref<2x4x4096xf32, #tpu.memory_space<vmem>> -> memref<1x4x4096xf32, #tpu.memory_space<vmem>>
        %parallel_loop3A_642 = tpu.memref_squeeze %parallel_loop3A_641 : memref<1x4x4096xf32, #tpu.memory_space<vmem>> -> memref<4x4096xf32, #tpu.memory_space<vmem>>
        tpu.vector_store_idx %parallel_loop3A_642[%parallel_loop3A_474, %parallel_loop3A_637], %parallel_loop3A_633 : memref<4x4096xf32, #tpu.memory_space<vmem>>[vector<16xi32>, vector<16xi32>], vector<16xf32>,
        %parallel_loop3A_643 = arith.constant 144 : i32
        %parallel_loop3A_644 = vector.broadcast %parallel_loop3A_643 : i32 to vector<16xi32>
        %parallel_loop3A_645 = arith.addi %iota3A, %parallel_loop3A_644 : vector<16xi32>
        %parallel_loop3A_646 = arith.constant 0 : i32
        %parallel_loop3A_647 = arith.constant 0 : i32
        %parallel_loop3A_648 = arith.constant 0 : i32
        %parallel_loop3A_649 = tpu.memref_slice %arg6[%parallel_loop3A_646, %parallel_loop3A_647, %parallel_loop3A_648] : memref<2x512x32xf32, #tpu.memory_space<vmem>> -> memref<1x512x32xf32, #tpu.memory_space<vmem>>
        %parallel_loop3A_650 = tpu.memref_squeeze %parallel_loop3A_649 : memref<1x512x32xf32, #tpu.memory_space<vmem>> -> memref<512x32xf32, #tpu.memory_space<vmem>>
        %parallel_loop3A_651 = tpu.vector_load_idx %parallel_loop3A_650[%parallel_loop3A_645, %parallel_loop3A_471] : memref<512x32xf32, #tpu.memory_space<vmem>>[vector<16xi32>, vector<16xi32>], vector<16xf32>,
        %parallel_loop3A_652 = arith.constant 1024 : i32
        %parallel_loop3A_653 = vector.broadcast %parallel_loop3A_652 : i32 to vector<16xi32>
        %parallel_loop3A_654 = arith.addi %parallel_loop3A_480, %parallel_loop3A_653 : vector<16xi32>
        %parallel_loop3A_655 = arith.addi %parallel_loop3A_654, %add3A_8 : vector<16xi32>
        %parallel_loop3A_656 = arith.constant 0 : i32
        %parallel_loop3A_657 = arith.constant 0 : i32
        %parallel_loop3A_658 = arith.constant 0 : i32
        %parallel_loop3A_659 = tpu.memref_slice %arg7[%parallel_loop3A_656, %parallel_loop3A_657, %parallel_loop3A_658] : memref<2x4x4096xf32, #tpu.memory_space<vmem>> -> memref<1x4x4096xf32, #tpu.memory_space<vmem>>
        %parallel_loop3A_660 = tpu.memref_squeeze %parallel_loop3A_659 : memref<1x4x4096xf32, #tpu.memory_space<vmem>> -> memref<4x4096xf32, #tpu.memory_space<vmem>>
        tpu.vector_store_idx %parallel_loop3A_660[%parallel_loop3A_474, %parallel_loop3A_655], %parallel_loop3A_651 : memref<4x4096xf32, #tpu.memory_space<vmem>>[vector<16xi32>, vector<16xi32>], vector<16xf32>,
        %parallel_loop3A_661 = arith.constant 160 : i32
        %parallel_loop3A_662 = vector.broadcast %parallel_loop3A_661 : i32 to vector<16xi32>
        %parallel_loop3A_663 = arith.addi %iota3A, %parallel_loop3A_662 : vector<16xi32>
        %parallel_loop3A_664 = arith.constant 0 : i32
        %parallel_loop3A_665 = arith.constant 0 : i32
        %parallel_loop3A_666 = arith.constant 0 : i32
        %parallel_loop3A_667 = tpu.memref_slice %arg6[%parallel_loop3A_664, %parallel_loop3A_665, %parallel_loop3A_666] : memref<2x512x32xf32, #tpu.memory_space<vmem>> -> memref<1x512x32xf32, #tpu.memory_space<vmem>>
        %parallel_loop3A_668 = tpu.memref_squeeze %parallel_loop3A_667 : memref<1x512x32xf32, #tpu.memory_space<vmem>> -> memref<512x32xf32, #tpu.memory_space<vmem>>
        %parallel_loop3A_669 = tpu.vector_load_idx %parallel_loop3A_668[%parallel_loop3A_663, %parallel_loop3A_471] : memref<512x32xf32, #tpu.memory_space<vmem>>[vector<16xi32>, vector<16xi32>], vector<16xf32>,
        %parallel_loop3A_670 = arith.constant 1024 : i32
        %parallel_loop3A_671 = vector.broadcast %parallel_loop3A_670 : i32 to vector<16xi32>
        %parallel_loop3A_672 = arith.addi %parallel_loop3A_480, %parallel_loop3A_671 : vector<16xi32>
        %parallel_loop3A_673 = arith.addi %parallel_loop3A_672, %add3A_11 : vector<16xi32>
        %parallel_loop3A_674 = arith.constant 0 : i32
        %parallel_loop3A_675 = arith.constant 0 : i32
        %parallel_loop3A_676 = arith.constant 0 : i32
        %parallel_loop3A_677 = tpu.memref_slice %arg7[%parallel_loop3A_674, %parallel_loop3A_675, %parallel_loop3A_676] : memref<2x4x4096xf32, #tpu.memory_space<vmem>> -> memref<1x4x4096xf32, #tpu.memory_space<vmem>>
        %parallel_loop3A_678 = tpu.memref_squeeze %parallel_loop3A_677 : memref<1x4x4096xf32, #tpu.memory_space<vmem>> -> memref<4x4096xf32, #tpu.memory_space<vmem>>
        tpu.vector_store_idx %parallel_loop3A_678[%parallel_loop3A_474, %parallel_loop3A_673], %parallel_loop3A_669 : memref<4x4096xf32, #tpu.memory_space<vmem>>[vector<16xi32>, vector<16xi32>], vector<16xf32>,
        %parallel_loop3A_679 = arith.constant 176 : i32
        %parallel_loop3A_680 = vector.broadcast %parallel_loop3A_679 : i32 to vector<16xi32>
        %parallel_loop3A_681 = arith.addi %iota3A, %parallel_loop3A_680 : vector<16xi32>
        %parallel_loop3A_682 = arith.constant 0 : i32
        %parallel_loop3A_683 = arith.constant 0 : i32
        %parallel_loop3A_684 = arith.constant 0 : i32
        %parallel_loop3A_685 = tpu.memref_slice %arg6[%parallel_loop3A_682, %parallel_loop3A_683, %parallel_loop3A_684] : memref<2x512x32xf32, #tpu.memory_space<vmem>> -> memref<1x512x32xf32, #tpu.memory_space<vmem>>
        %parallel_loop3A_686 = tpu.memref_squeeze %parallel_loop3A_685 : memref<1x512x32xf32, #tpu.memory_space<vmem>> -> memref<512x32xf32, #tpu.memory_space<vmem>>
        %parallel_loop3A_687 = tpu.vector_load_idx %parallel_loop3A_686[%parallel_loop3A_681, %parallel_loop3A_471] : memref<512x32xf32, #tpu.memory_space<vmem>>[vector<16xi32>, vector<16xi32>], vector<16xf32>,
        %parallel_loop3A_688 = arith.constant 1024 : i32
        %parallel_loop3A_689 = vector.broadcast %parallel_loop3A_688 : i32 to vector<16xi32>
        %parallel_loop3A_690 = arith.addi %parallel_loop3A_480, %parallel_loop3A_689 : vector<16xi32>
        %parallel_loop3A_691 = arith.addi %parallel_loop3A_690, %add3A_14 : vector<16xi32>
        %parallel_loop3A_692 = arith.constant 0 : i32
        %parallel_loop3A_693 = arith.constant 0 : i32
        %parallel_loop3A_694 = arith.constant 0 : i32
        %parallel_loop3A_695 = tpu.memref_slice %arg7[%parallel_loop3A_692, %parallel_loop3A_693, %parallel_loop3A_694] : memref<2x4x4096xf32, #tpu.memory_space<vmem>> -> memref<1x4x4096xf32, #tpu.memory_space<vmem>>
        %parallel_loop3A_696 = tpu.memref_squeeze %parallel_loop3A_695 : memref<1x4x4096xf32, #tpu.memory_space<vmem>> -> memref<4x4096xf32, #tpu.memory_space<vmem>>
        tpu.vector_store_idx %parallel_loop3A_696[%parallel_loop3A_474, %parallel_loop3A_691], %parallel_loop3A_687 : memref<4x4096xf32, #tpu.memory_space<vmem>>[vector<16xi32>, vector<16xi32>], vector<16xf32>,
        %parallel_loop3A_697 = arith.constant 192 : i32
        %parallel_loop3A_698 = vector.broadcast %parallel_loop3A_697 : i32 to vector<16xi32>
        %parallel_loop3A_699 = arith.addi %iota3A, %parallel_loop3A_698 : vector<16xi32>
        %parallel_loop3A_700 = arith.constant 0 : i32
        %parallel_loop3A_701 = arith.constant 0 : i32
        %parallel_loop3A_702 = arith.constant 0 : i32
        %parallel_loop3A_703 = tpu.memref_slice %arg6[%parallel_loop3A_700, %parallel_loop3A_701, %parallel_loop3A_702] : memref<2x512x32xf32, #tpu.memory_space<vmem>> -> memref<1x512x32xf32, #tpu.memory_space<vmem>>
        %parallel_loop3A_704 = tpu.memref_squeeze %parallel_loop3A_703 : memref<1x512x32xf32, #tpu.memory_space<vmem>> -> memref<512x32xf32, #tpu.memory_space<vmem>>
        %parallel_loop3A_705 = tpu.vector_load_idx %parallel_loop3A_704[%parallel_loop3A_699, %parallel_loop3A_471] : memref<512x32xf32, #tpu.memory_space<vmem>>[vector<16xi32>, vector<16xi32>], vector<16xf32>,
        %parallel_loop3A_706 = arith.constant 1024 : i32
        %parallel_loop3A_707 = vector.broadcast %parallel_loop3A_706 : i32 to vector<16xi32>
        %parallel_loop3A_708 = arith.addi %parallel_loop3A_480, %parallel_loop3A_707 : vector<16xi32>
        %parallel_loop3A_709 = arith.addi %parallel_loop3A_708, %add3A_17 : vector<16xi32>
        %parallel_loop3A_710 = arith.constant 0 : i32
        %parallel_loop3A_711 = arith.constant 0 : i32
        %parallel_loop3A_712 = arith.constant 0 : i32
        %parallel_loop3A_713 = tpu.memref_slice %arg7[%parallel_loop3A_710, %parallel_loop3A_711, %parallel_loop3A_712] : memref<2x4x4096xf32, #tpu.memory_space<vmem>> -> memref<1x4x4096xf32, #tpu.memory_space<vmem>>
        %parallel_loop3A_714 = tpu.memref_squeeze %parallel_loop3A_713 : memref<1x4x4096xf32, #tpu.memory_space<vmem>> -> memref<4x4096xf32, #tpu.memory_space<vmem>>
        tpu.vector_store_idx %parallel_loop3A_714[%parallel_loop3A_474, %parallel_loop3A_709], %parallel_loop3A_705 : memref<4x4096xf32, #tpu.memory_space<vmem>>[vector<16xi32>, vector<16xi32>], vector<16xf32>,
        %parallel_loop3A_715 = arith.constant 208 : i32
        %parallel_loop3A_716 = vector.broadcast %parallel_loop3A_715 : i32 to vector<16xi32>
        %parallel_loop3A_717 = arith.addi %iota3A, %parallel_loop3A_716 : vector<16xi32>
        %parallel_loop3A_718 = arith.constant 0 : i32
        %parallel_loop3A_719 = arith.constant 0 : i32
        %parallel_loop3A_720 = arith.constant 0 : i32
        %parallel_loop3A_721 = tpu.memref_slice %arg6[%parallel_loop3A_718, %parallel_loop3A_719, %parallel_loop3A_720] : memref<2x512x32xf32, #tpu.memory_space<vmem>> -> memref<1x512x32xf32, #tpu.memory_space<vmem>>
        %parallel_loop3A_722 = tpu.memref_squeeze %parallel_loop3A_721 : memref<1x512x32xf32, #tpu.memory_space<vmem>> -> memref<512x32xf32, #tpu.memory_space<vmem>>
        %parallel_loop3A_723 = tpu.vector_load_idx %parallel_loop3A_722[%parallel_loop3A_717, %parallel_loop3A_471] : memref<512x32xf32, #tpu.memory_space<vmem>>[vector<16xi32>, vector<16xi32>], vector<16xf32>,
        %parallel_loop3A_724 = arith.constant 1024 : i32
        %parallel_loop3A_725 = vector.broadcast %parallel_loop3A_724 : i32 to vector<16xi32>
        %parallel_loop3A_726 = arith.addi %parallel_loop3A_480, %parallel_loop3A_725 : vector<16xi32>
        %parallel_loop3A_727 = arith.addi %parallel_loop3A_726, %add3A_20 : vector<16xi32>
        %parallel_loop3A_728 = arith.constant 0 : i32
        %parallel_loop3A_729 = arith.constant 0 : i32
        %parallel_loop3A_730 = arith.constant 0 : i32
        %parallel_loop3A_731 = tpu.memref_slice %arg7[%parallel_loop3A_728, %parallel_loop3A_729, %parallel_loop3A_730] : memref<2x4x4096xf32, #tpu.memory_space<vmem>> -> memref<1x4x4096xf32, #tpu.memory_space<vmem>>
        %parallel_loop3A_732 = tpu.memref_squeeze %parallel_loop3A_731 : memref<1x4x4096xf32, #tpu.memory_space<vmem>> -> memref<4x4096xf32, #tpu.memory_space<vmem>>
        tpu.vector_store_idx %parallel_loop3A_732[%parallel_loop3A_474, %parallel_loop3A_727], %parallel_loop3A_723 : memref<4x4096xf32, #tpu.memory_space<vmem>>[vector<16xi32>, vector<16xi32>], vector<16xf32>,
        %parallel_loop3A_733 = arith.constant 224 : i32
        %parallel_loop3A_734 = vector.broadcast %parallel_loop3A_733 : i32 to vector<16xi32>
        %parallel_loop3A_735 = arith.addi %iota3A, %parallel_loop3A_734 : vector<16xi32>
        %parallel_loop3A_736 = arith.constant 0 : i32
        %parallel_loop3A_737 = arith.constant 0 : i32
        %parallel_loop3A_738 = arith.constant 0 : i32
        %parallel_loop3A_739 = tpu.memref_slice %arg6[%parallel_loop3A_736, %parallel_loop3A_737, %parallel_loop3A_738] : memref<2x512x32xf32, #tpu.memory_space<vmem>> -> memref<1x512x32xf32, #tpu.memory_space<vmem>>
        %parallel_loop3A_740 = tpu.memref_squeeze %parallel_loop3A_739 : memref<1x512x32xf32, #tpu.memory_space<vmem>> -> memref<512x32xf32, #tpu.memory_space<vmem>>
        %parallel_loop3A_741 = tpu.vector_load_idx %parallel_loop3A_740[%parallel_loop3A_735, %parallel_loop3A_471] : memref<512x32xf32, #tpu.memory_space<vmem>>[vector<16xi32>, vector<16xi32>], vector<16xf32>,
        %parallel_loop3A_742 = arith.constant 1024 : i32
        %parallel_loop3A_743 = vector.broadcast %parallel_loop3A_742 : i32 to vector<16xi32>
        %parallel_loop3A_744 = arith.addi %parallel_loop3A_480, %parallel_loop3A_743 : vector<16xi32>
        %parallel_loop3A_745 = arith.addi %parallel_loop3A_744, %add3A_23 : vector<16xi32>
        %parallel_loop3A_746 = arith.constant 0 : i32
        %parallel_loop3A_747 = arith.constant 0 : i32
        %parallel_loop3A_748 = arith.constant 0 : i32
        %parallel_loop3A_749 = tpu.memref_slice %arg7[%parallel_loop3A_746, %parallel_loop3A_747, %parallel_loop3A_748] : memref<2x4x4096xf32, #tpu.memory_space<vmem>> -> memref<1x4x4096xf32, #tpu.memory_space<vmem>>
        %parallel_loop3A_750 = tpu.memref_squeeze %parallel_loop3A_749 : memref<1x4x4096xf32, #tpu.memory_space<vmem>> -> memref<4x4096xf32, #tpu.memory_space<vmem>>
        tpu.vector_store_idx %parallel_loop3A_750[%parallel_loop3A_474, %parallel_loop3A_745], %parallel_loop3A_741 : memref<4x4096xf32, #tpu.memory_space<vmem>>[vector<16xi32>, vector<16xi32>], vector<16xf32>,
        %parallel_loop3A_751 = arith.constant 240 : i32
        %parallel_loop3A_752 = vector.broadcast %parallel_loop3A_751 : i32 to vector<16xi32>
        %parallel_loop3A_753 = arith.addi %iota3A, %parallel_loop3A_752 : vector<16xi32>
        %parallel_loop3A_754 = arith.constant 0 : i32
        %parallel_loop3A_755 = arith.constant 0 : i32
        %parallel_loop3A_756 = arith.constant 0 : i32
        %parallel_loop3A_757 = tpu.memref_slice %arg6[%parallel_loop3A_754, %parallel_loop3A_755, %parallel_loop3A_756] : memref<2x512x32xf32, #tpu.memory_space<vmem>> -> memref<1x512x32xf32, #tpu.memory_space<vmem>>
        %parallel_loop3A_758 = tpu.memref_squeeze %parallel_loop3A_757 : memref<1x512x32xf32, #tpu.memory_space<vmem>> -> memref<512x32xf32, #tpu.memory_space<vmem>>
        %parallel_loop3A_759 = tpu.vector_load_idx %parallel_loop3A_758[%parallel_loop3A_753, %parallel_loop3A_471] : memref<512x32xf32, #tpu.memory_space<vmem>>[vector<16xi32>, vector<16xi32>], vector<16xf32>,
        %parallel_loop3A_760 = arith.constant 1024 : i32
        %parallel_loop3A_761 = vector.broadcast %parallel_loop3A_760 : i32 to vector<16xi32>
        %parallel_loop3A_762 = arith.addi %parallel_loop3A_480, %parallel_loop3A_761 : vector<16xi32>
        %parallel_loop3A_763 = arith.addi %parallel_loop3A_762, %add3A_26 : vector<16xi32>
        %parallel_loop3A_764 = arith.constant 0 : i32
        %parallel_loop3A_765 = arith.constant 0 : i32
        %parallel_loop3A_766 = arith.constant 0 : i32
        %parallel_loop3A_767 = tpu.memref_slice %arg7[%parallel_loop3A_764, %parallel_loop3A_765, %parallel_loop3A_766] : memref<2x4x4096xf32, #tpu.memory_space<vmem>> -> memref<1x4x4096xf32, #tpu.memory_space<vmem>>
        %parallel_loop3A_768 = tpu.memref_squeeze %parallel_loop3A_767 : memref<1x4x4096xf32, #tpu.memory_space<vmem>> -> memref<4x4096xf32, #tpu.memory_space<vmem>>
        tpu.vector_store_idx %parallel_loop3A_768[%parallel_loop3A_474, %parallel_loop3A_763], %parallel_loop3A_759 : memref<4x4096xf32, #tpu.memory_space<vmem>>[vector<16xi32>, vector<16xi32>], vector<16xf32>,
        %parallel_loop3A_769 = arith.constant 256 : i32
        %parallel_loop3A_770 = vector.broadcast %parallel_loop3A_769 : i32 to vector<16xi32>
        %parallel_loop3A_771 = arith.addi %iota3A, %parallel_loop3A_770 : vector<16xi32>
        %parallel_loop3A_772 = arith.constant 0 : i32
        %parallel_loop3A_773 = arith.constant 0 : i32
        %parallel_loop3A_774 = arith.constant 0 : i32
        %parallel_loop3A_775 = tpu.memref_slice %arg6[%parallel_loop3A_772, %parallel_loop3A_773, %parallel_loop3A_774] : memref<2x512x32xf32, #tpu.memory_space<vmem>> -> memref<1x512x32xf32, #tpu.memory_space<vmem>>
        %parallel_loop3A_776 = tpu.memref_squeeze %parallel_loop3A_775 : memref<1x512x32xf32, #tpu.memory_space<vmem>> -> memref<512x32xf32, #tpu.memory_space<vmem>>
        %parallel_loop3A_777 = tpu.vector_load_idx %parallel_loop3A_776[%parallel_loop3A_771, %parallel_loop3A_471] : memref<512x32xf32, #tpu.memory_space<vmem>>[vector<16xi32>, vector<16xi32>], vector<16xf32>,
        %parallel_loop3A_778 = arith.constant 2048 : i32
        %parallel_loop3A_779 = vector.broadcast %parallel_loop3A_778 : i32 to vector<16xi32>
        %parallel_loop3A_780 = arith.addi %parallel_loop3A_480, %parallel_loop3A_779 : vector<16xi32>
        %parallel_loop3A_781 = arith.addi %parallel_loop3A_780, %add3A_5 : vector<16xi32>
        %parallel_loop3A_782 = arith.constant 0 : i32
        %parallel_loop3A_783 = arith.constant 0 : i32
        %parallel_loop3A_784 = arith.constant 0 : i32
        %parallel_loop3A_785 = tpu.memref_slice %arg7[%parallel_loop3A_782, %parallel_loop3A_783, %parallel_loop3A_784] : memref<2x4x4096xf32, #tpu.memory_space<vmem>> -> memref<1x4x4096xf32, #tpu.memory_space<vmem>>
        %parallel_loop3A_786 = tpu.memref_squeeze %parallel_loop3A_785 : memref<1x4x4096xf32, #tpu.memory_space<vmem>> -> memref<4x4096xf32, #tpu.memory_space<vmem>>
        tpu.vector_store_idx %parallel_loop3A_786[%parallel_loop3A_474, %parallel_loop3A_781], %parallel_loop3A_777 : memref<4x4096xf32, #tpu.memory_space<vmem>>[vector<16xi32>, vector<16xi32>], vector<16xf32>,
        %parallel_loop3A_787 = arith.constant 272 : i32
        %parallel_loop3A_788 = vector.broadcast %parallel_loop3A_787 : i32 to vector<16xi32>
        %parallel_loop3A_789 = arith.addi %iota3A, %parallel_loop3A_788 : vector<16xi32>
        %parallel_loop3A_790 = arith.constant 0 : i32
        %parallel_loop3A_791 = arith.constant 0 : i32
        %parallel_loop3A_792 = arith.constant 0 : i32
        %parallel_loop3A_793 = tpu.memref_slice %arg6[%parallel_loop3A_790, %parallel_loop3A_791, %parallel_loop3A_792] : memref<2x512x32xf32, #tpu.memory_space<vmem>> -> memref<1x512x32xf32, #tpu.memory_space<vmem>>
        %parallel_loop3A_794 = tpu.memref_squeeze %parallel_loop3A_793 : memref<1x512x32xf32, #tpu.memory_space<vmem>> -> memref<512x32xf32, #tpu.memory_space<vmem>>
        %parallel_loop3A_795 = tpu.vector_load_idx %parallel_loop3A_794[%parallel_loop3A_789, %parallel_loop3A_471] : memref<512x32xf32, #tpu.memory_space<vmem>>[vector<16xi32>, vector<16xi32>], vector<16xf32>,
        %parallel_loop3A_796 = arith.constant 2048 : i32
        %parallel_loop3A_797 = vector.broadcast %parallel_loop3A_796 : i32 to vector<16xi32>
        %parallel_loop3A_798 = arith.addi %parallel_loop3A_480, %parallel_loop3A_797 : vector<16xi32>
        %parallel_loop3A_799 = arith.addi %parallel_loop3A_798, %add3A_8 : vector<16xi32>
        %parallel_loop3A_800 = arith.constant 0 : i32
        %parallel_loop3A_801 = arith.constant 0 : i32
        %parallel_loop3A_802 = arith.constant 0 : i32
        %parallel_loop3A_803 = tpu.memref_slice %arg7[%parallel_loop3A_800, %parallel_loop3A_801, %parallel_loop3A_802] : memref<2x4x4096xf32, #tpu.memory_space<vmem>> -> memref<1x4x4096xf32, #tpu.memory_space<vmem>>
        %parallel_loop3A_804 = tpu.memref_squeeze %parallel_loop3A_803 : memref<1x4x4096xf32, #tpu.memory_space<vmem>> -> memref<4x4096xf32, #tpu.memory_space<vmem>>
        tpu.vector_store_idx %parallel_loop3A_804[%parallel_loop3A_474, %parallel_loop3A_799], %parallel_loop3A_795 : memref<4x4096xf32, #tpu.memory_space<vmem>>[vector<16xi32>, vector<16xi32>], vector<16xf32>,
        %parallel_loop3A_805 = arith.constant 288 : i32
        %parallel_loop3A_806 = vector.broadcast %parallel_loop3A_805 : i32 to vector<16xi32>
        %parallel_loop3A_807 = arith.addi %iota3A, %parallel_loop3A_806 : vector<16xi32>
        %parallel_loop3A_808 = arith.constant 0 : i32
        %parallel_loop3A_809 = arith.constant 0 : i32
        %parallel_loop3A_810 = arith.constant 0 : i32
        %parallel_loop3A_811 = tpu.memref_slice %arg6[%parallel_loop3A_808, %parallel_loop3A_809, %parallel_loop3A_810] : memref<2x512x32xf32, #tpu.memory_space<vmem>> -> memref<1x512x32xf32, #tpu.memory_space<vmem>>
        %parallel_loop3A_812 = tpu.memref_squeeze %parallel_loop3A_811 : memref<1x512x32xf32, #tpu.memory_space<vmem>> -> memref<512x32xf32, #tpu.memory_space<vmem>>
        %parallel_loop3A_813 = tpu.vector_load_idx %parallel_loop3A_812[%parallel_loop3A_807, %parallel_loop3A_471] : memref<512x32xf32, #tpu.memory_space<vmem>>[vector<16xi32>, vector<16xi32>], vector<16xf32>,
        %parallel_loop3A_814 = arith.constant 2048 : i32
        %parallel_loop3A_815 = vector.broadcast %parallel_loop3A_814 : i32 to vector<16xi32>
        %parallel_loop3A_816 = arith.addi %parallel_loop3A_480, %parallel_loop3A_815 : vector<16xi32>
        %parallel_loop3A_817 = arith.addi %parallel_loop3A_816, %add3A_11 : vector<16xi32>
        %parallel_loop3A_818 = arith.constant 0 : i32
        %parallel_loop3A_819 = arith.constant 0 : i32
        %parallel_loop3A_820 = arith.constant 0 : i32
        %parallel_loop3A_821 = tpu.memref_slice %arg7[%parallel_loop3A_818, %parallel_loop3A_819, %parallel_loop3A_820] : memref<2x4x4096xf32, #tpu.memory_space<vmem>> -> memref<1x4x4096xf32, #tpu.memory_space<vmem>>
        %parallel_loop3A_822 = tpu.memref_squeeze %parallel_loop3A_821 : memref<1x4x4096xf32, #tpu.memory_space<vmem>> -> memref<4x4096xf32, #tpu.memory_space<vmem>>
        tpu.vector_store_idx %parallel_loop3A_822[%parallel_loop3A_474, %parallel_loop3A_817], %parallel_loop3A_813 : memref<4x4096xf32, #tpu.memory_space<vmem>>[vector<16xi32>, vector<16xi32>], vector<16xf32>,
        %parallel_loop3A_823 = arith.constant 304 : i32
        %parallel_loop3A_824 = vector.broadcast %parallel_loop3A_823 : i32 to vector<16xi32>
        %parallel_loop3A_825 = arith.addi %iota3A, %parallel_loop3A_824 : vector<16xi32>
        %parallel_loop3A_826 = arith.constant 0 : i32
        %parallel_loop3A_827 = arith.constant 0 : i32
        %parallel_loop3A_828 = arith.constant 0 : i32
        %parallel_loop3A_829 = tpu.memref_slice %arg6[%parallel_loop3A_826, %parallel_loop3A_827, %parallel_loop3A_828] : memref<2x512x32xf32, #tpu.memory_space<vmem>> -> memref<1x512x32xf32, #tpu.memory_space<vmem>>
        %parallel_loop3A_830 = tpu.memref_squeeze %parallel_loop3A_829 : memref<1x512x32xf32, #tpu.memory_space<vmem>> -> memref<512x32xf32, #tpu.memory_space<vmem>>
        %parallel_loop3A_831 = tpu.vector_load_idx %parallel_loop3A_830[%parallel_loop3A_825, %parallel_loop3A_471] : memref<512x32xf32, #tpu.memory_space<vmem>>[vector<16xi32>, vector<16xi32>], vector<16xf32>,
        %parallel_loop3A_832 = arith.constant 2048 : i32
        %parallel_loop3A_833 = vector.broadcast %parallel_loop3A_832 : i32 to vector<16xi32>
        %parallel_loop3A_834 = arith.addi %parallel_loop3A_480, %parallel_loop3A_833 : vector<16xi32>
        %parallel_loop3A_835 = arith.addi %parallel_loop3A_834, %add3A_14 : vector<16xi32>
        %parallel_loop3A_836 = arith.constant 0 : i32
        %parallel_loop3A_837 = arith.constant 0 : i32
        %parallel_loop3A_838 = arith.constant 0 : i32
        %parallel_loop3A_839 = tpu.memref_slice %arg7[%parallel_loop3A_836, %parallel_loop3A_837, %parallel_loop3A_838] : memref<2x4x4096xf32, #tpu.memory_space<vmem>> -> memref<1x4x4096xf32, #tpu.memory_space<vmem>>
        %parallel_loop3A_840 = tpu.memref_squeeze %parallel_loop3A_839 : memref<1x4x4096xf32, #tpu.memory_space<vmem>> -> memref<4x4096xf32, #tpu.memory_space<vmem>>
        tpu.vector_store_idx %parallel_loop3A_840[%parallel_loop3A_474, %parallel_loop3A_835], %parallel_loop3A_831 : memref<4x4096xf32, #tpu.memory_space<vmem>>[vector<16xi32>, vector<16xi32>], vector<16xf32>,
        %parallel_loop3A_841 = arith.constant 320 : i32
        %parallel_loop3A_842 = vector.broadcast %parallel_loop3A_841 : i32 to vector<16xi32>
        %parallel_loop3A_843 = arith.addi %iota3A, %parallel_loop3A_842 : vector<16xi32>
        %parallel_loop3A_844 = arith.constant 0 : i32
        %parallel_loop3A_845 = arith.constant 0 : i32
        %parallel_loop3A_846 = arith.constant 0 : i32
        %parallel_loop3A_847 = tpu.memref_slice %arg6[%parallel_loop3A_844, %parallel_loop3A_845, %parallel_loop3A_846] : memref<2x512x32xf32, #tpu.memory_space<vmem>> -> memref<1x512x32xf32, #tpu.memory_space<vmem>>
        %parallel_loop3A_848 = tpu.memref_squeeze %parallel_loop3A_847 : memref<1x512x32xf32, #tpu.memory_space<vmem>> -> memref<512x32xf32, #tpu.memory_space<vmem>>
        %parallel_loop3A_849 = tpu.vector_load_idx %parallel_loop3A_848[%parallel_loop3A_843, %parallel_loop3A_471] : memref<512x32xf32, #tpu.memory_space<vmem>>[vector<16xi32>, vector<16xi32>], vector<16xf32>,
        %parallel_loop3A_850 = arith.constant 2048 : i32
        %parallel_loop3A_851 = vector.broadcast %parallel_loop3A_850 : i32 to vector<16xi32>
        %parallel_loop3A_852 = arith.addi %parallel_loop3A_480, %parallel_loop3A_851 : vector<16xi32>
        %parallel_loop3A_853 = arith.addi %parallel_loop3A_852, %add3A_17 : vector<16xi32>
        %parallel_loop3A_854 = arith.constant 0 : i32
        %parallel_loop3A_855 = arith.constant 0 : i32
        %parallel_loop3A_856 = arith.constant 0 : i32
        %parallel_loop3A_857 = tpu.memref_slice %arg7[%parallel_loop3A_854, %parallel_loop3A_855, %parallel_loop3A_856] : memref<2x4x4096xf32, #tpu.memory_space<vmem>> -> memref<1x4x4096xf32, #tpu.memory_space<vmem>>
        %parallel_loop3A_858 = tpu.memref_squeeze %parallel_loop3A_857 : memref<1x4x4096xf32, #tpu.memory_space<vmem>> -> memref<4x4096xf32, #tpu.memory_space<vmem>>
        tpu.vector_store_idx %parallel_loop3A_858[%parallel_loop3A_474, %parallel_loop3A_853], %parallel_loop3A_849 : memref<4x4096xf32, #tpu.memory_space<vmem>>[vector<16xi32>, vector<16xi32>], vector<16xf32>,
        %parallel_loop3A_859 = arith.constant 336 : i32
        %parallel_loop3A_860 = vector.broadcast %parallel_loop3A_859 : i32 to vector<16xi32>
        %parallel_loop3A_861 = arith.addi %iota3A, %parallel_loop3A_860 : vector<16xi32>
        %parallel_loop3A_862 = arith.constant 0 : i32
        %parallel_loop3A_863 = arith.constant 0 : i32
        %parallel_loop3A_864 = arith.constant 0 : i32
        %parallel_loop3A_865 = tpu.memref_slice %arg6[%parallel_loop3A_862, %parallel_loop3A_863, %parallel_loop3A_864] : memref<2x512x32xf32, #tpu.memory_space<vmem>> -> memref<1x512x32xf32, #tpu.memory_space<vmem>>
        %parallel_loop3A_866 = tpu.memref_squeeze %parallel_loop3A_865 : memref<1x512x32xf32, #tpu.memory_space<vmem>> -> memref<512x32xf32, #tpu.memory_space<vmem>>
        %parallel_loop3A_867 = tpu.vector_load_idx %parallel_loop3A_866[%parallel_loop3A_861, %parallel_loop3A_471] : memref<512x32xf32, #tpu.memory_space<vmem>>[vector<16xi32>, vector<16xi32>], vector<16xf32>,
        %parallel_loop3A_868 = arith.constant 2048 : i32
        %parallel_loop3A_869 = vector.broadcast %parallel_loop3A_868 : i32 to vector<16xi32>
        %parallel_loop3A_870 = arith.addi %parallel_loop3A_480, %parallel_loop3A_869 : vector<16xi32>
        %parallel_loop3A_871 = arith.addi %parallel_loop3A_870, %add3A_20 : vector<16xi32>
        %parallel_loop3A_872 = arith.constant 0 : i32
        %parallel_loop3A_873 = arith.constant 0 : i32
        %parallel_loop3A_874 = arith.constant 0 : i32
        %parallel_loop3A_875 = tpu.memref_slice %arg7[%parallel_loop3A_872, %parallel_loop3A_873, %parallel_loop3A_874] : memref<2x4x4096xf32, #tpu.memory_space<vmem>> -> memref<1x4x4096xf32, #tpu.memory_space<vmem>>
        %parallel_loop3A_876 = tpu.memref_squeeze %parallel_loop3A_875 : memref<1x4x4096xf32, #tpu.memory_space<vmem>> -> memref<4x4096xf32, #tpu.memory_space<vmem>>
        tpu.vector_store_idx %parallel_loop3A_876[%parallel_loop3A_474, %parallel_loop3A_871], %parallel_loop3A_867 : memref<4x4096xf32, #tpu.memory_space<vmem>>[vector<16xi32>, vector<16xi32>], vector<16xf32>,
        %parallel_loop3A_877 = arith.constant 352 : i32
        %parallel_loop3A_878 = vector.broadcast %parallel_loop3A_877 : i32 to vector<16xi32>
        %parallel_loop3A_879 = arith.addi %iota3A, %parallel_loop3A_878 : vector<16xi32>
        %parallel_loop3A_880 = arith.constant 0 : i32
        %parallel_loop3A_881 = arith.constant 0 : i32
        %parallel_loop3A_882 = arith.constant 0 : i32
        %parallel_loop3A_883 = tpu.memref_slice %arg6[%parallel_loop3A_880, %parallel_loop3A_881, %parallel_loop3A_882] : memref<2x512x32xf32, #tpu.memory_space<vmem>> -> memref<1x512x32xf32, #tpu.memory_space<vmem>>
        %parallel_loop3A_884 = tpu.memref_squeeze %parallel_loop3A_883 : memref<1x512x32xf32, #tpu.memory_space<vmem>> -> memref<512x32xf32, #tpu.memory_space<vmem>>
        %parallel_loop3A_885 = tpu.vector_load_idx %parallel_loop3A_884[%parallel_loop3A_879, %parallel_loop3A_471] : memref<512x32xf32, #tpu.memory_space<vmem>>[vector<16xi32>, vector<16xi32>], vector<16xf32>,
        %parallel_loop3A_886 = arith.constant 2048 : i32
        %parallel_loop3A_887 = vector.broadcast %parallel_loop3A_886 : i32 to vector<16xi32>
        %parallel_loop3A_888 = arith.addi %parallel_loop3A_480, %parallel_loop3A_887 : vector<16xi32>
        %parallel_loop3A_889 = arith.addi %parallel_loop3A_888, %add3A_23 : vector<16xi32>
        %parallel_loop3A_890 = arith.constant 0 : i32
        %parallel_loop3A_891 = arith.constant 0 : i32
        %parallel_loop3A_892 = arith.constant 0 : i32
        %parallel_loop3A_893 = tpu.memref_slice %arg7[%parallel_loop3A_890, %parallel_loop3A_891, %parallel_loop3A_892] : memref<2x4x4096xf32, #tpu.memory_space<vmem>> -> memref<1x4x4096xf32, #tpu.memory_space<vmem>>
        %parallel_loop3A_894 = tpu.memref_squeeze %parallel_loop3A_893 : memref<1x4x4096xf32, #tpu.memory_space<vmem>> -> memref<4x4096xf32, #tpu.memory_space<vmem>>
        tpu.vector_store_idx %parallel_loop3A_894[%parallel_loop3A_474, %parallel_loop3A_889], %parallel_loop3A_885 : memref<4x4096xf32, #tpu.memory_space<vmem>>[vector<16xi32>, vector<16xi32>], vector<16xf32>,
        %parallel_loop3A_895 = arith.constant 368 : i32
        %parallel_loop3A_896 = vector.broadcast %parallel_loop3A_895 : i32 to vector<16xi32>
        %parallel_loop3A_897 = arith.addi %iota3A, %parallel_loop3A_896 : vector<16xi32>
        %parallel_loop3A_898 = arith.constant 0 : i32
        %parallel_loop3A_899 = arith.constant 0 : i32
        %parallel_loop3A_900 = arith.constant 0 : i32
        %parallel_loop3A_901 = tpu.memref_slice %arg6[%parallel_loop3A_898, %parallel_loop3A_899, %parallel_loop3A_900] : memref<2x512x32xf32, #tpu.memory_space<vmem>> -> memref<1x512x32xf32, #tpu.memory_space<vmem>>
        %parallel_loop3A_902 = tpu.memref_squeeze %parallel_loop3A_901 : memref<1x512x32xf32, #tpu.memory_space<vmem>> -> memref<512x32xf32, #tpu.memory_space<vmem>>
        %parallel_loop3A_903 = tpu.vector_load_idx %parallel_loop3A_902[%parallel_loop3A_897, %parallel_loop3A_471] : memref<512x32xf32, #tpu.memory_space<vmem>>[vector<16xi32>, vector<16xi32>], vector<16xf32>,
        %parallel_loop3A_904 = arith.constant 2048 : i32
        %parallel_loop3A_905 = vector.broadcast %parallel_loop3A_904 : i32 to vector<16xi32>
        %parallel_loop3A_906 = arith.addi %parallel_loop3A_480, %parallel_loop3A_905 : vector<16xi32>
        %parallel_loop3A_907 = arith.addi %parallel_loop3A_906, %add3A_26 : vector<16xi32>
        %parallel_loop3A_908 = arith.constant 0 : i32
        %parallel_loop3A_909 = arith.constant 0 : i32
        %parallel_loop3A_910 = arith.constant 0 : i32
        %parallel_loop3A_911 = tpu.memref_slice %arg7[%parallel_loop3A_908, %parallel_loop3A_909, %parallel_loop3A_910] : memref<2x4x4096xf32, #tpu.memory_space<vmem>> -> memref<1x4x4096xf32, #tpu.memory_space<vmem>>
        %parallel_loop3A_912 = tpu.memref_squeeze %parallel_loop3A_911 : memref<1x4x4096xf32, #tpu.memory_space<vmem>> -> memref<4x4096xf32, #tpu.memory_space<vmem>>
        tpu.vector_store_idx %parallel_loop3A_912[%parallel_loop3A_474, %parallel_loop3A_907], %parallel_loop3A_903 : memref<4x4096xf32, #tpu.memory_space<vmem>>[vector<16xi32>, vector<16xi32>], vector<16xf32>,
        %parallel_loop3A_913 = arith.constant 384 : i32
        %parallel_loop3A_914 = vector.broadcast %parallel_loop3A_913 : i32 to vector<16xi32>
        %parallel_loop3A_915 = arith.addi %iota3A, %parallel_loop3A_914 : vector<16xi32>
        %parallel_loop3A_916 = arith.constant 0 : i32
        %parallel_loop3A_917 = arith.constant 0 : i32
        %parallel_loop3A_918 = arith.constant 0 : i32
        %parallel_loop3A_919 = tpu.memref_slice %arg6[%parallel_loop3A_916, %parallel_loop3A_917, %parallel_loop3A_918] : memref<2x512x32xf32, #tpu.memory_space<vmem>> -> memref<1x512x32xf32, #tpu.memory_space<vmem>>
        %parallel_loop3A_920 = tpu.memref_squeeze %parallel_loop3A_919 : memref<1x512x32xf32, #tpu.memory_space<vmem>> -> memref<512x32xf32, #tpu.memory_space<vmem>>
        %parallel_loop3A_921 = tpu.vector_load_idx %parallel_loop3A_920[%parallel_loop3A_915, %parallel_loop3A_471] : memref<512x32xf32, #tpu.memory_space<vmem>>[vector<16xi32>, vector<16xi32>], vector<16xf32>,
        %parallel_loop3A_922 = arith.constant 3072 : i32
        %parallel_loop3A_923 = vector.broadcast %parallel_loop3A_922 : i32 to vector<16xi32>
        %parallel_loop3A_924 = arith.addi %parallel_loop3A_480, %parallel_loop3A_923 : vector<16xi32>
        %parallel_loop3A_925 = arith.addi %parallel_loop3A_924, %add3A_5 : vector<16xi32>
        %parallel_loop3A_926 = arith.constant 0 : i32
        %parallel_loop3A_927 = arith.constant 0 : i32
        %parallel_loop3A_928 = arith.constant 0 : i32
        %parallel_loop3A_929 = tpu.memref_slice %arg7[%parallel_loop3A_926, %parallel_loop3A_927, %parallel_loop3A_928] : memref<2x4x4096xf32, #tpu.memory_space<vmem>> -> memref<1x4x4096xf32, #tpu.memory_space<vmem>>
        %parallel_loop3A_930 = tpu.memref_squeeze %parallel_loop3A_929 : memref<1x4x4096xf32, #tpu.memory_space<vmem>> -> memref<4x4096xf32, #tpu.memory_space<vmem>>
        tpu.vector_store_idx %parallel_loop3A_930[%parallel_loop3A_474, %parallel_loop3A_925], %parallel_loop3A_921 : memref<4x4096xf32, #tpu.memory_space<vmem>>[vector<16xi32>, vector<16xi32>], vector<16xf32>,
        %parallel_loop3A_931 = arith.constant 400 : i32
        %parallel_loop3A_932 = vector.broadcast %parallel_loop3A_931 : i32 to vector<16xi32>
        %parallel_loop3A_933 = arith.addi %iota3A, %parallel_loop3A_932 : vector<16xi32>
        %parallel_loop3A_934 = arith.constant 0 : i32
        %parallel_loop3A_935 = arith.constant 0 : i32
        %parallel_loop3A_936 = arith.constant 0 : i32
        %parallel_loop3A_937 = tpu.memref_slice %arg6[%parallel_loop3A_934, %parallel_loop3A_935, %parallel_loop3A_936] : memref<2x512x32xf32, #tpu.memory_space<vmem>> -> memref<1x512x32xf32, #tpu.memory_space<vmem>>
        %parallel_loop3A_938 = tpu.memref_squeeze %parallel_loop3A_937 : memref<1x512x32xf32, #tpu.memory_space<vmem>> -> memref<512x32xf32, #tpu.memory_space<vmem>>
        %parallel_loop3A_939 = tpu.vector_load_idx %parallel_loop3A_938[%parallel_loop3A_933, %parallel_loop3A_471] : memref<512x32xf32, #tpu.memory_space<vmem>>[vector<16xi32>, vector<16xi32>], vector<16xf32>,
        %parallel_loop3A_940 = arith.constant 3072 : i32
        %parallel_loop3A_941 = vector.broadcast %parallel_loop3A_940 : i32 to vector<16xi32>
        %parallel_loop3A_942 = arith.addi %parallel_loop3A_480, %parallel_loop3A_941 : vector<16xi32>
        %parallel_loop3A_943 = arith.addi %parallel_loop3A_942, %add3A_8 : vector<16xi32>
        %parallel_loop3A_944 = arith.constant 0 : i32
        %parallel_loop3A_945 = arith.constant 0 : i32
        %parallel_loop3A_946 = arith.constant 0 : i32
        %parallel_loop3A_947 = tpu.memref_slice %arg7[%parallel_loop3A_944, %parallel_loop3A_945, %parallel_loop3A_946] : memref<2x4x4096xf32, #tpu.memory_space<vmem>> -> memref<1x4x4096xf32, #tpu.memory_space<vmem>>
        %parallel_loop3A_948 = tpu.memref_squeeze %parallel_loop3A_947 : memref<1x4x4096xf32, #tpu.memory_space<vmem>> -> memref<4x4096xf32, #tpu.memory_space<vmem>>
        tpu.vector_store_idx %parallel_loop3A_948[%parallel_loop3A_474, %parallel_loop3A_943], %parallel_loop3A_939 : memref<4x4096xf32, #tpu.memory_space<vmem>>[vector<16xi32>, vector<16xi32>], vector<16xf32>,
        %parallel_loop3A_949 = arith.constant 416 : i32
        %parallel_loop3A_950 = vector.broadcast %parallel_loop3A_949 : i32 to vector<16xi32>
        %parallel_loop3A_951 = arith.addi %iota3A, %parallel_loop3A_950 : vector<16xi32>
        %parallel_loop3A_952 = arith.constant 0 : i32
        %parallel_loop3A_953 = arith.constant 0 : i32
        %parallel_loop3A_954 = arith.constant 0 : i32
        %parallel_loop3A_955 = tpu.memref_slice %arg6[%parallel_loop3A_952, %parallel_loop3A_953, %parallel_loop3A_954] : memref<2x512x32xf32, #tpu.memory_space<vmem>> -> memref<1x512x32xf32, #tpu.memory_space<vmem>>
        %parallel_loop3A_956 = tpu.memref_squeeze %parallel_loop3A_955 : memref<1x512x32xf32, #tpu.memory_space<vmem>> -> memref<512x32xf32, #tpu.memory_space<vmem>>
        %parallel_loop3A_957 = tpu.vector_load_idx %parallel_loop3A_956[%parallel_loop3A_951, %parallel_loop3A_471] : memref<512x32xf32, #tpu.memory_space<vmem>>[vector<16xi32>, vector<16xi32>], vector<16xf32>,
        %parallel_loop3A_958 = arith.constant 3072 : i32
        %parallel_loop3A_959 = vector.broadcast %parallel_loop3A_958 : i32 to vector<16xi32>
        %parallel_loop3A_960 = arith.addi %parallel_loop3A_480, %parallel_loop3A_959 : vector<16xi32>
        %parallel_loop3A_961 = arith.addi %parallel_loop3A_960, %add3A_11 : vector<16xi32>
        %parallel_loop3A_962 = arith.constant 0 : i32
        %parallel_loop3A_963 = arith.constant 0 : i32
        %parallel_loop3A_964 = arith.constant 0 : i32
        %parallel_loop3A_965 = tpu.memref_slice %arg7[%parallel_loop3A_962, %parallel_loop3A_963, %parallel_loop3A_964] : memref<2x4x4096xf32, #tpu.memory_space<vmem>> -> memref<1x4x4096xf32, #tpu.memory_space<vmem>>
        %parallel_loop3A_966 = tpu.memref_squeeze %parallel_loop3A_965 : memref<1x4x4096xf32, #tpu.memory_space<vmem>> -> memref<4x4096xf32, #tpu.memory_space<vmem>>
        tpu.vector_store_idx %parallel_loop3A_966[%parallel_loop3A_474, %parallel_loop3A_961], %parallel_loop3A_957 : memref<4x4096xf32, #tpu.memory_space<vmem>>[vector<16xi32>, vector<16xi32>], vector<16xf32>,
        %parallel_loop3A_967 = arith.constant 432 : i32
        %parallel_loop3A_968 = vector.broadcast %parallel_loop3A_967 : i32 to vector<16xi32>
        %parallel_loop3A_969 = arith.addi %iota3A, %parallel_loop3A_968 : vector<16xi32>
        %parallel_loop3A_970 = arith.constant 0 : i32
        %parallel_loop3A_971 = arith.constant 0 : i32
        %parallel_loop3A_972 = arith.constant 0 : i32
        %parallel_loop3A_973 = tpu.memref_slice %arg6[%parallel_loop3A_970, %parallel_loop3A_971, %parallel_loop3A_972] : memref<2x512x32xf32, #tpu.memory_space<vmem>> -> memref<1x512x32xf32, #tpu.memory_space<vmem>>
        %parallel_loop3A_974 = tpu.memref_squeeze %parallel_loop3A_973 : memref<1x512x32xf32, #tpu.memory_space<vmem>> -> memref<512x32xf32, #tpu.memory_space<vmem>>
        %parallel_loop3A_975 = tpu.vector_load_idx %parallel_loop3A_974[%parallel_loop3A_969, %parallel_loop3A_471] : memref<512x32xf32, #tpu.memory_space<vmem>>[vector<16xi32>, vector<16xi32>], vector<16xf32>,
        %parallel_loop3A_976 = arith.constant 3072 : i32
        %parallel_loop3A_977 = vector.broadcast %parallel_loop3A_976 : i32 to vector<16xi32>
        %parallel_loop3A_978 = arith.addi %parallel_loop3A_480, %parallel_loop3A_977 : vector<16xi32>
        %parallel_loop3A_979 = arith.addi %parallel_loop3A_978, %add3A_14 : vector<16xi32>
        %parallel_loop3A_980 = arith.constant 0 : i32
        %parallel_loop3A_981 = arith.constant 0 : i32
        %parallel_loop3A_982 = arith.constant 0 : i32
        %parallel_loop3A_983 = tpu.memref_slice %arg7[%parallel_loop3A_980, %parallel_loop3A_981, %parallel_loop3A_982] : memref<2x4x4096xf32, #tpu.memory_space<vmem>> -> memref<1x4x4096xf32, #tpu.memory_space<vmem>>
        %parallel_loop3A_984 = tpu.memref_squeeze %parallel_loop3A_983 : memref<1x4x4096xf32, #tpu.memory_space<vmem>> -> memref<4x4096xf32, #tpu.memory_space<vmem>>
        tpu.vector_store_idx %parallel_loop3A_984[%parallel_loop3A_474, %parallel_loop3A_979], %parallel_loop3A_975 : memref<4x4096xf32, #tpu.memory_space<vmem>>[vector<16xi32>, vector<16xi32>], vector<16xf32>,
        %parallel_loop3A_985 = arith.constant 448 : i32
        %parallel_loop3A_986 = vector.broadcast %parallel_loop3A_985 : i32 to vector<16xi32>
        %parallel_loop3A_987 = arith.addi %iota3A, %parallel_loop3A_986 : vector<16xi32>
        %parallel_loop3A_988 = arith.constant 0 : i32
        %parallel_loop3A_989 = arith.constant 0 : i32
        %parallel_loop3A_990 = arith.constant 0 : i32
        %parallel_loop3A_991 = tpu.memref_slice %arg6[%parallel_loop3A_988, %parallel_loop3A_989, %parallel_loop3A_990] : memref<2x512x32xf32, #tpu.memory_space<vmem>> -> memref<1x512x32xf32, #tpu.memory_space<vmem>>
        %parallel_loop3A_992 = tpu.memref_squeeze %parallel_loop3A_991 : memref<1x512x32xf32, #tpu.memory_space<vmem>> -> memref<512x32xf32, #tpu.memory_space<vmem>>
        %parallel_loop3A_993 = tpu.vector_load_idx %parallel_loop3A_992[%parallel_loop3A_987, %parallel_loop3A_471] : memref<512x32xf32, #tpu.memory_space<vmem>>[vector<16xi32>, vector<16xi32>], vector<16xf32>,
        %parallel_loop3A_994 = arith.constant 3072 : i32
        %parallel_loop3A_995 = vector.broadcast %parallel_loop3A_994 : i32 to vector<16xi32>
        %parallel_loop3A_996 = arith.addi %parallel_loop3A_480, %parallel_loop3A_995 : vector<16xi32>
        %parallel_loop3A_997 = arith.addi %parallel_loop3A_996, %add3A_17 : vector<16xi32>
        %parallel_loop3A_998 = arith.constant 0 : i32
        %parallel_loop3A_999 = arith.constant 0 : i32
        %parallel_loop3A_1000 = arith.constant 0 : i32
        %parallel_loop3A_1001 = tpu.memref_slice %arg7[%parallel_loop3A_998, %parallel_loop3A_999, %parallel_loop3A_1000] : memref<2x4x4096xf32, #tpu.memory_space<vmem>> -> memref<1x4x4096xf32, #tpu.memory_space<vmem>>
        %parallel_loop3A_1002 = tpu.memref_squeeze %parallel_loop3A_1001 : memref<1x4x4096xf32, #tpu.memory_space<vmem>> -> memref<4x4096xf32, #tpu.memory_space<vmem>>
        tpu.vector_store_idx %parallel_loop3A_1002[%parallel_loop3A_474, %parallel_loop3A_997], %parallel_loop3A_993 : memref<4x4096xf32, #tpu.memory_space<vmem>>[vector<16xi32>, vector<16xi32>], vector<16xf32>,
        %parallel_loop3A_1003 = arith.constant 464 : i32
        %parallel_loop3A_1004 = vector.broadcast %parallel_loop3A_1003 : i32 to vector<16xi32>
        %parallel_loop3A_1005 = arith.addi %iota3A, %parallel_loop3A_1004 : vector<16xi32>
        %parallel_loop3A_1006 = arith.constant 0 : i32
        %parallel_loop3A_1007 = arith.constant 0 : i32
        %parallel_loop3A_1008 = arith.constant 0 : i32
        %parallel_loop3A_1009 = tpu.memref_slice %arg6[%parallel_loop3A_1006, %parallel_loop3A_1007, %parallel_loop3A_1008] : memref<2x512x32xf32, #tpu.memory_space<vmem>> -> memref<1x512x32xf32, #tpu.memory_space<vmem>>
        %parallel_loop3A_1010 = tpu.memref_squeeze %parallel_loop3A_1009 : memref<1x512x32xf32, #tpu.memory_space<vmem>> -> memref<512x32xf32, #tpu.memory_space<vmem>>
        %parallel_loop3A_1011 = tpu.vector_load_idx %parallel_loop3A_1010[%parallel_loop3A_1005, %parallel_loop3A_471] : memref<512x32xf32, #tpu.memory_space<vmem>>[vector<16xi32>, vector<16xi32>], vector<16xf32>,
        %parallel_loop3A_1012 = arith.constant 3072 : i32
        %parallel_loop3A_1013 = vector.broadcast %parallel_loop3A_1012 : i32 to vector<16xi32>
        %parallel_loop3A_1014 = arith.addi %parallel_loop3A_480, %parallel_loop3A_1013 : vector<16xi32>
        %parallel_loop3A_1015 = arith.addi %parallel_loop3A_1014, %add3A_20 : vector<16xi32>
        %parallel_loop3A_1016 = arith.constant 0 : i32
        %parallel_loop3A_1017 = arith.constant 0 : i32
        %parallel_loop3A_1018 = arith.constant 0 : i32
        %parallel_loop3A_1019 = tpu.memref_slice %arg7[%parallel_loop3A_1016, %parallel_loop3A_1017, %parallel_loop3A_1018] : memref<2x4x4096xf32, #tpu.memory_space<vmem>> -> memref<1x4x4096xf32, #tpu.memory_space<vmem>>
        %parallel_loop3A_1020 = tpu.memref_squeeze %parallel_loop3A_1019 : memref<1x4x4096xf32, #tpu.memory_space<vmem>> -> memref<4x4096xf32, #tpu.memory_space<vmem>>
        tpu.vector_store_idx %parallel_loop3A_1020[%parallel_loop3A_474, %parallel_loop3A_1015], %parallel_loop3A_1011 : memref<4x4096xf32, #tpu.memory_space<vmem>>[vector<16xi32>, vector<16xi32>], vector<16xf32>,
        %parallel_loop3A_1021 = arith.constant 480 : i32
        %parallel_loop3A_1022 = vector.broadcast %parallel_loop3A_1021 : i32 to vector<16xi32>
        %parallel_loop3A_1023 = arith.addi %iota3A, %parallel_loop3A_1022 : vector<16xi32>
        %parallel_loop3A_1024 = arith.constant 0 : i32
        %parallel_loop3A_1025 = arith.constant 0 : i32
        %parallel_loop3A_1026 = arith.constant 0 : i32
        %parallel_loop3A_1027 = tpu.memref_slice %arg6[%parallel_loop3A_1024, %parallel_loop3A_1025, %parallel_loop3A_1026] : memref<2x512x32xf32, #tpu.memory_space<vmem>> -> memref<1x512x32xf32, #tpu.memory_space<vmem>>
        %parallel_loop3A_1028 = tpu.memref_squeeze %parallel_loop3A_1027 : memref<1x512x32xf32, #tpu.memory_space<vmem>> -> memref<512x32xf32, #tpu.memory_space<vmem>>
        %parallel_loop3A_1029 = tpu.vector_load_idx %parallel_loop3A_1028[%parallel_loop3A_1023, %parallel_loop3A_471] : memref<512x32xf32, #tpu.memory_space<vmem>>[vector<16xi32>, vector<16xi32>], vector<16xf32>,
        %parallel_loop3A_1030 = arith.constant 3072 : i32
        %parallel_loop3A_1031 = vector.broadcast %parallel_loop3A_1030 : i32 to vector<16xi32>
        %parallel_loop3A_1032 = arith.addi %parallel_loop3A_480, %parallel_loop3A_1031 : vector<16xi32>
        %parallel_loop3A_1033 = arith.addi %parallel_loop3A_1032, %add3A_23 : vector<16xi32>
        %parallel_loop3A_1034 = arith.constant 0 : i32
        %parallel_loop3A_1035 = arith.constant 0 : i32
        %parallel_loop3A_1036 = arith.constant 0 : i32
        %parallel_loop3A_1037 = tpu.memref_slice %arg7[%parallel_loop3A_1034, %parallel_loop3A_1035, %parallel_loop3A_1036] : memref<2x4x4096xf32, #tpu.memory_space<vmem>> -> memref<1x4x4096xf32, #tpu.memory_space<vmem>>
        %parallel_loop3A_1038 = tpu.memref_squeeze %parallel_loop3A_1037 : memref<1x4x4096xf32, #tpu.memory_space<vmem>> -> memref<4x4096xf32, #tpu.memory_space<vmem>>
        tpu.vector_store_idx %parallel_loop3A_1038[%parallel_loop3A_474, %parallel_loop3A_1033], %parallel_loop3A_1029 : memref<4x4096xf32, #tpu.memory_space<vmem>>[vector<16xi32>, vector<16xi32>], vector<16xf32>,
        %parallel_loop3A_1039 = arith.constant 496 : i32
        %parallel_loop3A_1040 = vector.broadcast %parallel_loop3A_1039 : i32 to vector<16xi32>
        %parallel_loop3A_1041 = arith.addi %iota3A, %parallel_loop3A_1040 : vector<16xi32>
        %parallel_loop3A_1042 = arith.constant 0 : i32
        %parallel_loop3A_1043 = arith.constant 0 : i32
        %parallel_loop3A_1044 = arith.constant 0 : i32
        %parallel_loop3A_1045 = tpu.memref_slice %arg6[%parallel_loop3A_1042, %parallel_loop3A_1043, %parallel_loop3A_1044] : memref<2x512x32xf32, #tpu.memory_space<vmem>> -> memref<1x512x32xf32, #tpu.memory_space<vmem>>
        %parallel_loop3A_1046 = tpu.memref_squeeze %parallel_loop3A_1045 : memref<1x512x32xf32, #tpu.memory_space<vmem>> -> memref<512x32xf32, #tpu.memory_space<vmem>>
        %parallel_loop3A_1047 = tpu.vector_load_idx %parallel_loop3A_1046[%parallel_loop3A_1041, %parallel_loop3A_471] : memref<512x32xf32, #tpu.memory_space<vmem>>[vector<16xi32>, vector<16xi32>], vector<16xf32>,
        %parallel_loop3A_1048 = arith.constant 3072 : i32
        %parallel_loop3A_1049 = vector.broadcast %parallel_loop3A_1048 : i32 to vector<16xi32>
        %parallel_loop3A_1050 = arith.addi %parallel_loop3A_480, %parallel_loop3A_1049 : vector<16xi32>
        %parallel_loop3A_1051 = arith.addi %parallel_loop3A_1050, %add3A_26 : vector<16xi32>
        %parallel_loop3A_1052 = arith.constant 0 : i32
        %parallel_loop3A_1053 = arith.constant 0 : i32
        %parallel_loop3A_1054 = arith.constant 0 : i32
        %parallel_loop3A_1055 = tpu.memref_slice %arg7[%parallel_loop3A_1052, %parallel_loop3A_1053, %parallel_loop3A_1054] : memref<2x4x4096xf32, #tpu.memory_space<vmem>> -> memref<1x4x4096xf32, #tpu.memory_space<vmem>>
        %parallel_loop3A_1056 = tpu.memref_squeeze %parallel_loop3A_1055 : memref<1x4x4096xf32, #tpu.memory_space<vmem>> -> memref<4x4096xf32, #tpu.memory_space<vmem>>
        tpu.vector_store_idx %parallel_loop3A_1056[%parallel_loop3A_474, %parallel_loop3A_1051], %parallel_loop3A_1047 : memref<4x4096xf32, #tpu.memory_space<vmem>>[vector<16xi32>, vector<16xi32>], vector<16xf32>,
      } {sc.loop_unroll_factor = 1 : i64, sc.parallel_access}
      %jit3A_311 = arith.constant 128 : i32
      %div3A_312 = arith.divsi %mul3A_2, %jit3A_311 : i32
      %sign3A_313 = arith.constant 0 : i32
      %sign3A_314 = arith.cmpi sgt, %mul3A_2, %sign3A_313 : i32
      %sign3A_315 = arith.extui %sign3A_314 : i1 to i32
      %sign3A_316 = arith.constant 0 : i32
      %sign3A_317 = arith.cmpi slt, %mul3A_2, %sign3A_316 : i32
      %sign3A_318 = arith.extui %sign3A_317 : i1 to i32
      %sign3A_319 = arith.subi %sign3A_315, %sign3A_318 : i32
      %sign3A_320 = arith.constant 0 : i32
      %sign3A_321 = arith.cmpi sgt, %jit3A_311, %sign3A_320 : i32
      %sign3A_322 = arith.extui %sign3A_321 : i1 to i32
      %sign3A_323 = arith.constant 0 : i32
      %sign3A_324 = arith.cmpi slt, %jit3A_311, %sign3A_323 : i32
      %sign3A_325 = arith.extui %sign3A_324 : i1 to i32
      %sign3A_326 = arith.subi %sign3A_322, %sign3A_325 : i32
      %ne3A_327 = arith.cmpi ne, %sign3A_319, %sign3A_326 : i32
      %rem3A_328 = arith.remsi %mul3A_2, %jit3A_311 : i32
      %ne3A_329 = arith.constant 0 : i32
      %ne3A_330 = arith.cmpi ne, %rem3A_328, %ne3A_329 : i32
      %and3A_331 = arith.andi %ne3A_327, %ne3A_330 : i1
      %sub3A_332 = arith.constant 1 : i32
      %sub3A_333 = arith.subi %div3A_312, %sub3A_332 : i32
      %select_n3A_334 = arith.select %and3A_331, %sub3A_333, %div3A_312 : i32
      %mul3A_335 = arith.constant 1024 : i32
      %mul3A_336 = arith.muli %select_n3A_334, %mul3A_335 : i32
      %dma_start3A_337 = arith.constant 0 : i32
      %dma_start3A_338 = arith.constant 0 : i32
      %dma_start3A_339 = arith.constant 0 : i32
      %dma_start3A_340 = tpu.memref_slice %arg7[%dma_start3A_337, %dma_start3A_338, %dma_start3A_339] : memref<2x4x4096xf32, #tpu.memory_space<vmem>> -> memref<1x4x4096xf32, #tpu.memory_space<vmem>>
      %dma_start3A_341 = tpu.memref_squeeze %dma_start3A_340 : memref<1x4x4096xf32, #tpu.memory_space<vmem>> -> memref<4x4096xf32, #tpu.memory_space<vmem>>
      %dma_start3A_342 = arith.constant 0 : i32
      %dma_start3A_343 = tpu.memref_slice %arg4[%add3A_254, %dma_start3A_342, %mul3A_336] : memref<200x4x131072xf32, #tpu.memory_space<hbm>> -> memref<1x4x4096xf32, #tpu.memory_space<hbm>>
      %dma_start3A_344 = tpu.memref_squeeze %dma_start3A_343 : memref<1x4x4096xf32, #tpu.memory_space<hbm>> -> memref<4x4096xf32, #tpu.memory_space<hbm>>
      %dma_start3A_345 = arith.constant 0 : i32
      %dma_start3A_346 = tpu.memref_slice %arg4[%add3A_254, %dma_start3A_345, %mul3A_336] : memref<200x4x131072xf32, #tpu.memory_space<hbm>> -> memref<1x4x4096xf32, #tpu.memory_space<hbm>>
      %dma_start3A_347 = tpu.memref_squeeze %dma_start3A_346 : memref<1x4x4096xf32, #tpu.memory_space<hbm>> -> memref<4x4096xf32, #tpu.memory_space<hbm>>
      %dma_start3A_348 = arith.constant 0 : i32
      %dma_start3A_349 = arith.constant 0 : i32
      %dma_start3A_350 = tpu.memref_slice %arg7[%dma_start3A_337, %dma_start3A_348, %dma_start3A_349] : memref<2x4x4096xf32, #tpu.memory_space<vmem>> -> memref<1x4x4096xf32, #tpu.memory_space<vmem>>
      %dma_start3A_351 = tpu.memref_squeeze %dma_start3A_350 : memref<1x4x4096xf32, #tpu.memory_space<vmem>> -> memref<4x4096xf32, #tpu.memory_space<vmem>>
      tpu.enqueue_dma source(%dma_start3A_351 : memref<4x4096xf32, #tpu.memory_space<vmem>>) target(%dma_start3A_347 : memref<4x4096xf32, #tpu.memory_space<hbm>>) target_semaphore(%arg10 : memref<!tpu.dma_semaphore, #tpu.memory_space<semaphore_mem>>)
      %lt3A_352 = arith.constant 99 : i32
      %lt3A_353 = arith.cmpi slt, %scan3A_250, %lt3A_352 : i32
      %convert_element_type3A_354 = arith.extui %lt3A_353 : i1 to i32
      %cond3A_355 = arith.constant 0 : i32
      %cond3A_356 = arith.cmpi ne, %convert_element_type3A_354, %cond3A_355 : i32
      scf.if %cond3A_356 {
        %dma_wait3A_466 = arith.constant 0 : i32
        %dma_wait3A_467 = arith.constant 0 : i32
        %dma_wait3A_468 = arith.constant 0 : i32
        %dma_wait3A_469 = tpu.memref_slice %arg5[%dma_wait3A_467, %dma_wait3A_468] : memref<2x512xi32, #tpu.memory_space<vmem>> -> memref<1x512xi32, #tpu.memory_space<vmem>>
        %dma_wait3A_470 = tpu.memref_squeeze %dma_wait3A_469 : memref<1x512xi32, #tpu.memory_space<vmem>> -> memref<512xi32, #tpu.memory_space<vmem>>
        %dma_wait3A_471 = tpu.memref_slice %arg3[%dma_wait3A_466, %mul3A_2] : memref<200x16384xi32, #tpu.memory_space<hbm>> -> memref<1x512xi32, #tpu.memory_space<hbm>>
        %dma_wait3A_472 = tpu.memref_squeeze %dma_wait3A_471 : memref<1x512xi32, #tpu.memory_space<hbm>> -> memref<512xi32, #tpu.memory_space<hbm>>
        %dma_wait3A_473 = arith.constant 0 : i32
        %dma_wait3A_474 = tpu.memref_slice %arg5[%dma_wait3A_467, %dma_wait3A_473] : memref<2x512xi32, #tpu.memory_space<vmem>> -> memref<1x512xi32, #tpu.memory_space<vmem>>
        %dma_wait3A_475 = tpu.memref_squeeze %dma_wait3A_474 : memref<1x512xi32, #tpu.memory_space<vmem>> -> memref<512xi32, #tpu.memory_space<vmem>>
        %dma_wait3A_476 = tpu.memref_slice %arg3[%dma_wait3A_466, %mul3A_2] : memref<200x16384xi32, #tpu.memory_space<hbm>> -> memref<1x512xi32, #tpu.memory_space<hbm>>
        %dma_wait3A_477 = tpu.memref_squeeze %dma_wait3A_476 : memref<1x512xi32, #tpu.memory_space<hbm>> -> memref<512xi32, #tpu.memory_space<hbm>>
        tpu.wait_dma2 semaphore(%arg12 : memref<!tpu.dma_semaphore, #tpu.memory_space<semaphore_mem>>) src(%dma_wait3A_477 : memref<512xi32, #tpu.memory_space<hbm>>) dst(%dma_wait3A_475 : memref<512xi32, #tpu.memory_space<vmem>>)
        %dma_start3A_478 = arith.constant 0 : i32
        %dma_start3A_479 = arith.constant 0 : i32
        %dma_start3A_480 = arith.constant 0 : i32
        %dma_start3A_481 = arith.constant 0 : i32
        %dma_start3A_482 = tpu.memref_slice %arg6[%dma_start3A_479, %dma_start3A_480, %dma_start3A_481] : memref<2x512x32xf32, #tpu.memory_space<vmem>> -> memref<1x128x32xf32, #tpu.memory_space<vmem>>
        %dma_start3A_483 = tpu.memref_squeeze %dma_start3A_482 : memref<1x128x32xf32, #tpu.memory_space<vmem>> -> memref<128x32xf32, #tpu.memory_space<vmem>>
        %dma_start3A_484 = arith.constant 0 : i32
        %dma_start3A_485 = tpu.memref_slice %arg5[%dma_start3A_478, %dma_start3A_484] : memref<2x512xi32, #tpu.memory_space<vmem>> -> memref<1x128xi32, #tpu.memory_space<vmem>>
        %dma_start3A_486 = tpu.memref_squeeze %dma_start3A_485 : memref<1x128xi32, #tpu.memory_space<vmem>> -> memref<128xi32, #tpu.memory_space<vmem>>
        %dma_start3A_487 = arith.constant 0 : i32
        %dma_start3A_488 = arith.constant 0 : i32
        %dma_start3A_489 = tpu.memref_slice %arg2[%dma_start3A_487, %dma_start3A_488] : memref<1000000x32xf32, #tpu.memory_space<hbm>> -> memref<1000000x32xf32, #tpu.memory_space<hbm>>
        tpu.enqueue_indirect_dma source(%dma_start3A_489 : memref<1000000x32xf32, #tpu.memory_space<hbm>>) target(%dma_start3A_483 : memref<128x32xf32, #tpu.memory_space<vmem>>) offsets(%dma_start3A_486 : memref<128xi32, #tpu.memory_space<vmem>>) semaphore(%arg8 : memref<!tpu.dma_semaphore, #tpu.memory_space<semaphore_mem>>)
        %dma_start3A_490 = arith.constant 0 : i32
        %dma_start3A_491 = arith.constant 0 : i32
        %dma_start3A_492 = arith.constant 128 : i32
        %dma_start3A_493 = arith.constant 0 : i32
        %dma_start3A_494 = tpu.memref_slice %arg6[%dma_start3A_491, %dma_start3A_492, %dma_start3A_493] : memref<2x512x32xf32, #tpu.memory_space<vmem>> -> memref<1x128x32xf32, #tpu.memory_space<vmem>>
        %dma_start3A_495 = tpu.memref_squeeze %dma_start3A_494 : memref<1x128x32xf32, #tpu.memory_space<vmem>> -> memref<128x32xf32, #tpu.memory_space<vmem>>
        %dma_start3A_496 = arith.constant 128 : i32
        %dma_start3A_497 = tpu.memref_slice %arg5[%dma_start3A_490, %dma_start3A_496] : memref<2x512xi32, #tpu.memory_space<vmem>> -> memref<1x128xi32, #tpu.memory_space<vmem>>
        %dma_start3A_498 = tpu.memref_squeeze %dma_start3A_497 : memref<1x128xi32, #tpu.memory_space<vmem>> -> memref<128xi32, #tpu.memory_space<vmem>>
        %dma_start3A_499 = arith.constant 0 : i32
        %dma_start3A_500 = arith.constant 0 : i32
        %dma_start3A_501 = tpu.memref_slice %arg2[%dma_start3A_499, %dma_start3A_500] : memref<1000000x32xf32, #tpu.memory_space<hbm>> -> memref<1000000x32xf32, #tpu.memory_space<hbm>>
        tpu.enqueue_indirect_dma source(%dma_start3A_501 : memref<1000000x32xf32, #tpu.memory_space<hbm>>) target(%dma_start3A_495 : memref<128x32xf32, #tpu.memory_space<vmem>>) offsets(%dma_start3A_498 : memref<128xi32, #tpu.memory_space<vmem>>) semaphore(%arg8 : memref<!tpu.dma_semaphore, #tpu.memory_space<semaphore_mem>>)
        %dma_start3A_502 = arith.constant 0 : i32
        %dma_start3A_503 = arith.constant 0 : i32
        %dma_start3A_504 = arith.constant 256 : i32
        %dma_start3A_505 = arith.constant 0 : i32
        %dma_start3A_506 = tpu.memref_slice %arg6[%dma_start3A_503, %dma_start3A_504, %dma_start3A_505] : memref<2x512x32xf32, #tpu.memory_space<vmem>> -> memref<1x128x32xf32, #tpu.memory_space<vmem>>
        %dma_start3A_507 = tpu.memref_squeeze %dma_start3A_506 : memref<1x128x32xf32, #tpu.memory_space<vmem>> -> memref<128x32xf32, #tpu.memory_space<vmem>>
        %dma_start3A_508 = arith.constant 256 : i32
        %dma_start3A_509 = tpu.memref_slice %arg5[%dma_start3A_502, %dma_start3A_508] : memref<2x512xi32, #tpu.memory_space<vmem>> -> memref<1x128xi32, #tpu.memory_space<vmem>>
        %dma_start3A_510 = tpu.memref_squeeze %dma_start3A_509 : memref<1x128xi32, #tpu.memory_space<vmem>> -> memref<128xi32, #tpu.memory_space<vmem>>
        %dma_start3A_511 = arith.constant 0 : i32
        %dma_start3A_512 = arith.constant 0 : i32
        %dma_start3A_513 = tpu.memref_slice %arg2[%dma_start3A_511, %dma_start3A_512] : memref<1000000x32xf32, #tpu.memory_space<hbm>> -> memref<1000000x32xf32, #tpu.memory_space<hbm>>
        tpu.enqueue_indirect_dma source(%dma_start3A_513 : memref<1000000x32xf32, #tpu.memory_space<hbm>>) target(%dma_start3A_507 : memref<128x32xf32, #tpu.memory_space<vmem>>) offsets(%dma_start3A_510 : memref<128xi32, #tpu.memory_space<vmem>>) semaphore(%arg8 : memref<!tpu.dma_semaphore, #tpu.memory_space<semaphore_mem>>)
        %dma_start3A_514 = arith.constant 0 : i32
        %dma_start3A_515 = arith.constant 0 : i32
        %dma_start3A_516 = arith.constant 384 : i32
        %dma_start3A_517 = arith.constant 0 : i32
        %dma_start3A_518 = tpu.memref_slice %arg6[%dma_start3A_515, %dma_start3A_516, %dma_start3A_517] : memref<2x512x32xf32, #tpu.memory_space<vmem>> -> memref<1x128x32xf32, #tpu.memory_space<vmem>>
        %dma_start3A_519 = tpu.memref_squeeze %dma_start3A_518 : memref<1x128x32xf32, #tpu.memory_space<vmem>> -> memref<128x32xf32, #tpu.memory_space<vmem>>
        %dma_start3A_520 = arith.constant 384 : i32
        %dma_start3A_521 = tpu.memref_slice %arg5[%dma_start3A_514, %dma_start3A_520] : memref<2x512xi32, #tpu.memory_space<vmem>> -> memref<1x128xi32, #tpu.memory_space<vmem>>
        %dma_start3A_522 = tpu.memref_squeeze %dma_start3A_521 : memref<1x128xi32, #tpu.memory_space<vmem>> -> memref<128xi32, #tpu.memory_space<vmem>>
        %dma_start3A_523 = arith.constant 0 : i32
        %dma_start3A_524 = arith.constant 0 : i32
        %dma_start3A_525 = tpu.memref_slice %arg2[%dma_start3A_523, %dma_start3A_524] : memref<1000000x32xf32, #tpu.memory_space<hbm>> -> memref<1000000x32xf32, #tpu.memory_space<hbm>>
        tpu.enqueue_indirect_dma source(%dma_start3A_525 : memref<1000000x32xf32, #tpu.memory_space<hbm>>) target(%dma_start3A_519 : memref<128x32xf32, #tpu.memory_space<vmem>>) offsets(%dma_start3A_522 : memref<128xi32, #tpu.memory_space<vmem>>) semaphore(%arg8 : memref<!tpu.dma_semaphore, #tpu.memory_space<semaphore_mem>>)
      } else {
      }
      %add3A_357 = arith.constant 1 : i32
      %add3A_358 = arith.addi %mul3A_252, %add3A_357 : i32
      %dma_wait3A_359 = arith.constant 1 : i32
      %dma_wait3A_360 = arith.constant 1 : i32
      %dma_wait3A_361 = arith.constant 0 : i32
      %dma_wait3A_362 = arith.constant 0 : i32
      %dma_wait3A_363 = tpu.memref_slice %arg6[%dma_wait3A_360, %dma_wait3A_361, %dma_wait3A_362] : memref<2x512x32xf32, #tpu.memory_space<vmem>> -> memref<1x128x32xf32, #tpu.memory_space<vmem>>
      %dma_wait3A_364 = tpu.memref_squeeze %dma_wait3A_363 : memref<1x128x32xf32, #tpu.memory_space<vmem>> -> memref<128x32xf32, #tpu.memory_space<vmem>>
      %dma_wait3A_365 = arith.constant 0 : i32
      %dma_wait3A_366 = tpu.memref_slice %arg5[%dma_wait3A_359, %dma_wait3A_365] : memref<2x512xi32, #tpu.memory_space<vmem>> -> memref<1x128xi32, #tpu.memory_space<vmem>>
      %dma_wait3A_367 = tpu.memref_squeeze %dma_wait3A_366 : memref<1x128xi32, #tpu.memory_space<vmem>> -> memref<128xi32, #tpu.memory_space<vmem>>
      %dma_wait3A_368 = arith.constant 0 : i32
      %dma_wait3A_369 = arith.constant 0 : i32
      %dma_wait3A_370 = tpu.memref_slice %arg2[%dma_wait3A_368, %dma_wait3A_369] : memref<1000000x32xf32, #tpu.memory_space<hbm>> -> memref<1000000x32xf32, #tpu.memory_space<hbm>>
      tpu.wait_indirect_dma semaphore(%arg9 : memref<!tpu.dma_semaphore, #tpu.memory_space<semaphore_mem>>) src(%dma_wait3A_370 : memref<1000000x32xf32, #tpu.memory_space<hbm>>) dst(%dma_wait3A_364 : memref<128x32xf32, #tpu.memory_space<vmem>>)
      %dma_wait3A_371 = arith.constant 1 : i32
      %dma_wait3A_372 = arith.constant 1 : i32
      %dma_wait3A_373 = arith.constant 128 : i32
      %dma_wait3A_374 = arith.constant 0 : i32
      %dma_wait3A_375 = tpu.memref_slice %arg6[%dma_wait3A_372, %dma_wait3A_373, %dma_wait3A_374] : memref<2x512x32xf32, #tpu.memory_space<vmem>> -> memref<1x128x32xf32, #tpu.memory_space<vmem>>
      %dma_wait3A_376 = tpu.memref_squeeze %dma_wait3A_375 : memref<1x128x32xf32, #tpu.memory_space<vmem>> -> memref<128x32xf32, #tpu.memory_space<vmem>>
      %dma_wait3A_377 = arith.constant 128 : i32
      %dma_wait3A_378 = tpu.memref_slice %arg5[%dma_wait3A_371, %dma_wait3A_377] : memref<2x512xi32, #tpu.memory_space<vmem>> -> memref<1x128xi32, #tpu.memory_space<vmem>>
      %dma_wait3A_379 = tpu.memref_squeeze %dma_wait3A_378 : memref<1x128xi32, #tpu.memory_space<vmem>> -> memref<128xi32, #tpu.memory_space<vmem>>
      %dma_wait3A_380 = arith.constant 0 : i32
      %dma_wait3A_381 = arith.constant 0 : i32
      %dma_wait3A_382 = tpu.memref_slice %arg2[%dma_wait3A_380, %dma_wait3A_381] : memref<1000000x32xf32, #tpu.memory_space<hbm>> -> memref<1000000x32xf32, #tpu.memory_space<hbm>>
      tpu.wait_indirect_dma semaphore(%arg9 : memref<!tpu.dma_semaphore, #tpu.memory_space<semaphore_mem>>) src(%dma_wait3A_382 : memref<1000000x32xf32, #tpu.memory_space<hbm>>) dst(%dma_wait3A_376 : memref<128x32xf32, #tpu.memory_space<vmem>>)
      %dma_wait3A_383 = arith.constant 1 : i32
      %dma_wait3A_384 = arith.constant 1 : i32
      %dma_wait3A_385 = arith.constant 256 : i32
      %dma_wait3A_386 = arith.constant 0 : i32
      %dma_wait3A_387 = tpu.memref_slice %arg6[%dma_wait3A_384, %dma_wait3A_385, %dma_wait3A_386] : memref<2x512x32xf32, #tpu.memory_space<vmem>> -> memref<1x128x32xf32, #tpu.memory_space<vmem>>
      %dma_wait3A_388 = tpu.memref_squeeze %dma_wait3A_387 : memref<1x128x32xf32, #tpu.memory_space<vmem>> -> memref<128x32xf32, #tpu.memory_space<vmem>>
      %dma_wait3A_389 = arith.constant 256 : i32
      %dma_wait3A_390 = tpu.memref_slice %arg5[%dma_wait3A_383, %dma_wait3A_389] : memref<2x512xi32, #tpu.memory_space<vmem>> -> memref<1x128xi32, #tpu.memory_space<vmem>>
      %dma_wait3A_391 = tpu.memref_squeeze %dma_wait3A_390 : memref<1x128xi32, #tpu.memory_space<vmem>> -> memref<128xi32, #tpu.memory_space<vmem>>
      %dma_wait3A_392 = arith.constant 0 : i32
      %dma_wait3A_393 = arith.constant 0 : i32
      %dma_wait3A_394 = tpu.memref_slice %arg2[%dma_wait3A_392, %dma_wait3A_393] : memref<1000000x32xf32, #tpu.memory_space<hbm>> -> memref<1000000x32xf32, #tpu.memory_space<hbm>>
      tpu.wait_indirect_dma semaphore(%arg9 : memref<!tpu.dma_semaphore, #tpu.memory_space<semaphore_mem>>) src(%dma_wait3A_394 : memref<1000000x32xf32, #tpu.memory_space<hbm>>) dst(%dma_wait3A_388 : memref<128x32xf32, #tpu.memory_space<vmem>>)
      %dma_wait3A_395 = arith.constant 1 : i32
      %dma_wait3A_396 = arith.constant 1 : i32
      %dma_wait3A_397 = arith.constant 384 : i32
      %dma_wait3A_398 = arith.constant 0 : i32
      %dma_wait3A_399 = tpu.memref_slice %arg6[%dma_wait3A_396, %dma_wait3A_397, %dma_wait3A_398] : memref<2x512x32xf32, #tpu.memory_space<vmem>> -> memref<1x128x32xf32, #tpu.memory_space<vmem>>
      %dma_wait3A_400 = tpu.memref_squeeze %dma_wait3A_399 : memref<1x128x32xf32, #tpu.memory_space<vmem>> -> memref<128x32xf32, #tpu.memory_space<vmem>>
      %dma_wait3A_401 = arith.constant 384 : i32
      %dma_wait3A_402 = tpu.memref_slice %arg5[%dma_wait3A_395, %dma_wait3A_401] : memref<2x512xi32, #tpu.memory_space<vmem>> -> memref<1x128xi32, #tpu.memory_space<vmem>>
      %dma_wait3A_403 = tpu.memref_squeeze %dma_wait3A_402 : memref<1x128xi32, #tpu.memory_space<vmem>> -> memref<128xi32, #tpu.memory_space<vmem>>
      %dma_wait3A_404 = arith.constant 0 : i32
      %dma_wait3A_405 = arith.constant 0 : i32
      %dma_wait3A_406 = tpu.memref_slice %arg2[%dma_wait3A_404, %dma_wait3A_405] : memref<1000000x32xf32, #tpu.memory_space<hbm>> -> memref<1000000x32xf32, #tpu.memory_space<hbm>>
      tpu.wait_indirect_dma semaphore(%arg9 : memref<!tpu.dma_semaphore, #tpu.memory_space<semaphore_mem>>) src(%dma_wait3A_406 : memref<1000000x32xf32, #tpu.memory_space<hbm>>) dst(%dma_wait3A_400 : memref<128x32xf32, #tpu.memory_space<vmem>>)
      %lt3A_407 = arith.constant 99 : i32
      %lt3A_408 = arith.cmpi slt, %scan3A_250, %lt3A_407 : i32
      %convert_element_type3A_409 = arith.extui %lt3A_408 : i1 to i32
      %cond3A_410 = arith.constant 0 : i32
      %cond3A_411 = arith.cmpi ne, %convert_element_type3A_409, %cond3A_410 : i32
      scf.if %cond3A_411 {
        %add3A_466 = arith.constant 2 : i32
        %add3A_467 = arith.addi %add3A_358, %add3A_466 : i32
        %dma_start3A_468 = arith.constant 1 : i32
        %dma_start3A_469 = arith.constant 0 : i32
        %dma_start3A_470 = tpu.memref_slice %arg5[%dma_start3A_468, %dma_start3A_469] : memref<2x512xi32, #tpu.memory_space<vmem>> -> memref<1x512xi32, #tpu.memory_space<vmem>>
        %dma_start3A_471 = tpu.memref_squeeze %dma_start3A_470 : memref<1x512xi32, #tpu.memory_space<vmem>> -> memref<512xi32, #tpu.memory_space<vmem>>
        %dma_start3A_472 = tpu.memref_slice %arg3[%add3A_467, %mul3A_2] : memref<200x16384xi32, #tpu.memory_space<hbm>> -> memref<1x512xi32, #tpu.memory_space<hbm>>
        %dma_start3A_473 = tpu.memref_squeeze %dma_start3A_472 : memref<1x512xi32, #tpu.memory_space<hbm>> -> memref<512xi32, #tpu.memory_space<hbm>>
        %dma_start3A_474 = arith.constant 0 : i32
        %dma_start3A_475 = tpu.memref_slice %arg5[%dma_start3A_468, %dma_start3A_474] : memref<2x512xi32, #tpu.memory_space<vmem>> -> memref<1x512xi32, #tpu.memory_space<vmem>>
        %dma_start3A_476 = tpu.memref_squeeze %dma_start3A_475 : memref<1x512xi32, #tpu.memory_space<vmem>> -> memref<512xi32, #tpu.memory_space<vmem>>
        %dma_start3A_477 = tpu.memref_slice %arg3[%add3A_467, %mul3A_2] : memref<200x16384xi32, #tpu.memory_space<hbm>> -> memref<1x512xi32, #tpu.memory_space<hbm>>
        %dma_start3A_478 = tpu.memref_squeeze %dma_start3A_477 : memref<1x512xi32, #tpu.memory_space<hbm>> -> memref<512xi32, #tpu.memory_space<hbm>>
        tpu.enqueue_dma source(%dma_start3A_478 : memref<512xi32, #tpu.memory_space<hbm>>) target(%dma_start3A_476 : memref<512xi32, #tpu.memory_space<vmem>>) target_semaphore(%arg13 : memref<!tpu.dma_semaphore, #tpu.memory_space<semaphore_mem>>)
      } else {
      }
      %gt3A_412 = arith.constant 0 : i32
      %gt3A_413 = arith.cmpi sgt, %scan3A_250, %gt3A_412 : i32
      %convert_element_type3A_414 = arith.extui %gt3A_413 : i1 to i32
      %cond3A_415 = arith.constant 0 : i32
      %cond3A_416 = arith.cmpi ne, %convert_element_type3A_414, %cond3A_415 : i32
      scf.if %cond3A_416 {
        %jit3A_466 = arith.constant 128 : i32
        %div3A_467 = arith.divsi %mul3A_2, %jit3A_466 : i32
        %sign3A_468 = arith.constant 0 : i32
        %sign3A_469 = arith.cmpi sgt, %mul3A_2, %sign3A_468 : i32
        %sign3A_470 = arith.extui %sign3A_469 : i1 to i32
        %sign3A_471 = arith.constant 0 : i32
        %sign3A_472 = arith.cmpi slt, %mul3A_2, %sign3A_471 : i32
        %sign3A_473 = arith.extui %sign3A_472 : i1 to i32
        %sign3A_474 = arith.subi %sign3A_470, %sign3A_473 : i32
        %sign3A_475 = arith.constant 0 : i32
        %sign3A_476 = arith.cmpi sgt, %jit3A_466, %sign3A_475 : i32
        %sign3A_477 = arith.extui %sign3A_476 : i1 to i32
        %sign3A_478 = arith.constant 0 : i32
        %sign3A_479 = arith.cmpi slt, %jit3A_466, %sign3A_478 : i32
        %sign3A_480 = arith.extui %sign3A_479 : i1 to i32
        %sign3A_481 = arith.subi %sign3A_477, %sign3A_480 : i32
        %ne3A_482 = arith.cmpi ne, %sign3A_474, %sign3A_481 : i32
        %rem3A_483 = arith.remsi %mul3A_2, %jit3A_466 : i32
        %ne3A_484 = arith.constant 0 : i32
        %ne3A_485 = arith.cmpi ne, %rem3A_483, %ne3A_484 : i32
        %and3A_486 = arith.andi %ne3A_482, %ne3A_485 : i1
        %sub3A_487 = arith.constant 1 : i32
        %sub3A_488 = arith.subi %div3A_467, %sub3A_487 : i32
        %select_n3A_489 = arith.select %and3A_486, %sub3A_488, %div3A_467 : i32
        %mul3A_490 = arith.constant 1024 : i32
        %mul3A_491 = arith.muli %select_n3A_489, %mul3A_490 : i32
        %dma_wait3A_492 = arith.constant 1 : i32
        %dma_wait3A_493 = arith.constant 0 : i32
        %dma_wait3A_494 = arith.constant 0 : i32
        %dma_wait3A_495 = arith.constant 0 : i32
        %dma_wait3A_496 = tpu.memref_slice %arg7[%dma_wait3A_492, %dma_wait3A_494, %dma_wait3A_495] : memref<2x4x4096xf32, #tpu.memory_space<vmem>> -> memref<1x4x4096xf32, #tpu.memory_space<vmem>>
        %dma_wait3A_497 = tpu.memref_squeeze %dma_wait3A_496 : memref<1x4x4096xf32, #tpu.memory_space<vmem>> -> memref<4x4096xf32, #tpu.memory_space<vmem>>
        %dma_wait3A_498 = arith.constant 0 : i32
        %dma_wait3A_499 = tpu.memref_slice %arg4[%dma_wait3A_493, %dma_wait3A_498, %mul3A_491] : memref<200x4x131072xf32, #tpu.memory_space<hbm>> -> memref<1x4x4096xf32, #tpu.memory_space<hbm>>
        %dma_wait3A_500 = tpu.memref_squeeze %dma_wait3A_499 : memref<1x4x4096xf32, #tpu.memory_space<hbm>> -> memref<4x4096xf32, #tpu.memory_space<hbm>>
        %dma_wait3A_501 = arith.constant 0 : i32
        %dma_wait3A_502 = tpu.memref_slice %arg4[%dma_wait3A_493, %dma_wait3A_501, %mul3A_491] : memref<200x4x131072xf32, #tpu.memory_space<hbm>> -> memref<1x4x4096xf32, #tpu.memory_space<hbm>>
        %dma_wait3A_503 = tpu.memref_squeeze %dma_wait3A_502 : memref<1x4x4096xf32, #tpu.memory_space<hbm>> -> memref<4x4096xf32, #tpu.memory_space<hbm>>
        %dma_wait3A_504 = arith.constant 0 : i32
        %dma_wait3A_505 = arith.constant 0 : i32
        %dma_wait3A_506 = tpu.memref_slice %arg7[%dma_wait3A_492, %dma_wait3A_504, %dma_wait3A_505] : memref<2x4x4096xf32, #tpu.memory_space<vmem>> -> memref<1x4x4096xf32, #tpu.memory_space<vmem>>
        %dma_wait3A_507 = tpu.memref_squeeze %dma_wait3A_506 : memref<1x4x4096xf32, #tpu.memory_space<vmem>> -> memref<4x4096xf32, #tpu.memory_space<vmem>>
        tpu.wait_dma2 semaphore(%arg11 : memref<!tpu.dma_semaphore, #tpu.memory_space<semaphore_mem>>) src(%dma_wait3A_507 : memref<4x4096xf32, #tpu.memory_space<vmem>>) dst(%dma_wait3A_503 : memref<4x4096xf32, #tpu.memory_space<hbm>>)
      } else {
      }
      %parallel_loop3A_417 = arith.constant 0 : i32
      %parallel_loop3A_418 = arith.constant 32 : i32
      %parallel_loop3A_419 = arith.constant 1 : i32
      scf.for %parallel_loop3A_466 = %parallel_loop3A_417 to %parallel_loop3A_418 step %parallel_loop3A_419  : i32 {
        %parallel_loop3A_467 = vector.broadcast %parallel_loop3A_466 : i32 to vector<16xi32>
        %parallel_loop3A_468 = arith.addi %iota3A, %parallel_loop3A_467 : vector<16xi32>
        %parallel_loop3A_469 = arith.constant 32 : i32
        %parallel_loop3A_470 = vector.broadcast %parallel_loop3A_469 : i32 to vector<16xi32>
        %parallel_loop3A_471 = arith.remsi %parallel_loop3A_468, %parallel_loop3A_470 : vector<16xi32>
        %parallel_loop3A_472 = arith.constant 3 : i32
        %parallel_loop3A_473 = vector.broadcast %parallel_loop3A_472 : i32 to vector<16xi32>
        %parallel_loop3A_474 = arith.shrui %parallel_loop3A_471, %parallel_loop3A_473 : vector<16xi32>
        %parallel_loop3A_475 = arith.constant 7 : i32
        %parallel_loop3A_476 = vector.broadcast %parallel_loop3A_475 : i32 to vector<16xi32>
        %parallel_loop3A_477 = arith.andi %parallel_loop3A_471, %parallel_loop3A_476 : vector<16xi32>
        %parallel_loop3A_478 = arith.constant 7 : i32
        %parallel_loop3A_479 = vector.broadcast %parallel_loop3A_478 : i32 to vector<16xi32>
        %parallel_loop3A_480 = arith.shli %parallel_loop3A_477, %parallel_loop3A_479 : vector<16xi32>
        %parallel_loop3A_481 = arith.constant 0 : i32
        %parallel_loop3A_482 = vector.broadcast %parallel_loop3A_481 : i32 to vector<16xi32>
        %parallel_loop3A_483 = arith.addi %iota3A, %parallel_loop3A_482 : vector<16xi32>
        %parallel_loop3A_484 = arith.constant 1 : i32
        %parallel_loop3A_485 = arith.constant 0 : i32
        %parallel_loop3A_486 = arith.constant 0 : i32
        %parallel_loop3A_487 = tpu.memref_slice %arg6[%parallel_loop3A_484, %parallel_loop3A_485, %parallel_loop3A_486] : memref<2x512x32xf32, #tpu.memory_space<vmem>> -> memref<1x512x32xf32, #tpu.memory_space<vmem>>
        %parallel_loop3A_488 = tpu.memref_squeeze %parallel_loop3A_487 : memref<1x512x32xf32, #tpu.memory_space<vmem>> -> memref<512x32xf32, #tpu.memory_space<vmem>>
        %parallel_loop3A_489 = tpu.vector_load_idx %parallel_loop3A_488[%parallel_loop3A_483, %parallel_loop3A_471] : memref<512x32xf32, #tpu.memory_space<vmem>>[vector<16xi32>, vector<16xi32>], vector<16xf32>,
        %parallel_loop3A_490 = arith.constant 0 : i32
        %parallel_loop3A_491 = vector.broadcast %parallel_loop3A_490 : i32 to vector<16xi32>
        %parallel_loop3A_492 = arith.addi %parallel_loop3A_480, %parallel_loop3A_491 : vector<16xi32>
        %parallel_loop3A_493 = arith.addi %parallel_loop3A_492, %add3A_5 : vector<16xi32>
        %parallel_loop3A_494 = arith.constant 1 : i32
        %parallel_loop3A_495 = arith.constant 0 : i32
        %parallel_loop3A_496 = arith.constant 0 : i32
        %parallel_loop3A_497 = tpu.memref_slice %arg7[%parallel_loop3A_494, %parallel_loop3A_495, %parallel_loop3A_496] : memref<2x4x4096xf32, #tpu.memory_space<vmem>> -> memref<1x4x4096xf32, #tpu.memory_space<vmem>>
        %parallel_loop3A_498 = tpu.memref_squeeze %parallel_loop3A_497 : memref<1x4x4096xf32, #tpu.memory_space<vmem>> -> memref<4x4096xf32, #tpu.memory_space<vmem>>
        tpu.vector_store_idx %parallel_loop3A_498[%parallel_loop3A_474, %parallel_loop3A_493], %parallel_loop3A_489 : memref<4x4096xf32, #tpu.memory_space<vmem>>[vector<16xi32>, vector<16xi32>], vector<16xf32>,
        %parallel_loop3A_499 = arith.constant 16 : i32
        %parallel_loop3A_500 = vector.broadcast %parallel_loop3A_499 : i32 to vector<16xi32>
        %parallel_loop3A_501 = arith.addi %iota3A, %parallel_loop3A_500 : vector<16xi32>
        %parallel_loop3A_502 = arith.constant 1 : i32
        %parallel_loop3A_503 = arith.constant 0 : i32
        %parallel_loop3A_504 = arith.constant 0 : i32
        %parallel_loop3A_505 = tpu.memref_slice %arg6[%parallel_loop3A_502, %parallel_loop3A_503, %parallel_loop3A_504] : memref<2x512x32xf32, #tpu.memory_space<vmem>> -> memref<1x512x32xf32, #tpu.memory_space<vmem>>
        %parallel_loop3A_506 = tpu.memref_squeeze %parallel_loop3A_505 : memref<1x512x32xf32, #tpu.memory_space<vmem>> -> memref<512x32xf32, #tpu.memory_space<vmem>>
        %parallel_loop3A_507 = tpu.vector_load_idx %parallel_loop3A_506[%parallel_loop3A_501, %parallel_loop3A_471] : memref<512x32xf32, #tpu.memory_space<vmem>>[vector<16xi32>, vector<16xi32>], vector<16xf32>,
        %parallel_loop3A_508 = arith.constant 0 : i32
        %parallel_loop3A_509 = vector.broadcast %parallel_loop3A_508 : i32 to vector<16xi32>
        %parallel_loop3A_510 = arith.addi %parallel_loop3A_480, %parallel_loop3A_509 : vector<16xi32>
        %parallel_loop3A_511 = arith.addi %parallel_loop3A_510, %add3A_8 : vector<16xi32>
        %parallel_loop3A_512 = arith.constant 1 : i32
        %parallel_loop3A_513 = arith.constant 0 : i32
        %parallel_loop3A_514 = arith.constant 0 : i32
        %parallel_loop3A_515 = tpu.memref_slice %arg7[%parallel_loop3A_512, %parallel_loop3A_513, %parallel_loop3A_514] : memref<2x4x4096xf32, #tpu.memory_space<vmem>> -> memref<1x4x4096xf32, #tpu.memory_space<vmem>>
        %parallel_loop3A_516 = tpu.memref_squeeze %parallel_loop3A_515 : memref<1x4x4096xf32, #tpu.memory_space<vmem>> -> memref<4x4096xf32, #tpu.memory_space<vmem>>
        tpu.vector_store_idx %parallel_loop3A_516[%parallel_loop3A_474, %parallel_loop3A_511], %parallel_loop3A_507 : memref<4x4096xf32, #tpu.memory_space<vmem>>[vector<16xi32>, vector<16xi32>], vector<16xf32>,
        %parallel_loop3A_517 = arith.constant 32 : i32
        %parallel_loop3A_518 = vector.broadcast %parallel_loop3A_517 : i32 to vector<16xi32>
        %parallel_loop3A_519 = arith.addi %iota3A, %parallel_loop3A_518 : vector<16xi32>
        %parallel_loop3A_520 = arith.constant 1 : i32
        %parallel_loop3A_521 = arith.constant 0 : i32
        %parallel_loop3A_522 = arith.constant 0 : i32
        %parallel_loop3A_523 = tpu.memref_slice %arg6[%parallel_loop3A_520, %parallel_loop3A_521, %parallel_loop3A_522] : memref<2x512x32xf32, #tpu.memory_space<vmem>> -> memref<1x512x32xf32, #tpu.memory_space<vmem>>
        %parallel_loop3A_524 = tpu.memref_squeeze %parallel_loop3A_523 : memref<1x512x32xf32, #tpu.memory_space<vmem>> -> memref<512x32xf32, #tpu.memory_space<vmem>>
        %parallel_loop3A_525 = tpu.vector_load_idx %parallel_loop3A_524[%parallel_loop3A_519, %parallel_loop3A_471] : memref<512x32xf32, #tpu.memory_space<vmem>>[vector<16xi32>, vector<16xi32>], vector<16xf32>,
        %parallel_loop3A_526 = arith.constant 0 : i32
        %parallel_loop3A_527 = vector.broadcast %parallel_loop3A_526 : i32 to vector<16xi32>
        %parallel_loop3A_528 = arith.addi %parallel_loop3A_480, %parallel_loop3A_527 : vector<16xi32>
        %parallel_loop3A_529 = arith.addi %parallel_loop3A_528, %add3A_11 : vector<16xi32>
        %parallel_loop3A_530 = arith.constant 1 : i32
        %parallel_loop3A_531 = arith.constant 0 : i32
        %parallel_loop3A_532 = arith.constant 0 : i32
        %parallel_loop3A_533 = tpu.memref_slice %arg7[%parallel_loop3A_530, %parallel_loop3A_531, %parallel_loop3A_532] : memref<2x4x4096xf32, #tpu.memory_space<vmem>> -> memref<1x4x4096xf32, #tpu.memory_space<vmem>>
        %parallel_loop3A_534 = tpu.memref_squeeze %parallel_loop3A_533 : memref<1x4x4096xf32, #tpu.memory_space<vmem>> -> memref<4x4096xf32, #tpu.memory_space<vmem>>
        tpu.vector_store_idx %parallel_loop3A_534[%parallel_loop3A_474, %parallel_loop3A_529], %parallel_loop3A_525 : memref<4x4096xf32, #tpu.memory_space<vmem>>[vector<16xi32>, vector<16xi32>], vector<16xf32>,
        %parallel_loop3A_535 = arith.constant 48 : i32
        %parallel_loop3A_536 = vector.broadcast %parallel_loop3A_535 : i32 to vector<16xi32>
        %parallel_loop3A_537 = arith.addi %iota3A, %parallel_loop3A_536 : vector<16xi32>
        %parallel_loop3A_538 = arith.constant 1 : i32
        %parallel_loop3A_539 = arith.constant 0 : i32
        %parallel_loop3A_540 = arith.constant 0 : i32
        %parallel_loop3A_541 = tpu.memref_slice %arg6[%parallel_loop3A_538, %parallel_loop3A_539, %parallel_loop3A_540] : memref<2x512x32xf32, #tpu.memory_space<vmem>> -> memref<1x512x32xf32, #tpu.memory_space<vmem>>
        %parallel_loop3A_542 = tpu.memref_squeeze %parallel_loop3A_541 : memref<1x512x32xf32, #tpu.memory_space<vmem>> -> memref<512x32xf32, #tpu.memory_space<vmem>>
        %parallel_loop3A_543 = tpu.vector_load_idx %parallel_loop3A_542[%parallel_loop3A_537, %parallel_loop3A_471] : memref<512x32xf32, #tpu.memory_space<vmem>>[vector<16xi32>, vector<16xi32>], vector<16xf32>,
        %parallel_loop3A_544 = arith.constant 0 : i32
        %parallel_loop3A_545 = vector.broadcast %parallel_loop3A_544 : i32 to vector<16xi32>
        %parallel_loop3A_546 = arith.addi %parallel_loop3A_480, %parallel_loop3A_545 : vector<16xi32>
        %parallel_loop3A_547 = arith.addi %parallel_loop3A_546, %add3A_14 : vector<16xi32>
        %parallel_loop3A_548 = arith.constant 1 : i32
        %parallel_loop3A_549 = arith.constant 0 : i32
        %parallel_loop3A_550 = arith.constant 0 : i32
        %parallel_loop3A_551 = tpu.memref_slice %arg7[%parallel_loop3A_548, %parallel_loop3A_549, %parallel_loop3A_550] : memref<2x4x4096xf32, #tpu.memory_space<vmem>> -> memref<1x4x4096xf32, #tpu.memory_space<vmem>>
        %parallel_loop3A_552 = tpu.memref_squeeze %parallel_loop3A_551 : memref<1x4x4096xf32, #tpu.memory_space<vmem>> -> memref<4x4096xf32, #tpu.memory_space<vmem>>
        tpu.vector_store_idx %parallel_loop3A_552[%parallel_loop3A_474, %parallel_loop3A_547], %parallel_loop3A_543 : memref<4x4096xf32, #tpu.memory_space<vmem>>[vector<16xi32>, vector<16xi32>], vector<16xf32>,
        %parallel_loop3A_553 = arith.constant 64 : i32
        %parallel_loop3A_554 = vector.broadcast %parallel_loop3A_553 : i32 to vector<16xi32>
        %parallel_loop3A_555 = arith.addi %iota3A, %parallel_loop3A_554 : vector<16xi32>
        %parallel_loop3A_556 = arith.constant 1 : i32
        %parallel_loop3A_557 = arith.constant 0 : i32
        %parallel_loop3A_558 = arith.constant 0 : i32
        %parallel_loop3A_559 = tpu.memref_slice %arg6[%parallel_loop3A_556, %parallel_loop3A_557, %parallel_loop3A_558] : memref<2x512x32xf32, #tpu.memory_space<vmem>> -> memref<1x512x32xf32, #tpu.memory_space<vmem>>
        %parallel_loop3A_560 = tpu.memref_squeeze %parallel_loop3A_559 : memref<1x512x32xf32, #tpu.memory_space<vmem>> -> memref<512x32xf32, #tpu.memory_space<vmem>>
        %parallel_loop3A_561 = tpu.vector_load_idx %parallel_loop3A_560[%parallel_loop3A_555, %parallel_loop3A_471] : memref<512x32xf32, #tpu.memory_space<vmem>>[vector<16xi32>, vector<16xi32>], vector<16xf32>,
        %parallel_loop3A_562 = arith.constant 0 : i32
        %parallel_loop3A_563 = vector.broadcast %parallel_loop3A_562 : i32 to vector<16xi32>
        %parallel_loop3A_564 = arith.addi %parallel_loop3A_480, %parallel_loop3A_563 : vector<16xi32>
        %parallel_loop3A_565 = arith.addi %parallel_loop3A_564, %add3A_17 : vector<16xi32>
        %parallel_loop3A_566 = arith.constant 1 : i32
        %parallel_loop3A_567 = arith.constant 0 : i32
        %parallel_loop3A_568 = arith.constant 0 : i32
        %parallel_loop3A_569 = tpu.memref_slice %arg7[%parallel_loop3A_566, %parallel_loop3A_567, %parallel_loop3A_568] : memref<2x4x4096xf32, #tpu.memory_space<vmem>> -> memref<1x4x4096xf32, #tpu.memory_space<vmem>>
        %parallel_loop3A_570 = tpu.memref_squeeze %parallel_loop3A_569 : memref<1x4x4096xf32, #tpu.memory_space<vmem>> -> memref<4x4096xf32, #tpu.memory_space<vmem>>
        tpu.vector_store_idx %parallel_loop3A_570[%parallel_loop3A_474, %parallel_loop3A_565], %parallel_loop3A_561 : memref<4x4096xf32, #tpu.memory_space<vmem>>[vector<16xi32>, vector<16xi32>], vector<16xf32>,
        %parallel_loop3A_571 = arith.constant 80 : i32
        %parallel_loop3A_572 = vector.broadcast %parallel_loop3A_571 : i32 to vector<16xi32>
        %parallel_loop3A_573 = arith.addi %iota3A, %parallel_loop3A_572 : vector<16xi32>
        %parallel_loop3A_574 = arith.constant 1 : i32
        %parallel_loop3A_575 = arith.constant 0 : i32
        %parallel_loop3A_576 = arith.constant 0 : i32
        %parallel_loop3A_577 = tpu.memref_slice %arg6[%parallel_loop3A_574, %parallel_loop3A_575, %parallel_loop3A_576] : memref<2x512x32xf32, #tpu.memory_space<vmem>> -> memref<1x512x32xf32, #tpu.memory_space<vmem>>
        %parallel_loop3A_578 = tpu.memref_squeeze %parallel_loop3A_577 : memref<1x512x32xf32, #tpu.memory_space<vmem>> -> memref<512x32xf32, #tpu.memory_space<vmem>>
        %parallel_loop3A_579 = tpu.vector_load_idx %parallel_loop3A_578[%parallel_loop3A_573, %parallel_loop3A_471] : memref<512x32xf32, #tpu.memory_space<vmem>>[vector<16xi32>, vector<16xi32>], vector<16xf32>,
        %parallel_loop3A_580 = arith.constant 0 : i32
        %parallel_loop3A_581 = vector.broadcast %parallel_loop3A_580 : i32 to vector<16xi32>
        %parallel_loop3A_582 = arith.addi %parallel_loop3A_480, %parallel_loop3A_581 : vector<16xi32>
        %parallel_loop3A_583 = arith.addi %parallel_loop3A_582, %add3A_20 : vector<16xi32>
        %parallel_loop3A_584 = arith.constant 1 : i32
        %parallel_loop3A_585 = arith.constant 0 : i32
        %parallel_loop3A_586 = arith.constant 0 : i32
        %parallel_loop3A_587 = tpu.memref_slice %arg7[%parallel_loop3A_584, %parallel_loop3A_585, %parallel_loop3A_586] : memref<2x4x4096xf32, #tpu.memory_space<vmem>> -> memref<1x4x4096xf32, #tpu.memory_space<vmem>>
        %parallel_loop3A_588 = tpu.memref_squeeze %parallel_loop3A_587 : memref<1x4x4096xf32, #tpu.memory_space<vmem>> -> memref<4x4096xf32, #tpu.memory_space<vmem>>
        tpu.vector_store_idx %parallel_loop3A_588[%parallel_loop3A_474, %parallel_loop3A_583], %parallel_loop3A_579 : memref<4x4096xf32, #tpu.memory_space<vmem>>[vector<16xi32>, vector<16xi32>], vector<16xf32>,
        %parallel_loop3A_589 = arith.constant 96 : i32
        %parallel_loop3A_590 = vector.broadcast %parallel_loop3A_589 : i32 to vector<16xi32>
        %parallel_loop3A_591 = arith.addi %iota3A, %parallel_loop3A_590 : vector<16xi32>
        %parallel_loop3A_592 = arith.constant 1 : i32
        %parallel_loop3A_593 = arith.constant 0 : i32
        %parallel_loop3A_594 = arith.constant 0 : i32
        %parallel_loop3A_595 = tpu.memref_slice %arg6[%parallel_loop3A_592, %parallel_loop3A_593, %parallel_loop3A_594] : memref<2x512x32xf32, #tpu.memory_space<vmem>> -> memref<1x512x32xf32, #tpu.memory_space<vmem>>
        %parallel_loop3A_596 = tpu.memref_squeeze %parallel_loop3A_595 : memref<1x512x32xf32, #tpu.memory_space<vmem>> -> memref<512x32xf32, #tpu.memory_space<vmem>>
        %parallel_loop3A_597 = tpu.vector_load_idx %parallel_loop3A_596[%parallel_loop3A_591, %parallel_loop3A_471] : memref<512x32xf32, #tpu.memory_space<vmem>>[vector<16xi32>, vector<16xi32>], vector<16xf32>,
        %parallel_loop3A_598 = arith.constant 0 : i32
        %parallel_loop3A_599 = vector.broadcast %parallel_loop3A_598 : i32 to vector<16xi32>
        %parallel_loop3A_600 = arith.addi %parallel_loop3A_480, %parallel_loop3A_599 : vector<16xi32>
        %parallel_loop3A_601 = arith.addi %parallel_loop3A_600, %add3A_23 : vector<16xi32>
        %parallel_loop3A_602 = arith.constant 1 : i32
        %parallel_loop3A_603 = arith.constant 0 : i32
        %parallel_loop3A_604 = arith.constant 0 : i32
        %parallel_loop3A_605 = tpu.memref_slice %arg7[%parallel_loop3A_602, %parallel_loop3A_603, %parallel_loop3A_604] : memref<2x4x4096xf32, #tpu.memory_space<vmem>> -> memref<1x4x4096xf32, #tpu.memory_space<vmem>>
        %parallel_loop3A_606 = tpu.memref_squeeze %parallel_loop3A_605 : memref<1x4x4096xf32, #tpu.memory_space<vmem>> -> memref<4x4096xf32, #tpu.memory_space<vmem>>
        tpu.vector_store_idx %parallel_loop3A_606[%parallel_loop3A_474, %parallel_loop3A_601], %parallel_loop3A_597 : memref<4x4096xf32, #tpu.memory_space<vmem>>[vector<16xi32>, vector<16xi32>], vector<16xf32>,
        %parallel_loop3A_607 = arith.constant 112 : i32
        %parallel_loop3A_608 = vector.broadcast %parallel_loop3A_607 : i32 to vector<16xi32>
        %parallel_loop3A_609 = arith.addi %iota3A, %parallel_loop3A_608 : vector<16xi32>
        %parallel_loop3A_610 = arith.constant 1 : i32
        %parallel_loop3A_611 = arith.constant 0 : i32
        %parallel_loop3A_612 = arith.constant 0 : i32
        %parallel_loop3A_613 = tpu.memref_slice %arg6[%parallel_loop3A_610, %parallel_loop3A_611, %parallel_loop3A_612] : memref<2x512x32xf32, #tpu.memory_space<vmem>> -> memref<1x512x32xf32, #tpu.memory_space<vmem>>
        %parallel_loop3A_614 = tpu.memref_squeeze %parallel_loop3A_613 : memref<1x512x32xf32, #tpu.memory_space<vmem>> -> memref<512x32xf32, #tpu.memory_space<vmem>>
        %parallel_loop3A_615 = tpu.vector_load_idx %parallel_loop3A_614[%parallel_loop3A_609, %parallel_loop3A_471] : memref<512x32xf32, #tpu.memory_space<vmem>>[vector<16xi32>, vector<16xi32>], vector<16xf32>,
        %parallel_loop3A_616 = arith.constant 0 : i32
        %parallel_loop3A_617 = vector.broadcast %parallel_loop3A_616 : i32 to vector<16xi32>
        %parallel_loop3A_618 = arith.addi %parallel_loop3A_480, %parallel_loop3A_617 : vector<16xi32>
        %parallel_loop3A_619 = arith.addi %parallel_loop3A_618, %add3A_26 : vector<16xi32>
        %parallel_loop3A_620 = arith.constant 1 : i32
        %parallel_loop3A_621 = arith.constant 0 : i32
        %parallel_loop3A_622 = arith.constant 0 : i32
        %parallel_loop3A_623 = tpu.memref_slice %arg7[%parallel_loop3A_620, %parallel_loop3A_621, %parallel_loop3A_622] : memref<2x4x4096xf32, #tpu.memory_space<vmem>> -> memref<1x4x4096xf32, #tpu.memory_space<vmem>>
        %parallel_loop3A_624 = tpu.memref_squeeze %parallel_loop3A_623 : memref<1x4x4096xf32, #tpu.memory_space<vmem>> -> memref<4x4096xf32, #tpu.memory_space<vmem>>
        tpu.vector_store_idx %parallel_loop3A_624[%parallel_loop3A_474, %parallel_loop3A_619], %parallel_loop3A_615 : memref<4x4096xf32, #tpu.memory_space<vmem>>[vector<16xi32>, vector<16xi32>], vector<16xf32>,
        %parallel_loop3A_625 = arith.constant 128 : i32
        %parallel_loop3A_626 = vector.broadcast %parallel_loop3A_625 : i32 to vector<16xi32>
        %parallel_loop3A_627 = arith.addi %iota3A, %parallel_loop3A_626 : vector<16xi32>
        %parallel_loop3A_628 = arith.constant 1 : i32
        %parallel_loop3A_629 = arith.constant 0 : i32
        %parallel_loop3A_630 = arith.constant 0 : i32
        %parallel_loop3A_631 = tpu.memref_slice %arg6[%parallel_loop3A_628, %parallel_loop3A_629, %parallel_loop3A_630] : memref<2x512x32xf32, #tpu.memory_space<vmem>> -> memref<1x512x32xf32, #tpu.memory_space<vmem>>
        %parallel_loop3A_632 = tpu.memref_squeeze %parallel_loop3A_631 : memref<1x512x32xf32, #tpu.memory_space<vmem>> -> memref<512x32xf32, #tpu.memory_space<vmem>>
        %parallel_loop3A_633 = tpu.vector_load_idx %parallel_loop3A_632[%parallel_loop3A_627, %parallel_loop3A_471] : memref<512x32xf32, #tpu.memory_space<vmem>>[vector<16xi32>, vector<16xi32>], vector<16xf32>,
        %parallel_loop3A_634 = arith.constant 1024 : i32
        %parallel_loop3A_635 = vector.broadcast %parallel_loop3A_634 : i32 to vector<16xi32>
        %parallel_loop3A_636 = arith.addi %parallel_loop3A_480, %parallel_loop3A_635 : vector<16xi32>
        %parallel_loop3A_637 = arith.addi %parallel_loop3A_636, %add3A_5 : vector<16xi32>
        %parallel_loop3A_638 = arith.constant 1 : i32
        %parallel_loop3A_639 = arith.constant 0 : i32
        %parallel_loop3A_640 = arith.constant 0 : i32
        %parallel_loop3A_641 = tpu.memref_slice %arg7[%parallel_loop3A_638, %parallel_loop3A_639, %parallel_loop3A_640] : memref<2x4x4096xf32, #tpu.memory_space<vmem>> -> memref<1x4x4096xf32, #tpu.memory_space<vmem>>
        %parallel_loop3A_642 = tpu.memref_squeeze %parallel_loop3A_641 : memref<1x4x4096xf32, #tpu.memory_space<vmem>> -> memref<4x4096xf32, #tpu.memory_space<vmem>>
        tpu.vector_store_idx %parallel_loop3A_642[%parallel_loop3A_474, %parallel_loop3A_637], %parallel_loop3A_633 : memref<4x4096xf32, #tpu.memory_space<vmem>>[vector<16xi32>, vector<16xi32>], vector<16xf32>,
        %parallel_loop3A_643 = arith.constant 144 : i32
        %parallel_loop3A_644 = vector.broadcast %parallel_loop3A_643 : i32 to vector<16xi32>
        %parallel_loop3A_645 = arith.addi %iota3A, %parallel_loop3A_644 : vector<16xi32>
        %parallel_loop3A_646 = arith.constant 1 : i32
        %parallel_loop3A_647 = arith.constant 0 : i32
        %parallel_loop3A_648 = arith.constant 0 : i32
        %parallel_loop3A_649 = tpu.memref_slice %arg6[%parallel_loop3A_646, %parallel_loop3A_647, %parallel_loop3A_648] : memref<2x512x32xf32, #tpu.memory_space<vmem>> -> memref<1x512x32xf32, #tpu.memory_space<vmem>>
        %parallel_loop3A_650 = tpu.memref_squeeze %parallel_loop3A_649 : memref<1x512x32xf32, #tpu.memory_space<vmem>> -> memref<512x32xf32, #tpu.memory_space<vmem>>
        %parallel_loop3A_651 = tpu.vector_load_idx %parallel_loop3A_650[%parallel_loop3A_645, %parallel_loop3A_471] : memref<512x32xf32, #tpu.memory_space<vmem>>[vector<16xi32>, vector<16xi32>], vector<16xf32>,
        %parallel_loop3A_652 = arith.constant 1024 : i32
        %parallel_loop3A_653 = vector.broadcast %parallel_loop3A_652 : i32 to vector<16xi32>
        %parallel_loop3A_654 = arith.addi %parallel_loop3A_480, %parallel_loop3A_653 : vector<16xi32>
        %parallel_loop3A_655 = arith.addi %parallel_loop3A_654, %add3A_8 : vector<16xi32>
        %parallel_loop3A_656 = arith.constant 1 : i32
        %parallel_loop3A_657 = arith.constant 0 : i32
        %parallel_loop3A_658 = arith.constant 0 : i32
        %parallel_loop3A_659 = tpu.memref_slice %arg7[%parallel_loop3A_656, %parallel_loop3A_657, %parallel_loop3A_658] : memref<2x4x4096xf32, #tpu.memory_space<vmem>> -> memref<1x4x4096xf32, #tpu.memory_space<vmem>>
        %parallel_loop3A_660 = tpu.memref_squeeze %parallel_loop3A_659 : memref<1x4x4096xf32, #tpu.memory_space<vmem>> -> memref<4x4096xf32, #tpu.memory_space<vmem>>
        tpu.vector_store_idx %parallel_loop3A_660[%parallel_loop3A_474, %parallel_loop3A_655], %parallel_loop3A_651 : memref<4x4096xf32, #tpu.memory_space<vmem>>[vector<16xi32>, vector<16xi32>], vector<16xf32>,
        %parallel_loop3A_661 = arith.constant 160 : i32
        %parallel_loop3A_662 = vector.broadcast %parallel_loop3A_661 : i32 to vector<16xi32>
        %parallel_loop3A_663 = arith.addi %iota3A, %parallel_loop3A_662 : vector<16xi32>
        %parallel_loop3A_664 = arith.constant 1 : i32
        %parallel_loop3A_665 = arith.constant 0 : i32
        %parallel_loop3A_666 = arith.constant 0 : i32
        %parallel_loop3A_667 = tpu.memref_slice %arg6[%parallel_loop3A_664, %parallel_loop3A_665, %parallel_loop3A_666] : memref<2x512x32xf32, #tpu.memory_space<vmem>> -> memref<1x512x32xf32, #tpu.memory_space<vmem>>
        %parallel_loop3A_668 = tpu.memref_squeeze %parallel_loop3A_667 : memref<1x512x32xf32, #tpu.memory_space<vmem>> -> memref<512x32xf32, #tpu.memory_space<vmem>>
        %parallel_loop3A_669 = tpu.vector_load_idx %parallel_loop3A_668[%parallel_loop3A_663, %parallel_loop3A_471] : memref<512x32xf32, #tpu.memory_space<vmem>>[vector<16xi32>, vector<16xi32>], vector<16xf32>,
        %parallel_loop3A_670 = arith.constant 1024 : i32
        %parallel_loop3A_671 = vector.broadcast %parallel_loop3A_670 : i32 to vector<16xi32>
        %parallel_loop3A_672 = arith.addi %parallel_loop3A_480, %parallel_loop3A_671 : vector<16xi32>
        %parallel_loop3A_673 = arith.addi %parallel_loop3A_672, %add3A_11 : vector<16xi32>
        %parallel_loop3A_674 = arith.constant 1 : i32
        %parallel_loop3A_675 = arith.constant 0 : i32
        %parallel_loop3A_676 = arith.constant 0 : i32
        %parallel_loop3A_677 = tpu.memref_slice %arg7[%parallel_loop3A_674, %parallel_loop3A_675, %parallel_loop3A_676] : memref<2x4x4096xf32, #tpu.memory_space<vmem>> -> memref<1x4x4096xf32, #tpu.memory_space<vmem>>
        %parallel_loop3A_678 = tpu.memref_squeeze %parallel_loop3A_677 : memref<1x4x4096xf32, #tpu.memory_space<vmem>> -> memref<4x4096xf32, #tpu.memory_space<vmem>>
        tpu.vector_store_idx %parallel_loop3A_678[%parallel_loop3A_474, %parallel_loop3A_673], %parallel_loop3A_669 : memref<4x4096xf32, #tpu.memory_space<vmem>>[vector<16xi32>, vector<16xi32>], vector<16xf32>,
        %parallel_loop3A_679 = arith.constant 176 : i32
        %parallel_loop3A_680 = vector.broadcast %parallel_loop3A_679 : i32 to vector<16xi32>
        %parallel_loop3A_681 = arith.addi %iota3A, %parallel_loop3A_680 : vector<16xi32>
        %parallel_loop3A_682 = arith.constant 1 : i32
        %parallel_loop3A_683 = arith.constant 0 : i32
        %parallel_loop3A_684 = arith.constant 0 : i32
        %parallel_loop3A_685 = tpu.memref_slice %arg6[%parallel_loop3A_682, %parallel_loop3A_683, %parallel_loop3A_684] : memref<2x512x32xf32, #tpu.memory_space<vmem>> -> memref<1x512x32xf32, #tpu.memory_space<vmem>>
        %parallel_loop3A_686 = tpu.memref_squeeze %parallel_loop3A_685 : memref<1x512x32xf32, #tpu.memory_space<vmem>> -> memref<512x32xf32, #tpu.memory_space<vmem>>
        %parallel_loop3A_687 = tpu.vector_load_idx %parallel_loop3A_686[%parallel_loop3A_681, %parallel_loop3A_471] : memref<512x32xf32, #tpu.memory_space<vmem>>[vector<16xi32>, vector<16xi32>], vector<16xf32>,
        %parallel_loop3A_688 = arith.constant 1024 : i32
        %parallel_loop3A_689 = vector.broadcast %parallel_loop3A_688 : i32 to vector<16xi32>
        %parallel_loop3A_690 = arith.addi %parallel_loop3A_480, %parallel_loop3A_689 : vector<16xi32>
        %parallel_loop3A_691 = arith.addi %parallel_loop3A_690, %add3A_14 : vector<16xi32>
        %parallel_loop3A_692 = arith.constant 1 : i32
        %parallel_loop3A_693 = arith.constant 0 : i32
        %parallel_loop3A_694 = arith.constant 0 : i32
        %parallel_loop3A_695 = tpu.memref_slice %arg7[%parallel_loop3A_692, %parallel_loop3A_693, %parallel_loop3A_694] : memref<2x4x4096xf32, #tpu.memory_space<vmem>> -> memref<1x4x4096xf32, #tpu.memory_space<vmem>>
        %parallel_loop3A_696 = tpu.memref_squeeze %parallel_loop3A_695 : memref<1x4x4096xf32, #tpu.memory_space<vmem>> -> memref<4x4096xf32, #tpu.memory_space<vmem>>
        tpu.vector_store_idx %parallel_loop3A_696[%parallel_loop3A_474, %parallel_loop3A_691], %parallel_loop3A_687 : memref<4x4096xf32, #tpu.memory_space<vmem>>[vector<16xi32>, vector<16xi32>], vector<16xf32>,
        %parallel_loop3A_697 = arith.constant 192 : i32
        %parallel_loop3A_698 = vector.broadcast %parallel_loop3A_697 : i32 to vector<16xi32>
        %parallel_loop3A_699 = arith.addi %iota3A, %parallel_loop3A_698 : vector<16xi32>
        %parallel_loop3A_700 = arith.constant 1 : i32
        %parallel_loop3A_701 = arith.constant 0 : i32
        %parallel_loop3A_702 = arith.constant 0 : i32
        %parallel_loop3A_703 = tpu.memref_slice %arg6[%parallel_loop3A_700, %parallel_loop3A_701, %parallel_loop3A_702] : memref<2x512x32xf32, #tpu.memory_space<vmem>> -> memref<1x512x32xf32, #tpu.memory_space<vmem>>
        %parallel_loop3A_704 = tpu.memref_squeeze %parallel_loop3A_703 : memref<1x512x32xf32, #tpu.memory_space<vmem>> -> memref<512x32xf32, #tpu.memory_space<vmem>>
        %parallel_loop3A_705 = tpu.vector_load_idx %parallel_loop3A_704[%parallel_loop3A_699, %parallel_loop3A_471] : memref<512x32xf32, #tpu.memory_space<vmem>>[vector<16xi32>, vector<16xi32>], vector<16xf32>,
        %parallel_loop3A_706 = arith.constant 1024 : i32
        %parallel_loop3A_707 = vector.broadcast %parallel_loop3A_706 : i32 to vector<16xi32>
        %parallel_loop3A_708 = arith.addi %parallel_loop3A_480, %parallel_loop3A_707 : vector<16xi32>
        %parallel_loop3A_709 = arith.addi %parallel_loop3A_708, %add3A_17 : vector<16xi32>
        %parallel_loop3A_710 = arith.constant 1 : i32
        %parallel_loop3A_711 = arith.constant 0 : i32
        %parallel_loop3A_712 = arith.constant 0 : i32
        %parallel_loop3A_713 = tpu.memref_slice %arg7[%parallel_loop3A_710, %parallel_loop3A_711, %parallel_loop3A_712] : memref<2x4x4096xf32, #tpu.memory_space<vmem>> -> memref<1x4x4096xf32, #tpu.memory_space<vmem>>
        %parallel_loop3A_714 = tpu.memref_squeeze %parallel_loop3A_713 : memref<1x4x4096xf32, #tpu.memory_space<vmem>> -> memref<4x4096xf32, #tpu.memory_space<vmem>>
        tpu.vector_store_idx %parallel_loop3A_714[%parallel_loop3A_474, %parallel_loop3A_709], %parallel_loop3A_705 : memref<4x4096xf32, #tpu.memory_space<vmem>>[vector<16xi32>, vector<16xi32>], vector<16xf32>,
        %parallel_loop3A_715 = arith.constant 208 : i32
        %parallel_loop3A_716 = vector.broadcast %parallel_loop3A_715 : i32 to vector<16xi32>
        %parallel_loop3A_717 = arith.addi %iota3A, %parallel_loop3A_716 : vector<16xi32>
        %parallel_loop3A_718 = arith.constant 1 : i32
        %parallel_loop3A_719 = arith.constant 0 : i32
        %parallel_loop3A_720 = arith.constant 0 : i32
        %parallel_loop3A_721 = tpu.memref_slice %arg6[%parallel_loop3A_718, %parallel_loop3A_719, %parallel_loop3A_720] : memref<2x512x32xf32, #tpu.memory_space<vmem>> -> memref<1x512x32xf32, #tpu.memory_space<vmem>>
        %parallel_loop3A_722 = tpu.memref_squeeze %parallel_loop3A_721 : memref<1x512x32xf32, #tpu.memory_space<vmem>> -> memref<512x32xf32, #tpu.memory_space<vmem>>
        %parallel_loop3A_723 = tpu.vector_load_idx %parallel_loop3A_722[%parallel_loop3A_717, %parallel_loop3A_471] : memref<512x32xf32, #tpu.memory_space<vmem>>[vector<16xi32>, vector<16xi32>], vector<16xf32>,
        %parallel_loop3A_724 = arith.constant 1024 : i32
        %parallel_loop3A_725 = vector.broadcast %parallel_loop3A_724 : i32 to vector<16xi32>
        %parallel_loop3A_726 = arith.addi %parallel_loop3A_480, %parallel_loop3A_725 : vector<16xi32>
        %parallel_loop3A_727 = arith.addi %parallel_loop3A_726, %add3A_20 : vector<16xi32>
        %parallel_loop3A_728 = arith.constant 1 : i32
        %parallel_loop3A_729 = arith.constant 0 : i32
        %parallel_loop3A_730 = arith.constant 0 : i32
        %parallel_loop3A_731 = tpu.memref_slice %arg7[%parallel_loop3A_728, %parallel_loop3A_729, %parallel_loop3A_730] : memref<2x4x4096xf32, #tpu.memory_space<vmem>> -> memref<1x4x4096xf32, #tpu.memory_space<vmem>>
        %parallel_loop3A_732 = tpu.memref_squeeze %parallel_loop3A_731 : memref<1x4x4096xf32, #tpu.memory_space<vmem>> -> memref<4x4096xf32, #tpu.memory_space<vmem>>
        tpu.vector_store_idx %parallel_loop3A_732[%parallel_loop3A_474, %parallel_loop3A_727], %parallel_loop3A_723 : memref<4x4096xf32, #tpu.memory_space<vmem>>[vector<16xi32>, vector<16xi32>], vector<16xf32>,
        %parallel_loop3A_733 = arith.constant 224 : i32
        %parallel_loop3A_734 = vector.broadcast %parallel_loop3A_733 : i32 to vector<16xi32>
        %parallel_loop3A_735 = arith.addi %iota3A, %parallel_loop3A_734 : vector<16xi32>
        %parallel_loop3A_736 = arith.constant 1 : i32
        %parallel_loop3A_737 = arith.constant 0 : i32
        %parallel_loop3A_738 = arith.constant 0 : i32
        %parallel_loop3A_739 = tpu.memref_slice %arg6[%parallel_loop3A_736, %parallel_loop3A_737, %parallel_loop3A_738] : memref<2x512x32xf32, #tpu.memory_space<vmem>> -> memref<1x512x32xf32, #tpu.memory_space<vmem>>
        %parallel_loop3A_740 = tpu.memref_squeeze %parallel_loop3A_739 : memref<1x512x32xf32, #tpu.memory_space<vmem>> -> memref<512x32xf32, #tpu.memory_space<vmem>>
        %parallel_loop3A_741 = tpu.vector_load_idx %parallel_loop3A_740[%parallel_loop3A_735, %parallel_loop3A_471] : memref<512x32xf32, #tpu.memory_space<vmem>>[vector<16xi32>, vector<16xi32>], vector<16xf32>,
        %parallel_loop3A_742 = arith.constant 1024 : i32
        %parallel_loop3A_743 = vector.broadcast %parallel_loop3A_742 : i32 to vector<16xi32>
        %parallel_loop3A_744 = arith.addi %parallel_loop3A_480, %parallel_loop3A_743 : vector<16xi32>
        %parallel_loop3A_745 = arith.addi %parallel_loop3A_744, %add3A_23 : vector<16xi32>
        %parallel_loop3A_746 = arith.constant 1 : i32
        %parallel_loop3A_747 = arith.constant 0 : i32
        %parallel_loop3A_748 = arith.constant 0 : i32
        %parallel_loop3A_749 = tpu.memref_slice %arg7[%parallel_loop3A_746, %parallel_loop3A_747, %parallel_loop3A_748] : memref<2x4x4096xf32, #tpu.memory_space<vmem>> -> memref<1x4x4096xf32, #tpu.memory_space<vmem>>
        %parallel_loop3A_750 = tpu.memref_squeeze %parallel_loop3A_749 : memref<1x4x4096xf32, #tpu.memory_space<vmem>> -> memref<4x4096xf32, #tpu.memory_space<vmem>>
        tpu.vector_store_idx %parallel_loop3A_750[%parallel_loop3A_474, %parallel_loop3A_745], %parallel_loop3A_741 : memref<4x4096xf32, #tpu.memory_space<vmem>>[vector<16xi32>, vector<16xi32>], vector<16xf32>,
        %parallel_loop3A_751 = arith.constant 240 : i32
        %parallel_loop3A_752 = vector.broadcast %parallel_loop3A_751 : i32 to vector<16xi32>
        %parallel_loop3A_753 = arith.addi %iota3A, %parallel_loop3A_752 : vector<16xi32>
        %parallel_loop3A_754 = arith.constant 1 : i32
        %parallel_loop3A_755 = arith.constant 0 : i32
        %parallel_loop3A_756 = arith.constant 0 : i32
        %parallel_loop3A_757 = tpu.memref_slice %arg6[%parallel_loop3A_754, %parallel_loop3A_755, %parallel_loop3A_756] : memref<2x512x32xf32, #tpu.memory_space<vmem>> -> memref<1x512x32xf32, #tpu.memory_space<vmem>>
        %parallel_loop3A_758 = tpu.memref_squeeze %parallel_loop3A_757 : memref<1x512x32xf32, #tpu.memory_space<vmem>> -> memref<512x32xf32, #tpu.memory_space<vmem>>
        %parallel_loop3A_759 = tpu.vector_load_idx %parallel_loop3A_758[%parallel_loop3A_753, %parallel_loop3A_471] : memref<512x32xf32, #tpu.memory_space<vmem>>[vector<16xi32>, vector<16xi32>], vector<16xf32>,
        %parallel_loop3A_760 = arith.constant 1024 : i32
        %parallel_loop3A_761 = vector.broadcast %parallel_loop3A_760 : i32 to vector<16xi32>
        %parallel_loop3A_762 = arith.addi %parallel_loop3A_480, %parallel_loop3A_761 : vector<16xi32>
        %parallel_loop3A_763 = arith.addi %parallel_loop3A_762, %add3A_26 : vector<16xi32>
        %parallel_loop3A_764 = arith.constant 1 : i32
        %parallel_loop3A_765 = arith.constant 0 : i32
        %parallel_loop3A_766 = arith.constant 0 : i32
        %parallel_loop3A_767 = tpu.memref_slice %arg7[%parallel_loop3A_764, %parallel_loop3A_765, %parallel_loop3A_766] : memref<2x4x4096xf32, #tpu.memory_space<vmem>> -> memref<1x4x4096xf32, #tpu.memory_space<vmem>>
        %parallel_loop3A_768 = tpu.memref_squeeze %parallel_loop3A_767 : memref<1x4x4096xf32, #tpu.memory_space<vmem>> -> memref<4x4096xf32, #tpu.memory_space<vmem>>
        tpu.vector_store_idx %parallel_loop3A_768[%parallel_loop3A_474, %parallel_loop3A_763], %parallel_loop3A_759 : memref<4x4096xf32, #tpu.memory_space<vmem>>[vector<16xi32>, vector<16xi32>], vector<16xf32>,
        %parallel_loop3A_769 = arith.constant 256 : i32
        %parallel_loop3A_770 = vector.broadcast %parallel_loop3A_769 : i32 to vector<16xi32>
        %parallel_loop3A_771 = arith.addi %iota3A, %parallel_loop3A_770 : vector<16xi32>
        %parallel_loop3A_772 = arith.constant 1 : i32
        %parallel_loop3A_773 = arith.constant 0 : i32
        %parallel_loop3A_774 = arith.constant 0 : i32
        %parallel_loop3A_775 = tpu.memref_slice %arg6[%parallel_loop3A_772, %parallel_loop3A_773, %parallel_loop3A_774] : memref<2x512x32xf32, #tpu.memory_space<vmem>> -> memref<1x512x32xf32, #tpu.memory_space<vmem>>
        %parallel_loop3A_776 = tpu.memref_squeeze %parallel_loop3A_775 : memref<1x512x32xf32, #tpu.memory_space<vmem>> -> memref<512x32xf32, #tpu.memory_space<vmem>>
        %parallel_loop3A_777 = tpu.vector_load_idx %parallel_loop3A_776[%parallel_loop3A_771, %parallel_loop3A_471] : memref<512x32xf32, #tpu.memory_space<vmem>>[vector<16xi32>, vector<16xi32>], vector<16xf32>,
        %parallel_loop3A_778 = arith.constant 2048 : i32
        %parallel_loop3A_779 = vector.broadcast %parallel_loop3A_778 : i32 to vector<16xi32>
        %parallel_loop3A_780 = arith.addi %parallel_loop3A_480, %parallel_loop3A_779 : vector<16xi32>
        %parallel_loop3A_781 = arith.addi %parallel_loop3A_780, %add3A_5 : vector<16xi32>
        %parallel_loop3A_782 = arith.constant 1 : i32
        %parallel_loop3A_783 = arith.constant 0 : i32
        %parallel_loop3A_784 = arith.constant 0 : i32
        %parallel_loop3A_785 = tpu.memref_slice %arg7[%parallel_loop3A_782, %parallel_loop3A_783, %parallel_loop3A_784] : memref<2x4x4096xf32, #tpu.memory_space<vmem>> -> memref<1x4x4096xf32, #tpu.memory_space<vmem>>
        %parallel_loop3A_786 = tpu.memref_squeeze %parallel_loop3A_785 : memref<1x4x4096xf32, #tpu.memory_space<vmem>> -> memref<4x4096xf32, #tpu.memory_space<vmem>>
        tpu.vector_store_idx %parallel_loop3A_786[%parallel_loop3A_474, %parallel_loop3A_781], %parallel_loop3A_777 : memref<4x4096xf32, #tpu.memory_space<vmem>>[vector<16xi32>, vector<16xi32>], vector<16xf32>,
        %parallel_loop3A_787 = arith.constant 272 : i32
        %parallel_loop3A_788 = vector.broadcast %parallel_loop3A_787 : i32 to vector<16xi32>
        %parallel_loop3A_789 = arith.addi %iota3A, %parallel_loop3A_788 : vector<16xi32>
        %parallel_loop3A_790 = arith.constant 1 : i32
        %parallel_loop3A_791 = arith.constant 0 : i32
        %parallel_loop3A_792 = arith.constant 0 : i32
        %parallel_loop3A_793 = tpu.memref_slice %arg6[%parallel_loop3A_790, %parallel_loop3A_791, %parallel_loop3A_792] : memref<2x512x32xf32, #tpu.memory_space<vmem>> -> memref<1x512x32xf32, #tpu.memory_space<vmem>>
        %parallel_loop3A_794 = tpu.memref_squeeze %parallel_loop3A_793 : memref<1x512x32xf32, #tpu.memory_space<vmem>> -> memref<512x32xf32, #tpu.memory_space<vmem>>
        %parallel_loop3A_795 = tpu.vector_load_idx %parallel_loop3A_794[%parallel_loop3A_789, %parallel_loop3A_471] : memref<512x32xf32, #tpu.memory_space<vmem>>[vector<16xi32>, vector<16xi32>], vector<16xf32>,
        %parallel_loop3A_796 = arith.constant 2048 : i32
        %parallel_loop3A_797 = vector.broadcast %parallel_loop3A_796 : i32 to vector<16xi32>
        %parallel_loop3A_798 = arith.addi %parallel_loop3A_480, %parallel_loop3A_797 : vector<16xi32>
        %parallel_loop3A_799 = arith.addi %parallel_loop3A_798, %add3A_8 : vector<16xi32>
        %parallel_loop3A_800 = arith.constant 1 : i32
        %parallel_loop3A_801 = arith.constant 0 : i32
        %parallel_loop3A_802 = arith.constant 0 : i32
        %parallel_loop3A_803 = tpu.memref_slice %arg7[%parallel_loop3A_800, %parallel_loop3A_801, %parallel_loop3A_802] : memref<2x4x4096xf32, #tpu.memory_space<vmem>> -> memref<1x4x4096xf32, #tpu.memory_space<vmem>>
        %parallel_loop3A_804 = tpu.memref_squeeze %parallel_loop3A_803 : memref<1x4x4096xf32, #tpu.memory_space<vmem>> -> memref<4x4096xf32, #tpu.memory_space<vmem>>
        tpu.vector_store_idx %parallel_loop3A_804[%parallel_loop3A_474, %parallel_loop3A_799], %parallel_loop3A_795 : memref<4x4096xf32, #tpu.memory_space<vmem>>[vector<16xi32>, vector<16xi32>], vector<16xf32>,
        %parallel_loop3A_805 = arith.constant 288 : i32
        %parallel_loop3A_806 = vector.broadcast %parallel_loop3A_805 : i32 to vector<16xi32>
        %parallel_loop3A_807 = arith.addi %iota3A, %parallel_loop3A_806 : vector<16xi32>
        %parallel_loop3A_808 = arith.constant 1 : i32
        %parallel_loop3A_809 = arith.constant 0 : i32
        %parallel_loop3A_810 = arith.constant 0 : i32
        %parallel_loop3A_811 = tpu.memref_slice %arg6[%parallel_loop3A_808, %parallel_loop3A_809, %parallel_loop3A_810] : memref<2x512x32xf32, #tpu.memory_space<vmem>> -> memref<1x512x32xf32, #tpu.memory_space<vmem>>
        %parallel_loop3A_812 = tpu.memref_squeeze %parallel_loop3A_811 : memref<1x512x32xf32, #tpu.memory_space<vmem>> -> memref<512x32xf32, #tpu.memory_space<vmem>>
        %parallel_loop3A_813 = tpu.vector_load_idx %parallel_loop3A_812[%parallel_loop3A_807, %parallel_loop3A_471] : memref<512x32xf32, #tpu.memory_space<vmem>>[vector<16xi32>, vector<16xi32>], vector<16xf32>,
        %parallel_loop3A_814 = arith.constant 2048 : i32
        %parallel_loop3A_815 = vector.broadcast %parallel_loop3A_814 : i32 to vector<16xi32>
        %parallel_loop3A_816 = arith.addi %parallel_loop3A_480, %parallel_loop3A_815 : vector<16xi32>
        %parallel_loop3A_817 = arith.addi %parallel_loop3A_816, %add3A_11 : vector<16xi32>
        %parallel_loop3A_818 = arith.constant 1 : i32
        %parallel_loop3A_819 = arith.constant 0 : i32
        %parallel_loop3A_820 = arith.constant 0 : i32
        %parallel_loop3A_821 = tpu.memref_slice %arg7[%parallel_loop3A_818, %parallel_loop3A_819, %parallel_loop3A_820] : memref<2x4x4096xf32, #tpu.memory_space<vmem>> -> memref<1x4x4096xf32, #tpu.memory_space<vmem>>
        %parallel_loop3A_822 = tpu.memref_squeeze %parallel_loop3A_821 : memref<1x4x4096xf32, #tpu.memory_space<vmem>> -> memref<4x4096xf32, #tpu.memory_space<vmem>>
        tpu.vector_store_idx %parallel_loop3A_822[%parallel_loop3A_474, %parallel_loop3A_817], %parallel_loop3A_813 : memref<4x4096xf32, #tpu.memory_space<vmem>>[vector<16xi32>, vector<16xi32>], vector<16xf32>,
        %parallel_loop3A_823 = arith.constant 304 : i32
        %parallel_loop3A_824 = vector.broadcast %parallel_loop3A_823 : i32 to vector<16xi32>
        %parallel_loop3A_825 = arith.addi %iota3A, %parallel_loop3A_824 : vector<16xi32>
        %parallel_loop3A_826 = arith.constant 1 : i32
        %parallel_loop3A_827 = arith.constant 0 : i32
        %parallel_loop3A_828 = arith.constant 0 : i32
        %parallel_loop3A_829 = tpu.memref_slice %arg6[%parallel_loop3A_826, %parallel_loop3A_827, %parallel_loop3A_828] : memref<2x512x32xf32, #tpu.memory_space<vmem>> -> memref<1x512x32xf32, #tpu.memory_space<vmem>>
        %parallel_loop3A_830 = tpu.memref_squeeze %parallel_loop3A_829 : memref<1x512x32xf32, #tpu.memory_space<vmem>> -> memref<512x32xf32, #tpu.memory_space<vmem>>
        %parallel_loop3A_831 = tpu.vector_load_idx %parallel_loop3A_830[%parallel_loop3A_825, %parallel_loop3A_471] : memref<512x32xf32, #tpu.memory_space<vmem>>[vector<16xi32>, vector<16xi32>], vector<16xf32>,
        %parallel_loop3A_832 = arith.constant 2048 : i32
        %parallel_loop3A_833 = vector.broadcast %parallel_loop3A_832 : i32 to vector<16xi32>
        %parallel_loop3A_834 = arith.addi %parallel_loop3A_480, %parallel_loop3A_833 : vector<16xi32>
        %parallel_loop3A_835 = arith.addi %parallel_loop3A_834, %add3A_14 : vector<16xi32>
        %parallel_loop3A_836 = arith.constant 1 : i32
        %parallel_loop3A_837 = arith.constant 0 : i32
        %parallel_loop3A_838 = arith.constant 0 : i32
        %parallel_loop3A_839 = tpu.memref_slice %arg7[%parallel_loop3A_836, %parallel_loop3A_837, %parallel_loop3A_838] : memref<2x4x4096xf32, #tpu.memory_space<vmem>> -> memref<1x4x4096xf32, #tpu.memory_space<vmem>>
        %parallel_loop3A_840 = tpu.memref_squeeze %parallel_loop3A_839 : memref<1x4x4096xf32, #tpu.memory_space<vmem>> -> memref<4x4096xf32, #tpu.memory_space<vmem>>
        tpu.vector_store_idx %parallel_loop3A_840[%parallel_loop3A_474, %parallel_loop3A_835], %parallel_loop3A_831 : memref<4x4096xf32, #tpu.memory_space<vmem>>[vector<16xi32>, vector<16xi32>], vector<16xf32>,
        %parallel_loop3A_841 = arith.constant 320 : i32
        %parallel_loop3A_842 = vector.broadcast %parallel_loop3A_841 : i32 to vector<16xi32>
        %parallel_loop3A_843 = arith.addi %iota3A, %parallel_loop3A_842 : vector<16xi32>
        %parallel_loop3A_844 = arith.constant 1 : i32
        %parallel_loop3A_845 = arith.constant 0 : i32
        %parallel_loop3A_846 = arith.constant 0 : i32
        %parallel_loop3A_847 = tpu.memref_slice %arg6[%parallel_loop3A_844, %parallel_loop3A_845, %parallel_loop3A_846] : memref<2x512x32xf32, #tpu.memory_space<vmem>> -> memref<1x512x32xf32, #tpu.memory_space<vmem>>
        %parallel_loop3A_848 = tpu.memref_squeeze %parallel_loop3A_847 : memref<1x512x32xf32, #tpu.memory_space<vmem>> -> memref<512x32xf32, #tpu.memory_space<vmem>>
        %parallel_loop3A_849 = tpu.vector_load_idx %parallel_loop3A_848[%parallel_loop3A_843, %parallel_loop3A_471] : memref<512x32xf32, #tpu.memory_space<vmem>>[vector<16xi32>, vector<16xi32>], vector<16xf32>,
        %parallel_loop3A_850 = arith.constant 2048 : i32
        %parallel_loop3A_851 = vector.broadcast %parallel_loop3A_850 : i32 to vector<16xi32>
        %parallel_loop3A_852 = arith.addi %parallel_loop3A_480, %parallel_loop3A_851 : vector<16xi32>
        %parallel_loop3A_853 = arith.addi %parallel_loop3A_852, %add3A_17 : vector<16xi32>
        %parallel_loop3A_854 = arith.constant 1 : i32
        %parallel_loop3A_855 = arith.constant 0 : i32
        %parallel_loop3A_856 = arith.constant 0 : i32
        %parallel_loop3A_857 = tpu.memref_slice %arg7[%parallel_loop3A_854, %parallel_loop3A_855, %parallel_loop3A_856] : memref<2x4x4096xf32, #tpu.memory_space<vmem>> -> memref<1x4x4096xf32, #tpu.memory_space<vmem>>
        %parallel_loop3A_858 = tpu.memref_squeeze %parallel_loop3A_857 : memref<1x4x4096xf32, #tpu.memory_space<vmem>> -> memref<4x4096xf32, #tpu.memory_space<vmem>>
        tpu.vector_store_idx %parallel_loop3A_858[%parallel_loop3A_474, %parallel_loop3A_853], %parallel_loop3A_849 : memref<4x4096xf32, #tpu.memory_space<vmem>>[vector<16xi32>, vector<16xi32>], vector<16xf32>,
        %parallel_loop3A_859 = arith.constant 336 : i32
        %parallel_loop3A_860 = vector.broadcast %parallel_loop3A_859 : i32 to vector<16xi32>
        %parallel_loop3A_861 = arith.addi %iota3A, %parallel_loop3A_860 : vector<16xi32>
        %parallel_loop3A_862 = arith.constant 1 : i32
        %parallel_loop3A_863 = arith.constant 0 : i32
        %parallel_loop3A_864 = arith.constant 0 : i32
        %parallel_loop3A_865 = tpu.memref_slice %arg6[%parallel_loop3A_862, %parallel_loop3A_863, %parallel_loop3A_864] : memref<2x512x32xf32, #tpu.memory_space<vmem>> -> memref<1x512x32xf32, #tpu.memory_space<vmem>>
        %parallel_loop3A_866 = tpu.memref_squeeze %parallel_loop3A_865 : memref<1x512x32xf32, #tpu.memory_space<vmem>> -> memref<512x32xf32, #tpu.memory_space<vmem>>
        %parallel_loop3A_867 = tpu.vector_load_idx %parallel_loop3A_866[%parallel_loop3A_861, %parallel_loop3A_471] : memref<512x32xf32, #tpu.memory_space<vmem>>[vector<16xi32>, vector<16xi32>], vector<16xf32>,
        %parallel_loop3A_868 = arith.constant 2048 : i32
        %parallel_loop3A_869 = vector.broadcast %parallel_loop3A_868 : i32 to vector<16xi32>
        %parallel_loop3A_870 = arith.addi %parallel_loop3A_480, %parallel_loop3A_869 : vector<16xi32>
        %parallel_loop3A_871 = arith.addi %parallel_loop3A_870, %add3A_20 : vector<16xi32>
        %parallel_loop3A_872 = arith.constant 1 : i32
        %parallel_loop3A_873 = arith.constant 0 : i32
        %parallel_loop3A_874 = arith.constant 0 : i32
        %parallel_loop3A_875 = tpu.memref_slice %arg7[%parallel_loop3A_872, %parallel_loop3A_873, %parallel_loop3A_874] : memref<2x4x4096xf32, #tpu.memory_space<vmem>> -> memref<1x4x4096xf32, #tpu.memory_space<vmem>>
        %parallel_loop3A_876 = tpu.memref_squeeze %parallel_loop3A_875 : memref<1x4x4096xf32, #tpu.memory_space<vmem>> -> memref<4x4096xf32, #tpu.memory_space<vmem>>
        tpu.vector_store_idx %parallel_loop3A_876[%parallel_loop3A_474, %parallel_loop3A_871], %parallel_loop3A_867 : memref<4x4096xf32, #tpu.memory_space<vmem>>[vector<16xi32>, vector<16xi32>], vector<16xf32>,
        %parallel_loop3A_877 = arith.constant 352 : i32
        %parallel_loop3A_878 = vector.broadcast %parallel_loop3A_877 : i32 to vector<16xi32>
        %parallel_loop3A_879 = arith.addi %iota3A, %parallel_loop3A_878 : vector<16xi32>
        %parallel_loop3A_880 = arith.constant 1 : i32
        %parallel_loop3A_881 = arith.constant 0 : i32
        %parallel_loop3A_882 = arith.constant 0 : i32
        %parallel_loop3A_883 = tpu.memref_slice %arg6[%parallel_loop3A_880, %parallel_loop3A_881, %parallel_loop3A_882] : memref<2x512x32xf32, #tpu.memory_space<vmem>> -> memref<1x512x32xf32, #tpu.memory_space<vmem>>
        %parallel_loop3A_884 = tpu.memref_squeeze %parallel_loop3A_883 : memref<1x512x32xf32, #tpu.memory_space<vmem>> -> memref<512x32xf32, #tpu.memory_space<vmem>>
        %parallel_loop3A_885 = tpu.vector_load_idx %parallel_loop3A_884[%parallel_loop3A_879, %parallel_loop3A_471] : memref<512x32xf32, #tpu.memory_space<vmem>>[vector<16xi32>, vector<16xi32>], vector<16xf32>,
        %parallel_loop3A_886 = arith.constant 2048 : i32
        %parallel_loop3A_887 = vector.broadcast %parallel_loop3A_886 : i32 to vector<16xi32>
        %parallel_loop3A_888 = arith.addi %parallel_loop3A_480, %parallel_loop3A_887 : vector<16xi32>
        %parallel_loop3A_889 = arith.addi %parallel_loop3A_888, %add3A_23 : vector<16xi32>
        %parallel_loop3A_890 = arith.constant 1 : i32
        %parallel_loop3A_891 = arith.constant 0 : i32
        %parallel_loop3A_892 = arith.constant 0 : i32
        %parallel_loop3A_893 = tpu.memref_slice %arg7[%parallel_loop3A_890, %parallel_loop3A_891, %parallel_loop3A_892] : memref<2x4x4096xf32, #tpu.memory_space<vmem>> -> memref<1x4x4096xf32, #tpu.memory_space<vmem>>
        %parallel_loop3A_894 = tpu.memref_squeeze %parallel_loop3A_893 : memref<1x4x4096xf32, #tpu.memory_space<vmem>> -> memref<4x4096xf32, #tpu.memory_space<vmem>>
        tpu.vector_store_idx %parallel_loop3A_894[%parallel_loop3A_474, %parallel_loop3A_889], %parallel_loop3A_885 : memref<4x4096xf32, #tpu.memory_space<vmem>>[vector<16xi32>, vector<16xi32>], vector<16xf32>,
        %parallel_loop3A_895 = arith.constant 368 : i32
        %parallel_loop3A_896 = vector.broadcast %parallel_loop3A_895 : i32 to vector<16xi32>
        %parallel_loop3A_897 = arith.addi %iota3A, %parallel_loop3A_896 : vector<16xi32>
        %parallel_loop3A_898 = arith.constant 1 : i32
        %parallel_loop3A_899 = arith.constant 0 : i32
        %parallel_loop3A_900 = arith.constant 0 : i32
        %parallel_loop3A_901 = tpu.memref_slice %arg6[%parallel_loop3A_898, %parallel_loop3A_899, %parallel_loop3A_900] : memref<2x512x32xf32, #tpu.memory_space<vmem>> -> memref<1x512x32xf32, #tpu.memory_space<vmem>>
        %parallel_loop3A_902 = tpu.memref_squeeze %parallel_loop3A_901 : memref<1x512x32xf32, #tpu.memory_space<vmem>> -> memref<512x32xf32, #tpu.memory_space<vmem>>
        %parallel_loop3A_903 = tpu.vector_load_idx %parallel_loop3A_902[%parallel_loop3A_897, %parallel_loop3A_471] : memref<512x32xf32, #tpu.memory_space<vmem>>[vector<16xi32>, vector<16xi32>], vector<16xf32>,
        %parallel_loop3A_904 = arith.constant 2048 : i32
        %parallel_loop3A_905 = vector.broadcast %parallel_loop3A_904 : i32 to vector<16xi32>
        %parallel_loop3A_906 = arith.addi %parallel_loop3A_480, %parallel_loop3A_905 : vector<16xi32>
        %parallel_loop3A_907 = arith.addi %parallel_loop3A_906, %add3A_26 : vector<16xi32>
        %parallel_loop3A_908 = arith.constant 1 : i32
        %parallel_loop3A_909 = arith.constant 0 : i32
        %parallel_loop3A_910 = arith.constant 0 : i32
        %parallel_loop3A_911 = tpu.memref_slice %arg7[%parallel_loop3A_908, %parallel_loop3A_909, %parallel_loop3A_910] : memref<2x4x4096xf32, #tpu.memory_space<vmem>> -> memref<1x4x4096xf32, #tpu.memory_space<vmem>>
        %parallel_loop3A_912 = tpu.memref_squeeze %parallel_loop3A_911 : memref<1x4x4096xf32, #tpu.memory_space<vmem>> -> memref<4x4096xf32, #tpu.memory_space<vmem>>
        tpu.vector_store_idx %parallel_loop3A_912[%parallel_loop3A_474, %parallel_loop3A_907], %parallel_loop3A_903 : memref<4x4096xf32, #tpu.memory_space<vmem>>[vector<16xi32>, vector<16xi32>], vector<16xf32>,
        %parallel_loop3A_913 = arith.constant 384 : i32
        %parallel_loop3A_914 = vector.broadcast %parallel_loop3A_913 : i32 to vector<16xi32>
        %parallel_loop3A_915 = arith.addi %iota3A, %parallel_loop3A_914 : vector<16xi32>
        %parallel_loop3A_916 = arith.constant 1 : i32
        %parallel_loop3A_917 = arith.constant 0 : i32
        %parallel_loop3A_918 = arith.constant 0 : i32
        %parallel_loop3A_919 = tpu.memref_slice %arg6[%parallel_loop3A_916, %parallel_loop3A_917, %parallel_loop3A_918] : memref<2x512x32xf32, #tpu.memory_space<vmem>> -> memref<1x512x32xf32, #tpu.memory_space<vmem>>
        %parallel_loop3A_920 = tpu.memref_squeeze %parallel_loop3A_919 : memref<1x512x32xf32, #tpu.memory_space<vmem>> -> memref<512x32xf32, #tpu.memory_space<vmem>>
        %parallel_loop3A_921 = tpu.vector_load_idx %parallel_loop3A_920[%parallel_loop3A_915, %parallel_loop3A_471] : memref<512x32xf32, #tpu.memory_space<vmem>>[vector<16xi32>, vector<16xi32>], vector<16xf32>,
        %parallel_loop3A_922 = arith.constant 3072 : i32
        %parallel_loop3A_923 = vector.broadcast %parallel_loop3A_922 : i32 to vector<16xi32>
        %parallel_loop3A_924 = arith.addi %parallel_loop3A_480, %parallel_loop3A_923 : vector<16xi32>
        %parallel_loop3A_925 = arith.addi %parallel_loop3A_924, %add3A_5 : vector<16xi32>
        %parallel_loop3A_926 = arith.constant 1 : i32
        %parallel_loop3A_927 = arith.constant 0 : i32
        %parallel_loop3A_928 = arith.constant 0 : i32
        %parallel_loop3A_929 = tpu.memref_slice %arg7[%parallel_loop3A_926, %parallel_loop3A_927, %parallel_loop3A_928] : memref<2x4x4096xf32, #tpu.memory_space<vmem>> -> memref<1x4x4096xf32, #tpu.memory_space<vmem>>
        %parallel_loop3A_930 = tpu.memref_squeeze %parallel_loop3A_929 : memref<1x4x4096xf32, #tpu.memory_space<vmem>> -> memref<4x4096xf32, #tpu.memory_space<vmem>>
        tpu.vector_store_idx %parallel_loop3A_930[%parallel_loop3A_474, %parallel_loop3A_925], %parallel_loop3A_921 : memref<4x4096xf32, #tpu.memory_space<vmem>>[vector<16xi32>, vector<16xi32>], vector<16xf32>,
        %parallel_loop3A_931 = arith.constant 400 : i32
        %parallel_loop3A_932 = vector.broadcast %parallel_loop3A_931 : i32 to vector<16xi32>
        %parallel_loop3A_933 = arith.addi %iota3A, %parallel_loop3A_932 : vector<16xi32>
        %parallel_loop3A_934 = arith.constant 1 : i32
        %parallel_loop3A_935 = arith.constant 0 : i32
        %parallel_loop3A_936 = arith.constant 0 : i32
        %parallel_loop3A_937 = tpu.memref_slice %arg6[%parallel_loop3A_934, %parallel_loop3A_935, %parallel_loop3A_936] : memref<2x512x32xf32, #tpu.memory_space<vmem>> -> memref<1x512x32xf32, #tpu.memory_space<vmem>>
        %parallel_loop3A_938 = tpu.memref_squeeze %parallel_loop3A_937 : memref<1x512x32xf32, #tpu.memory_space<vmem>> -> memref<512x32xf32, #tpu.memory_space<vmem>>
        %parallel_loop3A_939 = tpu.vector_load_idx %parallel_loop3A_938[%parallel_loop3A_933, %parallel_loop3A_471] : memref<512x32xf32, #tpu.memory_space<vmem>>[vector<16xi32>, vector<16xi32>], vector<16xf32>,
        %parallel_loop3A_940 = arith.constant 3072 : i32
        %parallel_loop3A_941 = vector.broadcast %parallel_loop3A_940 : i32 to vector<16xi32>
        %parallel_loop3A_942 = arith.addi %parallel_loop3A_480, %parallel_loop3A_941 : vector<16xi32>
        %parallel_loop3A_943 = arith.addi %parallel_loop3A_942, %add3A_8 : vector<16xi32>
        %parallel_loop3A_944 = arith.constant 1 : i32
        %parallel_loop3A_945 = arith.constant 0 : i32
        %parallel_loop3A_946 = arith.constant 0 : i32
        %parallel_loop3A_947 = tpu.memref_slice %arg7[%parallel_loop3A_944, %parallel_loop3A_945, %parallel_loop3A_946] : memref<2x4x4096xf32, #tpu.memory_space<vmem>> -> memref<1x4x4096xf32, #tpu.memory_space<vmem>>
        %parallel_loop3A_948 = tpu.memref_squeeze %parallel_loop3A_947 : memref<1x4x4096xf32, #tpu.memory_space<vmem>> -> memref<4x4096xf32, #tpu.memory_space<vmem>>
        tpu.vector_store_idx %parallel_loop3A_948[%parallel_loop3A_474, %parallel_loop3A_943], %parallel_loop3A_939 : memref<4x4096xf32, #tpu.memory_space<vmem>>[vector<16xi32>, vector<16xi32>], vector<16xf32>,
        %parallel_loop3A_949 = arith.constant 416 : i32
        %parallel_loop3A_950 = vector.broadcast %parallel_loop3A_949 : i32 to vector<16xi32>
        %parallel_loop3A_951 = arith.addi %iota3A, %parallel_loop3A_950 : vector<16xi32>
        %parallel_loop3A_952 = arith.constant 1 : i32
        %parallel_loop3A_953 = arith.constant 0 : i32
        %parallel_loop3A_954 = arith.constant 0 : i32
        %parallel_loop3A_955 = tpu.memref_slice %arg6[%parallel_loop3A_952, %parallel_loop3A_953, %parallel_loop3A_954] : memref<2x512x32xf32, #tpu.memory_space<vmem>> -> memref<1x512x32xf32, #tpu.memory_space<vmem>>
        %parallel_loop3A_956 = tpu.memref_squeeze %parallel_loop3A_955 : memref<1x512x32xf32, #tpu.memory_space<vmem>> -> memref<512x32xf32, #tpu.memory_space<vmem>>
        %parallel_loop3A_957 = tpu.vector_load_idx %parallel_loop3A_956[%parallel_loop3A_951, %parallel_loop3A_471] : memref<512x32xf32, #tpu.memory_space<vmem>>[vector<16xi32>, vector<16xi32>], vector<16xf32>,
        %parallel_loop3A_958 = arith.constant 3072 : i32
        %parallel_loop3A_959 = vector.broadcast %parallel_loop3A_958 : i32 to vector<16xi32>
        %parallel_loop3A_960 = arith.addi %parallel_loop3A_480, %parallel_loop3A_959 : vector<16xi32>
        %parallel_loop3A_961 = arith.addi %parallel_loop3A_960, %add3A_11 : vector<16xi32>
        %parallel_loop3A_962 = arith.constant 1 : i32
        %parallel_loop3A_963 = arith.constant 0 : i32
        %parallel_loop3A_964 = arith.constant 0 : i32
        %parallel_loop3A_965 = tpu.memref_slice %arg7[%parallel_loop3A_962, %parallel_loop3A_963, %parallel_loop3A_964] : memref<2x4x4096xf32, #tpu.memory_space<vmem>> -> memref<1x4x4096xf32, #tpu.memory_space<vmem>>
        %parallel_loop3A_966 = tpu.memref_squeeze %parallel_loop3A_965 : memref<1x4x4096xf32, #tpu.memory_space<vmem>> -> memref<4x4096xf32, #tpu.memory_space<vmem>>
        tpu.vector_store_idx %parallel_loop3A_966[%parallel_loop3A_474, %parallel_loop3A_961], %parallel_loop3A_957 : memref<4x4096xf32, #tpu.memory_space<vmem>>[vector<16xi32>, vector<16xi32>], vector<16xf32>,
        %parallel_loop3A_967 = arith.constant 432 : i32
        %parallel_loop3A_968 = vector.broadcast %parallel_loop3A_967 : i32 to vector<16xi32>
        %parallel_loop3A_969 = arith.addi %iota3A, %parallel_loop3A_968 : vector<16xi32>
        %parallel_loop3A_970 = arith.constant 1 : i32
        %parallel_loop3A_971 = arith.constant 0 : i32
        %parallel_loop3A_972 = arith.constant 0 : i32
        %parallel_loop3A_973 = tpu.memref_slice %arg6[%parallel_loop3A_970, %parallel_loop3A_971, %parallel_loop3A_972] : memref<2x512x32xf32, #tpu.memory_space<vmem>> -> memref<1x512x32xf32, #tpu.memory_space<vmem>>
        %parallel_loop3A_974 = tpu.memref_squeeze %parallel_loop3A_973 : memref<1x512x32xf32, #tpu.memory_space<vmem>> -> memref<512x32xf32, #tpu.memory_space<vmem>>
        %parallel_loop3A_975 = tpu.vector_load_idx %parallel_loop3A_974[%parallel_loop3A_969, %parallel_loop3A_471] : memref<512x32xf32, #tpu.memory_space<vmem>>[vector<16xi32>, vector<16xi32>], vector<16xf32>,
        %parallel_loop3A_976 = arith.constant 3072 : i32
        %parallel_loop3A_977 = vector.broadcast %parallel_loop3A_976 : i32 to vector<16xi32>
        %parallel_loop3A_978 = arith.addi %parallel_loop3A_480, %parallel_loop3A_977 : vector<16xi32>
        %parallel_loop3A_979 = arith.addi %parallel_loop3A_978, %add3A_14 : vector<16xi32>
        %parallel_loop3A_980 = arith.constant 1 : i32
        %parallel_loop3A_981 = arith.constant 0 : i32
        %parallel_loop3A_982 = arith.constant 0 : i32
        %parallel_loop3A_983 = tpu.memref_slice %arg7[%parallel_loop3A_980, %parallel_loop3A_981, %parallel_loop3A_982] : memref<2x4x4096xf32, #tpu.memory_space<vmem>> -> memref<1x4x4096xf32, #tpu.memory_space<vmem>>
        %parallel_loop3A_984 = tpu.memref_squeeze %parallel_loop3A_983 : memref<1x4x4096xf32, #tpu.memory_space<vmem>> -> memref<4x4096xf32, #tpu.memory_space<vmem>>
        tpu.vector_store_idx %parallel_loop3A_984[%parallel_loop3A_474, %parallel_loop3A_979], %parallel_loop3A_975 : memref<4x4096xf32, #tpu.memory_space<vmem>>[vector<16xi32>, vector<16xi32>], vector<16xf32>,
        %parallel_loop3A_985 = arith.constant 448 : i32
        %parallel_loop3A_986 = vector.broadcast %parallel_loop3A_985 : i32 to vector<16xi32>
        %parallel_loop3A_987 = arith.addi %iota3A, %parallel_loop3A_986 : vector<16xi32>
        %parallel_loop3A_988 = arith.constant 1 : i32
        %parallel_loop3A_989 = arith.constant 0 : i32
        %parallel_loop3A_990 = arith.constant 0 : i32
        %parallel_loop3A_991 = tpu.memref_slice %arg6[%parallel_loop3A_988, %parallel_loop3A_989, %parallel_loop3A_990] : memref<2x512x32xf32, #tpu.memory_space<vmem>> -> memref<1x512x32xf32, #tpu.memory_space<vmem>>
        %parallel_loop3A_992 = tpu.memref_squeeze %parallel_loop3A_991 : memref<1x512x32xf32, #tpu.memory_space<vmem>> -> memref<512x32xf32, #tpu.memory_space<vmem>>
        %parallel_loop3A_993 = tpu.vector_load_idx %parallel_loop3A_992[%parallel_loop3A_987, %parallel_loop3A_471] : memref<512x32xf32, #tpu.memory_space<vmem>>[vector<16xi32>, vector<16xi32>], vector<16xf32>,
        %parallel_loop3A_994 = arith.constant 3072 : i32
        %parallel_loop3A_995 = vector.broadcast %parallel_loop3A_994 : i32 to vector<16xi32>
        %parallel_loop3A_996 = arith.addi %parallel_loop3A_480, %parallel_loop3A_995 : vector<16xi32>
        %parallel_loop3A_997 = arith.addi %parallel_loop3A_996, %add3A_17 : vector<16xi32>
        %parallel_loop3A_998 = arith.constant 1 : i32
        %parallel_loop3A_999 = arith.constant 0 : i32
        %parallel_loop3A_1000 = arith.constant 0 : i32
        %parallel_loop3A_1001 = tpu.memref_slice %arg7[%parallel_loop3A_998, %parallel_loop3A_999, %parallel_loop3A_1000] : memref<2x4x4096xf32, #tpu.memory_space<vmem>> -> memref<1x4x4096xf32, #tpu.memory_space<vmem>>
        %parallel_loop3A_1002 = tpu.memref_squeeze %parallel_loop3A_1001 : memref<1x4x4096xf32, #tpu.memory_space<vmem>> -> memref<4x4096xf32, #tpu.memory_space<vmem>>
        tpu.vector_store_idx %parallel_loop3A_1002[%parallel_loop3A_474, %parallel_loop3A_997], %parallel_loop3A_993 : memref<4x4096xf32, #tpu.memory_space<vmem>>[vector<16xi32>, vector<16xi32>], vector<16xf32>,
        %parallel_loop3A_1003 = arith.constant 464 : i32
        %parallel_loop3A_1004 = vector.broadcast %parallel_loop3A_1003 : i32 to vector<16xi32>
        %parallel_loop3A_1005 = arith.addi %iota3A, %parallel_loop3A_1004 : vector<16xi32>
        %parallel_loop3A_1006 = arith.constant 1 : i32
        %parallel_loop3A_1007 = arith.constant 0 : i32
        %parallel_loop3A_1008 = arith.constant 0 : i32
        %parallel_loop3A_1009 = tpu.memref_slice %arg6[%parallel_loop3A_1006, %parallel_loop3A_1007, %parallel_loop3A_1008] : memref<2x512x32xf32, #tpu.memory_space<vmem>> -> memref<1x512x32xf32, #tpu.memory_space<vmem>>
        %parallel_loop3A_1010 = tpu.memref_squeeze %parallel_loop3A_1009 : memref<1x512x32xf32, #tpu.memory_space<vmem>> -> memref<512x32xf32, #tpu.memory_space<vmem>>
        %parallel_loop3A_1011 = tpu.vector_load_idx %parallel_loop3A_1010[%parallel_loop3A_1005, %parallel_loop3A_471] : memref<512x32xf32, #tpu.memory_space<vmem>>[vector<16xi32>, vector<16xi32>], vector<16xf32>,
        %parallel_loop3A_1012 = arith.constant 3072 : i32
        %parallel_loop3A_1013 = vector.broadcast %parallel_loop3A_1012 : i32 to vector<16xi32>
        %parallel_loop3A_1014 = arith.addi %parallel_loop3A_480, %parallel_loop3A_1013 : vector<16xi32>
        %parallel_loop3A_1015 = arith.addi %parallel_loop3A_1014, %add3A_20 : vector<16xi32>
        %parallel_loop3A_1016 = arith.constant 1 : i32
        %parallel_loop3A_1017 = arith.constant 0 : i32
        %parallel_loop3A_1018 = arith.constant 0 : i32
        %parallel_loop3A_1019 = tpu.memref_slice %arg7[%parallel_loop3A_1016, %parallel_loop3A_1017, %parallel_loop3A_1018] : memref<2x4x4096xf32, #tpu.memory_space<vmem>> -> memref<1x4x4096xf32, #tpu.memory_space<vmem>>
        %parallel_loop3A_1020 = tpu.memref_squeeze %parallel_loop3A_1019 : memref<1x4x4096xf32, #tpu.memory_space<vmem>> -> memref<4x4096xf32, #tpu.memory_space<vmem>>
        tpu.vector_store_idx %parallel_loop3A_1020[%parallel_loop3A_474, %parallel_loop3A_1015], %parallel_loop3A_1011 : memref<4x4096xf32, #tpu.memory_space<vmem>>[vector<16xi32>, vector<16xi32>], vector<16xf32>,
        %parallel_loop3A_1021 = arith.constant 480 : i32
        %parallel_loop3A_1022 = vector.broadcast %parallel_loop3A_1021 : i32 to vector<16xi32>
        %parallel_loop3A_1023 = arith.addi %iota3A, %parallel_loop3A_1022 : vector<16xi32>
        %parallel_loop3A_1024 = arith.constant 1 : i32
        %parallel_loop3A_1025 = arith.constant 0 : i32
        %parallel_loop3A_1026 = arith.constant 0 : i32
        %parallel_loop3A_1027 = tpu.memref_slice %arg6[%parallel_loop3A_1024, %parallel_loop3A_1025, %parallel_loop3A_1026] : memref<2x512x32xf32, #tpu.memory_space<vmem>> -> memref<1x512x32xf32, #tpu.memory_space<vmem>>
        %parallel_loop3A_1028 = tpu.memref_squeeze %parallel_loop3A_1027 : memref<1x512x32xf32, #tpu.memory_space<vmem>> -> memref<512x32xf32, #tpu.memory_space<vmem>>
        %parallel_loop3A_1029 = tpu.vector_load_idx %parallel_loop3A_1028[%parallel_loop3A_1023, %parallel_loop3A_471] : memref<512x32xf32, #tpu.memory_space<vmem>>[vector<16xi32>, vector<16xi32>], vector<16xf32>,
        %parallel_loop3A_1030 = arith.constant 3072 : i32
        %parallel_loop3A_1031 = vector.broadcast %parallel_loop3A_1030 : i32 to vector<16xi32>
        %parallel_loop3A_1032 = arith.addi %parallel_loop3A_480, %parallel_loop3A_1031 : vector<16xi32>
        %parallel_loop3A_1033 = arith.addi %parallel_loop3A_1032, %add3A_23 : vector<16xi32>
        %parallel_loop3A_1034 = arith.constant 1 : i32
        %parallel_loop3A_1035 = arith.constant 0 : i32
        %parallel_loop3A_1036 = arith.constant 0 : i32
        %parallel_loop3A_1037 = tpu.memref_slice %arg7[%parallel_loop3A_1034, %parallel_loop3A_1035, %parallel_loop3A_1036] : memref<2x4x4096xf32, #tpu.memory_space<vmem>> -> memref<1x4x4096xf32, #tpu.memory_space<vmem>>
        %parallel_loop3A_1038 = tpu.memref_squeeze %parallel_loop3A_1037 : memref<1x4x4096xf32, #tpu.memory_space<vmem>> -> memref<4x4096xf32, #tpu.memory_space<vmem>>
        tpu.vector_store_idx %parallel_loop3A_1038[%parallel_loop3A_474, %parallel_loop3A_1033], %parallel_loop3A_1029 : memref<4x4096xf32, #tpu.memory_space<vmem>>[vector<16xi32>, vector<16xi32>], vector<16xf32>,
        %parallel_loop3A_1039 = arith.constant 496 : i32
        %parallel_loop3A_1040 = vector.broadcast %parallel_loop3A_1039 : i32 to vector<16xi32>
        %parallel_loop3A_1041 = arith.addi %iota3A, %parallel_loop3A_1040 : vector<16xi32>
        %parallel_loop3A_1042 = arith.constant 1 : i32
        %parallel_loop3A_1043 = arith.constant 0 : i32
        %parallel_loop3A_1044 = arith.constant 0 : i32
        %parallel_loop3A_1045 = tpu.memref_slice %arg6[%parallel_loop3A_1042, %parallel_loop3A_1043, %parallel_loop3A_1044] : memref<2x512x32xf32, #tpu.memory_space<vmem>> -> memref<1x512x32xf32, #tpu.memory_space<vmem>>
        %parallel_loop3A_1046 = tpu.memref_squeeze %parallel_loop3A_1045 : memref<1x512x32xf32, #tpu.memory_space<vmem>> -> memref<512x32xf32, #tpu.memory_space<vmem>>
        %parallel_loop3A_1047 = tpu.vector_load_idx %parallel_loop3A_1046[%parallel_loop3A_1041, %parallel_loop3A_471] : memref<512x32xf32, #tpu.memory_space<vmem>>[vector<16xi32>, vector<16xi32>], vector<16xf32>,
        %parallel_loop3A_1048 = arith.constant 3072 : i32
        %parallel_loop3A_1049 = vector.broadcast %parallel_loop3A_1048 : i32 to vector<16xi32>
        %parallel_loop3A_1050 = arith.addi %parallel_loop3A_480, %parallel_loop3A_1049 : vector<16xi32>
        %parallel_loop3A_1051 = arith.addi %parallel_loop3A_1050, %add3A_26 : vector<16xi32>
        %parallel_loop3A_1052 = arith.constant 1 : i32
        %parallel_loop3A_1053 = arith.constant 0 : i32
        %parallel_loop3A_1054 = arith.constant 0 : i32
        %parallel_loop3A_1055 = tpu.memref_slice %arg7[%parallel_loop3A_1052, %parallel_loop3A_1053, %parallel_loop3A_1054] : memref<2x4x4096xf32, #tpu.memory_space<vmem>> -> memref<1x4x4096xf32, #tpu.memory_space<vmem>>
        %parallel_loop3A_1056 = tpu.memref_squeeze %parallel_loop3A_1055 : memref<1x4x4096xf32, #tpu.memory_space<vmem>> -> memref<4x4096xf32, #tpu.memory_space<vmem>>
        tpu.vector_store_idx %parallel_loop3A_1056[%parallel_loop3A_474, %parallel_loop3A_1051], %parallel_loop3A_1047 : memref<4x4096xf32, #tpu.memory_space<vmem>>[vector<16xi32>, vector<16xi32>], vector<16xf32>,
      } {sc.loop_unroll_factor = 1 : i64, sc.parallel_access}
      %jit3A_420 = arith.constant 128 : i32
      %div3A_421 = arith.divsi %mul3A_2, %jit3A_420 : i32
      %sign3A_422 = arith.constant 0 : i32
      %sign3A_423 = arith.cmpi sgt, %mul3A_2, %sign3A_422 : i32
      %sign3A_424 = arith.extui %sign3A_423 : i1 to i32
      %sign3A_425 = arith.constant 0 : i32
      %sign3A_426 = arith.cmpi slt, %mul3A_2, %sign3A_425 : i32
      %sign3A_427 = arith.extui %sign3A_426 : i1 to i32
      %sign3A_428 = arith.subi %sign3A_424, %sign3A_427 : i32
      %sign3A_429 = arith.constant 0 : i32
      %sign3A_430 = arith.cmpi sgt, %jit3A_420, %sign3A_429 : i32
      %sign3A_431 = arith.extui %sign3A_430 : i1 to i32
      %sign3A_432 = arith.constant 0 : i32
      %sign3A_433 = arith.cmpi slt, %jit3A_420, %sign3A_432 : i32
      %sign3A_434 = arith.extui %sign3A_433 : i1 to i32
      %sign3A_435 = arith.subi %sign3A_431, %sign3A_434 : i32
      %ne3A_436 = arith.cmpi ne, %sign3A_428, %sign3A_435 : i32
      %rem3A_437 = arith.remsi %mul3A_2, %jit3A_420 : i32
      %ne3A_438 = arith.constant 0 : i32
      %ne3A_439 = arith.cmpi ne, %rem3A_437, %ne3A_438 : i32
      %and3A_440 = arith.andi %ne3A_436, %ne3A_439 : i1
      %sub3A_441 = arith.constant 1 : i32
      %sub3A_442 = arith.subi %div3A_421, %sub3A_441 : i32
      %select_n3A_443 = arith.select %and3A_440, %sub3A_442, %div3A_421 : i32
      %mul3A_444 = arith.constant 1024 : i32
      %mul3A_445 = arith.muli %select_n3A_443, %mul3A_444 : i32
      %dma_start3A_446 = arith.constant 1 : i32
      %dma_start3A_447 = arith.constant 0 : i32
      %dma_start3A_448 = arith.constant 0 : i32
      %dma_start3A_449 = tpu.memref_slice %arg7[%dma_start3A_446, %dma_start3A_447, %dma_start3A_448] : memref<2x4x4096xf32, #tpu.memory_space<vmem>> -> memref<1x4x4096xf32, #tpu.memory_space<vmem>>
      %dma_start3A_450 = tpu.memref_squeeze %dma_start3A_449 : memref<1x4x4096xf32, #tpu.memory_space<vmem>> -> memref<4x4096xf32, #tpu.memory_space<vmem>>
      %dma_start3A_451 = arith.constant 0 : i32
      %dma_start3A_452 = tpu.memref_slice %arg4[%add3A_358, %dma_start3A_451, %mul3A_445] : memref<200x4x131072xf32, #tpu.memory_space<hbm>> -> memref<1x4x4096xf32, #tpu.memory_space<hbm>>
      %dma_start3A_453 = tpu.memref_squeeze %dma_start3A_452 : memref<1x4x4096xf32, #tpu.memory_space<hbm>> -> memref<4x4096xf32, #tpu.memory_space<hbm>>
      %dma_start3A_454 = arith.constant 0 : i32
      %dma_start3A_455 = tpu.memref_slice %arg4[%add3A_358, %dma_start3A_454, %mul3A_445] : memref<200x4x131072xf32, #tpu.memory_space<hbm>> -> memref<1x4x4096xf32, #tpu.memory_space<hbm>>
      %dma_start3A_456 = tpu.memref_squeeze %dma_start3A_455 : memref<1x4x4096xf32, #tpu.memory_space<hbm>> -> memref<4x4096xf32, #tpu.memory_space<hbm>>
      %dma_start3A_457 = arith.constant 0 : i32
      %dma_start3A_458 = arith.constant 0 : i32
      %dma_start3A_459 = tpu.memref_slice %arg7[%dma_start3A_446, %dma_start3A_457, %dma_start3A_458] : memref<2x4x4096xf32, #tpu.memory_space<vmem>> -> memref<1x4x4096xf32, #tpu.memory_space<vmem>>
      %dma_start3A_460 = tpu.memref_squeeze %dma_start3A_459 : memref<1x4x4096xf32, #tpu.memory_space<vmem>> -> memref<4x4096xf32, #tpu.memory_space<vmem>>
      tpu.enqueue_dma source(%dma_start3A_460 : memref<4x4096xf32, #tpu.memory_space<vmem>>) target(%dma_start3A_456 : memref<4x4096xf32, #tpu.memory_space<hbm>>) target_semaphore(%arg11 : memref<!tpu.dma_semaphore, #tpu.memory_space<semaphore_mem>>)
      %lt3A_461 = arith.constant 99 : i32
      %lt3A_462 = arith.cmpi slt, %scan3A_250, %lt3A_461 : i32
      %convert_element_type3A_463 = arith.extui %lt3A_462 : i1 to i32
      %cond3A_464 = arith.constant 0 : i32
      %cond3A_465 = arith.cmpi ne, %convert_element_type3A_463, %cond3A_464 : i32
      scf.if %cond3A_465 {
        %dma_wait3A_466 = arith.constant 0 : i32
        %dma_wait3A_467 = arith.constant 1 : i32
        %dma_wait3A_468 = arith.constant 0 : i32
        %dma_wait3A_469 = tpu.memref_slice %arg5[%dma_wait3A_467, %dma_wait3A_468] : memref<2x512xi32, #tpu.memory_space<vmem>> -> memref<1x512xi32, #tpu.memory_space<vmem>>
        %dma_wait3A_470 = tpu.memref_squeeze %dma_wait3A_469 : memref<1x512xi32, #tpu.memory_space<vmem>> -> memref<512xi32, #tpu.memory_space<vmem>>
        %dma_wait3A_471 = tpu.memref_slice %arg3[%dma_wait3A_466, %mul3A_2] : memref<200x16384xi32, #tpu.memory_space<hbm>> -> memref<1x512xi32, #tpu.memory_space<hbm>>
        %dma_wait3A_472 = tpu.memref_squeeze %dma_wait3A_471 : memref<1x512xi32, #tpu.memory_space<hbm>> -> memref<512xi32, #tpu.memory_space<hbm>>
        %dma_wait3A_473 = arith.constant 0 : i32
        %dma_wait3A_474 = tpu.memref_slice %arg5[%dma_wait3A_467, %dma_wait3A_473] : memref<2x512xi32, #tpu.memory_space<vmem>> -> memref<1x512xi32, #tpu.memory_space<vmem>>
        %dma_wait3A_475 = tpu.memref_squeeze %dma_wait3A_474 : memref<1x512xi32, #tpu.memory_space<vmem>> -> memref<512xi32, #tpu.memory_space<vmem>>
        %dma_wait3A_476 = tpu.memref_slice %arg3[%dma_wait3A_466, %mul3A_2] : memref<200x16384xi32, #tpu.memory_space<hbm>> -> memref<1x512xi32, #tpu.memory_space<hbm>>
        %dma_wait3A_477 = tpu.memref_squeeze %dma_wait3A_476 : memref<1x512xi32, #tpu.memory_space<hbm>> -> memref<512xi32, #tpu.memory_space<hbm>>
        tpu.wait_dma2 semaphore(%arg13 : memref<!tpu.dma_semaphore, #tpu.memory_space<semaphore_mem>>) src(%dma_wait3A_477 : memref<512xi32, #tpu.memory_space<hbm>>) dst(%dma_wait3A_475 : memref<512xi32, #tpu.memory_space<vmem>>)
        %dma_start3A_478 = arith.constant 1 : i32
        %dma_start3A_479 = arith.constant 1 : i32
        %dma_start3A_480 = arith.constant 0 : i32
        %dma_start3A_481 = arith.constant 0 : i32
        %dma_start3A_482 = tpu.memref_slice %arg6[%dma_start3A_479, %dma_start3A_480, %dma_start3A_481] : memref<2x512x32xf32, #tpu.memory_space<vmem>> -> memref<1x128x32xf32, #tpu.memory_space<vmem>>
        %dma_start3A_483 = tpu.memref_squeeze %dma_start3A_482 : memref<1x128x32xf32, #tpu.memory_space<vmem>> -> memref<128x32xf32, #tpu.memory_space<vmem>>
        %dma_start3A_484 = arith.constant 0 : i32
        %dma_start3A_485 = tpu.memref_slice %arg5[%dma_start3A_478, %dma_start3A_484] : memref<2x512xi32, #tpu.memory_space<vmem>> -> memref<1x128xi32, #tpu.memory_space<vmem>>
        %dma_start3A_486 = tpu.memref_squeeze %dma_start3A_485 : memref<1x128xi32, #tpu.memory_space<vmem>> -> memref<128xi32, #tpu.memory_space<vmem>>
        %dma_start3A_487 = arith.constant 0 : i32
        %dma_start3A_488 = arith.constant 0 : i32
        %dma_start3A_489 = tpu.memref_slice %arg2[%dma_start3A_487, %dma_start3A_488] : memref<1000000x32xf32, #tpu.memory_space<hbm>> -> memref<1000000x32xf32, #tpu.memory_space<hbm>>
        tpu.enqueue_indirect_dma source(%dma_start3A_489 : memref<1000000x32xf32, #tpu.memory_space<hbm>>) target(%dma_start3A_483 : memref<128x32xf32, #tpu.memory_space<vmem>>) offsets(%dma_start3A_486 : memref<128xi32, #tpu.memory_space<vmem>>) semaphore(%arg9 : memref<!tpu.dma_semaphore, #tpu.memory_space<semaphore_mem>>)
        %dma_start3A_490 = arith.constant 1 : i32
        %dma_start3A_491 = arith.constant 1 : i32
        %dma_start3A_492 = arith.constant 128 : i32
        %dma_start3A_493 = arith.constant 0 : i32
        %dma_start3A_494 = tpu.memref_slice %arg6[%dma_start3A_491, %dma_start3A_492, %dma_start3A_493] : memref<2x512x32xf32, #tpu.memory_space<vmem>> -> memref<1x128x32xf32, #tpu.memory_space<vmem>>
        %dma_start3A_495 = tpu.memref_squeeze %dma_start3A_494 : memref<1x128x32xf32, #tpu.memory_space<vmem>> -> memref<128x32xf32, #tpu.memory_space<vmem>>
        %dma_start3A_496 = arith.constant 128 : i32
        %dma_start3A_497 = tpu.memref_slice %arg5[%dma_start3A_490, %dma_start3A_496] : memref<2x512xi32, #tpu.memory_space<vmem>> -> memref<1x128xi32, #tpu.memory_space<vmem>>
        %dma_start3A_498 = tpu.memref_squeeze %dma_start3A_497 : memref<1x128xi32, #tpu.memory_space<vmem>> -> memref<128xi32, #tpu.memory_space<vmem>>
        %dma_start3A_499 = arith.constant 0 : i32
        %dma_start3A_500 = arith.constant 0 : i32
        %dma_start3A_501 = tpu.memref_slice %arg2[%dma_start3A_499, %dma_start3A_500] : memref<1000000x32xf32, #tpu.memory_space<hbm>> -> memref<1000000x32xf32, #tpu.memory_space<hbm>>
        tpu.enqueue_indirect_dma source(%dma_start3A_501 : memref<1000000x32xf32, #tpu.memory_space<hbm>>) target(%dma_start3A_495 : memref<128x32xf32, #tpu.memory_space<vmem>>) offsets(%dma_start3A_498 : memref<128xi32, #tpu.memory_space<vmem>>) semaphore(%arg9 : memref<!tpu.dma_semaphore, #tpu.memory_space<semaphore_mem>>)
        %dma_start3A_502 = arith.constant 1 : i32
        %dma_start3A_503 = arith.constant 1 : i32
        %dma_start3A_504 = arith.constant 256 : i32
        %dma_start3A_505 = arith.constant 0 : i32
        %dma_start3A_506 = tpu.memref_slice %arg6[%dma_start3A_503, %dma_start3A_504, %dma_start3A_505] : memref<2x512x32xf32, #tpu.memory_space<vmem>> -> memref<1x128x32xf32, #tpu.memory_space<vmem>>
        %dma_start3A_507 = tpu.memref_squeeze %dma_start3A_506 : memref<1x128x32xf32, #tpu.memory_space<vmem>> -> memref<128x32xf32, #tpu.memory_space<vmem>>
        %dma_start3A_508 = arith.constant 256 : i32
        %dma_start3A_509 = tpu.memref_slice %arg5[%dma_start3A_502, %dma_start3A_508] : memref<2x512xi32, #tpu.memory_space<vmem>> -> memref<1x128xi32, #tpu.memory_space<vmem>>
        %dma_start3A_510 = tpu.memref_squeeze %dma_start3A_509 : memref<1x128xi32, #tpu.memory_space<vmem>> -> memref<128xi32, #tpu.memory_space<vmem>>
        %dma_start3A_511 = arith.constant 0 : i32
        %dma_start3A_512 = arith.constant 0 : i32
        %dma_start3A_513 = tpu.memref_slice %arg2[%dma_start3A_511, %dma_start3A_512] : memref<1000000x32xf32, #tpu.memory_space<hbm>> -> memref<1000000x32xf32, #tpu.memory_space<hbm>>
        tpu.enqueue_indirect_dma source(%dma_start3A_513 : memref<1000000x32xf32, #tpu.memory_space<hbm>>) target(%dma_start3A_507 : memref<128x32xf32, #tpu.memory_space<vmem>>) offsets(%dma_start3A_510 : memref<128xi32, #tpu.memory_space<vmem>>) semaphore(%arg9 : memref<!tpu.dma_semaphore, #tpu.memory_space<semaphore_mem>>)
        %dma_start3A_514 = arith.constant 1 : i32
        %dma_start3A_515 = arith.constant 1 : i32
        %dma_start3A_516 = arith.constant 384 : i32
        %dma_start3A_517 = arith.constant 0 : i32
        %dma_start3A_518 = tpu.memref_slice %arg6[%dma_start3A_515, %dma_start3A_516, %dma_start3A_517] : memref<2x512x32xf32, #tpu.memory_space<vmem>> -> memref<1x128x32xf32, #tpu.memory_space<vmem>>
        %dma_start3A_519 = tpu.memref_squeeze %dma_start3A_518 : memref<1x128x32xf32, #tpu.memory_space<vmem>> -> memref<128x32xf32, #tpu.memory_space<vmem>>
        %dma_start3A_520 = arith.constant 384 : i32
        %dma_start3A_521 = tpu.memref_slice %arg5[%dma_start3A_514, %dma_start3A_520] : memref<2x512xi32, #tpu.memory_space<vmem>> -> memref<1x128xi32, #tpu.memory_space<vmem>>
        %dma_start3A_522 = tpu.memref_squeeze %dma_start3A_521 : memref<1x128xi32, #tpu.memory_space<vmem>> -> memref<128xi32, #tpu.memory_space<vmem>>
        %dma_start3A_523 = arith.constant 0 : i32
        %dma_start3A_524 = arith.constant 0 : i32
        %dma_start3A_525 = tpu.memref_slice %arg2[%dma_start3A_523, %dma_start3A_524] : memref<1000000x32xf32, #tpu.memory_space<hbm>> -> memref<1000000x32xf32, #tpu.memory_space<hbm>>
        tpu.enqueue_indirect_dma source(%dma_start3A_525 : memref<1000000x32xf32, #tpu.memory_space<hbm>>) target(%dma_start3A_519 : memref<128x32xf32, #tpu.memory_space<vmem>>) offsets(%dma_start3A_522 : memref<128xi32, #tpu.memory_space<vmem>>) semaphore(%arg9 : memref<!tpu.dma_semaphore, #tpu.memory_space<semaphore_mem>>)
      } else {
      }
    }
    %scan3A_173 = arith.constant 100 : i32
    %jit3A = arith.constant 128 : i32
    %div3A = arith.divsi %mul3A_2, %jit3A : i32
    %sign3A = arith.constant 0 : i32
    %sign3A_174 = arith.cmpi sgt, %mul3A_2, %sign3A : i32
    %sign3A_175 = arith.extui %sign3A_174 : i1 to i32
    %sign3A_176 = arith.constant 0 : i32
    %sign3A_177 = arith.cmpi slt, %mul3A_2, %sign3A_176 : i32
    %sign3A_178 = arith.extui %sign3A_177 : i1 to i32
    %sign3A_179 = arith.subi %sign3A_175, %sign3A_178 : i32
    %sign3A_180 = arith.constant 0 : i32
    %sign3A_181 = arith.cmpi sgt, %jit3A, %sign3A_180 : i32
    %sign3A_182 = arith.extui %sign3A_181 : i1 to i32
    %sign3A_183 = arith.constant 0 : i32
    %sign3A_184 = arith.cmpi slt, %jit3A, %sign3A_183 : i32
    %sign3A_185 = arith.extui %sign3A_184 : i1 to i32
    %sign3A_186 = arith.subi %sign3A_182, %sign3A_185 : i32
    %ne3A = arith.cmpi ne, %sign3A_179, %sign3A_186 : i32
    %rem3A = arith.remsi %mul3A_2, %jit3A : i32
    %ne3A_187 = arith.constant 0 : i32
    %ne3A_188 = arith.cmpi ne, %rem3A, %ne3A_187 : i32
    %and3A = arith.andi %ne3A, %ne3A_188 : i1
    %sub3A = arith.constant 1 : i32
    %sub3A_189 = arith.subi %div3A, %sub3A : i32
    %select_n3A = arith.select %and3A, %sub3A_189, %div3A : i32
    %mul3A_190 = arith.constant 1024 : i32
    %mul3A_191 = arith.muli %select_n3A, %mul3A_190 : i32
    %dma_wait3A_192 = arith.constant 0 : i32
    %dma_wait3A_193 = arith.constant 0 : i32
    %dma_wait3A_194 = arith.constant 0 : i32
    %dma_wait3A_195 = arith.constant 0 : i32
    %dma_wait3A_196 = tpu.memref_slice %arg7[%dma_wait3A_192, %dma_wait3A_194, %dma_wait3A_195] : memref<2x4x4096xf32, #tpu.memory_space<vmem>> -> memref<1x4x4096xf32, #tpu.memory_space<vmem>>
    %dma_wait3A_197 = tpu.memref_squeeze %dma_wait3A_196 : memref<1x4x4096xf32, #tpu.memory_space<vmem>> -> memref<4x4096xf32, #tpu.memory_space<vmem>>
    %dma_wait3A_198 = arith.constant 0 : i32
    %dma_wait3A_199 = tpu.memref_slice %arg4[%dma_wait3A_193, %dma_wait3A_198, %mul3A_191] : memref<200x4x131072xf32, #tpu.memory_space<hbm>> -> memref<1x4x4096xf32, #tpu.memory_space<hbm>>
    %dma_wait3A_200 = tpu.memref_squeeze %dma_wait3A_199 : memref<1x4x4096xf32, #tpu.memory_space<hbm>> -> memref<4x4096xf32, #tpu.memory_space<hbm>>
    %dma_wait3A_201 = arith.constant 0 : i32
    %dma_wait3A_202 = tpu.memref_slice %arg4[%dma_wait3A_193, %dma_wait3A_201, %mul3A_191] : memref<200x4x131072xf32, #tpu.memory_space<hbm>> -> memref<1x4x4096xf32, #tpu.memory_space<hbm>>
    %dma_wait3A_203 = tpu.memref_squeeze %dma_wait3A_202 : memref<1x4x4096xf32, #tpu.memory_space<hbm>> -> memref<4x4096xf32, #tpu.memory_space<hbm>>
    %dma_wait3A_204 = arith.constant 0 : i32
    %dma_wait3A_205 = arith.constant 0 : i32
    %dma_wait3A_206 = tpu.memref_slice %arg7[%dma_wait3A_192, %dma_wait3A_204, %dma_wait3A_205] : memref<2x4x4096xf32, #tpu.memory_space<vmem>> -> memref<1x4x4096xf32, #tpu.memory_space<vmem>>
    %dma_wait3A_207 = tpu.memref_squeeze %dma_wait3A_206 : memref<1x4x4096xf32, #tpu.memory_space<vmem>> -> memref<4x4096xf32, #tpu.memory_space<vmem>>
    tpu.wait_dma2 semaphore(%arg10 : memref<!tpu.dma_semaphore, #tpu.memory_space<semaphore_mem>>) src(%dma_wait3A_207 : memref<4x4096xf32, #tpu.memory_space<vmem>>) dst(%dma_wait3A_203 : memref<4x4096xf32, #tpu.memory_space<hbm>>)
    %jit3A_208 = arith.constant 128 : i32
    %div3A_209 = arith.divsi %mul3A_2, %jit3A_208 : i32
    %sign3A_210 = arith.constant 0 : i32
    %sign3A_211 = arith.cmpi sgt, %mul3A_2, %sign3A_210 : i32
    %sign3A_212 = arith.extui %sign3A_211 : i1 to i32
    %sign3A_213 = arith.constant 0 : i32
    %sign3A_214 = arith.cmpi slt, %mul3A_2, %sign3A_213 : i32
    %sign3A_215 = arith.extui %sign3A_214 : i1 to i32
    %sign3A_216 = arith.subi %sign3A_212, %sign3A_215 : i32
    %sign3A_217 = arith.constant 0 : i32
    %sign3A_218 = arith.cmpi sgt, %jit3A_208, %sign3A_217 : i32
    %sign3A_219 = arith.extui %sign3A_218 : i1 to i32
    %sign3A_220 = arith.constant 0 : i32
    %sign3A_221 = arith.cmpi slt, %jit3A_208, %sign3A_220 : i32
    %sign3A_222 = arith.extui %sign3A_221 : i1 to i32
    %sign3A_223 = arith.subi %sign3A_219, %sign3A_222 : i32
    %ne3A_224 = arith.cmpi ne, %sign3A_216, %sign3A_223 : i32
    %rem3A_225 = arith.remsi %mul3A_2, %jit3A_208 : i32
    %ne3A_226 = arith.constant 0 : i32
    %ne3A_227 = arith.cmpi ne, %rem3A_225, %ne3A_226 : i32
    %and3A_228 = arith.andi %ne3A_224, %ne3A_227 : i1
    %sub3A_229 = arith.constant 1 : i32
    %sub3A_230 = arith.subi %div3A_209, %sub3A_229 : i32
    %select_n3A_231 = arith.select %and3A_228, %sub3A_230, %div3A_209 : i32
    %mul3A_232 = arith.constant 1024 : i32
    %mul3A_233 = arith.muli %select_n3A_231, %mul3A_232 : i32
    %dma_wait3A_234 = arith.constant 1 : i32
    %dma_wait3A_235 = arith.constant 0 : i32
    %dma_wait3A_236 = arith.constant 0 : i32
    %dma_wait3A_237 = arith.constant 0 : i32
    %dma_wait3A_238 = tpu.memref_slice %arg7[%dma_wait3A_234, %dma_wait3A_236, %dma_wait3A_237] : memref<2x4x4096xf32, #tpu.memory_space<vmem>> -> memref<1x4x4096xf32, #tpu.memory_space<vmem>>
    %dma_wait3A_239 = tpu.memref_squeeze %dma_wait3A_238 : memref<1x4x4096xf32, #tpu.memory_space<vmem>> -> memref<4x4096xf32, #tpu.memory_space<vmem>>
    %dma_wait3A_240 = arith.constant 0 : i32
    %dma_wait3A_241 = tpu.memref_slice %arg4[%dma_wait3A_235, %dma_wait3A_240, %mul3A_233] : memref<200x4x131072xf32, #tpu.memory_space<hbm>> -> memref<1x4x4096xf32, #tpu.memory_space<hbm>>
    %dma_wait3A_242 = tpu.memref_squeeze %dma_wait3A_241 : memref<1x4x4096xf32, #tpu.memory_space<hbm>> -> memref<4x4096xf32, #tpu.memory_space<hbm>>
    %dma_wait3A_243 = arith.constant 0 : i32
    %dma_wait3A_244 = tpu.memref_slice %arg4[%dma_wait3A_235, %dma_wait3A_243, %mul3A_233] : memref<200x4x131072xf32, #tpu.memory_space<hbm>> -> memref<1x4x4096xf32, #tpu.memory_space<hbm>>
    %dma_wait3A_245 = tpu.memref_squeeze %dma_wait3A_244 : memref<1x4x4096xf32, #tpu.memory_space<hbm>> -> memref<4x4096xf32, #tpu.memory_space<hbm>>
    %dma_wait3A_246 = arith.constant 0 : i32
    %dma_wait3A_247 = arith.constant 0 : i32
    %dma_wait3A_248 = tpu.memref_slice %arg7[%dma_wait3A_234, %dma_wait3A_246, %dma_wait3A_247] : memref<2x4x4096xf32, #tpu.memory_space<vmem>> -> memref<1x4x4096xf32, #tpu.memory_space<vmem>>
    %dma_wait3A_249 = tpu.memref_squeeze %dma_wait3A_248 : memref<1x4x4096xf32, #tpu.memory_space<vmem>> -> memref<4x4096xf32, #tpu.memory_space<vmem>>
    tpu.wait_dma2 semaphore(%arg11 : memref<!tpu.dma_semaphore, #tpu.memory_space<semaphore_mem>>) src(%dma_wait3A_249 : memref<4x4096xf32, #tpu.memory_space<vmem>>) dst(%dma_wait3A_245 : memref<4x4096xf32, #tpu.memory_space<hbm>>)
    return
  }
}

</mosaic_0001>

<sc_bundles>
// kernel: kernel.3.cloned.1.call-start
scs
__scs_entry_jumppad:
0x0: {  	(pc) =	sbr.rel $0x88, $3  }
0x1: {  	(tag) =	ssettag $0x0;
	lr =	simm.s32 $0x1  }
0x2: {  	[smem:$0x3F9F] =	sst lr;
	_ =	strace $0xD0000000  }
0x3: {  	_ = 	snop  }
0x4: {  	_ = 	snop  }
0x5: {  	_ = 	snop  }
0x6: {  	_ = 	snop  }
0x7: {  	_ = 	snop  }
__scs_overlays_trampoline_lowered:
0x8: {  	[smem:$0x3FAE] =	sst s0  }
0x9: {  	[smem:$0x3FAF] =	sst s1  }
0xa: {  	[smem:$0x3FB0] =	sst s2  }
0xb: {  	[smem:$0x3FB1] =	sst s3  }
0xc: {  	[smem:$0x3FB2] =	sst s4  }
0xd: {  	[smem:$0x3FB3] =	sst s5  }
0xe: {  	[smem:$0x3FB4] =	sst s6  }
0xf: {  	[smem:$0x3FB5] =	sst s7  }
0x10: {  	[smem:$0x3FB6] =	sst s8  }
0x11: {  	[smem:$0x3FB7] =	sst s9;
	s0 =	simm.s32 @!p0 $0x0  }
0x12: {  	s1 =	sld [smem:$0x3F9D];
	s0 =	simm.s32 @p0 $0x1  }
0x13: {  	[smem:$0x3FB8] =	sst s0;
	s0 =	simm.s32 @!p1 $0x0  }
0x14: {  	s2 =	sld [smem:$0x3F9C];
	s0 =	simm.s32 @p1 $0x1  }
0x15: {  	[smem:$0x3FB9] =	sst s0;
	s0 =	simm.s32 @!p2 $0x0  }
0x16: {  	s3 =	sld [smem:$0x3FDB];
	s0 =	simm.s32 @p2 $0x1  }
0x17: {  	s4 =	simm.s32 $0x1BF5;
	[smem:$0x3FBB] =	sst s0  }
0x18: {  	s0 =	sld [smem:$0x3F9E];
	_ =	swait.ge [sflag:s4], $0x0  }
0x19: {  	s7 =	sld [smem:$0x3F9F]  }
0x1a: {  	s8 =	sadd.s32 $0xFFFFE003, lr  }
0x1b: {  	s9 =	sadd.s32 $0xFFFFFEF7, lr;
	s5 =	simm.s32 $0xFFFFFFFF;
	p2 =	slt.u32 s8, $0xFFFFF086  }
0x1c: {  	p1 =	slt.u32 s9, $0xF7A;
	s5 =	simm.s32 @!p2 $0x0  }
0x1d: {  	s5 =	simm.s32 @p1 $0x1;
	p0 =	seq.s32 s7, s2  }
0x1e: {  	s7 =	smul.u32 @!p0 $0xF7A, s2;
	p2 =	seq.s32 @!p0 s5, $0x0  }
0x1f: {  	s9 =	smul.u32 $0xF7A, s1;
	s8 =	simm.s32 @!p0 $0x1BF5;
	p2 =	por !p2, p0  }
0x20: {  	[sflag:s8] =	ssyncset.s32 @!p0 $0xFFFFF086;
	s6 =	sadd.s32 @!p0 s3, s7;
	s7 =	simm.s32 @!p0 $0x108  }
0x21: {  	s3 =	sadd.s32 s3, s9;
	s6 =	sadd.s32 @!p0 $0x88, s6;
	s7 =	simm.s32 @p2 $0x1082  }
0x22: {  	[simem:s7], [sflag:s8] =	dma.local @!p0 [hbm:s6], $0xF7A  }
0x23: {  	s9 =	sor.u32 $0xD0000000, s2;
	s6 =	simm.s32 $0x108;
	_ =	swait.ge @!p0 [sflag:s8], $0x0  }
0x24: {  	s3 =	sadd.s32 $0x88, s3;
	s6 =	simm.s32 @!p1 $0x1082;
	[sflag:s4] =	ssyncset.s32 $0xFFFFF086  }
0x25: {  	[simem:s6], [sflag:s4] =	dma.local [hbm:s3], $0xF7A  }
0x26: {  	[smem:$0x3F9F] =	sst s1;
	(tag) =	ssettag s2;
	_ =	strace s9  }
0x27: {  	s1 =	sld [smem:$0x3FAF]  }
0x28: {  	s2 =	sld [smem:$0x3FB0]  }
0x29: {  	s4 =	sld [smem:$0x3FB2]  }
0x2a: {  	p0 =	seq.s32 s5, $0x0;
	s5 =	sld [smem:$0x3FB3]  }
0x2b: {  	s6 =	sld [smem:$0x3FB4]  }
0x2c: {  	s7 =	sld [smem:$0x3FB5]  }
0x2d: {  	s3 =	simm.s32 $0x108;
	s8 =	sld [smem:$0x3FB6]  }
0x2e: {  	s3 =	simm.s32 @!p0 $0x1082;
	s9 =	sld [smem:$0x3FB7]  }
0x2f: {  	lr =	sadd.s32 s0, s3;
	s0 =	sld [smem:$0x3FAE]  }
0x30: {  	s3 =	sld [smem:$0x3FB1]  }
0x31: {  	[smem:$0x3FBA] =	sst s10  }
0x32: {  	s10 =	sld [smem:$0x3FB8];
	_ =	sdelay $0x3  }
0x33: {  	p0 =	seq.s32 s10, $0x1;
	s10 =	sld [smem:$0x3FBA];
	_ =	sdelay $0x3  }
0x34: {  	[smem:$0x3FBA] =	sst s10  }
0x35: {  	s10 =	sld [smem:$0x3FB9];
	_ =	sdelay $0x3  }
0x36: {  	p1 =	seq.s32 s10, $0x1;
	s10 =	sld [smem:$0x3FBA];
	_ =	sdelay $0x3  }
0x37: {  	[smem:$0x3FBA] =	sst s10  }
0x38: {  	s10 =	sld [smem:$0x3FBB]  }
0x39: {  	_ = 	snop;
	(pc) =	sbr.ind lr, $3  }
0x3a: {  	_ = 	snop  }
0x3b: {  	_ = 	snop  }
0x3c: {  	p2 =	seq.s32 s10, $0x1;
	s10 =	sld [smem:$0x3FBA]  }
0x3d: {  	_ =	shalt  }
0x3e: {  	_ =	shalt  }
0x3f: {  	_ =	shalt  }
0x40: {  	_ =	shalt  }
0x41: {  	_ =	shalt  }
0x42: {  	_ =	shalt  }
0x43: {  	_ =	shalt  }
0x44: {  	_ =	shalt  }
0x45: {  	_ =	shalt  }
0x46: {  	_ =	shalt  }
0x47: {  	_ =	shalt  }
0x48: {  	_ =	shalt  }
0x49: {  	_ =	shalt  }
0x4a: {  	_ =	shalt  }
0x4b: {  	_ =	shalt  }
0x4c: {  	_ =	shalt  }
0x4d: {  	_ =	shalt  }
0x4e: {  	_ =	shalt  }
0x4f: {  	_ =	shalt  }
0x50: {  	_ =	shalt  }
0x51: {  	_ =	shalt  }
0x52: {  	_ =	shalt  }
0x53: {  	_ =	shalt  }
0x54: {  	_ =	shalt  }
0x55: {  	_ =	shalt  }
0x56: {  	_ =	shalt  }
0x57: {  	_ =	shalt  }
0x58: {  	_ =	shalt  }
0x59: {  	_ =	shalt  }
0x5a: {  	_ =	shalt  }
0x5b: {  	_ =	shalt  }
0x5c: {  	_ =	shalt  }
0x5d: {  	_ =	shalt  }
0x5e: {  	_ =	shalt  }
0x5f: {  	_ =	shalt  }
0x60: {  	_ =	shalt  }
0x61: {  	_ =	shalt  }
0x62: {  	_ =	shalt  }
0x63: {  	_ =	shalt  }
0x64: {  	_ =	shalt  }
0x65: {  	_ =	shalt  }
0x66: {  	_ =	shalt  }
0x67: {  	_ =	shalt  }
0x68: {  	_ =	shalt  }
0x69: {  	_ =	shalt  }
0x6a: {  	_ =	shalt  }
0x6b: {  	_ =	shalt  }
0x6c: {  	_ =	shalt  }
0x6d: {  	_ =	shalt  }
0x6e: {  	_ =	shalt  }
0x6f: {  	_ =	shalt  }
0x70: {  	_ =	shalt  }
0x71: {  	_ =	shalt  }
0x72: {  	_ =	shalt  }
0x73: {  	_ =	shalt  }
0x74: {  	_ =	shalt  }
0x75: {  	_ =	shalt  }
0x76: {  	_ =	shalt  }
0x77: {  	_ =	shalt  }
0x78: {  	_ =	shalt  }
0x79: {  	_ =	shalt  }
0x7a: {  	_ =	shalt  }
0x7b: {  	_ =	shalt  }
0x7c: {  	_ =	shalt  }
0x7d: {  	_ =	shalt  }
0x7e: {  	_ =	shalt  }
0x7f: {  	_ =	shalt  }
0x80: {  	_ =	shalt  }
0x81: {  	_ =	shalt  }
0x82: {  	_ =	shalt  }
0x83: {  	_ =	shalt  }
0x84: {  	_ =	shalt  }
0x85: {  	_ =	shalt  }
0x86: {  	_ =	shalt  }
0x87: {  	_ =	shalt  }
.Lfunc_end0:
.L_simem_size_0:
called_computation_lowered:
.L_overlay_start_0:
0x88: {  	s2 =	sld [smem:$0x3FD9]  }
0x89: {  	s3 =	sld [smem:$0x3FFE];
	_ =	sdelay $0x1  }
0x8a: {  	s1 =	srdreg.scid  }
0x8b: {  	s0 =	sand.u32 $0x1, s1  }
0x8c: {  	s17 =	sshll.u32 s0, $0xA;
	s2 =	sadd.s32 s3, s2  }
0x8d: {  	s2 =	sadd.s32 s2, s17  }
0x8e: {  	[smem:$0x3FC6] =	sst s2  }
0x8f: {  	_ = 	snop  }
0x90: {  	s2 =	sld [smem:$0x3FD0];
	(tm) =	ssettm $0x1  }
0x91: {  	s18 =	sld [smem:$0x3FFB];
	_ =	sdelay $0x3  }
0x92: {  	_ =	strace s18  }
0x93: {  	s3 =	sld [smem:$0x3FFC];
	_ =	sdelay $0x3  }
0x94: {  	_ =	strace s3  }
0x95: {  	s3 =	sld [smem:$0x3FFD];
	_ =	sdelay $0x3  }
0x96: {  	_ =	strace s3  }
0x97: {  	_ =	strace $0x8FFFFFFF  }
0x98: {  	s19 =	sld [smem:$0x3FDB];
	_ =	sdelay $0x1  }
0x99: {  	s4 =	simm.s32 $_scs_section_size  }
0x9a: {  	s5 =	simm.s32 $_size__tile_overlayer_lowered;
	s6 =	simm.s32 $_tile_overlayer_lowered  }
0x9b: {  	s22 =	simm.s32 $0x1BFF;
	s21 =	sshll.u32 s6, $0x1;
	s3 =	sadd.s32 s4, s19  }
0x9c: {  	s7 =	simm.s32 $0x0;
	s20 =	sshll.u32 s5, $0x1;
	s5 =	sadd.s32 s21, s3  }
0x9d: {  	[timem:s7], [sflag:s22] =	dma.local [hbm:s5], s20  }
0x9e: {  	_ =	swait.ge [sflag:s22], s20  }
0x9f: {  	s4 =	ssub.s32 $0x0, s20;
	[sflag:s22] =	ssyncset.done $0x0  }
0xa0: {  	[sflag:s22] =	ssyncadd.s32 s4;
	_ =	sdelay $0x1  }
0xa1: {  	s23 =	simm.s32 $0x1B8B  }
0xa2: {  	_ =	swait.ge [sflag:s23], $0x1  }
0xa3: {  	[sflag:s23] =	ssyncset.done $0x0  }
0xa4: {  	s25 =	simm.s32 $0x1B8E;
	s24 =	sld [smem:$0x3FFE];
	[sflag:s23] =	ssyncadd.s32 $0xFFFFFFFF  }
0xa5: {  	s26 =	simm.s32 $execute0_lowered;
	[smem:$0x3FD2] =	sst s25  }
0xa6: {  	s5 =	sshll.u32 s26, $0x1;
	_ =	strace $0x80000046;
	[dreg:$0x1] =	wrdreg $0xFFFFFFFF  }
0xa7: {  	s28 =	simm.s32 $_size_execute0_lowered;
	s3 =	sadd.s32 s3, s5;
	[dreg:$0x0] =	wrdreg $0x0  }
0xa8: {  	s5 =	sshll.u32 s28, $0x1;
	[dreg:$0x2] =	wrdreg s3  }
0xa9: {  	[dreg:$0x3] =	wrdreg s5  }
0xaa: {  	[dreg:$0x4] =	wrdreg $0xC0  }
0xab: {  	_ =	task [dreg:s7], $0x5FFFF  }
0xac: {  	[dreg:$0x1] =	wrdreg $0xFFFFFFFF  }
0xad: {  	[dreg:$0x0] =	wrdreg $0x60  }
0xae: {  	[dreg:$0x2] =	wrdreg s24  }
0xaf: {  	[dreg:$0x3] =	wrdreg s2  }
0xb0: {  	[dreg:$0x4] =	wrdreg $0x9  }
0xb1: {  	_ =	task.clear_ibuf [dreg:s7], $0x5FFFF;
	_ =	strace $0x90000046  }
0xb2: {  	s29 =	simm.s32 $0x9;
	_ =	strace $0x80000048  }
0xb3: {  	_ =	swait.ge [sflag:s29], $0x1  }
0xb4: {  	[sflag:s29] =	ssyncadd.s32 $0xFFFFFFFF  }
0xb5: {  	_ =	strace $0x90000048  }
0xb6: {  	_ =	sfence  }
0xb7: {  	s30 =	sld [smem:$0x0];
	_ =	sdelay $0x2  }
0xb8: {  	s31 =	sshll.u32 s1, $0xD;
	s1 =	sshrl.u32 s1, $0x2  }
0xb9: {  	s3 =	sand.u32 $0x4000, s31;
	s1 =	sadd.s32 s1, s30  }
0xba: {  	s0 =	sor.u32 s3, s0;
	s1 =	sshll.u32 s1, $0x11  }
0xbb: {  	s0 =	sor.u32 s1, s0  }
0xbc: {  	s0 =	sadd.s32 $0x8F2B, s0  }
0xbd: {  	[sflag:s0] =	ssyncadd.remote.s32 $0x1  }
0xbe: {  	_ =	sfence.sel $0xFFFF  }
0xbf: {  	[dreg:$0x0] =	wrdreg $0xFFFFFFFF;
	(pc) =	sbr.abs _section_cstart, $3  }
0xc0: {  	[dreg:$0x1] =	wrdreg $0xFFFFFFFF  }
0xc1: {  	_ =	task.clear_ibuf [dreg:s7], $0x2FFFF;
	_ =	strace $0x9FFFFFFF  }
0xc2: {  	(tm) =	ssettm $0x7FFFFFFF  }
0xc3: {  	_ =	shalt  }
tec
execute0_lowered:
.L_overlay_start_1:
0x0: {  	(tag) =	ssettag $0x1  }
0x1: {  	v0 =	vlaneseq.u32;
	s0 =	rddreg [dreg:$0x0];
	s5 =	simm.s32 $0x0  }
0x2: {  	[smem:$0x7FF] =	sst s5;
	v63 =	vor.u32 $0x830, v0  }
0x3: {  	s1 =	rddreg [dreg:$0x1];
	v34 =	vor.u32 $0x10, v0;
	_ =	strace $0x80000047;
	[tilespmem:$0x1FC40] =	vst v63  }
0x4: {  	v6 =	vor.u32 $0x20, v0;
	[tilespmem:$0x1FD20] =	vst v34  }
0x5: {  	v41 =	vor.u32 $0x30, v0;
	[tilespmem:$0x1FD30] =	vst v6  }
0x6: {  	v43 =	vor.u32 $0x40, v0;
	[tilespmem:$0x1FD40] =	vst v41  }
0x7: {  	v45 =	vor.u32 $0x50, v0;
	[tilespmem:$0x1FD50] =	vst v43  }
0x8: {  	v47 =	vor.u32 $0x60, v0;
	[tilespmem:$0x1FD60] =	vst v45  }
0x9: {  	v49 =	vor.u32 $0x70, v0;
	[tilespmem:$0x1FD70] =	vst v47  }
0xa: {  	v38 =	vor.u32 $0x400, v0;
	[tilespmem:$0x1FD80] =	vst v49  }
0xb: {  	v11 =	vor.u32 $0x410, v0;
	[tilespmem:$0x1FD90] =	vst v38  }
0xc: {  	v55 =	vor.u32 $0x420, v0;
	[tilespmem:$0x1FDA0] =	vst v11  }
0xd: {  	v61 =	vor.u32 $0x430, v0;
	[tilespmem:$0x1FDB0] =	vst v55  }
0xe: {  	v62 =	vor.u32 $0x440, v0;
	[tilespmem:$0x1FDC0] =	vst v61  }
0xf: {  	v21 =	vor.u32 $0x450, v0;
	[tilespmem:$0x1FDD0] =	vst v62  }
0x10: {  	v51 =	vor.u32 $0x460, v0;
	[tilespmem:$0x1FDE0] =	vst v21  }
0x11: {  	v25 =	vor.u32 $0x800, v0;
	[tilespmem:$0x1FE00] =	vst v51  }
0x12: {  	v20 =	vor.u32 $0x810, v0;
	[tilespmem:$0x1FE20] =	vst v25  }
0x13: {  	v46 =	vor.u32 $0x820, v0;
	[tilespmem:$0x1FE40] =	vst v20  }
0x14: {  	v2 =	vor.u32 $0x840, v0;
	[tilespmem:$0x1FE60] =	vst v46  }
0x15: {  	v7 =	vor.u32 $0x850, v0;
	[tilespmem:$0x1FE70] =	vst v2  }
0x16: {  	v22 =	vor.u32 $0x860, v0;
	[tilespmem:$0x1FE90] =	vst v7  }
0x17: {  	v27 =	vor.u32 $0xC00, v0;
	[tilespmem:$0x1FEB0] =	vst v22  }
0x18: {  	v29 =	vor.u32 $0xC10, v0;
	[tilespmem:$0x1FEF0] =	vst v27  }
0x19: {  	v30 =	vor.u32 $0x870, v0;
	[tilespmem:$0x1FF00] =	vst v29  }
0x1a: {  	v35 =	vor.u32 $0x470, v0;
	[tilespmem:$0x1FF10] =	vst v30  }
0x1b: {  	v32 =	vmul.u32 $0x20, v0;
	v63 =	vor.u32 $0xC20, v0;
	[tilespmem:$0x1FF30] =	vst v35  }
0x1c: {  	[tilespmem:$0x1FC80] =	vst v63  }
0x1d: {  	v1 =	vor.u32 $0x2600, v32;
	[tilespmem:$0x1FFB0] =	vst v32  }
0x1e: {  	v39 =	vor.u32 $0x2800, v32;
	[tilespmem:$0x1FC30] =	vst v1  }
0x1f: {  	v40 =	vor.u32 $0x3000, v32;
	[tilespmem:$0x1FC50] =	vst v39  }
0x20: {  	v42 =	vor.u32 $0x3400, v32;
	[tilespmem:$0x1FC60] =	vst v40  }
0x21: {  	v63 =	vor.u32 $0xC40, v0;
	[tilespmem:$0x1FC70] =	vst v42  }
0x22: {  	v12 =	vor.u32 $0x1C00, v32;
	[tilespmem:$0x1FCC0] =	vst v63  }
0x23: {  	v16 =	vor.u32 $0x2000, v32;
	[tilespmem:$0x1FDF0] =	vst v12  }
0x24: {  	v26 =	vor.u32 $0x2200, v32;
	[tilespmem:$0x1FE10] =	vst v16  }
0x25: {  	v24 =	vor.u32 $0x2400, v32;
	[tilespmem:$0x1FE30] =	vst v26  }
0x26: {  	v3 =	vor.u32 $0x2A00, v32;
	[tilespmem:$0x1FE50] =	vst v24  }
0x27: {  	v4 =	vor.u32 $0x2C00, v32;
	[tilespmem:$0x1FE80] =	vst v3  }
0x28: {  	v23 =	vor.u32 $0x2E00, v32;
	[tilespmem:$0x1FEA0] =	vst v4  }
0x29: {  	v19 =	vor.u32 $0x1E00, v32;
	[tilespmem:$0x1FEC0] =	vst v23  }
0x2a: {  	v28 =	vor.u32 $0x3200, v32;
	[tilespmem:$0x1FED0] =	vst v19  }
0x2b: {  	v57 =	vor.u32 $0x1000, v32;
	[tilespmem:$0x1FEE0] =	vst v28  }
0x2c: {  	v36 =	vor.u32 $0x200, v32;
	[tilespmem:$0x1FF20] =	vst v57  }
0x2d: {  	v56 =	vor.u32 $0x1400, v32;
	[tilespmem:$0x1FF40] =	vst v36  }
0x2e: {  	v52 =	vor.u32 $0x1800, v32;
	[tilespmem:$0x1FF50] =	vst v56  }
0x2f: {  	v37 =	vor.u32 $0x400, v32;
	[tilespmem:$0x1FF60] =	vst v52  }
0x30: {  	v60 =	vor.u32 $0x600, v32;
	[tilespmem:$0x1FF70] =	vst v37  }
0x31: {  	v59 =	vor.u32 $0xA00, v32;
	[tilespmem:$0x1FF80] =	vst v60  }
0x32: {  	s2 =	srdreg.scid;
	s3 =	stileid.u32;
	v48 =	vor.u32 $0xC00, v32;
	[tilespmem:$0x1FF90] =	vst v59  }
0x33: {  	s14 =	simm.s32 $0x80;
	s15 =	simm.s32 $0x400;
	s21 =	simm.s32 $0x200;
	v44 =	vor.u32 $0x800, v32;
	[tilespmem:$0x1FFA0] =	vst v48  }
0x34: {  	s22 =	simm.s32 $0x6;
	s23 =	simm.s32 $0x4400;
	s24 =	simm.s32 $0x280;
	v50 =	vor.u32 $0xE00, v32;
	[tilespmem:$0x1FFC0] =	vst v44  }
0x35: {  	s28 =	simm.s32 $0x6400;
	s29 =	simm.s32 $0x380;
	s30 =	simm.s32 $0x7400;
	v53 =	vor.u32 $0x1A00, v32;
	[tilespmem:$0x1FFD0] =	vst v50  }
0x36: {  	s31 =	simm.s32 $0x1;
	s16 =	simm.s32 $0x20000;
	s17 =	simm.s32 $0x2;
	v58 =	vor.u32 $0x1600, v32;
	[tilespmem:$0x1FFE0] =	vst v53  }
0x37: {  	s18 =	simm.s32 $0xC400;
	s19 =	simm.s32 $0x3;
	s2 =	sand.u32 $0x1, s2;
	v39 =	vor.u32 $0x3600, v32;
	[tilespmem:$0x1FFF0] =	vst v58  }
0x38: {  	s3 =	sshll.u32 s3, $0xA;
	s5 =	sadd.s32 $0x600, s0;
	s4 =	sshll.u32 s2, $0x9;
	v40 =	vor.u32 $0xC30, v0;
	[tilespmem:$0x1FC90] =	vst v39  }
0x39: {  	s7 =	sadd.s32 $0xF42A00, s0;
	s2 =	ssub.s32 $0x2, s2;
	s4 =	sor.u32 s4, s3;
	v42 =	vor.u32 $0x3800, v32;
	[tilespmem:$0x1FCA0] =	vst v40  }
0x3a: {  	s11 =	sadd.s32 $0x10000, s1;
	s6 =	sshrl.u32 s2, $0x1;
	s3 =	sshrl.u32 s4, $0x3;
	v63 =	vor.u32 $0x3E00, v32;
	[tilespmem:$0x1FCB0] =	vst v42  }
.Ltmp0:
0x3b: {  	s25 =	ssub.s32 s2, s6;
	s9 =	sor.u32 $0x8000, s4;
	v39 =	vor.u32 $0x3A00, v32;
	[tilespmem:$0x1FD10] =	vst v63;
	(pc) =	sbr.rel .LBB2_1-.Ltmp0, $4  }
0x3c: {  	s10 =	sor.u32 $0xC000, s4;
	s2 =	simm.s32 $0x1000;
	s3 =	sadd.s32 s5, s3;
	v40 =	vor.u32 $0xC50, v0;
	[tilespmem:$0x1FCD0] =	vst v39  }
0x3d: {  	s6 =	simm.s32 $0x0;
	s0 =	smax.u32 s25, $0x1;
	v42 =	vor.u32 $0x3C00, v32;
	[dreg:$0x3] =	wrdreg s3;
	[tilespmem:$0x1FCE0] =	vst v40  }
0x3e: {  	v33 =	vand.u32 $0x7, v0;
	s25 =	simm.s32 $0x5400;
	v0 =	vor.u32 $0xC60, v0;
	s26 =	sadd.s32 $0x800, s3;
	[dreg:$0x5] =	wrdreg s0;
	[tilespmem:$0x1FCF0] =	vst v42  }
0x3f: {  	v54 =	vor.u32 $0x1200, v32;
	s0 =	simm.s32 $0x8400;
	[tilespmem:$0x1FD00] =	vst v0;
	[dreg:$0x4] =	wrdreg s26;
	s26 =	simm.s32 $0x300  }
.LBB2_11:
0x40: {  	_ =	swait.ge [sflag:s19], $0x4000  }
0x41: {  	[sflag:s19] =	ssyncset.done $0x0  }
0x42: {  	s3 =	simm.s32 $0x4;
	[sflag:s19] =	ssyncadd.s32 $0xFFFFC000  }
0x43: {  	_ =	swait.ge [sflag:s3], $0x4000  }
0x44: {  	v36 =	vld [tilespmem:$0x1FF40]  }
0x45: {  	v34 =	vld [tilespmem:$0x1FD20]  }
0x46: {  	v6 =	vld [tilespmem:$0x1FD30]  }
0x47: {  	v41 =	vld [tilespmem:$0x1FD40]  }
0x48: {  	v43 =	vld [tilespmem:$0x1FD50]  }
0x49: {  	v45 =	vld [tilespmem:$0x1FD60]  }
0x4a: {  	v47 =	vld [tilespmem:$0x1FD70]  }
0x4b: {  	v49 =	vld [tilespmem:$0x1FD80]  }
0x4c: {  	v38 =	vld [tilespmem:$0x1FD90]  }
0x4d: {  	v11 =	vld [tilespmem:$0x1FDA0]  }
0x4e: {  	v55 =	vld [tilespmem:$0x1FDB0]  }
0x4f: {  	v61 =	vld [tilespmem:$0x1FDC0]  }
0x50: {  	v62 =	vld [tilespmem:$0x1FDD0]  }
0x51: {  	v21 =	vld [tilespmem:$0x1FDE0]  }
0x52: {  	v12 =	vld [tilespmem:$0x1FDF0]  }
0x53: {  	v51 =	vld [tilespmem:$0x1FE00]  }
0x54: {  	v35 =	vld [tilespmem:$0x1FF30]  }
0x55: {  	s6 =	rddreg [dreg:$0x6];
	v16 =	vld [tilespmem:$0x1FE10]  }
0x56: {  	s1 =	rddreg [dreg:$0x5];
	v25 =	vld [tilespmem:$0x1FE20];
	s6 =	sadd.s32 $0x1, s6  }
0x57: {  	v26 =	vld [tilespmem:$0x1FE30];
	p0 =	sne.s32 s6, s1  }
.Ltmp1:
0x58: {  	v20 =	vld [tilespmem:$0x1FE40];
	(pc) =	sbr.rel @!p0 .LBB2_12-.Ltmp1, $4  }
0x59: {  	v24 =	vld [tilespmem:$0x1FE50]  }
0x5a: {  	v46 =	vld [tilespmem:$0x1FE60]  }
0x5b: {  	[sflag:s3] =	ssyncset.done $0x0;
	v22 =	vld [tilespmem:$0x1FEB0]  }
0x5c: {  	v23 =	vld [tilespmem:$0x1FEC0];
	[sflag:s3] =	ssyncadd.s32 $0xFFFFC000  }
.LBB2_1:
0x5d: {  	[dreg:$0x6] =	wrdreg s6  }
0x5e: {  	s1 =	simm.s32 $0x0;
	s3 =	rddreg [dreg:$0x3];
	s13 =	simm.s32 $0x5  }
0x5f: {  	[tilespmem:s1], [sflag:$0x5] =	stream.linear.gather [hbm4b:s3+s1], $0x200, $0x38;
	[tilespmem:$0x10400] =	vst v63  }
0x60: {  	_ =	swait.ge [sflag:s13], $0x200  }
0x61: {  	[sflag:s13] =	ssyncset.done $0x0  }
0x62: {  	[sflag:s13] =	ssyncadd.s32 $0xFFFFFE00  }
0x63: {  	[tilespmem:s15], [sflag:$0x1] =	stream.indirect.gather [hbm4b:s7+s14], $0x20, s1, s14, $0xb8;
	[tilespmem:$0x10400] =	vst v63  }
0x64: {  	s20 =	simm.s32 $0x1400  }
0x65: {  	[tilespmem:s20], [sflag:$0x1] =	stream.indirect.gather [hbm4b:s7+s14], $0x20, s14, s14, $0xb8;
	[tilespmem:$0x10400] =	vst v63  }
0x66: {  	s6 =	simm.s32 $0x100;
	s8 =	simm.s32 $0x2400  }
0x67: {  	[tilespmem:s8], [sflag:$0x1] =	stream.indirect.gather [hbm4b:s7+s14], $0x20, s6, s14, $0xb8;
	[tilespmem:$0x10400] =	vst v63  }
0x68: {  	s12 =	simm.s32 $0x180;
	s13 =	simm.s32 $0x3400  }
0x69: {  	[tilespmem:s13], [sflag:$0x1] =	stream.indirect.gather [hbm4b:s7+s14], $0x20, s12, s14, $0xb8;
	[tilespmem:$0x10400] =	vst v63  }
0x6a: {  	s20 =	rddreg [dreg:$0x4]  }
0x6b: {  	[tilespmem:s21], [sflag:$0x6] =	stream.linear.gather [hbm4b:s20+s1], $0x200, $0x38;
	[tilespmem:$0x10400] =	vst v63  }
0x6c: {  	_ =	swait.ge [sflag:s22], $0x200  }
0x6d: {  	[sflag:s22] =	ssyncset.done $0x0  }
0x6e: {  	[sflag:s22] =	ssyncadd.s32 $0xFFFFFE00  }
0x6f: {  	[tilespmem:s23], [sflag:$0x2] =	stream.indirect.gather [hbm4b:s7+s14], $0x20, s21, s14, $0xb8;
	[tilespmem:$0x10400] =	vst v63  }
0x70: {  	_ = 	snop  }
0x71: {  	[tilespmem:s25], [sflag:$0x2] =	stream.indirect.gather [hbm4b:s7+s14], $0x20, s24, s14, $0xb8;
	[tilespmem:$0x10400] =	vst v63  }
0x72: {  	_ = 	snop  }
0x73: {  	[tilespmem:s28], [sflag:$0x2] =	stream.indirect.gather [hbm4b:s7+s14], $0x20, s26, s14, $0xb8;
	[tilespmem:$0x10400] =	vst v63  }
0x74: {  	s12 =	simm.s32 $0x0  }
0x75: {  	[tilespmem:s30], [sflag:$0x2] =	stream.indirect.gather [hbm4b:s7+s14], $0x20, s29, s14, $0xb8;
	[tilespmem:$0x10400] =	vst v63  }
.LBB2_2:
0x76: {  	_ =	swait.ge [sflag:s31], $0x1000  }
0x77: {  	[sflag:s31] =	ssyncset.done $0x0  }
0x78: {  	[sflag:s31] =	ssyncadd.s32 $0xFFFFF000  }
0x79: {  	_ =	swait.ge [sflag:s31], $0x1000  }
0x7a: {  	[sflag:s31] =	ssyncset.done $0x0  }
0x7b: {  	p0 =	seq.s32 s12, $0x63;
	[sflag:s31] =	ssyncadd.s32 $0xFFFFF000  }
0x7c: {  	p1 =	seq.s32 @!p0 s12, $0x0;
	_ =	swait.ge [sflag:s31], $0x1000  }
0x7d: {  	p1 =	por p0, !p1;
	[sflag:s31] =	ssyncset.done $0x0  }
.Ltmp2:
0x7e: {  	s6 =	sshll.u32 @!p0 s12, $0xF;
	[sflag:s31] =	ssyncadd.s32 $0xFFFFF000;
	(pc) =	sbr.rel @!p1 .LBB2_3-.Ltmp2, $4  }
0x7f: {  	s3 =	sadd.s32 @!p0 s9, s6;
	_ =	swait.ge [sflag:s31], $0x1000  }
0x80: {  	s3 =	sshrl.u32 @!p0 s3, $0x3;
	[sflag:s31] =	ssyncset.done $0x0  }
0x81: {  	s13 =	simm.s32 @!p0 $0x0;
	s3 =	sadd.s32 @!p0 s5, s3;
	[sflag:s31] =	ssyncadd.s32 $0xFFFFF000  }
0x82: {  	[tilespmem:s13], [sflag:$0x5] =	stream.linear.gather @!p0 [hbm4b:s3+s13], $0x200, $0x38;
	[tilespmem:$0x10400] =	vst v63  }
.Ltmp3:
0x83: {  	(pc) =	sbr.rel .LBB2_5-.Ltmp3, $4  }
0x84: {  	_ = 	snop  }
0x85: {  	_ =	swait.ge [sflag:s19], $0x4000  }
0x86: {  	[sflag:s19] =	ssyncset.done $0x0  }
0x87: {  	p1 =	por $0x0, $0x0;
	[sflag:s19] =	ssyncadd.s32 $0xFFFFC000  }
.LBB2_3:
0x88: {  	p1 =	por @!p0 $0x1, $0x1  }
.LBB2_5:
0x89: {  	s3 =	simm.s32 $0x0;
	v1 =	vlaneseq.u32  }
0x8a: {  	v0 =	vadd.s32 s3, v1  }
0x8b: {  	v15 =	vand.u32 $0x1F, v0  }
0x8c: {  	v2 =	vor.u32 v32, v15;
	_ =	sdelay $0x1  }
0x8d: {  	v13 =	vshll.u32 v0, $0x7;
	v0 =	vshll.u32 v0, $0x9  }
0x8e: {  	v1 =	vor.u32 v1, v13;
	v0 =	vand.u32 $0x3000, v0  }
0x8f: {  	v3 =	vand.u32 $0x388, v1;
	v1 =	vor.u32 v33, v0  }
0x90: {  	v0 =	vld.idx.msk [tilespmem:v2+s15+$0x0], $0xffff;
	v2 =	vor.u32 v3, v1  }
0x91: {  	v3 =	vor.u32 v36, v15;
	_ =	sdelay $0x2  }
0x92: {  	v4 =	vor.u32 v34, v13  }
0x93: {  	[tilespmem:v2+s0+$0x0] =	vst.idx.msk $0xffff, v0;
	v0 =	vand.u32 $0x398, v4  }
0x94: {  	v2 =	vld.idx.msk [tilespmem:v3+s15+$0x0], $0xffff;
	v0 =	vor.u32 v0, v1  }
0x95: {  	v3 =	vor.u32 v37, v15;
	_ =	sdelay $0x2  }
0x96: {  	v4 =	vor.u32 v6, v13  }
0x97: {  	[tilespmem:v0+s0+$0x0] =	vst.idx.msk $0xffff, v2;
	v0 =	vand.u32 $0x3A8, v4  }
0x98: {  	v2 =	vld.idx.msk [tilespmem:v3+s15+$0x0], $0xffff;
	v0 =	vor.u32 v0, v1  }
0x99: {  	v3 =	vor.u32 v60, v15;
	_ =	sdelay $0x2  }
0x9a: {  	v4 =	vor.u32 v41, v13  }
0x9b: {  	[tilespmem:v0+s0+$0x0] =	vst.idx.msk $0xffff, v2;
	v0 =	vand.u32 $0x3B8, v4  }
0x9c: {  	v2 =	vld.idx.msk [tilespmem:v3+s15+$0x0], $0xffff;
	v0 =	vor.u32 v0, v1  }
0x9d: {  	v3 =	vor.u32 v44, v15;
	_ =	sdelay $0x2  }
0x9e: {  	v4 =	vor.u32 v43, v13  }
0x9f: {  	[tilespmem:v0+s0+$0x0] =	vst.idx.msk $0xffff, v2;
	v0 =	vand.u32 $0x3C8, v4  }
0xa0: {  	v2 =	vld.idx.msk [tilespmem:v3+s15+$0x0], $0xffff;
	v0 =	vor.u32 v0, v1  }
0xa1: {  	v3 =	vor.u32 v59, v15;
	_ =	sdelay $0x2  }
0xa2: {  	v4 =	vor.u32 v45, v13  }
0xa3: {  	[tilespmem:v0+s0+$0x0] =	vst.idx.msk $0xffff, v2;
	v0 =	vand.u32 $0x3D8, v4  }
0xa4: {  	v2 =	vld.idx.msk [tilespmem:v3+s15+$0x0], $0xffff;
	v0 =	vor.u32 v0, v1  }
0xa5: {  	v3 =	vor.u32 v48, v15;
	_ =	sdelay $0x2  }
0xa6: {  	v4 =	vor.u32 v47, v13  }
0xa7: {  	[tilespmem:v0+s0+$0x0] =	vst.idx.msk $0xffff, v2;
	v0 =	vand.u32 $0x3E8, v4  }
0xa8: {  	v2 =	vld.idx.msk [tilespmem:v3+s15+$0x0], $0xffff;
	v0 =	vor.u32 v0, v1  }
0xa9: {  	v3 =	vor.u32 v50, v15  }
0xaa: {  	v18 =	vlaneseq.u32;
	s8 =	simm.s32 $0x1  }
0xab: {  	v5 =	vadd.s32 s8, v18  }
0xac: {  	v63 =	vmovc v60;
	v60 =	vmov v6;
	v6 =	vor.u32 v49, v13;
	v4 =	vand.u32 $0x1F, v5  }
0xad: {  	[tilespmem:v0+s0+$0x0] =	vst.idx.msk $0xffff, v2;
	v0 =	vor.u32 v32, v4;
	v2 =	vand.u32 $0x3F8, v6  }
0xae: {  	v6 =	vld.idx.msk [tilespmem:v3+s15+$0x0], $0xffff;
	v7 =	vor.u32 v2, v1  }
0xaf: {  	v8 =	vor.u32 v57, v15;
	v3 =	vshll.u32 v5, $0x7;
	v2 =	vshll.u32 v5, $0x9  }
0xb0: {  	v5 =	vor.u32 v18, v3;
	v2 =	vand.u32 $0x3000, v2  }
0xb1: {  	v5 =	vand.u32 $0x388, v5;
	v2 =	vor.u32 v33, v2  }
0xb2: {  	v9 =	vor.u32 v38, v13;
	v5 =	vor.u32 v5, v2;
	v0 =	vld.idx.msk [tilespmem:v0+s15+$0x0], $0xffff  }
0xb3: {  	[tilespmem:v7+s0+$0x0] =	vst.idx.msk $0xffff, v6;
	v6 =	vor.u32 v36, v4;
	v7 =	vand.u32 $0x788, v9  }
0xb4: {  	v8 =	vld.idx.msk [tilespmem:v8+s15+$0x0], $0xffff;
	v7 =	vor.u32 v7, v1  }
0xb5: {  	v9 =	vor.u32 v54, v15  }
0xb6: {  	v10 =	vor.u32 v34, v3  }
0xb7: {  	[tilespmem:v5+s0+$0x0] =	vst.idx.msk $0xffff, v0;
	v0 =	vand.u32 $0x398, v10  }
0xb8: {  	v5 =	vld.idx.msk [tilespmem:v6+s15+$0x0], $0xffff;
	v0 =	vor.u32 v0, v2;
	v6 =	vor.u32 v11, v13  }
0xb9: {  	[tilespmem:v7+s0+$0x0] =	vst.idx.msk $0xffff, v8;
	v7 =	vor.u32 v37, v4;
	v6 =	vand.u32 $0x798, v6  }
0xba: {  	v8 =	vld.idx.msk [tilespmem:v9+s15+$0x0], $0xffff;
	v6 =	vor.u32 v6, v1  }
0xbb: {  	v9 =	vor.u32 v56, v15  }
0xbc: {  	v10 =	vor.u32 v60, v3  }
0xbd: {  	[tilespmem:v0+s0+$0x0] =	vst.idx.msk $0xffff, v5;
	v0 =	vand.u32 $0x3A8, v10  }
0xbe: {  	v5 =	vld.idx.msk [tilespmem:v7+s15+$0x0], $0xffff;
	v0 =	vor.u32 v0, v2;
	v7 =	vor.u32 v55, v13  }
0xbf: {  	[tilespmem:v6+s0+$0x0] =	vst.idx.msk $0xffff, v8;
	v6 =	vor.u32 v63, v4;
	v7 =	vand.u32 $0x7A8, v7  }
0xc0: {  	v8 =	vld.idx.msk [tilespmem:v9+s15+$0x0], $0xffff;
	v7 =	vor.u32 v7, v1  }
0xc1: {  	v9 =	vor.u32 v58, v15  }
0xc2: {  	v10 =	vor.u32 v41, v3  }
0xc3: {  	[tilespmem:v0+s0+$0x0] =	vst.idx.msk $0xffff, v5;
	v0 =	vand.u32 $0x3B8, v10  }
0xc4: {  	v5 =	vld.idx.msk [tilespmem:v6+s15+$0x0], $0xffff;
	v0 =	vor.u32 v0, v2;
	v6 =	vor.u32 v61, v13  }
0xc5: {  	[tilespmem:v7+s0+$0x0] =	vst.idx.msk $0xffff, v8;
	v7 =	vor.u32 v44, v4;
	v6 =	vand.u32 $0x7B8, v6  }
0xc6: {  	v8 =	vld.idx.msk [tilespmem:v9+s15+$0x0], $0xffff;
	v6 =	vor.u32 v6, v1  }
0xc7: {  	v9 =	vor.u32 v52, v15  }
0xc8: {  	v10 =	vor.u32 v43, v3  }
0xc9: {  	[tilespmem:v0+s0+$0x0] =	vst.idx.msk $0xffff, v5;
	v0 =	vand.u32 $0x3C8, v10  }
0xca: {  	v5 =	vld.idx.msk [tilespmem:v7+s15+$0x0], $0xffff;
	v0 =	vor.u32 v0, v2;
	v7 =	vor.u32 v62, v13  }
0xcb: {  	[tilespmem:v6+s0+$0x0] =	vst.idx.msk $0xffff, v8;
	v6 =	vor.u32 v59, v4;
	v7 =	vand.u32 $0x7C8, v7  }
0xcc: {  	v8 =	vld.idx.msk [tilespmem:v9+s15+$0x0], $0xffff;
	v7 =	vor.u32 v7, v1  }
0xcd: {  	v9 =	vor.u32 v53, v15  }
0xce: {  	v10 =	vor.u32 v45, v3  }
0xcf: {  	[tilespmem:v0+s0+$0x0] =	vst.idx.msk $0xffff, v5;
	v0 =	vand.u32 $0x3D8, v10  }
0xd0: {  	v31 =	vmov v48;
	v5 =	vld.idx.msk [tilespmem:v6+s15+$0x0], $0xffff;
	v0 =	vor.u32 v0, v2;
	v6 =	vor.u32 v21, v13  }
0xd1: {  	[tilespmem:v7+s0+$0x0] =	vst.idx.msk $0xffff, v8;
	v7 =	vor.u32 v31, v4;
	v6 =	vand.u32 $0x7D8, v6  }
0xd2: {  	v8 =	vld.idx.msk [tilespmem:v9+s15+$0x0], $0xffff;
	v6 =	vor.u32 v6, v1;
	_ =	sdelay $0x1  }
0xd3: {  	v10 =	vor.u32 v47, v3;
	v9 =	vor.u32 v12, v15  }
0xd4: {  	[tilespmem:v0+s0+$0x0] =	vst.idx.msk $0xffff, v5;
	v0 =	vand.u32 $0x3E8, v10  }
0xd5: {  	v5 =	vld.idx.msk [tilespmem:v7+s15+$0x0], $0xffff;
	v0 =	vor.u32 v0, v2  }
0xd6: {  	v7 =	vor.u32 v51, v13;
	[tilespmem:v6+s0+$0x0] =	vst.idx.msk $0xffff, v8;
	v6 =	vor.u32 v50, v4  }
0xd7: {  	v7 =	vand.u32 $0x7E8, v7  }
0xd8: {  	v8 =	vld.idx.msk [tilespmem:v9+s15+$0x0], $0xffff;
	v9 =	vor.u32 v7, v1  }
0xd9: {  	s13 =	simm.s32 $0x2;
	v28 =	vmovc v12;
	v48 =	vmov v41;
	v41 =	vmov v11;
	v10 =	vor.u32 v19, v15  }
0xda: {  	v11 =	vadd.s32 s13, v18;
	v12 =	vor.u32 v49, v3;
	[tilespmem:v0+s0+$0x0] =	vst.idx.msk $0xffff, v5;
	v5 =	vor.u32 v35, v13  }
0xdb: {  	v7 =	vand.u32 $0x1F, v11;
	v0 =	vand.u32 $0x3F8, v12;
	v14 =	vld.idx.msk [tilespmem:v6+s15+$0x0], $0xffff;
	v6 =	vand.u32 $0x7F8, v5  }
0xdc: {  	v12 =	vor.u32 v32, v7;
	v0 =	vor.u32 v0, v2  }
0xdd: {  	[tilespmem:v9+s0+$0x0] =	vst.idx.msk $0xffff, v8;
	v8 =	vor.u32 v57, v4  }
0xde: {  	v5 =	vshll.u32 v11, $0x7;
	v9 =	vld.idx.msk [tilespmem:v10+s15+$0x0], $0xffff;
	v10 =	vshll.u32 v11, $0x9;
	v11 =	vor.u32 v6, v1;
	v6 =	vmovc v16  }
0xdf: {  	v16 =	vor.u32 v16, v15;
	v10 =	vand.u32 $0x3000, v10;
	v42 =	vmovc v6;
	v6 =	vor.u32 v18, v5  }
0xe0: {  	v17 =	vor.u32 v38, v3;
	v18 =	vand.u32 $0x388, v6;
	v6 =	vor.u32 v33, v10  }
0xe1: {  	v40 =	vmov v54;
	v10 =	vld.idx.msk [tilespmem:v12+s15+$0x0], $0xffff;
	[tilespmem:v0+s0+$0x0] =	vst.idx.msk $0xffff, v14;
	v0 =	vand.u32 $0x788, v17;
	v12 =	vor.u32 v18, v6  }
0xe2: {  	v14 =	vor.u32 v36, v7;
	v17 =	vor.u32 v25, v13;
	v8 =	vld.idx.msk [tilespmem:v8+s15+$0x0], $0xffff;
	v0 =	vor.u32 v0, v2  }
0xe3: {  	[tilespmem:v11+s0+$0x0] =	vst.idx.msk $0xffff, v9;
	v9 =	vor.u32 v40, v4;
	v11 =	vand.u32 $0xB88, v17  }
0xe4: {  	v16 =	vld.idx.msk [tilespmem:v16+s15+$0x0], $0xffff;
	v11 =	vor.u32 v11, v1  }
0xe5: {  	v18 =	vor.u32 v34, v5  }
0xe6: {  	v17 =	vor.u32 v26, v15;
	[tilespmem:v12+s0+$0x0] =	vst.idx.msk $0xffff, v10;
	v10 =	vand.u32 $0x398, v18;
	v12 =	vor.u32 v41, v3  }
0xe7: {  	[tilespmem:v0+s0+$0x0] =	vst.idx.msk $0xffff, v8;
	v14 =	vld.idx.msk [tilespmem:v14+s15+$0x0], $0xffff;
	v10 =	vor.u32 v10, v6;
	v0 =	vand.u32 $0x798, v12  }
0xe8: {  	v8 =	vor.u32 v37, v7;
	v9 =	vld.idx.msk [tilespmem:v9+s15+$0x0], $0xffff;
	v0 =	vor.u32 v0, v2  }
0xe9: {  	v12 =	vor.u32 v20, v13;
	[tilespmem:v11+s0+$0x0] =	vst.idx.msk $0xffff, v16;
	v11 =	vor.u32 v56, v4  }
0xea: {  	v12 =	vand.u32 $0xB98, v12  }
0xeb: {  	v18 =	vor.u32 v60, v5;
	v16 =	vld.idx.msk [tilespmem:v17+s15+$0x0], $0xffff;
	v12 =	vor.u32 v12, v1  }
0xec: {  	v17 =	vor.u32 v24, v15;
	[tilespmem:v10+s0+$0x0] =	vst.idx.msk $0xffff, v14;
	v10 =	vand.u32 $0x3A8, v18;
	v14 =	vor.u32 v55, v3  }
0xed: {  	v8 =	vld.idx.msk [tilespmem:v8+s15+$0x0], $0xffff;
	v10 =	vor.u32 v10, v6;
	[tilespmem:v0+s0+$0x0] =	vst.idx.msk $0xffff, v9;
	v0 =	vand.u32 $0x7A8, v14  }
0xee: {  	v11 =	vld.idx.msk [tilespmem:v11+s15+$0x0], $0xffff;
	v0 =	vor.u32 v0, v2  }
0xef: {  	v54 =	vmov v47  }
0xf0: {  	v47 =	vmov v58;
	v9 =	vor.u32 v63, v7;
	v14 =	vor.u32 v46, v13;
	[tilespmem:v12+s0+$0x0] =	vst.idx.msk $0xffff, v16  }
0xf1: {  	v39 =	vmov v37;
	v12 =	vor.u32 v47, v4;
	v14 =	vand.u32 $0xBA8, v14;
	v37 =	vld [tilespmem:$0x1FC30]  }
0xf2: {  	v16 =	vld.idx.msk [tilespmem:v17+s15+$0x0], $0xffff;
	v14 =	vor.u32 v14, v1;
	[tilespmem:v10+s0+$0x0] =	vst.idx.msk $0xffff, v8  }
0xf3: {  	v18 =	vor.u32 v48, v5;
	[tilespmem:v0+s0+$0x0] =	vst.idx.msk $0xffff, v11  }
0xf4: {  	v8 =	vand.u32 $0x3B8, v18;
	v10 =	vor.u32 v61, v3;
	v27 =	vld [tilespmem:$0x1FC40]  }
0xf5: {  	v9 =	vld.idx.msk [tilespmem:v9+s15+$0x0], $0xffff;
	v8 =	vor.u32 v8, v6;
	v0 =	vand.u32 $0x7B8, v10  }
0xf6: {  	v17 =	vor.u32 v37, v15;
	v11 =	vld.idx.msk [tilespmem:v12+s15+$0x0], $0xffff;
	v0 =	vor.u32 v0, v2  }
0xf7: {  	[tilespmem:v14+s0+$0x0] =	vst.idx.msk $0xffff, v16  }
0xf8: {  	v58 =	vmov v24;
	v24 =	vld [tilespmem:$0x1FC50]  }
0xf9: {  	v12 =	vor.u32 v27, v13  }
0xfa: {  	v14 =	vor.u32 v52, v4;
	[tilespmem:v8+s0+$0x0] =	vst.idx.msk $0xffff, v9;
	v12 =	vand.u32 $0xBB8, v12  }
0xfb: {  	v10 =	vor.u32 v44, v7;
	v16 =	vld.idx.msk [tilespmem:v17+s15+$0x0], $0xffff;
	[tilespmem:v0+s0+$0x0] =	vst.idx.msk $0xffff, v11;
	v12 =	vor.u32 v12, v1  }
0xfc: {  	v46 =	vld [tilespmem:$0x1FE70]  }
0xfd: {  	v9 =	vor.u32 v62, v3;
	v17 =	vor.u32 v24, v15  }
0xfe: {  	v18 =	vor.u32 v43, v5;
	v0 =	vand.u32 $0x7C8, v9  }
0xff: {  	v8 =	vand.u32 $0x3C8, v18;
	v11 =	vld.idx.msk [tilespmem:v14+s15+$0x0], $0xffff;
	v0 =	vor.u32 v0, v2  }
0x100: {  	v10 =	vld.idx.msk [tilespmem:v10+s15+$0x0], $0xffff;
	v8 =	vor.u32 v8, v6;
	[tilespmem:v12+s0+$0x0] =	vst.idx.msk $0xffff, v16;
	v12 =	vor.u32 v53, v4  }
0x101: {  	v14 =	vor.u32 v46, v13  }
0x102: {  	v14 =	vand.u32 $0xBC8, v14;
	v16 =	vld.idx.msk [tilespmem:v17+s15+$0x0], $0xffff  }
0x103: {  	v9 =	vor.u32 v59, v7;
	v14 =	vor.u32 v14, v1;
	v43 =	vld [tilespmem:$0x1FE80]  }
0x104: {  	[tilespmem:v0+s0+$0x0] =	vst.idx.msk $0xffff, v11  }
0x105: {  	[tilespmem:v8+s0+$0x0] =	vst.idx.msk $0xffff, v10;
	v11 =	vld.idx.msk [tilespmem:v12+s15+$0x0], $0xffff  }
0x106: {  	v12 =	vld [tilespmem:$0x1FE90]  }
0x107: {  	v18 =	vor.u32 v45, v5  }
0x108: {  	v8 =	vand.u32 $0x3D8, v18;
	v9 =	vld.idx.msk [tilespmem:v9+s15+$0x0], $0xffff;
	v17 =	vor.u32 v43, v15;
	[tilespmem:v14+s0+$0x0] =	vst.idx.msk $0xffff, v16  }
0x109: {  	v10 =	vor.u32 v21, v3;
	v8 =	vor.u32 v8, v6;
	v18 =	vld [tilespmem:$0x1FEA0]  }
0x10a: {  	v0 =	vand.u32 $0x7D8, v10;
	v10 =	vor.u32 v31, v7  }
0x10b: {  	v0 =	vor.u32 v0, v2;
	v12 =	vor.u32 v12, v13  }
0x10c: {  	v12 =	vand.u32 $0xBD8, v12  }
0x10d: {  	v14 =	vor.u32 v28, v4;
	v16 =	vld.idx.msk [tilespmem:v17+s15+$0x0], $0xffff;
	v12 =	vor.u32 v12, v1  }
0x10e: {  	[tilespmem:v8+s0+$0x0] =	vst.idx.msk $0xffff, v9;
	v17 =	vor.u32 v54, v5;
	v18 =	vor.u32 v18, v15  }
0x10f: {  	v9 =	vld.idx.msk [tilespmem:v10+s15+$0x0], $0xffff;
	v10 =	vor.u32 v22, v13;
	v17 =	vand.u32 $0x3E8, v17  }
0x110: {  	[tilespmem:v0+s0+$0x0] =	vst.idx.msk $0xffff, v11;
	v0 =	vor.u32 v51, v3;
	v8 =	vor.u32 v17, v6  }
0x111: {  	v45 =	vmovc v21;
	v21 =	vor.u32 v42, v4;
	v10 =	vand.u32 $0xBE8, v10;
	v0 =	vand.u32 $0x7E8, v0  }
0x112: {  	v11 =	vor.u32 v50, v7;
	v14 =	vld.idx.msk [tilespmem:v14+s15+$0x0], $0xffff;
	v0 =	vor.u32 v0, v2;
	[tilespmem:v12+s0+$0x0] =	vst.idx.msk $0xffff, v16  }
0x113: {  	s20 =	simm.s32 $0x3;
	v31 =	vlaneseq.u32;
	v20 =	vor.u32 v10, v1;
	v12 =	vor.u32 v19, v4;
	v16 =	vld.idx.msk [tilespmem:v18+s15+$0x0], $0xffff  }
0x114: {  	v22 =	vor.u32 v49, v5;
	v19 =	vadd.s32 s20, v31;
	v18 =	vor.u32 v23, v15  }
0x115: {  	v42 =	vmovc v24;
	v24 =	vor.u32 v57, v7;
	v10 =	vand.u32 $0x1F, v19;
	[tilespmem:v8+s0+$0x0] =	vst.idx.msk $0xffff, v9;
	v9 =	vand.u32 $0x3F8, v22  }
0x116: {  	v23 =	vor.u32 v32, v10;
	v22 =	vor.u32 v9, v6;
	v9 =	vor.u32 v35, v3  }
0x117: {  	v17 =	vor.u32 v30, v13;
	[tilespmem:v0+s0+$0x0] =	vst.idx.msk $0xffff, v14;
	v11 =	vld.idx.msk [tilespmem:v11+s15+$0x0], $0xffff;
	v0 =	vand.u32 $0x7F8, v9  }
0x118: {  	v8 =	vshll.u32 v19, $0x7;
	v14 =	vshll.u32 v19, $0x9;
	v0 =	vor.u32 v0, v2;
	v12 =	vld.idx.msk [tilespmem:v12+s15+$0x0], $0xffff;
	[tilespmem:v20+s0+$0x0] =	vst.idx.msk $0xffff, v16  }
0x119: {  	v14 =	vand.u32 $0x3000, v14;
	v9 =	vor.u32 v31, v8;
	v16 =	vand.u32 $0xBF8, v17;
	v18 =	vld.idx.msk [tilespmem:v18+s15+$0x0], $0xffff  }
0x11a: {  	v44 =	vmovc v62;
	v62 =	vmovc v37;
	v17 =	vand.u32 $0x388, v9;
	v9 =	vor.u32 v33, v14;
	v14 =	vor.u32 v16, v1;
	v37 =	vld [tilespmem:$0x1FC60]  }
0x11b: {  	v19 =	vor.u32 v38, v5;
	v20 =	vld.idx.msk [tilespmem:v23+s15+$0x0], $0xffff;
	v17 =	vor.u32 v17, v9  }
0x11c: {  	v19 =	vand.u32 $0x788, v19;
	[tilespmem:v22+s0+$0x0] =	vst.idx.msk $0xffff, v11  }
0x11d: {  	v19 =	vor.u32 v19, v6;
	v11 =	vor.u32 v36, v10;
	v22 =	vld.idx.msk [tilespmem:v24+s15+$0x0], $0xffff;
	[tilespmem:v0+s0+$0x0] =	vst.idx.msk $0xffff, v12  }
0x11e: {  	v30 =	vld [tilespmem:$0x1FEF0]  }
0x11f: {  	v23 =	vor.u32 v25, v3;
	v16 =	vor.u32 v37, v15;
	[tilespmem:v14+s0+$0x0] =	vst.idx.msk $0xffff, v18  }
0x120: {  	v29 =	vmov v34;
	v0 =	vand.u32 $0xB88, v23;
	v21 =	vld.idx.msk [tilespmem:v21+s15+$0x0], $0xffff;
	[tilespmem:v17+s0+$0x0] =	vst.idx.msk $0xffff, v20  }
0x121: {  	v12 =	vor.u32 v40, v7;
	v24 =	vor.u32 v0, v2;
	v0 =	vor.u32 v29, v8;
	v28 =	vld [tilespmem:$0x1FEE0]  }
0x122: {  	v53 =	vmov v27;
	v27 =	vlaneseq.u32;
	v0 =	vand.u32 $0x398, v0;
	v18 =	vld.idx.msk [tilespmem:v11+s15+$0x0], $0xffff;
	[tilespmem:v19+s0+$0x0] =	vst.idx.msk $0xffff, v22  }
0x123: {  	v20 =	vor.u32 v0, v9;
	v0 =	vor.u32 $0xC70, v27;
	v27 =	vld [tilespmem:$0x1FE40];
	v23 =	vor.u32 v30, v13  }
0x124: {  	v14 =	vld.idx.msk [tilespmem:v16+s15+$0x0], $0xffff;
	v16 =	vand.u32 $0xF88, v23  }
0x125: {  	v25 =	vor.u32 v26, v4;
	v16 =	vor.u32 v16, v1  }
0x126: {  	v12 =	vld.idx.msk [tilespmem:v12+s15+$0x0], $0xffff;
	[tilespmem:$0x1FC00] =	vst v0  }
0x127: {  	v11 =	vor.u32 v41, v5;
	[tilespmem:v24+s0+$0x0] =	vst.idx.msk $0xffff, v21  }
0x128: {  	v19 =	vor.u32 v39, v10;
	v22 =	vand.u32 $0x798, v11;
	v23 =	vor.u32 v27, v3;
	v31 =	vld [tilespmem:$0x1FF00]  }
0x129: {  	v22 =	vor.u32 v22, v6;
	v17 =	vor.u32 v28, v15;
	[tilespmem:v20+s0+$0x0] =	vst.idx.msk $0xffff, v18;
	v21 =	vand.u32 $0xB98, v23  }
0x12a: {  	v24 =	vld.idx.msk [tilespmem:v25+s15+$0x0], $0xffff;
	v21 =	vor.u32 v21, v2;
	[tilespmem:v16+s0+$0x0] =	vst.idx.msk $0xffff, v14  }
0x12b: {  	v11 =	vor.u32 v0, v13;
	v0 =	vld [tilespmem:$0x1FC70]  }
0x12c: {  	v14 =	vor.u32 v60, v8  }
0x12d: {  	v23 =	vor.u32 v56, v7;
	v18 =	vld.idx.msk [tilespmem:v19+s15+$0x0], $0xffff;
	v25 =	vor.u32 v31, v13;
	v14 =	vand.u32 $0x3A8, v14  }
0x12e: {  	v17 =	vld.idx.msk [tilespmem:v17+s15+$0x0], $0xffff;
	[tilespmem:v22+s0+$0x0] =	vst.idx.msk $0xffff, v12;
	v16 =	vand.u32 $0xF98, v25;
	v14 =	vor.u32 v14, v9  }
0x12f: {  	v59 =	vmov v63;
	v12 =	vor.u32 v63, v10;
	v63 =	vld [tilespmem:$0x1FE60];
	v16 =	vor.u32 v16, v1;
	[tilespmem:v21+s0+$0x0] =	vst.idx.msk $0xffff, v24  }
0x130: {  	v19 =	vor.u32 v0, v15;
	v0 =	vld [tilespmem:$0x1FC80]  }
0x131: {  	v34 =	vmov v38;
	v38 =	vmov v55  }
0x132: {  	v20 =	vor.u32 v38, v5  }
0x133: {  	v20 =	vand.u32 $0x7A8, v20;
	[tilespmem:v14+s0+$0x0] =	vst.idx.msk $0xffff, v18  }
0x134: {  	v26 =	vor.u32 v58, v4;
	v20 =	vor.u32 v20, v6;
	v23 =	vld.idx.msk [tilespmem:v23+s15+$0x0], $0xffff;
	[tilespmem:v16+s0+$0x0] =	vst.idx.msk $0xffff, v17  }
0x135: {  	v25 =	vor.u32 v0, v13;
	v0 =	vld [tilespmem:$0x1FC90];
	_ =	sdelay $0x1  }
0x136: {  	v22 =	vor.u32 v63, v3  }
0x137: {  	v21 =	vand.u32 $0xBA8, v22  }
0x138: {  	v24 =	vld.idx.msk [tilespmem:v26+s15+$0x0], $0xffff;
	v21 =	vor.u32 v21, v2;
	[tilespmem:v20+s0+$0x0] =	vst.idx.msk $0xffff, v23  }
0x139: {  	v18 =	vor.u32 v0, v15;
	v0 =	vld [tilespmem:$0x1FFC0];
	_ =	sdelay $0x2  }
0x13a: {  	v17 =	vand.u32 $0xFA8, v25  }
0x13b: {  	v26 =	vor.u32 v62, v4;
	v14 =	vld.idx.msk [tilespmem:v19+s15+$0x0], $0xffff;
	v17 =	vor.u32 v17, v1;
	[tilespmem:v21+s0+$0x0] =	vst.idx.msk $0xffff, v24  }
0x13c: {  	v62 =	vmovc v48;
	v16 =	vor.u32 v48, v8;
	v48 =	vmov v0;
	v20 =	vor.u32 v0, v10;
	v0 =	vld [tilespmem:$0x1FCA0];
	_ =	sdelay $0x2  }
0x13d: {  	v16 =	vand.u32 $0x3B8, v16  }
0x13e: {  	v12 =	vld.idx.msk [tilespmem:v12+s15+$0x0], $0xffff;
	v16 =	vor.u32 v16, v9;
	[tilespmem:v17+s0+$0x0] =	vst.idx.msk $0xffff, v14  }
0x13f: {  	v25 =	vor.u32 v0, v13;
	v0 =	vld [tilespmem:$0x1FD50];
	_ =	sdelay $0x3  }
0x140: {  	v58 =	vmov v38;
	[tilespmem:v16+s0+$0x0] =	vst.idx.msk $0xffff, v12  }
0x141: {  	v38 =	vmovc v44;
	v44 =	vmovc v47;
	v22 =	vor.u32 v47, v7;
	v47 =	vmov v0;
	v14 =	vor.u32 v0, v8;
	v0 =	vld [tilespmem:$0x1FD10];
	_ =	sdelay $0x4  }
0x142: {  	v12 =	vor.u32 v0, v15;
	v0 =	vld [tilespmem:$0x1FD00]  }
0x143: {  	v55 =	vmov v29;
	v29 =	vmov v61  }
0x144: {  	v19 =	vor.u32 v29, v5  }
0x145: {  	v19 =	vand.u32 $0x7B8, v19  }
0x146: {  	v22 =	vld.idx.msk [tilespmem:v22+s15+$0x0], $0xffff;
	v19 =	vor.u32 v19, v6;
	v14 =	vand.u32 $0x3C8, v14  }
0x147: {  	v17 =	vand.u32 $0xFB8, v25;
	v25 =	vor.u32 v14, v9;
	v14 =	vor.u32 v0, v13;
	v0 =	vld [tilespmem:$0x1FCB0];
	_ =	sdelay $0x3  }
0x148: {  	[tilespmem:v19+s0+$0x0] =	vst.idx.msk $0xffff, v22  }
0x149: {  	v27 =	vor.u32 v0, v15;
	v0 =	vld [tilespmem:$0x1FF90];
	_ =	sdelay $0x1  }
0x14a: {  	v23 =	vor.u32 v53, v3  }
0x14b: {  	v21 =	vand.u32 $0xBB8, v23  }
0x14c: {  	v23 =	vor.u32 v52, v7;
	v24 =	vld.idx.msk [tilespmem:v26+s15+$0x0], $0xffff;
	v21 =	vor.u32 v21, v2  }
0x14d: {  	v26 =	vor.u32 v42, v4;
	v42 =	vmov v0;
	v19 =	vor.u32 v0, v10;
	v0 =	vld [tilespmem:$0x1FCF0];
	_ =	sdelay $0x2  }
0x14e: {  	v16 =	vor.u32 v38, v5  }
0x14f: {  	v16 =	vand.u32 $0x7C8, v16;
	v22 =	vld.idx.msk [tilespmem:v23+s15+$0x0], $0xffff;
	[tilespmem:v21+s0+$0x0] =	vst.idx.msk $0xffff, v24  }
0x150: {  	v23 =	vor.u32 v16, v6;
	v16 =	vor.u32 v0, v15;
	v0 =	vld [tilespmem:$0x1FFE0];
	_ =	sdelay $0x2  }
0x151: {  	v50 =	vmov v51;
	v51 =	vmov v29;
	v29 =	vld.idx.msk [tilespmem:v18+s15+$0x0], $0xffff;
	v18 =	vor.u32 v17, v1  }
0x152: {  	v20 =	vld.idx.msk [tilespmem:v20+s15+$0x0], $0xffff  }
0x153: {  	v63 =	vmov v38;
	v38 =	vmov v0;
	v21 =	vor.u32 v0, v7;
	v0 =	vld [tilespmem:$0x1FCC0];
	_ =	sdelay $0x2  }
0x154: {  	[tilespmem:v18+s0+$0x0] =	vst.idx.msk $0xffff, v29  }
0x155: {  	v17 =	vmov v28;
	v28 =	vor.u32 v46, v3;
	[tilespmem:v25+s0+$0x0] =	vst.idx.msk $0xffff, v20  }
0x156: {  	v24 =	vand.u32 $0xBC8, v28;
	v28 =	vor.u32 v0, v13;
	v0 =	vld [tilespmem:$0x1FD60];
	_ =	sdelay $0x4  }
0x157: {  	v57 =	vmov v39;
	v39 =	vmov v0;
	v18 =	vor.u32 v0, v8;
	v0 =	vld [tilespmem:$0x1FCD0];
	_ =	sdelay $0x4  }
0x158: {  	v26 =	vld.idx.msk [tilespmem:v26+s15+$0x0], $0xffff;
	v0 =	vor.u32 v0, v15  }
0x159: {  	v25 =	vld.idx.msk [tilespmem:v27+s15+$0x0], $0xffff;
	[tilespmem:$0x1FC10] =	vst v0  }
0x15a: {  	[tilespmem:v23+s0+$0x0] =	vst.idx.msk $0xffff, v22  }
0x15b: {  	v0 =	vld [tilespmem:$0x1FFA0];
	_ =	sdelay $0x4  }
0x15c: {  	v30 =	vor.u32 v43, v4;
	v43 =	vmov v0;
	v23 =	vor.u32 v0, v10;
	v0 =	vld.idx.msk [tilespmem:v21+s15+$0x0], $0xffff;
	_ =	sdelay $0x3  }
0x15d: {  	v15 =	vld.idx.msk [tilespmem:v19+s15+$0x0], $0xffff  }
0x15e: {  	[tilespmem:$0x1FC20] =	vst v0;
	v0 =	vld [tilespmem:$0x1FE90];
	_ =	sdelay $0x3  }
0x15f: {  	v24 =	vor.u32 v24, v2  }
0x160: {  	v27 =	vor.u32 v0, v3;
	v0 =	vld [tilespmem:$0x1FCE0];
	_ =	sdelay $0x3  }
0x161: {  	[tilespmem:v24+s0+$0x0] =	vst.idx.msk $0xffff, v26  }
0x162: {  	v20 =	vand.u32 $0xFC8, v28;
	v28 =	vor.u32 v0, v13;
	v0 =	vld [tilespmem:$0x1FDF0];
	_ =	sdelay $0x3  }
0x163: {  	v20 =	vor.u32 v20, v1  }
0x164: {  	v46 =	vmov v0;
	v24 =	vor.u32 v0, v7;
	v0 =	vld [tilespmem:$0x1FEA0];
	_ =	sdelay $0x2  }
0x165: {  	v18 =	vand.u32 $0x3D8, v18  }
0x166: {  	v18 =	vor.u32 v18, v9;
	v26 =	vld.idx.msk [tilespmem:v30+s15+$0x0], $0xffff;
	[tilespmem:v20+s0+$0x0] =	vst.idx.msk $0xffff, v25  }
0x167: {  	v30 =	vor.u32 v0, v4;
	v0 =	vld [tilespmem:$0x1FD70];
	_ =	sdelay $0x3  }
0x168: {  	v53 =	vmov v52;
	v52 =	vmov v45;
	[tilespmem:v18+s0+$0x0] =	vst.idx.msk $0xffff, v15  }
0x169: {  	v22 =	vor.u32 v45, v5;
	v13 =	vor.u32 v17, v4;
	v45 =	vmovc v0;
	v17 =	vor.u32 v0, v8;
	v0 =	vld [tilespmem:$0x1FC10];
	_ =	sdelay $0x7  }
0x16a: {  	v22 =	vand.u32 $0x7D8, v22;
	v21 =	vld.idx.msk [tilespmem:v0+s15+$0x0], $0xffff  }
0x16b: {  	v29 =	vor.u32 v22, v6;
	v0 =	vld [tilespmem:$0x1FC20];
	_ =	sdelay $0x3  }
0x16c: {  	v22 =	vand.u32 $0xBD8, v27  }
0x16d: {  	v19 =	vor.u32 v22, v2;
	[tilespmem:v29+s0+$0x0] =	vst.idx.msk $0xffff, v0  }
0x16e: {  	v0 =	vld [tilespmem:$0x1FFD0];
	_ =	sdelay $0x2  }
0x16f: {  	v54 =	vmov v40  }
0x170: {  	v40 =	vmovc v41;
	v41 =	vmovc v56;
	v56 =	vmov v50;
	v20 =	vand.u32 $0xFD8, v28;
	v17 =	vand.u32 $0x3E8, v17;
	v31 =	vld [tilespmem:$0x1FF10];
	[tilespmem:v19+s0+$0x0] =	vst.idx.msk $0xffff, v26  }
0x171: {  	v28 =	vor.u32 v17, v9;
	v17 =	vor.u32 v50, v5;
	v50 =	vmovc v0;
	v27 =	vor.u32 v0, v10;
	v0 =	vld [tilespmem:$0x1FEB0]  }
0x172: {  	v20 =	vor.u32 v20, v1;
	_ =	sdelay $0x1  }
0x173: {  	v22 =	vld.idx.msk [tilespmem:v23+s15+$0x0], $0xffff  }
0x174: {  	v18 =	vand.u32 $0x7E8, v17;
	v19 =	vld.idx.msk [tilespmem:v30+s15+$0x0], $0xffff  }
0x175: {  	v25 =	vor.u32 v18, v6;
	v18 =	vor.u32 v0, v3;
	v0 =	vld [tilespmem:$0x1FED0]  }
0x176: {  	v23 =	vand.u32 $0xBE8, v18;
	v18 =	vld [tilespmem:$0x1FEC0];
	[tilespmem:v20+s0+$0x0] =	vst.idx.msk $0xffff, v21  }
0x177: {  	v30 =	vld [tilespmem:$0x1FE10];
	_ =	sdelay $0x2  }
0x178: {  	s13 =	simm.s32 $0x4;
	v15 =	vor.u32 v37, v4;
	v20 =	vlaneseq.u32  }
0x179: {  	v24 =	vld.idx.msk [tilespmem:v24+s15+$0x0], $0xffff;
	v17 =	vor.u32 v31, v3;
	v29 =	vadd.s32 s13, v20;
	v20 =	vor.u32 v23, v2  }
0x17a: {  	s3 =	sshll.u32 s12, $0x11;
	v61 =	vmovc v60;
	s13 =	simm.s32 $0x5;
	v26 =	vor.u32 v0, v7;
	v18 =	vor.u32 v18, v4;
	v21 =	vor.u32 v30, v7  }
.LBB2_6:
0x17b: {  	v0 =	vld [tilespmem:$0x1FF20]  }
0x17c: {  	v23 =	vand.u32 $0x1F, v29;
	[tilespmem:v28+s0+$0x0] =	vst.idx.msk $0xffff, v22;
	v22 =	vor.u32 v49, v8;
	v14 =	vand.u32 $0xFE8, v14  }
0x17d: {  	v16 =	vld.idx.msk [tilespmem:v16+s15+$0x0], $0xffff;
	v28 =	vor.u32 v32, v23;
	v30 =	vand.u32 $0x3F8, v22;
	v14 =	vor.u32 v14, v1  }
0x17e: {  	v17 =	vand.u32 $0xBF8, v17;
	v11 =	vand.u32 $0xFF8, v11;
	v27 =	vld.idx.msk [tilespmem:v27+s15+$0x0], $0xffff;
	[tilespmem:v25+s0+$0x0] =	vst.idx.msk $0xffff, v24;
	v30 =	vor.u32 v30, v9  }
0x17f: {  	v17 =	vor.u32 v17, v2;
	v11 =	vor.u32 v11, v1;
	v1 =	vmovc v2;
	v2 =	vld [tilespmem:$0x1FE20];
	v24 =	vor.u32 v35, v5  }
0x180: {  	v26 =	vld.idx.msk [tilespmem:v26+s15+$0x0], $0xffff;
	[tilespmem:v20+s0+$0x0] =	vst.idx.msk $0xffff, v19;
	v25 =	vor.u32 v0, v10;
	v24 =	vand.u32 $0x7F8, v24  }
0x181: {  	v18 =	vld.idx.msk [tilespmem:v18+s15+$0x0], $0xffff;
	v24 =	vor.u32 v24, v6  }
0x182: {  	v22 =	vshll.u32 v29, $0x7;
	v29 =	vshll.u32 v29, $0x9;
	v0 =	vlaneseq.u32;
	v28 =	vld.idx.msk [tilespmem:v28+s15+$0x0], $0xffff;
	[tilespmem:v14+s0+$0x0] =	vst.idx.msk $0xffff, v16  }
0x183: {  	v20 =	vand.u32 $0x3000, v29;
	v37 =	vor.u32 v0, v22;
	[tilespmem:v30+s0+$0x0] =	vst.idx.msk $0xffff, v27  }
0x184: {  	v20 =	vor.u32 v33, v20;
	v19 =	vand.u32 $0x388, v37;
	v12 =	vld.idx.msk [tilespmem:v12+s15+$0x0], $0xffff  }
0x185: {  	v14 =	vor.u32 v19, v20;
	v19 =	vld.idx.msk [tilespmem:v25+s15+$0x0], $0xffff  }
0x186: {  	[tilespmem:v24+s0+$0x0] =	vst.idx.msk $0xffff, v26;
	v24 =	vor.u32 v2, v5;
	v2 =	vmov v6;
	v6 =	vld [tilespmem:$0x1FEF0];
	_ =	sdelay $0x2  }
0x187: {  	v31 =	vor.u32 v34, v8  }
0x188: {  	v25 =	vand.u32 $0x788, v31  }
0x189: {  	v25 =	vor.u32 v25, v9;
	v27 =	vor.u32 v6, v3;
	v6 =	vmov v9;
	v9 =	vld [tilespmem:$0x1FE30]  }
0x18a: {  	v16 =	vor.u32 v36, v23  }
0x18b: {  	v21 =	vld.idx.msk [tilespmem:v21+s15+$0x0], $0xffff;
	[tilespmem:v17+s0+$0x0] =	vst.idx.msk $0xffff, v18  }
0x18c: {  	v26 =	vor.u32 v54, v10;
	[tilespmem:v14+s0+$0x0] =	vst.idx.msk $0xffff, v28  }
0x18d: {  	v24 =	vand.u32 $0xB88, v24;
	v15 =	vld.idx.msk [tilespmem:v15+s15+$0x0], $0xffff  }
0x18e: {  	v24 =	vor.u32 v24, v2;
	v29 =	vor.u32 v9, v7;
	v9 =	vmov v20;
	v20 =	vld [tilespmem:$0x1FE40]  }
0x18f: {  	v14 =	vor.u32 v55, v22;
	v16 =	vld.idx.msk [tilespmem:v16+s15+$0x0], $0xffff;
	[tilespmem:v11+s0+$0x0] =	vst.idx.msk $0xffff, v12;
	v17 =	vand.u32 $0xF88, v27  }
0x190: {  	v14 =	vand.u32 $0x398, v14;
	[tilespmem:v25+s0+$0x0] =	vst.idx.msk $0xffff, v19;
	v17 =	vor.u32 v17, v1  }
0x191: {  	v11 =	vor.u32 v40, v8;
	v18 =	vld.idx.msk [tilespmem:v26+s15+$0x0], $0xffff;
	v12 =	vor.u32 v14, v9  }
0x192: {  	v19 =	vand.u32 $0x798, v11;
	v26 =	vld [tilespmem:$0x1FE50]  }
0x193: {  	v19 =	vor.u32 v19, v6;
	v14 =	vor.u32 v57, v23;
	v20 =	vor.u32 v20, v5  }
0x194: {  	v25 =	vld [tilespmem:$0x1FF00];
	[tilespmem:v24+s0+$0x0] =	vst.idx.msk $0xffff, v21;
	v21 =	vor.u32 v41, v10;
	v20 =	vand.u32 $0xB98, v20  }
0x195: {  	v24 =	vld.idx.msk [tilespmem:v29+s15+$0x0], $0xffff;
	[tilespmem:v17+s0+$0x0] =	vst.idx.msk $0xffff, v15;
	v20 =	vor.u32 v20, v2  }
0x196: {  	[tilespmem:v12+s0+$0x0] =	vst.idx.msk $0xffff, v16;
	v16 =	vld [tilespmem:$0x1FC70]  }
0x197: {  	v26 =	vor.u32 v26, v7;
	v13 =	vld.idx.msk [tilespmem:v13+s15+$0x0], $0xffff  }
0x198: {  	v14 =	vld.idx.msk [tilespmem:v14+s15+$0x0], $0xffff;
	[tilespmem:v19+s0+$0x0] =	vst.idx.msk $0xffff, v18  }
0x199: {  	v19 =	vld.idx.msk [tilespmem:v21+s15+$0x0], $0xffff  }
0x19a: {  	v25 =	vor.u32 v25, v3;
	[tilespmem:v20+s0+$0x0] =	vst.idx.msk $0xffff, v24;
	v20 =	vld [tilespmem:$0x1FE60]  }
0x19b: {  	v27 =	vld [tilespmem:$0x1FC30];
	v15 =	vand.u32 $0xF98, v25;
	v12 =	vor.u32 v61, v22  }
0x19c: {  	v15 =	vor.u32 v15, v1;
	v12 =	vand.u32 $0x3A8, v12;
	v25 =	vld.idx.msk [tilespmem:v26+s15+$0x0], $0xffff  }
0x19d: {  	v17 =	vor.u32 v12, v9;
	v26 =	vld [tilespmem:$0x1FC80]  }
0x19e: {  	v12 =	vor.u32 v58, v8;
	v16 =	vor.u32 v16, v4  }
0x19f: {  	v21 =	vand.u32 $0x7A8, v12;
	v20 =	vor.u32 v20, v5  }
0x1a0: {  	v18 =	vor.u32 v59, v23;
	v21 =	vor.u32 v21, v6;
	v20 =	vand.u32 $0xBA8, v20  }
0x1a1: {  	v24 =	vor.u32 v44, v10;
	[tilespmem:v15+s0+$0x0] =	vst.idx.msk $0xffff, v13;
	v20 =	vor.u32 v20, v2  }
0x1a2: {  	v27 =	vor.u32 v27, v7;
	[tilespmem:v17+s0+$0x0] =	vst.idx.msk $0xffff, v14;
	v26 =	vor.u32 v26, v3  }
0x1a3: {  	v15 =	vld.idx.msk [tilespmem:v16+s15+$0x0], $0xffff;
	v14 =	vand.u32 $0xFA8, v26  }
0x1a4: {  	v17 =	vor.u32 v14, v1;
	v14 =	vld [tilespmem:$0x1FC90]  }
0x1a5: {  	v16 =	vld.idx.msk [tilespmem:v18+s15+$0x0], $0xffff;
	[tilespmem:v21+s0+$0x0] =	vst.idx.msk $0xffff, v19  }
0x1a6: {  	v13 =	vor.u32 v62, v22;
	v21 =	vld.idx.msk [tilespmem:v24+s15+$0x0], $0xffff;
	[tilespmem:v20+s0+$0x0] =	vst.idx.msk $0xffff, v25  }
0x1a7: {  	v13 =	vand.u32 $0x3B8, v13;
	v26 =	vld.idx.msk [tilespmem:v27+s15+$0x0], $0xffff  }
0x1a8: {  	v13 =	vor.u32 v13, v9;
	v27 =	vld [tilespmem:$0x1FCA0]  }
0x1a9: {  	v18 =	vor.u32 v14, v4  }
0x1aa: {  	v20 =	vld [tilespmem:$0x1FC40];
	_ =	sdelay $0x1  }
0x1ab: {  	[tilespmem:v17+s0+$0x0] =	vst.idx.msk $0xffff, v15  }
0x1ac: {  	v28 =	vld [tilespmem:$0x1FC50];
	[tilespmem:v13+s0+$0x0] =	vst.idx.msk $0xffff, v16;
	v27 =	vor.u32 v27, v3  }
0x1ad: {  	v19 =	vor.u32 v48, v23;
	v14 =	vor.u32 v51, v8;
	v15 =	vld.idx.msk [tilespmem:v18+s15+$0x0], $0xffff;
	v16 =	vand.u32 $0xFB8, v27  }
0x1ae: {  	v24 =	vand.u32 $0x7B8, v14;
	v20 =	vor.u32 v20, v5;
	v18 =	vor.u32 v16, v1;
	v16 =	vld [tilespmem:$0x1FCB0]  }
0x1af: {  	v24 =	vor.u32 v24, v6;
	v20 =	vand.u32 $0xBB8, v20  }
0x1b0: {  	v25 =	vor.u32 v53, v10;
	v13 =	vor.u32 v47, v22;
	v20 =	vor.u32 v20, v2  }
0x1b1: {  	v28 =	vor.u32 v28, v7;
	v13 =	vand.u32 $0x3C8, v13  }
0x1b2: {  	v17 =	vld.idx.msk [tilespmem:v19+s15+$0x0], $0xffff;
	v13 =	vor.u32 v13, v9  }
0x1b3: {  	v29 =	vld [tilespmem:$0x1FE80];
	v19 =	vor.u32 v16, v4  }
0x1b4: {  	v12 =	vld [tilespmem:$0x1FD10];
	[tilespmem:v24+s0+$0x0] =	vst.idx.msk $0xffff, v21  }
0x1b5: {  	v24 =	vld.idx.msk [tilespmem:v25+s15+$0x0], $0xffff;
	[tilespmem:v20+s0+$0x0] =	vst.idx.msk $0xffff, v26  }
0x1b6: {  	v16 =	vor.u32 v63, v8;
	v27 =	vld.idx.msk [tilespmem:v28+s15+$0x0], $0xffff;
	[tilespmem:v18+s0+$0x0] =	vst.idx.msk $0xffff, v15  }
0x1b7: {  	v25 =	vand.u32 $0x7C8, v16;
	v16 =	vld [tilespmem:$0x1FCF0];
	[tilespmem:v13+s0+$0x0] =	vst.idx.msk $0xffff, v17  }
0x1b8: {  	v15 =	vld.idx.msk [tilespmem:v19+s15+$0x0], $0xffff  }
0x1b9: {  	v19 =	vld [tilespmem:$0x1FCD0];
	_ =	sdelay $0x1  }
0x1ba: {  	v11 =	vld [tilespmem:$0x1FC00]  }
0x1bb: {  	v14 =	vld [tilespmem:$0x1FD00];
	v21 =	vor.u32 v42, v23;
	v25 =	vor.u32 v25, v6  }
0x1bc: {  	v29 =	vor.u32 v29, v7;
	v12 =	vor.u32 v12, v4;
	v26 =	vor.u32 v38, v10;
	v28 =	vld [tilespmem:$0x1FCC0]  }
0x1bd: {  	v16 =	vor.u32 v16, v4;
	v19 =	vor.u32 v19, v4;
	v4 =	vmovc v7;
	v7 =	vmov v10;
	v10 =	vld [tilespmem:$0x1FCE0];
	_ =	sdelay $0x1  }
0x1be: {  	v20 =	vld [tilespmem:$0x1FE70]  }
0x1bf: {  	v18 =	vld.idx.msk [tilespmem:v21+s15+$0x0], $0xffff;
	[tilespmem:v25+s0+$0x0] =	vst.idx.msk $0xffff, v24  }
0x1c0: {  	v11 =	vor.u32 v11, v3;
	v25 =	vld.idx.msk [tilespmem:v26+s15+$0x0], $0xffff  }
0x1c1: {  	v14 =	vor.u32 v14, v3;
	v28 =	vor.u32 v28, v3;
	v26 =	vor.u32 v10, v3;
	v3 =	vld [tilespmem:$0x1FE90]  }
0x1c2: {  	v13 =	vor.u32 v39, v22  }
0x1c3: {  	v13 =	vand.u32 $0x3D8, v13;
	v20 =	vor.u32 v20, v5  }
0x1c4: {  	v21 =	vor.u32 v13, v9;
	v13 =	vor.u32 v52, v8;
	v20 =	vand.u32 $0xBC8, v20  }
0x1c5: {  	v13 =	vand.u32 $0x7D8, v13;
	v20 =	vor.u32 v20, v2;
	v24 =	vor.u32 v43, v23  }
0x1c6: {  	v10 =	vmovc v23;
	v23 =	vor.u32 v13, v6;
	v13 =	vor.u32 v3, v5;
	v3 =	vmov v5;
	v5 =	vld [tilespmem:$0x1FEE0];
	_ =	sdelay $0x2  }
0x1c7: {  	v17 =	vand.u32 $0xFC8, v28  }
0x1c8: {  	v17 =	vor.u32 v17, v1  }
0x1c9: {  	[tilespmem:v20+s0+$0x0] =	vst.idx.msk $0xffff, v27;
	v27 =	vand.u32 $0xBD8, v13;
	v13 =	vor.u32 v5, v4;
	v5 =	vmov v8;
	v8 =	vld [tilespmem:$0x1FEA0];
	_ =	sdelay $0x3  }
0x1ca: {  	v20 =	vor.u32 v46, v7  }
0x1cb: {  	v29 =	vld.idx.msk [tilespmem:v29+s15+$0x0], $0xffff;
	[tilespmem:v17+s0+$0x0] =	vst.idx.msk $0xffff, v15;
	v17 =	vand.u32 $0xFD8, v26;
	v31 =	vor.u32 v8, v4;
	v8 =	vmov v22  }
0x1cc: {  	[tilespmem:v21+s0+$0x0] =	vst.idx.msk $0xffff, v18;
	v60 =	vor.u32 v17, v1;
	v15 =	vor.u32 v45, v8  }
0x1cd: {  	v35 =	vmovc v32;
	v32 =	vld.idx.msk [tilespmem:v19+s15+$0x0], $0xffff;
	v30 =	vor.u32 v27, v2;
	v17 =	vor.u32 v56, v5;
	v18 =	vand.u32 $0x3E8, v15  }
0x1ce: {  	v22 =	vld.idx.msk [tilespmem:v24+s15+$0x0], $0xffff;
	v28 =	vor.u32 v18, v9;
	v18 =	vand.u32 $0x7E8, v17  }
0x1cf: {  	[tilespmem:v23+s0+$0x0] =	vst.idx.msk $0xffff, v25;
	v25 =	vor.u32 v18, v6;
	v18 =	vld [tilespmem:$0x1FEB0]  }
0x1d0: {  	v19 =	vld [tilespmem:$0x1FED0]  }
0x1d1: {  	v24 =	vld.idx.msk [tilespmem:v20+s15+$0x0], $0xffff  }
0x1d2: {  	[tilespmem:v30+s0+$0x0] =	vst.idx.msk $0xffff, v29;
	v29 =	vadd.s32 s13, v0;
	v0 =	vld [tilespmem:$0x1FE10]  }
0x1d3: {  	v15 =	vld [tilespmem:$0x1FC60]  }
0x1d4: {  	v17 =	vld [tilespmem:$0x1FF10];
	v18 =	vor.u32 v18, v3  }
0x1d5: {  	p2 =	sne.s32 s13, $0x1F;
	v20 =	vand.u32 $0xBE8, v18;
	v18 =	vld [tilespmem:$0x1FEC0]  }
.Ltmp4:
0x1d6: {  	_ = 	snop;
	(pc) =	sbr.rel @p2 .LBB2_6-.Ltmp4, $4  }
0x1d7: {  	v36 =	vmov v33  }
0x1d8: {  	v33 =	vmov v36;
	v36 =	vld [tilespmem:$0x1FF40];
	v26 =	vor.u32 v19, v7;
	v27 =	vor.u32 v50, v10  }
0x1d9: {  	v19 =	vld.idx.msk [tilespmem:v31+s15+$0x0], $0xffff;
	[tilespmem:v60+s0+$0x0] =	vst.idx.msk $0xffff, v32;
	v21 =	vor.u32 v0, v7;
	v15 =	vor.u32 v15, v4  }
0x1da: {  	s13 =	sadd.s32 $0x1, s13;
	v32 =	vmovc v35;
	v35 =	vld [tilespmem:$0x1FF30];
	v17 =	vor.u32 v17, v3;
	v20 =	vor.u32 v20, v2;
	v18 =	vor.u32 v18, v4  }
0x1db: {  	v60 =	vand.u32 $0x1F, v29  }
0x1dc: {  	v23 =	vor.u32 v32, v60;
	_ =	sdelay $0x1  }
0x1dd: {  	v37 =	vshll.u32 v29, $0x7;
	v29 =	vshll.u32 v29, $0x9;
	v0 =	vlaneseq.u32  }
0x1de: {  	v30 =	vor.u32 v0, v37;
	v29 =	vand.u32 $0x3000, v29  }
0x1df: {  	v30 =	vand.u32 $0x388, v30;
	v0 =	vor.u32 v33, v29  }
0x1e0: {  	v29 =	vor.u32 v30, v0;
	v23 =	vld.idx.msk [tilespmem:v23+s15+$0x0], $0xffff  }
0x1e1: {  	v30 =	vor.u32 v36, v60;
	_ =	sdelay $0x2  }
0x1e2: {  	v31 =	vor.u32 v55, v37  }
0x1e3: {  	[tilespmem:v29+s0+$0x0] =	vst.idx.msk $0xffff, v23;
	v23 =	vand.u32 $0x398, v31  }
0x1e4: {  	v29 =	vld.idx.msk [tilespmem:v30+s15+$0x0], $0xffff;
	v23 =	vor.u32 v23, v0  }
0x1e5: {  	v30 =	vor.u32 v57, v60;
	_ =	sdelay $0x2  }
0x1e6: {  	v31 =	vor.u32 v61, v37  }
0x1e7: {  	[tilespmem:v23+s0+$0x0] =	vst.idx.msk $0xffff, v29;
	v23 =	vand.u32 $0x3A8, v31  }
0x1e8: {  	v29 =	vld.idx.msk [tilespmem:v30+s15+$0x0], $0xffff;
	v23 =	vor.u32 v23, v0  }
0x1e9: {  	v30 =	vor.u32 v59, v60;
	_ =	sdelay $0x2  }
0x1ea: {  	v31 =	vor.u32 v62, v37  }
0x1eb: {  	[tilespmem:v23+s0+$0x0] =	vst.idx.msk $0xffff, v29;
	v23 =	vand.u32 $0x3B8, v31  }
0x1ec: {  	v29 =	vld.idx.msk [tilespmem:v30+s15+$0x0], $0xffff;
	v23 =	vor.u32 v23, v0  }
0x1ed: {  	v30 =	vor.u32 v48, v60;
	_ =	sdelay $0x2  }
0x1ee: {  	v31 =	vor.u32 v47, v37  }
0x1ef: {  	[tilespmem:v23+s0+$0x0] =	vst.idx.msk $0xffff, v29;
	v23 =	vand.u32 $0x3C8, v31  }
0x1f0: {  	v29 =	vld.idx.msk [tilespmem:v30+s15+$0x0], $0xffff;
	v23 =	vor.u32 v23, v0  }
0x1f1: {  	v30 =	vor.u32 v42, v60;
	_ =	sdelay $0x2  }
0x1f2: {  	v31 =	vor.u32 v39, v37  }
0x1f3: {  	[tilespmem:v23+s0+$0x0] =	vst.idx.msk $0xffff, v29;
	v23 =	vand.u32 $0x3D8, v31  }
0x1f4: {  	v29 =	vld.idx.msk [tilespmem:v30+s15+$0x0], $0xffff;
	v23 =	vor.u32 v23, v0  }
0x1f5: {  	v30 =	vor.u32 v43, v60;
	_ =	sdelay $0x2  }
0x1f6: {  	v31 =	vor.u32 v45, v37  }
0x1f7: {  	[tilespmem:v23+s0+$0x0] =	vst.idx.msk $0xffff, v29;
	v23 =	vand.u32 $0x3E8, v31  }
0x1f8: {  	v29 =	vld.idx.msk [tilespmem:v30+s15+$0x0], $0xffff;
	v23 =	vor.u32 v23, v0;
	_ =	sdelay $0x3  }
0x1f9: {  	[tilespmem:v28+s0+$0x0] =	vst.idx.msk $0xffff, v22  }
0x1fa: {  	[tilespmem:v23+s0+$0x0] =	vst.idx.msk $0xffff, v29  }
0x1fb: {  	v39 =	vmov v0;
	v30 =	vor.u32 v50, v60;
	v0 =	vld [tilespmem:$0x1FF20];
	_ =	sdelay $0x1  }
0x1fc: {  	v31 =	vor.u32 v49, v8  }
0x1fd: {  	v28 =	vor.u32 v49, v37;
	v22 =	vand.u32 $0x3F8, v31  }
0x1fe: {  	v27 =	vld.idx.msk [tilespmem:v27+s15+$0x0], $0xffff;
	v22 =	vor.u32 v22, v9;
	v23 =	vand.u32 $0x3F8, v28  }
0x1ff: {  	v29 =	vld.idx.msk [tilespmem:v30+s15+$0x0], $0xffff;
	v23 =	vor.u32 v23, v39;
	v28 =	vor.u32 v0, v10  }
0x200: {  	v30 =	vor.u32 v0, v60;
	_ =	sdelay $0x1  }
0x201: {  	v31 =	vor.u32 v34, v8  }
0x202: {  	[tilespmem:v22+s0+$0x0] =	vst.idx.msk $0xffff, v27;
	v22 =	vand.u32 $0x788, v31;
	v27 =	vor.u32 v34, v37  }
0x203: {  	v22 =	vor.u32 v22, v9;
	[tilespmem:v23+s0+$0x0] =	vst.idx.msk $0xffff, v29;
	v23 =	vand.u32 $0x788, v27;
	v28 =	vld.idx.msk [tilespmem:v28+s15+$0x0], $0xffff  }
0x204: {  	v27 =	vor.u32 v54, v10;
	v23 =	vor.u32 v23, v39;
	v29 =	vld.idx.msk [tilespmem:v30+s15+$0x0], $0xffff  }
0x205: {  	v30 =	vor.u32 v54, v60;
	_ =	sdelay $0x1  }
0x206: {  	v31 =	vor.u32 v40, v8  }
0x207: {  	[tilespmem:v22+s0+$0x0] =	vst.idx.msk $0xffff, v28;
	v22 =	vand.u32 $0x798, v31;
	v28 =	vor.u32 v40, v37  }
0x208: {  	[tilespmem:v23+s0+$0x0] =	vst.idx.msk $0xffff, v29;
	v27 =	vld.idx.msk [tilespmem:v27+s15+$0x0], $0xffff;
	v22 =	vor.u32 v22, v9;
	v23 =	vand.u32 $0x798, v28  }
0x209: {  	v28 =	vor.u32 v41, v10;
	v29 =	vld.idx.msk [tilespmem:v30+s15+$0x0], $0xffff;
	v23 =	vor.u32 v23, v39  }
0x20a: {  	v30 =	vor.u32 v41, v60;
	_ =	sdelay $0x1  }
0x20b: {  	v31 =	vor.u32 v58, v8  }
0x20c: {  	[tilespmem:v22+s0+$0x0] =	vst.idx.msk $0xffff, v27;
	v22 =	vand.u32 $0x7A8, v31;
	v27 =	vor.u32 v58, v37  }
0x20d: {  	v28 =	vld.idx.msk [tilespmem:v28+s15+$0x0], $0xffff;
	v22 =	vor.u32 v22, v9;
	[tilespmem:v23+s0+$0x0] =	vst.idx.msk $0xffff, v29;
	v23 =	vand.u32 $0x7A8, v27  }
0x20e: {  	v27 =	vor.u32 v44, v10;
	v29 =	vld.idx.msk [tilespmem:v30+s15+$0x0], $0xffff;
	v23 =	vor.u32 v23, v39  }
0x20f: {  	v30 =	vor.u32 v44, v60;
	_ =	sdelay $0x1  }
0x210: {  	v31 =	vor.u32 v51, v8  }
0x211: {  	[tilespmem:v22+s0+$0x0] =	vst.idx.msk $0xffff, v28;
	v22 =	vand.u32 $0x7B8, v31;
	v28 =	vor.u32 v51, v37  }
0x212: {  	v27 =	vld.idx.msk [tilespmem:v27+s15+$0x0], $0xffff;
	v22 =	vor.u32 v22, v9;
	[tilespmem:v23+s0+$0x0] =	vst.idx.msk $0xffff, v29;
	v23 =	vand.u32 $0x7B8, v28  }
0x213: {  	v28 =	vor.u32 v53, v10;
	v29 =	vld.idx.msk [tilespmem:v30+s15+$0x0], $0xffff;
	v23 =	vor.u32 v23, v39  }
0x214: {  	v30 =	vor.u32 v53, v60;
	_ =	sdelay $0x1  }
0x215: {  	v31 =	vor.u32 v63, v8  }
0x216: {  	[tilespmem:v22+s0+$0x0] =	vst.idx.msk $0xffff, v27;
	v22 =	vand.u32 $0x7C8, v31;
	v27 =	vor.u32 v63, v37  }
0x217: {  	v28 =	vld.idx.msk [tilespmem:v28+s15+$0x0], $0xffff;
	v22 =	vor.u32 v22, v9;
	[tilespmem:v23+s0+$0x0] =	vst.idx.msk $0xffff, v29;
	v23 =	vand.u32 $0x7C8, v27  }
0x218: {  	v27 =	vor.u32 v38, v10;
	v29 =	vld.idx.msk [tilespmem:v30+s15+$0x0], $0xffff;
	v23 =	vor.u32 v23, v39  }
0x219: {  	v30 =	vor.u32 v38, v60;
	_ =	sdelay $0x1  }
0x21a: {  	v31 =	vor.u32 v52, v8  }
0x21b: {  	[tilespmem:v22+s0+$0x0] =	vst.idx.msk $0xffff, v28;
	v22 =	vand.u32 $0x7D8, v31;
	v28 =	vor.u32 v52, v37  }
0x21c: {  	v27 =	vld.idx.msk [tilespmem:v27+s15+$0x0], $0xffff;
	v22 =	vor.u32 v22, v9;
	[tilespmem:v23+s0+$0x0] =	vst.idx.msk $0xffff, v29;
	v23 =	vand.u32 $0x7D8, v28  }
0x21d: {  	v28 =	vor.u32 v46, v10;
	v29 =	vld.idx.msk [tilespmem:v30+s15+$0x0], $0xffff;
	v23 =	vor.u32 v23, v39;
	_ =	sdelay $0x1  }
0x21e: {  	v30 =	vor.u32 v46, v60;
	_ =	sdelay $0x1  }
0x21f: {  	v31 =	vor.u32 v56, v8;
	[tilespmem:v22+s0+$0x0] =	vst.idx.msk $0xffff, v27  }
0x220: {  	v22 =	vand.u32 $0x7E8, v31;
	v27 =	vor.u32 v56, v37;
	v28 =	vld.idx.msk [tilespmem:v28+s15+$0x0], $0xffff;
	[tilespmem:v23+s0+$0x0] =	vst.idx.msk $0xffff, v29  }
0x221: {  	v22 =	vor.u32 v22, v9;
	v23 =	vand.u32 $0x7E8, v27;
	v0 =	vld [tilespmem:$0x1FED0]  }
0x222: {  	v29 =	vld.idx.msk [tilespmem:v30+s15+$0x0], $0xffff;
	v23 =	vor.u32 v23, v39;
	_ =	sdelay $0x2  }
0x223: {  	[tilespmem:v25+s0+$0x0] =	vst.idx.msk $0xffff, v24  }
0x224: {  	v30 =	vor.u32 v35, v5;
	[tilespmem:v22+s0+$0x0] =	vst.idx.msk $0xffff, v28;
	v27 =	vor.u32 v0, v10  }
0x225: {  	v24 =	vand.u32 $0x7F8, v30;
	v25 =	vld.idx.msk [tilespmem:v26+s15+$0x0], $0xffff;
	v31 =	vor.u32 v0, v60;
	[tilespmem:v23+s0+$0x0] =	vst.idx.msk $0xffff, v29  }
0x226: {  	v24 =	vor.u32 v24, v6;
	v46 =	vld [tilespmem:$0x1FE20]  }
0x227: {  	v26 =	vor.u32 v35, v8;
	v0 =	vld [tilespmem:$0x1FE10]  }
0x228: {  	v22 =	vand.u32 $0x7F8, v26;
	v26 =	vor.u32 v35, v37  }
0x229: {  	v22 =	vor.u32 v22, v9;
	v23 =	vand.u32 $0x7F8, v26;
	v27 =	vld.idx.msk [tilespmem:v27+s15+$0x0], $0xffff  }
0x22a: {  	v23 =	vor.u32 v23, v39;
	v28 =	vld.idx.msk [tilespmem:v31+s15+$0x0], $0xffff  }
0x22b: {  	[tilespmem:v24+s0+$0x0] =	vst.idx.msk $0xffff, v25;
	v29 =	vor.u32 v46, v5  }
0x22c: {  	v21 =	vld.idx.msk [tilespmem:v21+s15+$0x0], $0xffff;
	v26 =	vor.u32 v0, v10;
	v24 =	vand.u32 $0xB88, v29  }
0x22d: {  	v31 =	vld [tilespmem:$0x1FE30];
	v30 =	vor.u32 v0, v60;
	v24 =	vor.u32 v24, v6  }
0x22e: {  	[tilespmem:v22+s0+$0x0] =	vst.idx.msk $0xffff, v27  }
0x22f: {  	v42 =	vmov v37;
	v25 =	vor.u32 v46, v8;
	[tilespmem:v23+s0+$0x0] =	vst.idx.msk $0xffff, v28  }
0x230: {  	v22 =	vand.u32 $0xB88, v25;
	v25 =	vor.u32 v46, v42;
	v0 =	vld [tilespmem:$0x1FE40]  }
0x231: {  	v26 =	vld.idx.msk [tilespmem:v26+s15+$0x0], $0xffff;
	v22 =	vor.u32 v22, v9;
	v23 =	vand.u32 $0xB88, v25  }
0x232: {  	v29 =	vor.u32 v31, v7;
	v27 =	vld.idx.msk [tilespmem:v30+s15+$0x0], $0xffff;
	v23 =	vor.u32 v23, v39;
	[tilespmem:v24+s0+$0x0] =	vst.idx.msk $0xffff, v21  }
0x233: {  	v25 =	vor.u32 v31, v10;
	v30 =	vor.u32 v31, v60;
	v31 =	vld [tilespmem:$0x1FE50];
	_ =	sdelay $0x1  }
0x234: {  	v28 =	vor.u32 v0, v5  }
0x235: {  	[tilespmem:v22+s0+$0x0] =	vst.idx.msk $0xffff, v26;
	v21 =	vand.u32 $0xB98, v28  }
0x236: {  	v24 =	vld.idx.msk [tilespmem:v29+s15+$0x0], $0xffff;
	v28 =	vor.u32 v0, v8;
	[tilespmem:v23+s0+$0x0] =	vst.idx.msk $0xffff, v27;
	v21 =	vor.u32 v21, v6  }
0x237: {  	v26 =	vor.u32 v0, v42;
	v22 =	vand.u32 $0xB98, v28;
	v0 =	vld [tilespmem:$0x1FE60];
	v29 =	vor.u32 v31, v7  }
0x238: {  	v25 =	vld.idx.msk [tilespmem:v25+s15+$0x0], $0xffff;
	v23 =	vand.u32 $0xB98, v26;
	v22 =	vor.u32 v22, v9  }
0x239: {  	v27 =	vld.idx.msk [tilespmem:v30+s15+$0x0], $0xffff;
	v23 =	vor.u32 v23, v39;
	v26 =	vor.u32 v31, v10  }
0x23a: {  	v30 =	vor.u32 v31, v60  }
0x23b: {  	[tilespmem:v21+s0+$0x0] =	vst.idx.msk $0xffff, v24  }
0x23c: {  	v28 =	vor.u32 v0, v5;
	v24 =	vld.idx.msk [tilespmem:v29+s15+$0x0], $0xffff  }
0x23d: {  	v21 =	vand.u32 $0xBA8, v28;
	v28 =	vor.u32 v0, v8;
	v31 =	vld [tilespmem:$0x1FC30];
	[tilespmem:v22+s0+$0x0] =	vst.idx.msk $0xffff, v25;
	v25 =	vor.u32 v0, v42  }
0x23e: {  	[tilespmem:v23+s0+$0x0] =	vst.idx.msk $0xffff, v27;
	v21 =	vor.u32 v21, v6;
	v22 =	vand.u32 $0xBA8, v28;
	v26 =	vld.idx.msk [tilespmem:v26+s15+$0x0], $0xffff  }
0x23f: {  	v23 =	vand.u32 $0xBA8, v25;
	v27 =	vld.idx.msk [tilespmem:v30+s15+$0x0], $0xffff;
	v22 =	vor.u32 v22, v9  }
0x240: {  	v0 =	vld [tilespmem:$0x1FC40];
	v23 =	vor.u32 v23, v39;
	_ =	sdelay $0x1  }
0x241: {  	v29 =	vor.u32 v31, v7  }
0x242: {  	[tilespmem:v21+s0+$0x0] =	vst.idx.msk $0xffff, v24  }
0x243: {  	v25 =	vor.u32 v31, v10;
	v30 =	vor.u32 v31, v60;
	v31 =	vld [tilespmem:$0x1FC50];
	[tilespmem:v22+s0+$0x0] =	vst.idx.msk $0xffff, v26  }
0x244: {  	v28 =	vor.u32 v0, v5;
	[tilespmem:v23+s0+$0x0] =	vst.idx.msk $0xffff, v27  }
0x245: {  	v21 =	vand.u32 $0xBB8, v28;
	v28 =	vor.u32 v0, v8;
	v26 =	vor.u32 v0, v42;
	v0 =	vld [tilespmem:$0x1FE70]  }
0x246: {  	v21 =	vor.u32 v21, v6;
	v24 =	vld.idx.msk [tilespmem:v29+s15+$0x0], $0xffff  }
0x247: {  	v22 =	vand.u32 $0xBB8, v28  }
0x248: {  	v23 =	vand.u32 $0xBB8, v26;
	v22 =	vor.u32 v22, v9;
	v25 =	vld.idx.msk [tilespmem:v25+s15+$0x0], $0xffff;
	v29 =	vor.u32 v31, v7  }
0x249: {  	v23 =	vor.u32 v23, v39;
	v27 =	vld.idx.msk [tilespmem:v30+s15+$0x0], $0xffff;
	v26 =	vor.u32 v31, v10  }
0x24a: {  	v30 =	vor.u32 v31, v60  }
0x24b: {  	v28 =	vor.u32 v0, v5;
	[tilespmem:v21+s0+$0x0] =	vst.idx.msk $0xffff, v24  }
0x24c: {  	v21 =	vand.u32 $0xBC8, v28;
	v31 =	vld [tilespmem:$0x1FE80]  }
0x24d: {  	v28 =	vor.u32 v0, v8;
	v21 =	vor.u32 v21, v6;
	[tilespmem:v22+s0+$0x0] =	vst.idx.msk $0xffff, v25;
	v24 =	vld.idx.msk [tilespmem:v29+s15+$0x0], $0xffff  }
0x24e: {  	v22 =	vand.u32 $0xBC8, v28;
	v25 =	vor.u32 v0, v42;
	[tilespmem:v23+s0+$0x0] =	vst.idx.msk $0xffff, v27;
	v26 =	vld.idx.msk [tilespmem:v26+s15+$0x0], $0xffff  }
0x24f: {  	v22 =	vor.u32 v22, v9;
	v23 =	vand.u32 $0xBC8, v25;
	v27 =	vld.idx.msk [tilespmem:v30+s15+$0x0], $0xffff  }
0x250: {  	v0 =	vld [tilespmem:$0x1FE90];
	v23 =	vor.u32 v23, v39;
	_ =	sdelay $0x1  }
0x251: {  	v29 =	vor.u32 v31, v7;
	[tilespmem:v21+s0+$0x0] =	vst.idx.msk $0xffff, v24  }
0x252: {  	v25 =	vor.u32 v31, v10;
	v30 =	vor.u32 v31, v60;
	v31 =	vld [tilespmem:$0x1FEA0]  }
0x253: {  	[tilespmem:v22+s0+$0x0] =	vst.idx.msk $0xffff, v26  }
0x254: {  	v28 =	vor.u32 v0, v5;
	[tilespmem:v23+s0+$0x0] =	vst.idx.msk $0xffff, v27  }
0x255: {  	v21 =	vand.u32 $0xBD8, v28;
	v28 =	vor.u32 v0, v8;
	v26 =	vor.u32 v0, v42;
	v0 =	vld [tilespmem:$0x1FEB0]  }
0x256: {  	v21 =	vor.u32 v21, v6;
	v22 =	vand.u32 $0xBD8, v28;
	v24 =	vld.idx.msk [tilespmem:v29+s15+$0x0], $0xffff  }
0x257: {  	v22 =	vor.u32 v22, v9;
	v25 =	vld.idx.msk [tilespmem:v25+s15+$0x0], $0xffff;
	v29 =	vor.u32 v31, v7  }
0x258: {  	v23 =	vand.u32 $0xBD8, v26  }
0x259: {  	v23 =	vor.u32 v23, v39;
	v27 =	vld.idx.msk [tilespmem:v30+s15+$0x0], $0xffff;
	v26 =	vor.u32 v31, v10;
	_ =	sdelay $0x1  }
0x25a: {  	v30 =	vor.u32 v31, v60;
	v28 =	vor.u32 v0, v5;
	[tilespmem:v21+s0+$0x0] =	vst.idx.msk $0xffff, v24  }
0x25b: {  	v21 =	vand.u32 $0xBE8, v28;
	v28 =	vor.u32 v0, v8;
	[tilespmem:v22+s0+$0x0] =	vst.idx.msk $0xffff, v25;
	v24 =	vld.idx.msk [tilespmem:v29+s15+$0x0], $0xffff  }
0x25c: {  	v21 =	vor.u32 v21, v6;
	v25 =	vand.u32 $0xBE8, v28;
	v29 =	vld [tilespmem:$0x1FEC0]  }
0x25d: {  	[tilespmem:v23+s0+$0x0] =	vst.idx.msk $0xffff, v27;
	v23 =	vld.idx.msk [tilespmem:v26+s15+$0x0], $0xffff;
	v25 =	vor.u32 v25, v9  }
0x25e: {  	v28 =	vor.u32 v0, v42  }
0x25f: {  	v26 =	vand.u32 $0xBE8, v28;
	[tilespmem:v20+s0+$0x0] =	vst.idx.msk $0xffff, v19;
	v28 =	vld.idx.msk [tilespmem:v30+s15+$0x0], $0xffff  }
0x260: {  	v26 =	vor.u32 v26, v39;
	v0 =	vld [tilespmem:$0x1FF10]  }
0x261: {  	[tilespmem:v21+s0+$0x0] =	vst.idx.msk $0xffff, v24  }
0x262: {  	v22 =	vor.u32 v29, v7;
	[tilespmem:v25+s0+$0x0] =	vst.idx.msk $0xffff, v23  }
0x263: {  	v27 =	vor.u32 v29, v10;
	v20 =	vor.u32 v29, v60;
	v29 =	vld [tilespmem:$0x1FC60]  }
0x264: {  	v17 =	vand.u32 $0xBF8, v17  }
0x265: {  	v17 =	vor.u32 v17, v2;
	v18 =	vld.idx.msk [tilespmem:v18+s15+$0x0], $0xffff;
	v19 =	vor.u32 v0, v5;
	[tilespmem:v26+s0+$0x0] =	vst.idx.msk $0xffff, v28  }
0x266: {  	v14 =	vand.u32 $0xFE8, v14;
	v19 =	vand.u32 $0xBF8, v19;
	v28 =	vld [tilespmem:$0x1FEF0]  }
0x267: {  	v14 =	vor.u32 v14, v1;
	v19 =	vor.u32 v19, v6;
	v21 =	vld.idx.msk [tilespmem:v22+s15+$0x0], $0xffff;
	v22 =	vor.u32 v0, v8  }
0x268: {  	v16 =	vld.idx.msk [tilespmem:v16+s15+$0x0], $0xffff;
	v24 =	vor.u32 v0, v42;
	v23 =	vor.u32 v29, v7;
	v22 =	vand.u32 $0xBF8, v22  }
0x269: {  	v24 =	vand.u32 $0xBF8, v24;
	v25 =	vld.idx.msk [tilespmem:v27+s15+$0x0], $0xffff;
	v22 =	vor.u32 v22, v9  }
0x26a: {  	[tilespmem:v17+s0+$0x0] =	vst.idx.msk $0xffff, v18;
	v24 =	vor.u32 v24, v39;
	v20 =	vld.idx.msk [tilespmem:v20+s15+$0x0], $0xffff;
	v27 =	vor.u32 v29, v10  }
0x26b: {  	v15 =	vld.idx.msk [tilespmem:v15+s15+$0x0], $0xffff;
	v26 =	vor.u32 v28, v3  }
0x26c: {  	v18 =	vor.u32 v28, v5;
	v17 =	vand.u32 $0xF88, v26;
	v26 =	vor.u32 v29, v60;
	[tilespmem:v19+s0+$0x0] =	vst.idx.msk $0xffff, v21  }
0x26d: {  	[tilespmem:v14+s0+$0x0] =	vst.idx.msk $0xffff, v16;
	v18 =	vand.u32 $0xF88, v18;
	v17 =	vor.u32 v17, v2;
	v14 =	vld.idx.msk [tilespmem:v23+s15+$0x0], $0xffff  }
0x26e: {  	v16 =	vor.u32 v18, v6;
	v18 =	vor.u32 v28, v8;
	v0 =	vld [tilespmem:$0x1FEE0];
	[tilespmem:v22+s0+$0x0] =	vst.idx.msk $0xffff, v25  }
0x26f: {  	v18 =	vand.u32 $0xF88, v18;
	v21 =	vor.u32 v28, v42;
	[tilespmem:v24+s0+$0x0] =	vst.idx.msk $0xffff, v20;
	v22 =	vld.idx.msk [tilespmem:v27+s15+$0x0], $0xffff  }
0x270: {  	v18 =	vor.u32 v18, v9;
	v20 =	vand.u32 $0xF88, v21;
	v27 =	vld [tilespmem:$0x1FF00]  }
0x271: {  	v20 =	vor.u32 v20, v39;
	v24 =	vld.idx.msk [tilespmem:v26+s15+$0x0], $0xffff  }
0x272: {  	[tilespmem:v17+s0+$0x0] =	vst.idx.msk $0xffff, v15  }
0x273: {  	[tilespmem:v16+s0+$0x0] =	vst.idx.msk $0xffff, v14  }
0x274: {  	v19 =	vor.u32 v0, v7;
	v26 =	vld [tilespmem:$0x1FC70]  }
0x275: {  	[tilespmem:v18+s0+$0x0] =	vst.idx.msk $0xffff, v22  }
0x276: {  	v23 =	vor.u32 v0, v10;
	v21 =	vor.u32 v27, v3;
	[tilespmem:v20+s0+$0x0] =	vst.idx.msk $0xffff, v24  }
0x277: {  	v17 =	vor.u32 v27, v5;
	v15 =	vand.u32 $0xF98, v21;
	v21 =	vor.u32 v0, v60;
	v0 =	vld [tilespmem:$0x1FC80]  }
0x278: {  	v13 =	vld.idx.msk [tilespmem:v13+s15+$0x0], $0xffff;
	v14 =	vand.u32 $0xF98, v17;
	v15 =	vor.u32 v15, v2  }
0x279: {  	v14 =	vor.u32 v14, v6;
	v17 =	vld.idx.msk [tilespmem:v19+s15+$0x0], $0xffff;
	v19 =	vor.u32 v27, v8;
	v16 =	vor.u32 v26, v4  }
0x27a: {  	v18 =	vand.u32 $0xF98, v19;
	v19 =	vor.u32 v27, v42  }
0x27b: {  	v22 =	vld.idx.msk [tilespmem:v23+s15+$0x0], $0xffff;
	v25 =	vor.u32 v26, v7;
	v18 =	vor.u32 v18, v9;
	v19 =	vand.u32 $0xF98, v19  }
0x27c: {  	v23 =	vor.u32 v26, v10;
	v20 =	vor.u32 v0, v3;
	v21 =	vld.idx.msk [tilespmem:v21+s15+$0x0], $0xffff;
	v19 =	vor.u32 v19, v39  }
0x27d: {  	[tilespmem:v15+s0+$0x0] =	vst.idx.msk $0xffff, v13;
	v13 =	vand.u32 $0xFA8, v20  }
0x27e: {  	v15 =	vor.u32 v0, v5;
	v20 =	vor.u32 v26, v60;
	[tilespmem:v14+s0+$0x0] =	vst.idx.msk $0xffff, v17;
	v16 =	vld.idx.msk [tilespmem:v16+s15+$0x0], $0xffff  }
0x27f: {  	v24 =	vor.u32 v0, v8;
	v14 =	vand.u32 $0xFA8, v15;
	v27 =	vld [tilespmem:$0x1FC90]  }
0x280: {  	v13 =	vor.u32 v13, v2;
	v17 =	vld.idx.msk [tilespmem:v25+s15+$0x0], $0xffff;
	v14 =	vor.u32 v14, v6;
	[tilespmem:v18+s0+$0x0] =	vst.idx.msk $0xffff, v22  }
0x281: {  	v18 =	vand.u32 $0xFA8, v24;
	v22 =	vor.u32 v0, v42;
	v23 =	vld.idx.msk [tilespmem:v23+s15+$0x0], $0xffff;
	[tilespmem:v19+s0+$0x0] =	vst.idx.msk $0xffff, v21  }
0x282: {  	v18 =	vor.u32 v18, v9;
	v19 =	vand.u32 $0xFA8, v22;
	v26 =	vld [tilespmem:$0x1FCA0]  }
0x283: {  	v20 =	vld.idx.msk [tilespmem:v20+s15+$0x0], $0xffff;
	v19 =	vor.u32 v19, v39;
	_ =	sdelay $0x1  }
0x284: {  	v15 =	vor.u32 v27, v4;
	[tilespmem:v13+s0+$0x0] =	vst.idx.msk $0xffff, v16  }
0x285: {  	v25 =	vor.u32 v27, v7;
	[tilespmem:v14+s0+$0x0] =	vst.idx.msk $0xffff, v17  }
0x286: {  	v22 =	vor.u32 v27, v10;
	v0 =	vld [tilespmem:$0x1FCB0];
	[tilespmem:v18+s0+$0x0] =	vst.idx.msk $0xffff, v23  }
0x287: {  	v21 =	vor.u32 v26, v3;
	v16 =	vor.u32 v26, v5;
	[tilespmem:v19+s0+$0x0] =	vst.idx.msk $0xffff, v20  }
0x288: {  	v24 =	vor.u32 v26, v8;
	v23 =	vor.u32 v26, v42;
	v13 =	vand.u32 $0xFB8, v21;
	v26 =	vld [tilespmem:$0x1FCC0]  }
0x289: {  	v21 =	vor.u32 v27, v60;
	v14 =	vand.u32 $0xFB8, v16;
	v15 =	vld.idx.msk [tilespmem:v15+s15+$0x0], $0xffff;
	v13 =	vor.u32 v13, v2  }
0x28a: {  	v17 =	vld.idx.msk [tilespmem:v25+s15+$0x0], $0xffff;
	v14 =	vor.u32 v14, v6;
	_ =	sdelay $0x1  }
0x28b: {  	v18 =	vand.u32 $0xFB8, v24  }
0x28c: {  	v19 =	vand.u32 $0xFB8, v23;
	v22 =	vld.idx.msk [tilespmem:v22+s15+$0x0], $0xffff;
	v18 =	vor.u32 v18, v9  }
0x28d: {  	v19 =	vor.u32 v19, v39;
	v16 =	vor.u32 v0, v4;
	v21 =	vld.idx.msk [tilespmem:v21+s15+$0x0], $0xffff;
	[tilespmem:v13+s0+$0x0] =	vst.idx.msk $0xffff, v15  }
0x28e: {  	v25 =	vor.u32 v0, v7;
	v20 =	vor.u32 v26, v3;
	[tilespmem:v14+s0+$0x0] =	vst.idx.msk $0xffff, v17  }
0x28f: {  	v23 =	vor.u32 v0, v10;
	v13 =	vand.u32 $0xFC8, v20;
	v20 =	vor.u32 v0, v60;
	v0 =	vld [tilespmem:$0x1FCD0];
	_ =	sdelay $0x1  }
0x290: {  	[tilespmem:v18+s0+$0x0] =	vst.idx.msk $0xffff, v22  }
0x291: {  	v24 =	vor.u32 v26, v8;
	v15 =	vor.u32 v26, v5;
	v16 =	vld.idx.msk [tilespmem:v16+s15+$0x0], $0xffff;
	[tilespmem:v19+s0+$0x0] =	vst.idx.msk $0xffff, v21  }
0x292: {  	v13 =	vor.u32 v13, v2;
	v14 =	vand.u32 $0xFC8, v15;
	v22 =	vor.u32 v26, v42;
	v26 =	vld [tilespmem:$0x1FCE0]  }
0x293: {  	v17 =	vld.idx.msk [tilespmem:v25+s15+$0x0], $0xffff;
	v14 =	vor.u32 v14, v6;
	v15 =	vor.u32 v0, v4;
	_ =	sdelay $0x1  }
0x294: {  	v18 =	vand.u32 $0xFC8, v24;
	v19 =	vand.u32 $0xFC8, v22;
	v25 =	vor.u32 v0, v7  }
0x295: {  	v23 =	vld.idx.msk [tilespmem:v23+s15+$0x0], $0xffff;
	v18 =	vor.u32 v18, v9;
	v19 =	vor.u32 v19, v39  }
0x296: {  	v20 =	vld.idx.msk [tilespmem:v20+s15+$0x0], $0xffff;
	v22 =	vor.u32 v0, v10;
	[tilespmem:v13+s0+$0x0] =	vst.idx.msk $0xffff, v16;
	v21 =	vor.u32 v26, v3  }
0x297: {  	[tilespmem:v14+s0+$0x0] =	vst.idx.msk $0xffff, v17;
	v16 =	vor.u32 v26, v5;
	v13 =	vand.u32 $0xFD8, v21;
	v15 =	vld.idx.msk [tilespmem:v15+s15+$0x0], $0xffff  }
0x298: {  	v21 =	vor.u32 v0, v60;
	v14 =	vand.u32 $0xFD8, v16;
	v0 =	vld [tilespmem:$0x1FCF0];
	v13 =	vor.u32 v13, v2  }
0x299: {  	v17 =	vld.idx.msk [tilespmem:v25+s15+$0x0], $0xffff;
	v14 =	vor.u32 v14, v6  }
0x29a: {  	v24 =	vor.u32 v26, v8;
	[tilespmem:v18+s0+$0x0] =	vst.idx.msk $0xffff, v23  }
0x29b: {  	v18 =	vand.u32 $0xFD8, v24;
	v23 =	vor.u32 v26, v42;
	[tilespmem:v19+s0+$0x0] =	vst.idx.msk $0xffff, v20;
	v22 =	vld.idx.msk [tilespmem:v22+s15+$0x0], $0xffff  }
0x29c: {  	v43 =	vmov v60;
	v18 =	vor.u32 v18, v9;
	v19 =	vand.u32 $0xFD8, v23;
	v60 =	vld [tilespmem:$0x1FD00]  }
0x29d: {  	v19 =	vor.u32 v19, v39;
	v16 =	vor.u32 v0, v4;
	v21 =	vld.idx.msk [tilespmem:v21+s15+$0x0], $0xffff;
	[tilespmem:v13+s0+$0x0] =	vst.idx.msk $0xffff, v15  }
0x29e: {  	[tilespmem:v14+s0+$0x0] =	vst.idx.msk $0xffff, v17  }
0x29f: {  	v25 =	vor.u32 v0, v7;
	v47 =	vld [tilespmem:$0x1FD10]  }
0x2a0: {  	v23 =	vor.u32 v0, v10  }
0x2a1: {  	v20 =	vor.u32 v60, v3;
	v15 =	vor.u32 v60, v5;
	[tilespmem:v18+s0+$0x0] =	vst.idx.msk $0xffff, v22  }
0x2a2: {  	v13 =	vand.u32 $0xFE8, v20;
	v20 =	vor.u32 v0, v43;
	v16 =	vld.idx.msk [tilespmem:v16+s15+$0x0], $0xffff;
	[tilespmem:v19+s0+$0x0] =	vst.idx.msk $0xffff, v21  }
0x2a3: {  	v14 =	vand.u32 $0xFE8, v15;
	v13 =	vor.u32 v13, v2;
	v34 =	vld [tilespmem:$0x1FC00]  }
0x2a4: {  	v17 =	vor.u32 v60, v8;
	v14 =	vor.u32 v14, v6;
	v15 =	vld.idx.msk [tilespmem:v25+s15+$0x0], $0xffff;
	v4 =	vor.u32 v47, v4  }
0x2a5: {  	v17 =	vand.u32 $0xFE8, v17;
	v18 =	vor.u32 v60, v42;
	v7 =	vor.u32 v47, v7  }
0x2a6: {  	v11 =	vand.u32 $0xFF8, v11;
	v17 =	vor.u32 v17, v9;
	v18 =	vand.u32 $0xFE8, v18;
	v22 =	vld.idx.msk [tilespmem:v23+s15+$0x0], $0xffff  }
0x2a7: {  	v1 =	vor.u32 v11, v1;
	v18 =	vor.u32 v18, v39;
	v10 =	vor.u32 v47, v10;
	v11 =	vld.idx.msk [tilespmem:v20+s15+$0x0], $0xffff  }
0x2a8: {  	v12 =	vld.idx.msk [tilespmem:v12+s15+$0x0], $0xffff;
	[tilespmem:v13+s0+$0x0] =	vst.idx.msk $0xffff, v16;
	v13 =	vor.u32 v47, v43;
	v3 =	vor.u32 v34, v3  }
0x2a9: {  	[tilespmem:v14+s0+$0x0] =	vst.idx.msk $0xffff, v15;
	v5 =	vor.u32 v34, v5;
	v4 =	vld.idx.msk [tilespmem:v4+s15+$0x0], $0xffff;
	v3 =	vand.u32 $0xFF8, v3  }
0x2aa: {  	v5 =	vand.u32 $0xFF8, v5;
	v2 =	vor.u32 v3, v2;
	v3 =	vld.idx.msk [tilespmem:v7+s15+$0x0], $0xffff;
	v7 =	vor.u32 v34, v8  }
0x2ab: {  	[tilespmem:v17+s0+$0x0] =	vst.idx.msk $0xffff, v22;
	v5 =	vor.u32 v5, v6;
	v6 =	vand.u32 $0xFF8, v7;
	v7 =	vor.u32 v34, v42  }
0x2ac: {  	[tilespmem:v18+s0+$0x0] =	vst.idx.msk $0xffff, v11;
	v8 =	vld.idx.msk [tilespmem:v10+s15+$0x0], $0xffff;
	v6 =	vor.u32 v6, v9;
	v7 =	vand.u32 $0xFF8, v7  }
0x2ad: {  	v9 =	vld.idx.msk [tilespmem:v13+s15+$0x0], $0xffff;
	v7 =	vor.u32 v7, v39  }
0x2ae: {  	[tilespmem:v1+s0+$0x0] =	vst.idx.msk $0xffff, v12  }
0x2af: {  	[tilespmem:v2+s0+$0x0] =	vst.idx.msk $0xffff, v4  }
0x2b0: {  	[tilespmem:v5+s0+$0x0] =	vst.idx.msk $0xffff, v3  }
0x2b1: {  	s3 =	sor.u32 s4, s3;
	s1 =	rddreg [dreg:$0x1];
	[tilespmem:v6+s0+$0x0] =	vst.idx.msk $0xffff, v8  }
0x2b2: {  	s13 =	sadd.s32 s1, s3;
	[tilespmem:v7+s0+$0x0] =	vst.idx.msk $0xffff, v9  }
0x2b3: {  	[hbm4b:s13+s2] =	stream.strided.scatter [tilespmem:s0], [sflag:$0x3], $0x4000, s16, s2, $0x38;
	[tilespmem:$0x10400] =	vst v63  }
0x2b4: {  	s13 =	simm.s32 @!p0 $0x5  }
0x2b5: {  	_ =	swait.ge @!p0 [sflag:s13], $0x200  }
0x2b6: {  	s20 =	simm.s32 @!p0 $0x0;
	[sflag:s13] =	ssyncset.done @!p0 $0x0  }
0x2b7: {  	s8 =	simm.s32 @!p0 $0x400;
	[sflag:s13] =	ssyncadd.s32 @!p0 $0xFFFFFE00;
	s13 =	simm.s32 @!p0 $0x80  }
0x2b8: {  	[tilespmem:s8], [sflag:$0x1] =	stream.indirect.gather @!p0 [hbm4b:s7+s13], $0x20, s20, s13, $0xb8;
	[tilespmem:$0x10400] =	vst v63  }
0x2b9: {  	s8 =	simm.s32 @!p0 $0x1400  }
0x2ba: {  	[tilespmem:s8], [sflag:$0x1] =	stream.indirect.gather @!p0 [hbm4b:s7+s13], $0x20, s13, s13, $0xb8;
	[tilespmem:$0x10400] =	vst v63  }
0x2bb: {  	s1 =	simm.s32 @!p0 $0x2400;
	s8 =	simm.s32 @!p0 $0x100  }
0x2bc: {  	[tilespmem:s1], [sflag:$0x1] =	stream.indirect.gather @!p0 [hbm4b:s7+s13], $0x20, s8, s13, $0xb8;
	[tilespmem:$0x10400] =	vst v63  }
0x2bd: {  	s1 =	simm.s32 @!p0 $0x180;
	s8 =	simm.s32 @!p0 $0x3400  }
0x2be: {  	[tilespmem:s8], [sflag:$0x1] =	stream.indirect.gather @!p0 [hbm4b:s7+s13], $0x20, s1, s13, $0xb8;
	[tilespmem:$0x10400] =	vst v63  }
0x2bf: {  	_ =	swait.ge [sflag:s17], $0x1000  }
0x2c0: {  	[sflag:s17] =	ssyncset.done $0x0  }
0x2c1: {  	[sflag:s17] =	ssyncadd.s32 $0xFFFFF000  }
0x2c2: {  	_ =	swait.ge [sflag:s17], $0x1000  }
0x2c3: {  	[sflag:s17] =	ssyncset.done $0x0  }
0x2c4: {  	[sflag:s17] =	ssyncadd.s32 $0xFFFFF000  }
0x2c5: {  	_ =	swait.ge [sflag:s17], $0x1000  }
0x2c6: {  	[sflag:s17] =	ssyncset.done $0x0  }
0x2c7: {  	[sflag:s17] =	ssyncadd.s32 $0xFFFFF000  }
0x2c8: {  	v3 =	vlaneseq.u32;
	s1 =	sadd.s32 @!p0 s10, s6;
	s13 =	simm.s32 $0x0;
	_ =	swait.ge [sflag:s17], $0x1000  }
0x2c9: {  	s1 =	sshrl.u32 @!p0 s1, $0x3;
	v1 =	vadd.s32 s13, v3;
	[sflag:s17] =	ssyncset.done $0x0  }
0x2ca: {  	s6 =	simm.s32 @!p0 $0x200;
	s1 =	sadd.s32 @!p0 s5, s1;
	v15 =	vand.u32 $0x1F, v1;
	[sflag:s17] =	ssyncadd.s32 $0xFFFFF000  }
0x2cb: {  	v2 =	vor.u32 v32, v15;
	[tilespmem:s6], [sflag:$0x6] =	stream.linear.gather @!p0 [hbm4b:s1+s20], $0x200, $0x38;
	[tilespmem:$0x10400] =	vst v63  }
0x2cc: {  	s1 =	simm.s32 @!p1 $0x4  }
0x2cd: {  	v0 =	vshll.u32 v1, $0x7;
	v1 =	vshll.u32 v1, $0x9;
	_ =	swait.ge @!p1 [sflag:s1], $0x4000  }
0x2ce: {  	v3 =	vor.u32 v3, v0;
	v1 =	vand.u32 $0x3000, v1;
	[sflag:s1] =	ssyncset.done @!p1 $0x0  }
0x2cf: {  	v3 =	vand.u32 $0x388, v3;
	v1 =	vor.u32 v33, v1;
	v18 =	vld [tilespmem:$0x1FD20];
	[sflag:s1] =	ssyncadd.s32 @!p1 $0xFFFFC000  }
0x2d0: {  	v3 =	vor.u32 v3, v1;
	v2 =	vld.idx.msk [tilespmem:v2+s23+$0x0], $0xffff  }
0x2d1: {  	v4 =	vor.u32 v36, v15;
	_ =	sdelay $0x3  }
0x2d2: {  	v5 =	vor.u32 v18, v0;
	[tilespmem:v3+s18+$0x0] =	vst.idx.msk $0xffff, v2  }
0x2d3: {  	v2 =	vand.u32 $0x398, v5;
	v3 =	vld.idx.msk [tilespmem:v4+s23+$0x0], $0xffff  }
0x2d4: {  	v2 =	vor.u32 v2, v1;
	v37 =	vld [tilespmem:$0x1FF70];
	_ =	sdelay $0x2  }
0x2d5: {  	v39 =	vld [tilespmem:$0x1FD30];
	_ =	sdelay $0x1  }
0x2d6: {  	v4 =	vor.u32 v37, v15;
	[tilespmem:v2+s18+$0x0] =	vst.idx.msk $0xffff, v3  }
0x2d7: {  	v31 =	vld [tilespmem:$0x1FF80];
	_ =	sdelay $0x1  }
0x2d8: {  	v5 =	vor.u32 v39, v0  }
0x2d9: {  	v2 =	vand.u32 $0x3A8, v5;
	v62 =	vld [tilespmem:$0x1FD40]  }
0x2da: {  	v2 =	vor.u32 v2, v1;
	v3 =	vld.idx.msk [tilespmem:v4+s23+$0x0], $0xffff  }
0x2db: {  	v4 =	vor.u32 v31, v15;
	_ =	sdelay $0x3  }
0x2dc: {  	v5 =	vor.u32 v62, v0;
	[tilespmem:v2+s18+$0x0] =	vst.idx.msk $0xffff, v3  }
0x2dd: {  	v2 =	vand.u32 $0x3B8, v5;
	v3 =	vld.idx.msk [tilespmem:v4+s23+$0x0], $0xffff  }
0x2de: {  	v2 =	vor.u32 v2, v1;
	v42 =	vld [tilespmem:$0x1FD50]  }
0x2df: {  	v4 =	vor.u32 v48, v15;
	_ =	sdelay $0x3  }
0x2e0: {  	v5 =	vor.u32 v42, v0;
	[tilespmem:v2+s18+$0x0] =	vst.idx.msk $0xffff, v3  }
0x2e1: {  	v2 =	vand.u32 $0x3C8, v5;
	v3 =	vld.idx.msk [tilespmem:v4+s23+$0x0], $0xffff  }
0x2e2: {  	v23 =	vld [tilespmem:$0x1FF90];
	v2 =	vor.u32 v2, v1;
	_ =	sdelay $0x2  }
0x2e3: {  	v45 =	vld [tilespmem:$0x1FD60];
	_ =	sdelay $0x1  }
0x2e4: {  	v4 =	vor.u32 v23, v15;
	[tilespmem:v2+s18+$0x0] =	vst.idx.msk $0xffff, v3  }
0x2e5: {  	v59 =	vmov v63;
	v63 =	vmov v48;
	v48 =	vld [tilespmem:$0x1FFA0];
	_ =	sdelay $0x1  }
0x2e6: {  	v5 =	vor.u32 v45, v0  }
0x2e7: {  	v2 =	vand.u32 $0x3D8, v5;
	v52 =	vld [tilespmem:$0x1FD70]  }
0x2e8: {  	v2 =	vor.u32 v2, v1;
	v3 =	vld.idx.msk [tilespmem:v4+s23+$0x0], $0xffff  }
0x2e9: {  	v4 =	vor.u32 v48, v15;
	_ =	sdelay $0x2  }
0x2ea: {  	v5 =	vor.u32 v52, v0  }
0x2eb: {  	[tilespmem:v2+s18+$0x0] =	vst.idx.msk $0xffff, v3;
	v2 =	vand.u32 $0x3E8, v5  }
0x2ec: {  	v2 =	vor.u32 v2, v1;
	v4 =	vld.idx.msk [tilespmem:v4+s23+$0x0], $0xffff;
	_ =	sdelay $0x4  }
0x2ed: {  	v5 =	vor.u32 v50, v15;
	[tilespmem:v2+s18+$0x0] =	vst.idx.msk $0xffff, v4  }
0x2ee: {  	v25 =	vld [tilespmem:$0x1FF20]  }
0x2ef: {  	v10 =	vlaneseq.u32;
	s6 =	simm.s32 $0x1  }
0x2f0: {  	v7 =	vor.u32 v49, v0;
	v6 =	vadd.s32 s6, v10  }
0x2f1: {  	v3 =	vand.u32 $0x1F, v6;
	v2 =	vand.u32 $0x3F8, v7;
	v51 =	vld [tilespmem:$0x1FD90]  }
0x2f2: {  	v8 =	vor.u32 v32, v3;
	v5 =	vld.idx.msk [tilespmem:v5+s23+$0x0], $0xffff;
	v7 =	vor.u32 v2, v1  }
0x2f3: {  	v9 =	vor.u32 v25, v15  }
0x2f4: {  	v4 =	vshll.u32 v6, $0x7;
	v2 =	vshll.u32 v6, $0x9  }
0x2f5: {  	v6 =	vor.u32 v10, v4;
	v2 =	vand.u32 $0x3000, v2  }
0x2f6: {  	v6 =	vand.u32 $0x388, v6;
	v2 =	vor.u32 v33, v2;
	v10 =	vor.u32 v51, v0  }
0x2f7: {  	v8 =	vld.idx.msk [tilespmem:v8+s23+$0x0], $0xffff;
	v6 =	vor.u32 v6, v2;
	[tilespmem:v7+s18+$0x0] =	vst.idx.msk $0xffff, v5;
	v7 =	vand.u32 $0x788, v10  }
0x2f8: {  	v5 =	vor.u32 v36, v3;
	v7 =	vor.u32 v7, v1;
	v9 =	vld.idx.msk [tilespmem:v9+s23+$0x0], $0xffff;
	_ =	sdelay $0x3  }
0x2f9: {  	v11 =	vor.u32 v18, v4;
	[tilespmem:v6+s18+$0x0] =	vst.idx.msk $0xffff, v8  }
0x2fa: {  	v10 =	vor.u32 v54, v15;
	v6 =	vand.u32 $0x398, v11;
	v5 =	vld.idx.msk [tilespmem:v5+s23+$0x0], $0xffff;
	[tilespmem:v7+s18+$0x0] =	vst.idx.msk $0xffff, v9  }
0x2fb: {  	v6 =	vor.u32 v6, v2;
	v56 =	vld [tilespmem:$0x1FF50]  }
0x2fc: {  	v7 =	vor.u32 v37, v3  }
0x2fd: {  	v8 =	vor.u32 v40, v0  }
0x2fe: {  	v8 =	vand.u32 $0x798, v8  }
0x2ff: {  	v11 =	vor.u32 v39, v4;
	v8 =	vor.u32 v8, v1;
	v9 =	vld.idx.msk [tilespmem:v10+s23+$0x0], $0xffff  }
0x300: {  	[tilespmem:v6+s18+$0x0] =	vst.idx.msk $0xffff, v5;
	v5 =	vand.u32 $0x3A8, v11;
	v10 =	vor.u32 v56, v15  }
0x301: {  	v5 =	vor.u32 v5, v2;
	v6 =	vld.idx.msk [tilespmem:v7+s23+$0x0], $0xffff;
	_ =	sdelay $0x1  }
0x302: {  	v7 =	vor.u32 v58, v0  }
0x303: {  	[tilespmem:v8+s18+$0x0] =	vst.idx.msk $0xffff, v9;
	v7 =	vand.u32 $0x7A8, v7  }
0x304: {  	v8 =	vor.u32 v31, v3;
	v7 =	vor.u32 v7, v1;
	v9 =	vld.idx.msk [tilespmem:v10+s23+$0x0], $0xffff  }
0x305: {  	[tilespmem:v5+s18+$0x0] =	vst.idx.msk $0xffff, v6  }
0x306: {  	v57 =	vld [tilespmem:$0x1FDC0]  }
0x307: {  	v11 =	vor.u32 v62, v4  }
0x308: {  	v5 =	vand.u32 $0x3B8, v11;
	v10 =	vor.u32 v44, v15  }
0x309: {  	v6 =	vld.idx.msk [tilespmem:v8+s23+$0x0], $0xffff;
	v5 =	vor.u32 v5, v2;
	[tilespmem:v7+s18+$0x0] =	vst.idx.msk $0xffff, v9  }
0x30a: {  	v7 =	vor.u32 v63, v3;
	v53 =	vld [tilespmem:$0x1FF60]  }
0x30b: {  	v8 =	vor.u32 v57, v0  }
0x30c: {  	v8 =	vand.u32 $0x7B8, v8  }
0x30d: {  	v11 =	vor.u32 v42, v4;
	v9 =	vld.idx.msk [tilespmem:v10+s23+$0x0], $0xffff;
	v8 =	vor.u32 v8, v1  }
0x30e: {  	[tilespmem:v5+s18+$0x0] =	vst.idx.msk $0xffff, v6;
	v5 =	vand.u32 $0x3C8, v11  }
0x30f: {  	v5 =	vor.u32 v5, v2;
	v6 =	vld.idx.msk [tilespmem:v7+s23+$0x0], $0xffff;
	v10 =	vor.u32 v53, v15;
	_ =	sdelay $0x2  }
0x310: {  	v7 =	vor.u32 v59, v0;
	[tilespmem:v8+s18+$0x0] =	vst.idx.msk $0xffff, v9;
	v8 =	vor.u32 v23, v3  }
0x311: {  	v7 =	vand.u32 $0x7C8, v7  }
0x312: {  	v7 =	vor.u32 v7, v1;
	[tilespmem:v5+s18+$0x0] =	vst.idx.msk $0xffff, v6;
	v9 =	vld.idx.msk [tilespmem:v10+s23+$0x0], $0xffff  }
0x313: {  	v61 =	vmov v38;
	v11 =	vor.u32 v45, v4;
	v10 =	vor.u32 v38, v15;
	v38 =	vld [tilespmem:$0x1FDE0]  }
0x314: {  	v5 =	vand.u32 $0x3D8, v11  }
0x315: {  	v5 =	vor.u32 v5, v2;
	v6 =	vld.idx.msk [tilespmem:v8+s23+$0x0], $0xffff;
	_ =	sdelay $0x1  }
0x316: {  	[tilespmem:v7+s18+$0x0] =	vst.idx.msk $0xffff, v9  }
0x317: {  	v8 =	vor.u32 v38, v0;
	v21 =	vld [tilespmem:$0x1FDF0]  }
0x318: {  	v8 =	vand.u32 $0x7D8, v8  }
0x319: {  	v7 =	vor.u32 v48, v3;
	v9 =	vld.idx.msk [tilespmem:v10+s23+$0x0], $0xffff;
	[tilespmem:v5+s18+$0x0] =	vst.idx.msk $0xffff, v6;
	v8 =	vor.u32 v8, v1  }
0x31a: {  	v22 =	vld [tilespmem:$0x1FE00];
	_ =	sdelay $0x1  }
0x31b: {  	v11 =	vor.u32 v52, v4;
	v10 =	vor.u32 v21, v15  }
0x31c: {  	v5 =	vand.u32 $0x3E8, v11  }
0x31d: {  	v5 =	vor.u32 v5, v2;
	v7 =	vld.idx.msk [tilespmem:v7+s23+$0x0], $0xffff;
	[tilespmem:v8+s18+$0x0] =	vst.idx.msk $0xffff, v9  }
0x31e: {  	v6 =	vor.u32 v22, v0;
	v8 =	vor.u32 v50, v3;
	v20 =	vld [tilespmem:$0x1FED0]  }
0x31f: {  	v6 =	vand.u32 $0x7E8, v6  }
0x320: {  	v9 =	vld.idx.msk [tilespmem:v10+s23+$0x0], $0xffff;
	v10 =	vor.u32 v6, v1  }
0x321: {  	v13 =	vor.u32 v49, v4  }
0x322: {  	v17 =	vlaneseq.u32;
	s8 =	simm.s32 $0x2;
	[tilespmem:v5+s18+$0x0] =	vst.idx.msk $0xffff, v7;
	v7 =	vand.u32 $0x3F8, v13  }
0x323: {  	v12 =	vadd.s32 s8, v17;
	v13 =	vor.u32 v7, v2;
	v8 =	vld.idx.msk [tilespmem:v8+s23+$0x0], $0xffff;
	v11 =	vor.u32 v20, v15  }
0x324: {  	v6 =	vand.u32 $0x1F, v12  }
0x325: {  	v7 =	vor.u32 v35, v0;
	v14 =	vor.u32 v32, v6;
	[tilespmem:v10+s18+$0x0] =	vst.idx.msk $0xffff, v9  }
0x326: {  	v7 =	vand.u32 $0x7F8, v7;
	v9 =	vor.u32 v25, v3;
	v24 =	vld [tilespmem:$0x1FE10]  }
0x327: {  	v5 =	vshll.u32 v12, $0x7;
	v16 =	vor.u32 v7, v1;
	v10 =	vshll.u32 v12, $0x9  }
0x328: {  	v12 =	vor.u32 v17, v5;
	v7 =	vand.u32 $0x3000, v10;
	[tilespmem:v13+s18+$0x0] =	vst.idx.msk $0xffff, v8;
	v11 =	vld.idx.msk [tilespmem:v11+s23+$0x0], $0xffff  }
0x329: {  	v17 =	vor.u32 v51, v4;
	v12 =	vand.u32 $0x388, v12;
	v7 =	vor.u32 v33, v7;
	v26 =	vld [tilespmem:$0x1FE20]  }
0x32a: {  	v14 =	vld.idx.msk [tilespmem:v14+s23+$0x0], $0xffff;
	v13 =	vand.u32 $0x788, v17;
	v12 =	vor.u32 v12, v7  }
0x32b: {  	v13 =	vor.u32 v13, v2;
	v9 =	vld.idx.msk [tilespmem:v9+s23+$0x0], $0xffff;
	v10 =	vor.u32 v24, v15;
	_ =	sdelay $0x1  }
0x32c: {  	v8 =	vor.u32 v36, v6;
	[tilespmem:v16+s18+$0x0] =	vst.idx.msk $0xffff, v11  }
0x32d: {  	v17 =	vor.u32 v26, v0;
	v11 =	vor.u32 v54, v3;
	v27 =	vld [tilespmem:$0x1FE30]  }
0x32e: {  	v16 =	vand.u32 $0xB88, v17;
	[tilespmem:v12+s18+$0x0] =	vst.idx.msk $0xffff, v14  }
0x32f: {  	v17 =	vor.u32 v18, v5;
	v16 =	vor.u32 v16, v1;
	[tilespmem:v13+s18+$0x0] =	vst.idx.msk $0xffff, v9;
	v10 =	vld.idx.msk [tilespmem:v10+s23+$0x0], $0xffff  }
0x330: {  	v14 =	vor.u32 v40, v4;
	v12 =	vand.u32 $0x398, v17;
	v29 =	vld [tilespmem:$0x1FE40]  }
0x331: {  	v8 =	vld.idx.msk [tilespmem:v8+s23+$0x0], $0xffff;
	v12 =	vor.u32 v12, v7;
	v13 =	vand.u32 $0x798, v14  }
0x332: {  	v43 =	vmov v18;
	v13 =	vor.u32 v13, v2;
	v11 =	vld.idx.msk [tilespmem:v11+s23+$0x0], $0xffff;
	v18 =	vor.u32 v27, v15;
	_ =	sdelay $0x1  }
0x333: {  	v9 =	vor.u32 v37, v6;
	[tilespmem:v16+s18+$0x0] =	vst.idx.msk $0xffff, v10  }
0x334: {  	v14 =	vor.u32 v29, v0;
	v10 =	vor.u32 v56, v3;
	v30 =	vld [tilespmem:$0x1FE50]  }
0x335: {  	v14 =	vand.u32 $0xB98, v14;
	[tilespmem:v12+s18+$0x0] =	vst.idx.msk $0xffff, v8  }
0x336: {  	v17 =	vor.u32 v39, v5;
	[tilespmem:v13+s18+$0x0] =	vst.idx.msk $0xffff, v11;
	v16 =	vld.idx.msk [tilespmem:v18+s23+$0x0], $0xffff;
	v14 =	vor.u32 v14, v1  }
0x337: {  	v8 =	vand.u32 $0x3A8, v17;
	v12 =	vor.u32 v58, v4;
	v11 =	vor.u32 v31, v6;
	v31 =	vld [tilespmem:$0x1FE60]  }
0x338: {  	v9 =	vld.idx.msk [tilespmem:v9+s23+$0x0], $0xffff;
	v8 =	vor.u32 v8, v7;
	v12 =	vand.u32 $0x7A8, v12  }
0x339: {  	v12 =	vor.u32 v12, v2;
	v10 =	vld.idx.msk [tilespmem:v10+s23+$0x0], $0xffff;
	v18 =	vor.u32 v30, v15;
	_ =	sdelay $0x1  }
0x33a: {  	[tilespmem:v14+s18+$0x0] =	vst.idx.msk $0xffff, v16  }
0x33b: {  	v17 =	vor.u32 v62, v5;
	v13 =	vor.u32 v31, v0;
	v62 =	vld [tilespmem:$0x1FC30]  }
0x33c: {  	v14 =	vor.u32 v44, v3;
	v13 =	vand.u32 $0xBA8, v13;
	[tilespmem:v8+s18+$0x0] =	vst.idx.msk $0xffff, v9  }
0x33d: {  	v13 =	vor.u32 v13, v1;
	[tilespmem:v12+s18+$0x0] =	vst.idx.msk $0xffff, v10;
	v16 =	vld.idx.msk [tilespmem:v18+s23+$0x0], $0xffff  }
0x33e: {  	v41 =	vmov v54;
	v54 =	vmov v40;
	v40 =	vld [tilespmem:$0x1FC40]  }
0x33f: {  	v8 =	vand.u32 $0x3B8, v17;
	v9 =	vld.idx.msk [tilespmem:v11+s23+$0x0], $0xffff;
	v11 =	vor.u32 v57, v4  }
0x340: {  	v8 =	vor.u32 v8, v7;
	v11 =	vand.u32 $0x7B8, v11;
	v18 =	vor.u32 v62, v15  }
0x341: {  	v10 =	vor.u32 v63, v6;
	v11 =	vor.u32 v11, v2;
	v12 =	vld.idx.msk [tilespmem:v14+s23+$0x0], $0xffff  }
0x342: {  	[tilespmem:v13+s18+$0x0] =	vst.idx.msk $0xffff, v16  }
0x343: {  	v14 =	vor.u32 v40, v0;
	v13 =	vor.u32 v53, v3;
	v46 =	vld [tilespmem:$0x1FC50]  }
0x344: {  	v17 =	vor.u32 v42, v5;
	v14 =	vand.u32 $0xBB8, v14  }
0x345: {  	[tilespmem:v8+s18+$0x0] =	vst.idx.msk $0xffff, v9;
	v8 =	vand.u32 $0x3C8, v17;
	v16 =	vld.idx.msk [tilespmem:v18+s23+$0x0], $0xffff;
	v14 =	vor.u32 v14, v1  }
0x346: {  	[tilespmem:v11+s18+$0x0] =	vst.idx.msk $0xffff, v12;
	v9 =	vld.idx.msk [tilespmem:v10+s23+$0x0], $0xffff;
	v8 =	vor.u32 v8, v7;
	v10 =	vor.u32 v59, v4  }
0x347: {  	v11 =	vor.u32 v23, v6;
	v44 =	vld [tilespmem:$0x1FE70];
	v10 =	vand.u32 $0x7C8, v10  }
0x348: {  	v10 =	vor.u32 v10, v2;
	v12 =	vld.idx.msk [tilespmem:v13+s23+$0x0], $0xffff;
	v18 =	vor.u32 v46, v15;
	_ =	sdelay $0x1  }
0x349: {  	[tilespmem:v14+s18+$0x0] =	vst.idx.msk $0xffff, v16  }
0x34a: {  	v42 =	vld [tilespmem:$0x1FE80];
	[tilespmem:v8+s18+$0x0] =	vst.idx.msk $0xffff, v9  }
0x34b: {  	v13 =	vor.u32 v44, v0;
	v9 =	vld.idx.msk [tilespmem:v11+s23+$0x0], $0xffff  }
0x34c: {  	v14 =	vor.u32 v61, v3;
	v13 =	vand.u32 $0xBC8, v13;
	[tilespmem:v10+s18+$0x0] =	vst.idx.msk $0xffff, v12;
	v16 =	vld.idx.msk [tilespmem:v18+s23+$0x0], $0xffff  }
0x34d: {  	v17 =	vor.u32 v45, v5;
	v13 =	vor.u32 v13, v1;
	v11 =	vor.u32 v38, v4;
	v38 =	vld [tilespmem:$0x1FE90]  }
0x34e: {  	v8 =	vand.u32 $0x3D8, v17  }
0x34f: {  	v8 =	vor.u32 v8, v7;
	v18 =	vor.u32 v42, v15  }
0x350: {  	v10 =	vor.u32 v48, v6;
	v11 =	vand.u32 $0x7D8, v11  }
0x351: {  	v11 =	vor.u32 v11, v2;
	v12 =	vld.idx.msk [tilespmem:v14+s23+$0x0], $0xffff  }
0x352: {  	v14 =	vor.u32 v38, v0;
	[tilespmem:v13+s18+$0x0] =	vst.idx.msk $0xffff, v16  }
0x353: {  	v17 =	vor.u32 v52, v5;
	v13 =	vor.u32 v21, v3;
	v14 =	vand.u32 $0xBD8, v14;
	v52 =	vld [tilespmem:$0x1FEA0]  }
0x354: {  	[tilespmem:v8+s18+$0x0] =	vst.idx.msk $0xffff, v9;
	v16 =	vld.idx.msk [tilespmem:v18+s23+$0x0], $0xffff;
	v14 =	vor.u32 v14, v1  }
0x355: {  	v9 =	vld.idx.msk [tilespmem:v10+s23+$0x0], $0xffff;
	v10 =	vor.u32 v22, v4  }
0x356: {  	v8 =	vand.u32 $0x3E8, v17;
	v17 =	vld [tilespmem:$0x1FC60];
	[tilespmem:v11+s18+$0x0] =	vst.idx.msk $0xffff, v12;
	v10 =	vand.u32 $0x7E8, v10  }
0x357: {  	v8 =	vor.u32 v8, v7;
	v19 =	vor.u32 v10, v2;
	v10 =	vld [tilespmem:$0x1FEB0]  }
0x358: {  	v11 =	vor.u32 v50, v6;
	v12 =	vld.idx.msk [tilespmem:v13+s23+$0x0], $0xffff  }
0x359: {  	v13 =	vld [tilespmem:$0x1FF10];
	v18 =	vor.u32 v52, v15;
	[tilespmem:v14+s18+$0x0] =	vst.idx.msk $0xffff, v16  }
0x35a: {  	v14 =	vor.u32 v20, v3;
	v16 =	vld [tilespmem:$0x1FEC0]  }
0x35b: {  	v23 =	vor.u32 v24, v3;
	v22 =	vor.u32 v49, v5  }
0x35c: {  	[tilespmem:v8+s18+$0x0] =	vst.idx.msk $0xffff, v9;
	v8 =	vand.u32 $0x3F8, v22;
	v9 =	vor.u32 v35, v4;
	v10 =	vor.u32 v10, v0  }
0x35d: {  	v11 =	vld.idx.msk [tilespmem:v11+s23+$0x0], $0xffff;
	v24 =	vor.u32 v8, v7;
	v9 =	vand.u32 $0x7F8, v9;
	v10 =	vand.u32 $0xBE8, v10  }
0x35e: {  	v28 =	vlaneseq.u32;
	s13 =	simm.s32 $0x3;
	[tilespmem:v19+s18+$0x0] =	vst.idx.msk $0xffff, v12;
	v12 =	vor.u32 v25, v6;
	v18 =	vld.idx.msk [tilespmem:v18+s23+$0x0], $0xffff;
	v21 =	vor.u32 v10, v1  }
0x35f: {  	v49 =	vmovc v25;
	v20 =	vadd.s32 s13, v28;
	v25 =	vor.u32 v9, v2;
	v14 =	vld.idx.msk [tilespmem:v14+s23+$0x0], $0xffff;
	v16 =	vor.u32 v16, v15  }
0x360: {  	v10 =	vand.u32 $0x1F, v20  }
0x361: {  	v8 =	vshll.u32 v20, $0x7;
	v13 =	vor.u32 v13, v0;
	v22 =	vor.u32 v32, v10  }
0x362: {  	v19 =	vor.u32 v51, v5;
	v9 =	vor.u32 v28, v8;
	v13 =	vand.u32 $0xBF8, v13;
	[tilespmem:v24+s18+$0x0] =	vst.idx.msk $0xffff, v11  }
0x363: {  	v20 =	vshll.u32 v20, $0x9;
	v13 =	vor.u32 v13, v1;
	v11 =	vand.u32 $0x788, v19;
	v12 =	vld.idx.msk [tilespmem:v12+s23+$0x0], $0xffff;
	[tilespmem:v21+s18+$0x0] =	vst.idx.msk $0xffff, v18  }
0x364: {  	v11 =	vor.u32 v11, v7;
	v18 =	vand.u32 $0x3000, v20;
	[tilespmem:v25+s18+$0x0] =	vst.idx.msk $0xffff, v14;
	v16 =	vld.idx.msk [tilespmem:v16+s23+$0x0], $0xffff  }
0x365: {  	v20 =	vand.u32 $0x388, v9;
	v21 =	vor.u32 v26, v4;
	v9 =	vor.u32 v33, v18;
	v24 =	vld [tilespmem:$0x1FEF0]  }
0x366: {  	v17 =	vor.u32 v17, v15;
	v18 =	vld.idx.msk [tilespmem:v22+s23+$0x0], $0xffff;
	v21 =	vand.u32 $0xB88, v21;
	v20 =	vor.u32 v20, v9  }
0x367: {  	v19 =	vor.u32 v36, v10;
	v23 =	vld.idx.msk [tilespmem:v23+s23+$0x0], $0xffff;
	v21 =	vor.u32 v21, v2;
	_ =	sdelay $0x1  }
0x368: {  	v14 =	vor.u32 v41, v6;
	v28 =	vld [tilespmem:$0x1FEE0];
	[tilespmem:v11+s18+$0x0] =	vst.idx.msk $0xffff, v12  }
0x369: {  	v25 =	vor.u32 v27, v3;
	v24 =	vor.u32 v24, v0;
	[tilespmem:v13+s18+$0x0] =	vst.idx.msk $0xffff, v16  }
0x36a: {  	v13 =	vor.u32 v43, v8;
	[tilespmem:v20+s18+$0x0] =	vst.idx.msk $0xffff, v18;
	v16 =	vand.u32 $0xF88, v24;
	v17 =	vld.idx.msk [tilespmem:v17+s23+$0x0], $0xffff  }
0x36b: {  	[tilespmem:v21+s18+$0x0] =	vst.idx.msk $0xffff, v23;
	v13 =	vand.u32 $0x398, v13;
	v18 =	vld.idx.msk [tilespmem:v19+s23+$0x0], $0xffff;
	v16 =	vor.u32 v16, v1  }
0x36c: {  	v11 =	vor.u32 v54, v5;
	v24 =	vld [tilespmem:$0x1FF00];
	v13 =	vor.u32 v13, v9  }
0x36d: {  	v20 =	vor.u32 v29, v4;
	v19 =	vand.u32 $0x798, v11  }
0x36e: {  	v14 =	vld.idx.msk [tilespmem:v14+s23+$0x0], $0xffff;
	v22 =	vor.u32 v28, v15;
	v20 =	vand.u32 $0xB98, v20;
	v19 =	vor.u32 v19, v7  }
0x36f: {  	v23 =	vld.idx.msk [tilespmem:v25+s23+$0x0], $0xffff;
	v20 =	vor.u32 v20, v2  }
0x370: {  	[tilespmem:v16+s18+$0x0] =	vst.idx.msk $0xffff, v17  }
0x371: {  	v12 =	vor.u32 v37, v10;
	v24 =	vor.u32 v24, v0;
	[tilespmem:v13+s18+$0x0] =	vst.idx.msk $0xffff, v18  }
0x372: {  	v17 =	vand.u32 $0xF98, v24;
	v18 =	vld [tilespmem:$0x1FC70]  }
0x373: {  	v25 =	vor.u32 v30, v3;
	v13 =	vld.idx.msk [tilespmem:v22+s23+$0x0], $0xffff;
	v17 =	vor.u32 v17, v1;
	[tilespmem:v19+s18+$0x0] =	vst.idx.msk $0xffff, v14  }
0x374: {  	v11 =	vor.u32 v34, v0;
	v16 =	vor.u32 v39, v8;
	v34 =	vld [tilespmem:$0x1FF80];
	[tilespmem:v20+s18+$0x0] =	vst.idx.msk $0xffff, v23  }
0x375: {  	v55 =	vmov v58;
	v16 =	vand.u32 $0x3A8, v16;
	v24 =	vld [tilespmem:$0x1FC80]  }
0x376: {  	v21 =	vor.u32 v56, v6;
	v12 =	vld.idx.msk [tilespmem:v12+s23+$0x0], $0xffff;
	v22 =	vor.u32 v55, v5;
	v16 =	vor.u32 v16, v9  }
0x377: {  	v45 =	vmovc v48;
	v48 =	vmovc v54;
	v19 =	vand.u32 $0x7A8, v22;
	v22 =	vor.u32 v31, v4;
	v54 =	vld [tilespmem:$0x1FFF0];
	v18 =	vor.u32 v18, v15  }
0x378: {  	v20 =	vand.u32 $0xBA8, v22;
	v23 =	vld.idx.msk [tilespmem:v25+s23+$0x0], $0xffff;
	[tilespmem:v17+s18+$0x0] =	vst.idx.msk $0xffff, v13  }
0x379: {  	v50 =	vmov v41;
	v20 =	vor.u32 v20, v2;
	v41 =	vld [tilespmem:$0x1FD40]  }
0x37a: {  	v25 =	vor.u32 v62, v3;
	v24 =	vor.u32 v24, v0  }
0x37b: {  	v21 =	vld.idx.msk [tilespmem:v21+s23+$0x0], $0xffff;
	v19 =	vor.u32 v19, v7;
	v14 =	vor.u32 v34, v10;
	v17 =	vand.u32 $0xFA8, v24  }
0x37c: {  	[tilespmem:v16+s18+$0x0] =	vst.idx.msk $0xffff, v12;
	v16 =	vor.u32 v17, v1;
	v12 =	vld.idx.msk [tilespmem:v18+s23+$0x0], $0xffff;
	_ =	sdelay $0x1  }
0x37d: {  	v17 =	vld [tilespmem:$0x1FC90];
	[tilespmem:v20+s18+$0x0] =	vst.idx.msk $0xffff, v23;
	v13 =	vor.u32 v41, v8  }
0x37e: {  	v22 =	vor.u32 v54, v6;
	v23 =	vld.idx.msk [tilespmem:v25+s23+$0x0], $0xffff;
	v13 =	vand.u32 $0x3B8, v13  }
0x37f: {  	[tilespmem:v19+s18+$0x0] =	vst.idx.msk $0xffff, v21;
	v14 =	vld.idx.msk [tilespmem:v14+s23+$0x0], $0xffff;
	v13 =	vor.u32 v13, v9  }
0x380: {  	v24 =	vld [tilespmem:$0x1FCA0];
	[tilespmem:v16+s18+$0x0] =	vst.idx.msk $0xffff, v12  }
0x381: {  	v18 =	vor.u32 v57, v5;
	v25 =	vor.u32 v46, v3;
	v46 =	vld [tilespmem:$0x1FD50]  }
0x382: {  	v18 =	vand.u32 $0x7B8, v18;
	v17 =	vor.u32 v17, v15  }
0x383: {  	v19 =	vor.u32 v63, v10;
	v21 =	vor.u32 v40, v4;
	v22 =	vld.idx.msk [tilespmem:v22+s23+$0x0], $0xffff;
	v18 =	vor.u32 v18, v7  }
0x384: {  	v20 =	vand.u32 $0xBB8, v21;
	v21 =	vor.u32 v53, v6;
	[tilespmem:v13+s18+$0x0] =	vst.idx.msk $0xffff, v14  }
0x385: {  	v24 =	vor.u32 v24, v0;
	v26 =	vld [tilespmem:$0x1FCB0]  }
0x386: {  	v20 =	vor.u32 v20, v2;
	v16 =	vand.u32 $0xFB8, v24;
	v12 =	vor.u32 v46, v8  }
0x387: {  	v16 =	vor.u32 v16, v1;
	v17 =	vld.idx.msk [tilespmem:v17+s23+$0x0], $0xffff;
	v13 =	vand.u32 $0x3C8, v12  }
0x388: {  	v14 =	vor.u32 v59, v5;
	v19 =	vld.idx.msk [tilespmem:v19+s23+$0x0], $0xffff;
	[tilespmem:v18+s18+$0x0] =	vst.idx.msk $0xffff, v22;
	v24 =	vor.u32 v13, v9  }
0x389: {  	v14 =	vand.u32 $0x7C8, v14;
	v21 =	vld.idx.msk [tilespmem:v21+s23+$0x0], $0xffff  }
0x38a: {  	v22 =	vor.u32 v14, v7;
	v14 =	vld [tilespmem:$0x1FCF0];
	v26 =	vor.u32 v26, v15  }
0x38b: {  	v58 =	vmov v61;
	v27 =	vor.u32 v44, v4;
	v13 =	vor.u32 v60, v0;
	v60 =	vld [tilespmem:$0x1FF90];
	[tilespmem:v20+s18+$0x0] =	vst.idx.msk $0xffff, v23  }
0x38c: {  	v20 =	vor.u32 v58, v6;
	v23 =	vand.u32 $0xBC8, v27;
	v27 =	vld [tilespmem:$0x1FCC0];
	[tilespmem:v16+s18+$0x0] =	vst.idx.msk $0xffff, v17  }
0x38d: {  	[tilespmem:v24+s18+$0x0] =	vst.idx.msk $0xffff, v19  }
0x38e: {  	v12 =	vor.u32 v47, v15;
	v47 =	vld [tilespmem:$0x1FD60]  }
0x38f: {  	v24 =	vld.idx.msk [tilespmem:v26+s23+$0x0], $0xffff  }
0x390: {  	v18 =	vor.u32 v60, v10;
	v26 =	vld [tilespmem:$0x1FCD0];
	[tilespmem:v22+s18+$0x0] =	vst.idx.msk $0xffff, v21  }
0x391: {  	v20 =	vld.idx.msk [tilespmem:v20+s23+$0x0], $0xffff;
	_ =	sdelay $0x2  }
0x392: {  	v25 =	vld.idx.msk [tilespmem:v25+s23+$0x0], $0xffff  }
0x393: {  	v23 =	vor.u32 v23, v2;
	v18 =	vld.idx.msk [tilespmem:v18+s23+$0x0], $0xffff  }
0x394: {  	[tilespmem:$0x1FBF0] =	vst v20;
	v20 =	vld [tilespmem:$0x1FCE0]  }
0x395: {  	v27 =	vor.u32 v27, v0  }
0x396: {  	v19 =	vand.u32 $0xFC8, v27;
	v17 =	vor.u32 v47, v8  }
0x397: {  	v19 =	vor.u32 v19, v1;
	v17 =	vand.u32 $0x3D8, v17  }
0x398: {  	v62 =	vld [tilespmem:$0x1FDE0];
	v17 =	vor.u32 v17, v9;
	[tilespmem:v23+s18+$0x0] =	vst.idx.msk $0xffff, v25  }
0x399: {  	v27 =	vor.u32 v20, v0;
	v0 =	vld [tilespmem:$0x1FDF0];
	_ =	sdelay $0x2  }
0x39a: {  	[tilespmem:v19+s18+$0x0] =	vst.idx.msk $0xffff, v24  }
0x39b: {  	v16 =	vor.u32 v42, v3;
	v42 =	vld [tilespmem:$0x1FD70];
	[tilespmem:v17+s18+$0x0] =	vst.idx.msk $0xffff, v18  }
0x39c: {  	v23 =	vor.u32 v0, v6;
	v0 =	vld [tilespmem:$0x1FC60];
	_ =	sdelay $0x2  }
0x39d: {  	v14 =	vor.u32 v14, v15;
	v26 =	vor.u32 v26, v15;
	v15 =	vor.u32 v62, v5  }
0x39e: {  	v15 =	vand.u32 $0x7D8, v15;
	v30 =	vld.idx.msk [tilespmem:v16+s23+$0x0], $0xffff;
	v16 =	vor.u32 v42, v8  }
0x39f: {  	v29 =	vor.u32 v15, v7;
	v17 =	vand.u32 $0x3E8, v16;
	v16 =	vor.u32 v0, v3;
	v0 =	vld [tilespmem:$0x1FBF0];
	_ =	sdelay $0x2  }
0x3a0: {  	v22 =	vor.u32 v38, v4;
	v24 =	vld [tilespmem:$0x1FE00]  }
0x3a1: {  	v38 =	vmovc v32;
	v32 =	vor.u32 v52, v3;
	v52 =	vmov v49;
	v22 =	vand.u32 $0xBD8, v22;
	v49 =	vld [tilespmem:$0x1FD80]  }
0x3a2: {  	v31 =	vor.u32 v22, v2;
	v18 =	vld [tilespmem:$0x1FFD0];
	[tilespmem:v29+s18+$0x0] =	vst.idx.msk $0xffff, v0  }
0x3a3: {  	v0 =	vld [tilespmem:$0x1FF10];
	_ =	sdelay $0x2  }
0x3a4: {  	v40 =	vmovc v53;
	v53 =	vmovc v48;
	v48 =	vmov v45;
	v21 =	vor.u32 v45, v10;
	v15 =	vor.u32 v28, v3  }
0x3a5: {  	v19 =	vand.u32 $0xFD8, v27;
	v28 =	vor.u32 v17, v9;
	v17 =	vor.u32 v24, v5;
	[tilespmem:v31+s18+$0x0] =	vst.idx.msk $0xffff, v30  }
0x3a6: {  	v45 =	vmovc v47;
	v47 =	vmovc v18;
	v27 =	vor.u32 v18, v10;
	v18 =	vand.u32 $0x7E8, v17;
	v17 =	vor.u32 v0, v4;
	v0 =	vld [tilespmem:$0x1FEB0];
	_ =	sdelay $0x4  }
0x3a7: {  	v25 =	vor.u32 v18, v7;
	v18 =	vor.u32 v0, v4;
	v0 =	vld [tilespmem:$0x1FED0]  }
0x3a8: {  	v61 =	vmov v43;
	_ =	sdelay $0x2  }
0x3a9: {  	v44 =	vmovc v60;
	v60 =	vmov v34;
	v34 =	vmov v61;
	v61 =	vmov v33;
	v33 =	vld.idx.msk [tilespmem:v26+s23+$0x0], $0xffff  }
0x3aa: {  	v20 =	vor.u32 v19, v1;
	v26 =	vor.u32 v0, v6;
	v0 =	vld [tilespmem:$0x1FEC0];
	_ =	sdelay $0x3  }
0x3ab: {  	v43 =	vmov v46;
	v46 =	vmov v63  }
0x3ac: {  	s20 =	simm.s32 $0x4;
	v63 =	vmovc v24;
	v24 =	vld.idx.msk [tilespmem:v23+s23+$0x0], $0xffff;
	v23 =	vand.u32 $0xBE8, v18;
	[tilespmem:v20+s18+$0x0] =	vst.idx.msk $0xffff, v33;
	v18 =	vor.u32 v0, v3;
	v0 =	vlaneseq.u32  }
0x3ad: {  	v29 =	vadd.s32 s20, v0;
	v0 =	vld [tilespmem:$0x1FE10]  }
0x3ae: {  	v22 =	vld.idx.msk [tilespmem:v21+s23+$0x0], $0xffff;
	_ =	sdelay $0x3  }
0x3af: {  	s6 =	simm.s32 $0x5;
	v19 =	vld.idx.msk [tilespmem:v32+s23+$0x0], $0xffff;
	v20 =	vor.u32 v23, v2;
	v21 =	vor.u32 v0, v6  }
.LBB2_8:
0x3b0: {  	v23 =	vand.u32 $0x1F, v29;
	[tilespmem:v28+s18+$0x0] =	vst.idx.msk $0xffff, v22;
	v22 =	vor.u32 v49, v8;
	v13 =	vand.u32 $0xFE8, v13  }
0x3b1: {  	v14 =	vld.idx.msk [tilespmem:v14+s23+$0x0], $0xffff;
	v28 =	vor.u32 v38, v23;
	v30 =	vand.u32 $0x3F8, v22;
	v13 =	vor.u32 v13, v1  }
0x3b2: {  	v17 =	vand.u32 $0xBF8, v17;
	v11 =	vand.u32 $0xFF8, v11;
	v27 =	vld.idx.msk [tilespmem:v27+s23+$0x0], $0xffff;
	[tilespmem:v25+s18+$0x0] =	vst.idx.msk $0xffff, v24;
	v30 =	vor.u32 v30, v9  }
0x3b3: {  	v17 =	vor.u32 v17, v2;
	v11 =	vor.u32 v11, v1;
	v1 =	vmovc v2;
	v2 =	vld [tilespmem:$0x1FE20];
	v24 =	vor.u32 v35, v5  }
0x3b4: {  	v25 =	vor.u32 v52, v10;
	v26 =	vld.idx.msk [tilespmem:v26+s23+$0x0], $0xffff;
	[tilespmem:v20+s18+$0x0] =	vst.idx.msk $0xffff, v19;
	v24 =	vand.u32 $0x7F8, v24  }
0x3b5: {  	v18 =	vld.idx.msk [tilespmem:v18+s23+$0x0], $0xffff;
	v24 =	vor.u32 v24, v7  }
0x3b6: {  	v0 =	vlaneseq.u32;
	v22 =	vshll.u32 v29, $0x7;
	v29 =	vshll.u32 v29, $0x9;
	v28 =	vld.idx.msk [tilespmem:v28+s23+$0x0], $0xffff;
	[tilespmem:v13+s18+$0x0] =	vst.idx.msk $0xffff, v14  }
0x3b7: {  	v32 =	vor.u32 v0, v22;
	v20 =	vand.u32 $0x3000, v29;
	[tilespmem:v30+s18+$0x0] =	vst.idx.msk $0xffff, v27  }
0x3b8: {  	v19 =	vand.u32 $0x388, v32;
	v20 =	vor.u32 v61, v20;
	v12 =	vld.idx.msk [tilespmem:v12+s23+$0x0], $0xffff  }
0x3b9: {  	v13 =	vor.u32 v19, v20;
	v19 =	vld.idx.msk [tilespmem:v25+s23+$0x0], $0xffff  }
0x3ba: {  	[tilespmem:v24+s18+$0x0] =	vst.idx.msk $0xffff, v26;
	v24 =	vor.u32 v2, v5;
	v2 =	vmov v7;
	v7 =	vld [tilespmem:$0x1FEF0];
	_ =	sdelay $0x2  }
0x3bb: {  	v31 =	vor.u32 v51, v8  }
0x3bc: {  	v25 =	vand.u32 $0x788, v31  }
0x3bd: {  	v25 =	vor.u32 v25, v9;
	v27 =	vor.u32 v7, v4;
	v7 =	vmov v9;
	v9 =	vld [tilespmem:$0x1FE30];
	_ =	sdelay $0x2  }
0x3be: {  	v14 =	vor.u32 v36, v23  }
0x3bf: {  	v26 =	vor.u32 v50, v10;
	v21 =	vld.idx.msk [tilespmem:v21+s23+$0x0], $0xffff  }
0x3c0: {  	v24 =	vand.u32 $0xB88, v24;
	[tilespmem:v17+s18+$0x0] =	vst.idx.msk $0xffff, v18;
	v29 =	vor.u32 v9, v6;
	v9 =	vmov v20;
	v20 =	vld [tilespmem:$0x1FE40]  }
0x3c1: {  	v24 =	vor.u32 v24, v2;
	[tilespmem:v13+s18+$0x0] =	vst.idx.msk $0xffff, v28;
	v13 =	vor.u32 v34, v22;
	v17 =	vand.u32 $0xF88, v27  }
0x3c2: {  	v16 =	vld.idx.msk [tilespmem:v16+s23+$0x0], $0xffff;
	v13 =	vand.u32 $0x398, v13;
	v17 =	vor.u32 v17, v1  }
0x3c3: {  	v14 =	vld.idx.msk [tilespmem:v14+s23+$0x0], $0xffff;
	[tilespmem:v11+s18+$0x0] =	vst.idx.msk $0xffff, v12;
	v11 =	vor.u32 v53, v8;
	v12 =	vor.u32 v13, v9  }
0x3c4: {  	[tilespmem:v25+s18+$0x0] =	vst.idx.msk $0xffff, v19;
	v19 =	vand.u32 $0x798, v11;
	v25 =	vld [tilespmem:$0x1FF00]  }
0x3c5: {  	v18 =	vld.idx.msk [tilespmem:v26+s23+$0x0], $0xffff;
	v19 =	vor.u32 v19, v7;
	v13 =	vor.u32 v37, v23;
	v20 =	vor.u32 v20, v5  }
0x3c6: {  	v26 =	vld [tilespmem:$0x1FE50];
	[tilespmem:v24+s18+$0x0] =	vst.idx.msk $0xffff, v21;
	v21 =	vor.u32 v56, v10;
	v20 =	vand.u32 $0xB98, v20  }
0x3c7: {  	v24 =	vld.idx.msk [tilespmem:v29+s23+$0x0], $0xffff;
	[tilespmem:v17+s18+$0x0] =	vst.idx.msk $0xffff, v16;
	v20 =	vor.u32 v20, v2  }
0x3c8: {  	v16 =	vld [tilespmem:$0x1FC70];
	[tilespmem:v12+s18+$0x0] =	vst.idx.msk $0xffff, v14  }
0x3c9: {  	v14 =	vld.idx.msk [tilespmem:v15+s23+$0x0], $0xffff  }
0x3ca: {  	v13 =	vld.idx.msk [tilespmem:v13+s23+$0x0], $0xffff;
	[tilespmem:v19+s18+$0x0] =	vst.idx.msk $0xffff, v18  }
0x3cb: {  	v19 =	vld.idx.msk [tilespmem:v21+s23+$0x0], $0xffff  }
0x3cc: {  	v25 =	vor.u32 v25, v4;
	[tilespmem:v20+s18+$0x0] =	vst.idx.msk $0xffff, v24;
	v20 =	vld [tilespmem:$0x1FE60]  }
0x3cd: {  	v26 =	vor.u32 v26, v6;
	v12 =	vor.u32 v39, v22;
	v15 =	vand.u32 $0xF98, v25  }
0x3ce: {  	v12 =	vand.u32 $0x3A8, v12;
	v15 =	vor.u32 v15, v1  }
0x3cf: {  	v27 =	vld [tilespmem:$0x1FC30];
	v17 =	vor.u32 v12, v9;
	v12 =	vor.u32 v55, v8  }
0x3d0: {  	v21 =	vand.u32 $0x7A8, v12;
	v16 =	vor.u32 v16, v3  }
0x3d1: {  	v18 =	vor.u32 v60, v23;
	v21 =	vor.u32 v21, v7;
	v20 =	vor.u32 v20, v5  }
0x3d2: {  	v24 =	vor.u32 v54, v10;
	v25 =	vld.idx.msk [tilespmem:v26+s23+$0x0], $0xffff;
	v20 =	vand.u32 $0xBA8, v20  }
0x3d3: {  	v26 =	vld [tilespmem:$0x1FC80];
	[tilespmem:v15+s18+$0x0] =	vst.idx.msk $0xffff, v14;
	v20 =	vor.u32 v20, v2  }
0x3d4: {  	v27 =	vor.u32 v27, v6;
	[tilespmem:v17+s18+$0x0] =	vst.idx.msk $0xffff, v13;
	v17 =	vld [tilespmem:$0x1FC90]  }
0x3d5: {  	v14 =	vld.idx.msk [tilespmem:v16+s23+$0x0], $0xffff  }
0x3d6: {  	v16 =	vld.idx.msk [tilespmem:v18+s23+$0x0], $0xffff;
	[tilespmem:v21+s18+$0x0] =	vst.idx.msk $0xffff, v19  }
0x3d7: {  	v21 =	vld.idx.msk [tilespmem:v24+s23+$0x0], $0xffff  }
0x3d8: {  	v26 =	vor.u32 v26, v4;
	[tilespmem:v20+s18+$0x0] =	vst.idx.msk $0xffff, v25;
	v20 =	vld [tilespmem:$0x1FC40]  }
0x3d9: {  	v13 =	vor.u32 v41, v22;
	v15 =	vand.u32 $0xFA8, v26;
	v26 =	vld.idx.msk [tilespmem:v27+s23+$0x0], $0xffff  }
0x3da: {  	v13 =	vand.u32 $0x3B8, v13;
	v15 =	vor.u32 v15, v1;
	v27 =	vld [tilespmem:$0x1FCA0]  }
0x3db: {  	v18 =	vor.u32 v13, v9  }
0x3dc: {  	v28 =	vld [tilespmem:$0x1FC50];
	v13 =	vor.u32 v57, v8;
	v17 =	vor.u32 v17, v3  }
0x3dd: {  	v19 =	vor.u32 v46, v23;
	v24 =	vand.u32 $0x7B8, v13  }
0x3de: {  	v24 =	vor.u32 v24, v7;
	v20 =	vor.u32 v20, v5  }
0x3df: {  	v29 =	vld [tilespmem:$0x1FE80];
	v25 =	vor.u32 v40, v10;
	[tilespmem:v15+s18+$0x0] =	vst.idx.msk $0xffff, v14;
	v20 =	vand.u32 $0xBB8, v20;
	v27 =	vor.u32 v27, v4  }
0x3e0: {  	v12 =	vld [tilespmem:$0x1FD10];
	v14 =	vor.u32 v43, v22;
	[tilespmem:v18+s18+$0x0] =	vst.idx.msk $0xffff, v16;
	v20 =	vor.u32 v20, v2;
	v16 =	vand.u32 $0xFB8, v27  }
0x3e1: {  	v28 =	vor.u32 v28, v6;
	v14 =	vand.u32 $0x3C8, v14;
	v15 =	vld.idx.msk [tilespmem:v17+s23+$0x0], $0xffff;
	v16 =	vor.u32 v16, v1  }
0x3e2: {  	v17 =	vld.idx.msk [tilespmem:v19+s23+$0x0], $0xffff;
	v19 =	vor.u32 v14, v9  }
0x3e3: {  	v18 =	vld [tilespmem:$0x1FCB0];
	[tilespmem:v24+s18+$0x0] =	vst.idx.msk $0xffff, v21  }
0x3e4: {  	v14 =	vor.u32 v59, v8;
	v24 =	vld.idx.msk [tilespmem:v25+s23+$0x0], $0xffff  }
0x3e5: {  	v25 =	vand.u32 $0x7C8, v14;
	v14 =	vld [tilespmem:$0x1FCF0];
	[tilespmem:v20+s18+$0x0] =	vst.idx.msk $0xffff, v26  }
0x3e6: {  	v27 =	vld.idx.msk [tilespmem:v28+s23+$0x0], $0xffff;
	[tilespmem:v16+s18+$0x0] =	vst.idx.msk $0xffff, v15  }
0x3e7: {  	[tilespmem:v19+s18+$0x0] =	vst.idx.msk $0xffff, v17;
	v19 =	vld [tilespmem:$0x1FCD0];
	_ =	sdelay $0x1  }
0x3e8: {  	v11 =	vld [tilespmem:$0x1FC00];
	v18 =	vor.u32 v18, v3  }
0x3e9: {  	v13 =	vld [tilespmem:$0x1FD00];
	v21 =	vor.u32 v44, v23;
	v25 =	vor.u32 v25, v7  }
0x3ea: {  	v29 =	vor.u32 v29, v6;
	v12 =	vor.u32 v12, v3;
	v26 =	vor.u32 v58, v10;
	v28 =	vld [tilespmem:$0x1FCC0]  }
0x3eb: {  	v14 =	vor.u32 v14, v3;
	v19 =	vor.u32 v19, v3;
	v3 =	vmovc v6;
	v6 =	vmov v10;
	v10 =	vld [tilespmem:$0x1FCE0]  }
0x3ec: {  	v20 =	vld [tilespmem:$0x1FE70]  }
0x3ed: {  	v16 =	vld.idx.msk [tilespmem:v18+s23+$0x0], $0xffff  }
0x3ee: {  	v18 =	vld.idx.msk [tilespmem:v21+s23+$0x0], $0xffff;
	[tilespmem:v25+s18+$0x0] =	vst.idx.msk $0xffff, v24  }
0x3ef: {  	v11 =	vor.u32 v11, v4;
	v25 =	vld.idx.msk [tilespmem:v26+s23+$0x0], $0xffff  }
0x3f0: {  	v13 =	vor.u32 v13, v4;
	v28 =	vor.u32 v28, v4;
	v26 =	vor.u32 v10, v4;
	v4 =	vld [tilespmem:$0x1FE90]  }
0x3f1: {  	v15 =	vor.u32 v45, v22  }
0x3f2: {  	v15 =	vand.u32 $0x3D8, v15;
	v20 =	vor.u32 v20, v5  }
0x3f3: {  	v21 =	vor.u32 v15, v9;
	v15 =	vor.u32 v62, v8;
	v20 =	vand.u32 $0xBC8, v20  }
0x3f4: {  	v24 =	vor.u32 v48, v23;
	v15 =	vand.u32 $0x7D8, v15;
	v20 =	vor.u32 v20, v2  }
0x3f5: {  	v10 =	vmovc v23;
	v23 =	vor.u32 v15, v7;
	v15 =	vor.u32 v4, v5;
	v4 =	vmov v5;
	v5 =	vld [tilespmem:$0x1FDF0];
	_ =	sdelay $0x4  }
0x3f6: {  	[tilespmem:v20+s18+$0x0] =	vst.idx.msk $0xffff, v27;
	v20 =	vor.u32 v5, v6;
	v5 =	vld [tilespmem:$0x1FEE0];
	_ =	sdelay $0x3  }
0x3f7: {  	v17 =	vand.u32 $0xFC8, v28  }
0x3f8: {  	v17 =	vor.u32 v17, v1;
	v27 =	vand.u32 $0xBD8, v15;
	v15 =	vor.u32 v5, v3;
	v5 =	vmovc v8;
	v8 =	vld [tilespmem:$0x1FEA0];
	_ =	sdelay $0x4  }
0x3f9: {  	v29 =	vld.idx.msk [tilespmem:v29+s23+$0x0], $0xffff;
	[tilespmem:v17+s18+$0x0] =	vst.idx.msk $0xffff, v16;
	v17 =	vand.u32 $0xFD8, v26;
	v31 =	vor.u32 v8, v3;
	v8 =	vmov v22  }
0x3fa: {  	[tilespmem:v21+s18+$0x0] =	vst.idx.msk $0xffff, v18;
	v33 =	vor.u32 v17, v1;
	v16 =	vor.u32 v42, v8  }
0x3fb: {  	v32 =	vld.idx.msk [tilespmem:v19+s23+$0x0], $0xffff;
	v30 =	vor.u32 v27, v2;
	v17 =	vor.u32 v63, v5;
	v18 =	vand.u32 $0x3E8, v16  }
0x3fc: {  	v22 =	vld.idx.msk [tilespmem:v24+s23+$0x0], $0xffff;
	v28 =	vor.u32 v18, v9;
	v18 =	vand.u32 $0x7E8, v17  }
0x3fd: {  	[tilespmem:v23+s18+$0x0] =	vst.idx.msk $0xffff, v25;
	v25 =	vor.u32 v18, v7;
	v18 =	vld [tilespmem:$0x1FEB0]  }
0x3fe: {  	v19 =	vld [tilespmem:$0x1FED0]  }
0x3ff: {  	v24 =	vld.idx.msk [tilespmem:v20+s23+$0x0], $0xffff  }
0x400: {  	[tilespmem:v30+s18+$0x0] =	vst.idx.msk $0xffff, v29;
	v29 =	vadd.s32 s6, v0;
	v0 =	vld [tilespmem:$0x1FE10]  }
0x401: {  	v16 =	vld [tilespmem:$0x1FC60]  }
0x402: {  	v17 =	vld [tilespmem:$0x1FF10];
	v18 =	vor.u32 v18, v4  }
0x403: {  	p1 =	sne.s32 s6, $0x1F;
	v20 =	vand.u32 $0xBE8, v18;
	v18 =	vld [tilespmem:$0x1FEC0]  }
.Ltmp5:
0x404: {  	_ = 	snop;
	(pc) =	sbr.rel @p1 .LBB2_8-.Ltmp5, $4  }
0x405: {  	_ = 	snop  }
0x406: {  	v27 =	vor.u32 v47, v10;
	v26 =	vor.u32 v19, v6  }
0x407: {  	v30 =	vlaneseq.u32;
	v19 =	vld.idx.msk [tilespmem:v31+s23+$0x0], $0xffff;
	[tilespmem:v33+s18+$0x0] =	vst.idx.msk $0xffff, v32;
	v21 =	vor.u32 v0, v6;
	v16 =	vor.u32 v16, v3  }
0x408: {  	s6 =	sadd.s32 $0x1, s6;
	v17 =	vor.u32 v17, v4;
	v20 =	vor.u32 v20, v2;
	v18 =	vor.u32 v18, v3  }
0x409: {  	v33 =	vand.u32 $0x1F, v29  }
0x40a: {  	v23 =	vor.u32 v38, v33;
	_ =	sdelay $0x1  }
0x40b: {  	v32 =	vshll.u32 v29, $0x7;
	v29 =	vshll.u32 v29, $0x9  }
0x40c: {  	v30 =	vor.u32 v30, v32;
	v29 =	vand.u32 $0x3000, v29  }
0x40d: {  	v30 =	vand.u32 $0x388, v30;
	v0 =	vor.u32 v61, v29  }
0x40e: {  	v29 =	vor.u32 v30, v0;
	v23 =	vld.idx.msk [tilespmem:v23+s23+$0x0], $0xffff  }
0x40f: {  	v30 =	vor.u32 v36, v33;
	_ =	sdelay $0x2  }
0x410: {  	v31 =	vor.u32 v34, v32  }
0x411: {  	v38 =	vand.u32 $0x398, v31;
	[tilespmem:v29+s18+$0x0] =	vst.idx.msk $0xffff, v23  }
0x412: {  	v23 =	vor.u32 v38, v0;
	v29 =	vld.idx.msk [tilespmem:v30+s23+$0x0], $0xffff  }
0x413: {  	v30 =	vor.u32 v37, v33;
	_ =	sdelay $0x2  }
0x414: {  	v31 =	vor.u32 v39, v32  }
0x415: {  	v39 =	vand.u32 $0x3A8, v31;
	[tilespmem:v23+s18+$0x0] =	vst.idx.msk $0xffff, v29  }
0x416: {  	v23 =	vor.u32 v39, v0;
	v29 =	vld.idx.msk [tilespmem:v30+s23+$0x0], $0xffff  }
0x417: {  	v30 =	vor.u32 v60, v33;
	_ =	sdelay $0x2  }
0x418: {  	v31 =	vor.u32 v41, v32  }
0x419: {  	v41 =	vand.u32 $0x3B8, v31;
	[tilespmem:v23+s18+$0x0] =	vst.idx.msk $0xffff, v29  }
0x41a: {  	v23 =	vor.u32 v41, v0;
	v29 =	vld.idx.msk [tilespmem:v30+s23+$0x0], $0xffff  }
0x41b: {  	v30 =	vor.u32 v46, v33;
	_ =	sdelay $0x2  }
0x41c: {  	v31 =	vor.u32 v43, v32  }
0x41d: {  	v43 =	vand.u32 $0x3C8, v31;
	[tilespmem:v23+s18+$0x0] =	vst.idx.msk $0xffff, v29  }
0x41e: {  	v23 =	vor.u32 v43, v0;
	v29 =	vld.idx.msk [tilespmem:v30+s23+$0x0], $0xffff  }
0x41f: {  	v30 =	vor.u32 v44, v33;
	_ =	sdelay $0x2  }
0x420: {  	v31 =	vor.u32 v45, v32  }
0x421: {  	v44 =	vand.u32 $0x3D8, v31;
	[tilespmem:v23+s18+$0x0] =	vst.idx.msk $0xffff, v29  }
0x422: {  	v23 =	vor.u32 v44, v0;
	v29 =	vld.idx.msk [tilespmem:v30+s23+$0x0], $0xffff  }
0x423: {  	v30 =	vor.u32 v48, v33;
	_ =	sdelay $0x2  }
0x424: {  	v31 =	vor.u32 v42, v32  }
0x425: {  	v45 =	vand.u32 $0x3E8, v31;
	[tilespmem:v23+s18+$0x0] =	vst.idx.msk $0xffff, v29;
	v29 =	vor.u32 v49, v8  }
0x426: {  	[tilespmem:v28+s18+$0x0] =	vst.idx.msk $0xffff, v22;
	v23 =	vor.u32 v45, v0;
	v30 =	vld.idx.msk [tilespmem:v30+s23+$0x0], $0xffff;
	v34 =	vand.u32 $0x3F8, v29  }
0x427: {  	v28 =	vor.u32 v47, v33;
	v27 =	vld.idx.msk [tilespmem:v27+s23+$0x0], $0xffff;
	v22 =	vor.u32 v34, v9  }
0x428: {  	v29 =	vor.u32 v52, v10;
	_ =	sdelay $0x1  }
0x429: {  	v31 =	vor.u32 v49, v32  }
0x42a: {  	v36 =	vand.u32 $0x3F8, v31;
	[tilespmem:v23+s18+$0x0] =	vst.idx.msk $0xffff, v30;
	v30 =	vor.u32 v51, v8  }
0x42b: {  	v23 =	vor.u32 v36, v0;
	v28 =	vld.idx.msk [tilespmem:v28+s23+$0x0], $0xffff;
	[tilespmem:v22+s18+$0x0] =	vst.idx.msk $0xffff, v27;
	v38 =	vand.u32 $0x788, v30  }
0x42c: {  	v39 =	vor.u32 v52, v33;
	v29 =	vld.idx.msk [tilespmem:v29+s23+$0x0], $0xffff;
	v22 =	vor.u32 v38, v9  }
0x42d: {  	v30 =	vor.u32 v50, v10;
	_ =	sdelay $0x1  }
0x42e: {  	v31 =	vor.u32 v51, v32  }
0x42f: {  	v41 =	vand.u32 $0x788, v31;
	[tilespmem:v23+s18+$0x0] =	vst.idx.msk $0xffff, v28;
	v28 =	vor.u32 v53, v8  }
0x430: {  	v23 =	vor.u32 v41, v0;
	v27 =	vld.idx.msk [tilespmem:v39+s23+$0x0], $0xffff;
	[tilespmem:v22+s18+$0x0] =	vst.idx.msk $0xffff, v29;
	v45 =	vand.u32 $0x798, v28  }
0x431: {  	v28 =	vor.u32 v50, v33;
	v29 =	vld.idx.msk [tilespmem:v30+s23+$0x0], $0xffff;
	v22 =	vor.u32 v45, v9  }
0x432: {  	v30 =	vor.u32 v56, v10;
	_ =	sdelay $0x1  }
0x433: {  	v31 =	vor.u32 v53, v32  }
0x434: {  	v43 =	vmov v50;
	v49 =	vand.u32 $0x798, v31;
	v50 =	vor.u32 v55, v8;
	[tilespmem:v23+s18+$0x0] =	vst.idx.msk $0xffff, v27  }
0x435: {  	v51 =	vand.u32 $0x7A8, v50;
	v23 =	vor.u32 v49, v0;
	v28 =	vld.idx.msk [tilespmem:v28+s23+$0x0], $0xffff;
	[tilespmem:v22+s18+$0x0] =	vst.idx.msk $0xffff, v29  }
0x436: {  	v53 =	vor.u32 v56, v33;
	v22 =	vor.u32 v51, v9;
	v29 =	vld.idx.msk [tilespmem:v30+s23+$0x0], $0xffff  }
0x437: {  	v30 =	vor.u32 v54, v10;
	_ =	sdelay $0x1  }
0x438: {  	v31 =	vor.u32 v55, v32  }
0x439: {  	v34 =	vand.u32 $0x7A8, v31;
	[tilespmem:v23+s18+$0x0] =	vst.idx.msk $0xffff, v28;
	v28 =	vor.u32 v57, v8  }
0x43a: {  	v23 =	vor.u32 v34, v0;
	v27 =	vld.idx.msk [tilespmem:v53+s23+$0x0], $0xffff;
	[tilespmem:v22+s18+$0x0] =	vst.idx.msk $0xffff, v29;
	v36 =	vand.u32 $0x7B8, v28  }
0x43b: {  	v28 =	vor.u32 v54, v33;
	v29 =	vld.idx.msk [tilespmem:v30+s23+$0x0], $0xffff;
	v22 =	vor.u32 v36, v9  }
0x43c: {  	v30 =	vor.u32 v40, v10;
	_ =	sdelay $0x1  }
0x43d: {  	v31 =	vor.u32 v57, v32  }
0x43e: {  	v41 =	vor.u32 v59, v8;
	v39 =	vand.u32 $0x7B8, v31;
	[tilespmem:v23+s18+$0x0] =	vst.idx.msk $0xffff, v27  }
0x43f: {  	v45 =	vand.u32 $0x7C8, v41;
	v23 =	vor.u32 v39, v0;
	v28 =	vld.idx.msk [tilespmem:v28+s23+$0x0], $0xffff;
	[tilespmem:v22+s18+$0x0] =	vst.idx.msk $0xffff, v29  }
0x440: {  	v49 =	vor.u32 v40, v33;
	v22 =	vor.u32 v45, v9;
	v29 =	vld.idx.msk [tilespmem:v30+s23+$0x0], $0xffff;
	_ =	sdelay $0x1  }
0x441: {  	v30 =	vor.u32 v58, v10;
	_ =	sdelay $0x1  }
0x442: {  	v31 =	vor.u32 v59, v32;
	[tilespmem:v23+s18+$0x0] =	vst.idx.msk $0xffff, v28  }
0x443: {  	v42 =	vmov v0;
	v50 =	vand.u32 $0x7C8, v31;
	v28 =	vor.u32 v62, v8;
	v27 =	vld.idx.msk [tilespmem:v49+s23+$0x0], $0xffff;
	[tilespmem:v22+s18+$0x0] =	vst.idx.msk $0xffff, v29  }
0x444: {  	v38 =	vmov v54;
	v23 =	vor.u32 v50, v42;
	v54 =	vand.u32 $0x7D8, v28;
	v55 =	vld [tilespmem:$0x1FDF0]  }
0x445: {  	v29 =	vld.idx.msk [tilespmem:v30+s23+$0x0], $0xffff;
	v22 =	vor.u32 v54, v9;
	_ =	sdelay $0x1  }
0x446: {  	v28 =	vor.u32 v58, v33  }
0x447: {  	[tilespmem:v25+s18+$0x0] =	vst.idx.msk $0xffff, v24  }
0x448: {  	v51 =	vmov v62;
	[tilespmem:v23+s18+$0x0] =	vst.idx.msk $0xffff, v27;
	v30 =	vor.u32 v55, v10  }
0x449: {  	v31 =	vor.u32 v51, v32;
	[tilespmem:v22+s18+$0x0] =	vst.idx.msk $0xffff, v29  }
0x44a: {  	v57 =	vand.u32 $0x7D8, v31;
	v36 =	vld [tilespmem:$0x1FED0]  }
0x44b: {  	v53 =	vmov v58;
	v58 =	vor.u32 v63, v8;
	v23 =	vor.u32 v57, v42;
	v28 =	vld.idx.msk [tilespmem:v28+s23+$0x0], $0xffff  }
0x44c: {  	v59 =	vand.u32 $0x7E8, v58;
	v0 =	vor.u32 v55, v33  }
0x44d: {  	v29 =	vor.u32 v35, v5;
	v22 =	vor.u32 v59, v9;
	v30 =	vld.idx.msk [tilespmem:v30+s23+$0x0], $0xffff  }
0x44e: {  	v34 =	vand.u32 $0x7F8, v29  }
0x44f: {  	v26 =	vld.idx.msk [tilespmem:v26+s23+$0x0], $0xffff;
	v29 =	vor.u32 v63, v32;
	v24 =	vor.u32 v34, v7;
	v39 =	vor.u32 v36, v10  }
0x450: {  	v41 =	vand.u32 $0x7E8, v29;
	[tilespmem:v23+s18+$0x0] =	vst.idx.msk $0xffff, v28  }
0x451: {  	v23 =	vor.u32 v41, v42;
	v27 =	vld.idx.msk [tilespmem:v0+s23+$0x0], $0xffff  }
0x452: {  	[tilespmem:v22+s18+$0x0] =	vst.idx.msk $0xffff, v30  }
0x453: {  	v28 =	vor.u32 v35, v8;
	v49 =	vld [tilespmem:$0x1FE20]  }
0x454: {  	v45 =	vand.u32 $0x7F8, v28;
	v25 =	vld.idx.msk [tilespmem:v39+s23+$0x0], $0xffff;
	[tilespmem:v24+s18+$0x0] =	vst.idx.msk $0xffff, v26  }
0x455: {  	v22 =	vor.u32 v45, v9;
	v31 =	vld [tilespmem:$0x1FE10]  }
0x456: {  	[tilespmem:v23+s18+$0x0] =	vst.idx.msk $0xffff, v27  }
0x457: {  	v28 =	vor.u32 v36, v33;
	v30 =	vld [tilespmem:$0x1FE30];
	_ =	sdelay $0x1  }
0x458: {  	v21 =	vld.idx.msk [tilespmem:v21+s23+$0x0], $0xffff;
	v29 =	vor.u32 v49, v5  }
0x459: {  	[tilespmem:v22+s18+$0x0] =	vst.idx.msk $0xffff, v25;
	v50 =	vand.u32 $0xB88, v29;
	v51 =	vor.u32 v31, v10;
	v29 =	vor.u32 v35, v32  }
0x45a: {  	v58 =	vor.u32 v31, v33;
	v31 =	vld [tilespmem:$0x1FE40];
	v24 =	vor.u32 v50, v7;
	v55 =	vand.u32 $0x7F8, v29  }
0x45b: {  	v28 =	vld.idx.msk [tilespmem:v28+s23+$0x0], $0xffff;
	v54 =	vor.u32 v30, v6;
	v27 =	vor.u32 v55, v42;
	_ =	sdelay $0x1  }
0x45c: {  	v29 =	vor.u32 v49, v8  }
0x45d: {  	v57 =	vand.u32 $0xB88, v29  }
0x45e: {  	v22 =	vor.u32 v57, v9;
	v29 =	vor.u32 v31, v5;
	v26 =	vld.idx.msk [tilespmem:v51+s23+$0x0], $0xffff;
	[tilespmem:v24+s18+$0x0] =	vst.idx.msk $0xffff, v21  }
0x45f: {  	v59 =	vand.u32 $0xB98, v29;
	v29 =	vor.u32 v49, v32;
	v23 =	vld.idx.msk [tilespmem:v54+s23+$0x0], $0xffff;
	[tilespmem:v27+s18+$0x0] =	vst.idx.msk $0xffff, v28  }
0x460: {  	v21 =	vor.u32 v59, v7;
	v28 =	vand.u32 $0xB88, v29;
	v63 =	vld [tilespmem:$0x1FE50]  }
0x461: {  	v62 =	vor.u32 v30, v10;
	v25 =	vld.idx.msk [tilespmem:v58+s23+$0x0], $0xffff;
	v28 =	vor.u32 v28, v42;
	_ =	sdelay $0x1  }
0x462: {  	[tilespmem:v22+s18+$0x0] =	vst.idx.msk $0xffff, v26  }
0x463: {  	v45 =	vor.u32 v30, v33;
	v29 =	vor.u32 v31, v8;
	v30 =	vld [tilespmem:$0x1FE60]  }
0x464: {  	v41 =	vand.u32 $0xB98, v29;
	[tilespmem:v21+s18+$0x0] =	vst.idx.msk $0xffff, v23  }
0x465: {  	v22 =	vor.u32 v41, v9;
	v24 =	vld.idx.msk [tilespmem:v62+s23+$0x0], $0xffff;
	v39 =	vor.u32 v63, v6;
	[tilespmem:v28+s18+$0x0] =	vst.idx.msk $0xffff, v25  }
0x466: {  	v51 =	vld [tilespmem:$0x1FC30];
	_ =	sdelay $0x1  }
0x467: {  	v50 =	vor.u32 v63, v10;
	v29 =	vor.u32 v30, v5  }
0x468: {  	v26 =	vld.idx.msk [tilespmem:v45+s23+$0x0], $0xffff;
	v49 =	vand.u32 $0xBA8, v29;
	v29 =	vor.u32 v31, v32  }
0x469: {  	[tilespmem:v22+s18+$0x0] =	vst.idx.msk $0xffff, v24;
	v27 =	vld.idx.msk [tilespmem:v39+s23+$0x0], $0xffff;
	v21 =	vor.u32 v49, v7;
	v28 =	vand.u32 $0xB98, v29  }
0x46a: {  	v31 =	vld [tilespmem:$0x1FC40];
	v29 =	vor.u32 v30, v8;
	v54 =	vor.u32 v51, v6;
	v28 =	vor.u32 v28, v42  }
0x46b: {  	v55 =	vand.u32 $0xBA8, v29  }
0x46c: {  	v57 =	vor.u32 v63, v33;
	v23 =	vld.idx.msk [tilespmem:v50+s23+$0x0], $0xffff;
	v22 =	vor.u32 v55, v9;
	_ =	sdelay $0x1  }
0x46d: {  	[tilespmem:v21+s18+$0x0] =	vst.idx.msk $0xffff, v27  }
0x46e: {  	v44 =	vmov v32;
	v29 =	vor.u32 v31, v5;
	v25 =	vld.idx.msk [tilespmem:v54+s23+$0x0], $0xffff;
	[tilespmem:v28+s18+$0x0] =	vst.idx.msk $0xffff, v26  }
0x46f: {  	v59 =	vor.u32 v51, v10;
	v58 =	vand.u32 $0xBB8, v29;
	v29 =	vor.u32 v30, v44;
	v62 =	vld [tilespmem:$0x1FC50]  }
0x470: {  	v21 =	vor.u32 v58, v7;
	v28 =	vand.u32 $0xBA8, v29;
	v24 =	vld.idx.msk [tilespmem:v57+s23+$0x0], $0xffff;
	[tilespmem:v22+s18+$0x0] =	vst.idx.msk $0xffff, v23  }
0x471: {  	v28 =	vor.u32 v28, v42;
	v30 =	vld [tilespmem:$0x1FE70]  }
0x472: {  	v29 =	vor.u32 v31, v8  }
0x473: {  	v35 =	vor.u32 v51, v33;
	v34 =	vand.u32 $0xBB8, v29  }
0x474: {  	v27 =	vld.idx.msk [tilespmem:v59+s23+$0x0], $0xffff;
	v22 =	vor.u32 v34, v9;
	[tilespmem:v20+s18+$0x0] =	vst.idx.msk $0xffff, v19;
	v63 =	vor.u32 v62, v6  }
0x475: {  	[tilespmem:v21+s18+$0x0] =	vst.idx.msk $0xffff, v25  }
0x476: {  	v45 =	vor.u32 v31, v44;
	[tilespmem:v28+s18+$0x0] =	vst.idx.msk $0xffff, v24;
	v29 =	vor.u32 v30, v5  }
0x477: {  	v21 =	vand.u32 $0xBB8, v45;
	v39 =	vand.u32 $0xBC8, v29;
	v29 =	vld [tilespmem:$0x1FE80]  }
0x478: {  	v41 =	vor.u32 v62, v10;
	v21 =	vor.u32 v21, v42;
	v23 =	vld.idx.msk [tilespmem:v35+s23+$0x0], $0xffff  }
0x479: {  	[tilespmem:v22+s18+$0x0] =	vst.idx.msk $0xffff, v27;
	v20 =	vor.u32 v39, v7;
	v19 =	vld.idx.msk [tilespmem:v63+s23+$0x0], $0xffff  }
0x47a: {  	v17 =	vand.u32 $0xBF8, v17;
	v55 =	vld [tilespmem:$0x1FE90]  }
0x47b: {  	v17 =	vor.u32 v17, v2;
	v18 =	vld.idx.msk [tilespmem:v18+s23+$0x0], $0xffff;
	v54 =	vor.u32 v62, v33;
	v50 =	vor.u32 v30, v8  }
0x47c: {  	v51 =	vand.u32 $0xBC8, v50;
	v49 =	vor.u32 v29, v6  }
0x47d: {  	v58 =	vor.u32 v30, v44;
	v22 =	vor.u32 v51, v9;
	v25 =	vld.idx.msk [tilespmem:v41+s23+$0x0], $0xffff;
	[tilespmem:v21+s18+$0x0] =	vst.idx.msk $0xffff, v23  }
0x47e: {  	v62 =	vand.u32 $0xBC8, v58;
	[tilespmem:v20+s18+$0x0] =	vst.idx.msk $0xffff, v19  }
0x47f: {  	v23 =	vor.u32 v62, v42;
	v57 =	vor.u32 v55, v5;
	v28 =	vld [tilespmem:$0x1FEA0]  }
0x480: {  	v19 =	vand.u32 $0xBD8, v57;
	v20 =	vor.u32 v29, v10;
	[tilespmem:v17+s18+$0x0] =	vst.idx.msk $0xffff, v18;
	v18 =	vld.idx.msk [tilespmem:v54+s23+$0x0], $0xffff  }
0x481: {  	v19 =	vor.u32 v19, v7;
	v24 =	vld.idx.msk [tilespmem:v49+s23+$0x0], $0xffff  }
0x482: {  	[tilespmem:v22+s18+$0x0] =	vst.idx.msk $0xffff, v25  }
0x483: {  	v17 =	vor.u32 v55, v8;
	v41 =	vld [tilespmem:$0x1FEB0]  }
0x484: {  	v17 =	vand.u32 $0xBD8, v17;
	v34 =	vld [tilespmem:$0x1FEF0]  }
0x485: {  	v17 =	vor.u32 v17, v9;
	v20 =	vld.idx.msk [tilespmem:v20+s23+$0x0], $0xffff;
	v59 =	vor.u32 v28, v6;
	[tilespmem:v23+s18+$0x0] =	vst.idx.msk $0xffff, v18  }
0x486: {  	[tilespmem:v19+s18+$0x0] =	vst.idx.msk $0xffff, v24  }
0x487: {  	v51 =	vld [tilespmem:$0x1FEC0]  }
0x488: {  	v63 =	vor.u32 v29, v33;
	v45 =	vor.u32 v41, v5  }
0x489: {  	v49 =	vor.u32 v28, v10;
	v19 =	vand.u32 $0xBE8, v45  }
0x48a: {  	v39 =	vor.u32 v34, v4;
	v19 =	vor.u32 v19, v7;
	[tilespmem:v17+s18+$0x0] =	vst.idx.msk $0xffff, v20;
	v21 =	vld.idx.msk [tilespmem:v59+s23+$0x0], $0xffff  }
0x48b: {  	v50 =	vor.u32 v55, v44;
	v25 =	vand.u32 $0xF88, v39;
	v20 =	vor.u32 v28, v33;
	v28 =	vld [tilespmem:$0x1FF10]  }
0x48c: {  	v54 =	vand.u32 $0xBD8, v50;
	v16 =	vld.idx.msk [tilespmem:v16+s23+$0x0], $0xffff;
	v25 =	vor.u32 v25, v2;
	v18 =	vor.u32 v51, v6  }
0x48d: {  	v23 =	vor.u32 v54, v42;
	v22 =	vld.idx.msk [tilespmem:v63+s23+$0x0], $0xffff;
	_ =	sdelay $0x1  }
0x48e: {  	v55 =	vor.u32 v41, v8;
	v24 =	vld.idx.msk [tilespmem:v49+s23+$0x0], $0xffff;
	[tilespmem:v19+s18+$0x0] =	vst.idx.msk $0xffff, v21  }
0x48f: {  	v62 =	vor.u32 v41, v44;
	v17 =	vand.u32 $0xBE8, v55;
	v57 =	vor.u32 v28, v5;
	v35 =	vld [tilespmem:$0x1FF00]  }
0x490: {  	v17 =	vor.u32 v17, v9;
	v58 =	vand.u32 $0xBF8, v57;
	[tilespmem:v25+s18+$0x0] =	vst.idx.msk $0xffff, v16;
	v16 =	vld.idx.msk [tilespmem:v18+s23+$0x0], $0xffff  }
0x491: {  	v21 =	vand.u32 $0xBE8, v62;
	v18 =	vor.u32 v58, v7;
	v63 =	vld [tilespmem:$0x1FC60];
	[tilespmem:v23+s18+$0x0] =	vst.idx.msk $0xffff, v22  }
0x492: {  	v59 =	vor.u32 v51, v10;
	v21 =	vor.u32 v21, v42;
	v20 =	vld.idx.msk [tilespmem:v20+s23+$0x0], $0xffff;
	_ =	sdelay $0x2  }
0x493: {  	v41 =	vor.u32 v28, v8;
	v15 =	vld.idx.msk [tilespmem:v15+s23+$0x0], $0xffff;
	[tilespmem:v17+s18+$0x0] =	vst.idx.msk $0xffff, v24  }
0x494: {  	v17 =	vand.u32 $0xBF8, v41;
	v0 =	vld [tilespmem:$0x1FC70];
	v19 =	vor.u32 v35, v4;
	v39 =	vor.u32 v63, v6;
	[tilespmem:v18+s18+$0x0] =	vst.idx.msk $0xffff, v16  }
0x495: {  	v26 =	vld.idx.msk [tilespmem:v59+s23+$0x0], $0xffff;
	v17 =	vor.u32 v17, v9;
	v19 =	vand.u32 $0xF98, v19;
	[tilespmem:v21+s18+$0x0] =	vst.idx.msk $0xffff, v20  }
0x496: {  	v45 =	vor.u32 v51, v33;
	v19 =	vor.u32 v19, v2;
	v29 =	vld [tilespmem:$0x1FEE0]  }
0x497: {  	v50 =	vor.u32 v34, v5;
	v18 =	vor.u32 v63, v10  }
0x498: {  	v54 =	vor.u32 v28, v44;
	v16 =	vand.u32 $0xF88, v50;
	v32 =	vld [tilespmem:$0x1FC80]  }
0x499: {  	v25 =	vand.u32 $0xBF8, v54;
	v49 =	vor.u32 v0, v3;
	v16 =	vor.u32 v16, v7;
	v51 =	vld.idx.msk [tilespmem:v39+s23+$0x0], $0xffff  }
0x49a: {  	v57 =	vor.u32 v34, v8;
	v58 =	vor.u32 v25, v42;
	[tilespmem:v17+s18+$0x0] =	vst.idx.msk $0xffff, v26  }
0x49b: {  	[tilespmem:v19+s18+$0x0] =	vst.idx.msk $0xffff, v15;
	v19 =	vld.idx.msk [tilespmem:v45+s23+$0x0], $0xffff;
	v15 =	vand.u32 $0xF88, v57;
	v55 =	vor.u32 v29, v6  }
0x49c: {  	v17 =	vor.u32 v63, v33;
	v18 =	vld.idx.msk [tilespmem:v18+s23+$0x0], $0xffff;
	v15 =	vor.u32 v15, v9  }
0x49d: {  	v20 =	vor.u32 v32, v4  }
0x49e: {  	v59 =	vor.u32 v35, v5;
	v23 =	vld.idx.msk [tilespmem:v49+s23+$0x0], $0xffff;
	v20 =	vand.u32 $0xFA8, v20;
	[tilespmem:v16+s18+$0x0] =	vst.idx.msk $0xffff, v51  }
0x49f: {  	v46 =	vmovc v33;
	v34 =	vor.u32 v34, v44;
	v20 =	vor.u32 v20, v2;
	v16 =	vand.u32 $0xF98, v59;
	v33 =	vld [tilespmem:$0x1FC90]  }
0x4a0: {  	v39 =	vand.u32 $0xF88, v34;
	v16 =	vor.u32 v16, v7;
	[tilespmem:v58+s18+$0x0] =	vst.idx.msk $0xffff, v19;
	v21 =	vld.idx.msk [tilespmem:v55+s23+$0x0], $0xffff  }
0x4a1: {  	v22 =	vor.u32 v39, v42;
	v62 =	vor.u32 v29, v10;
	v17 =	vld.idx.msk [tilespmem:v17+s23+$0x0], $0xffff;
	[tilespmem:v15+s18+$0x0] =	vst.idx.msk $0xffff, v18  }
0x4a2: {  	v19 =	vor.u32 v0, v6;
	v34 =	vld [tilespmem:$0x1FCA0]  }
0x4a3: {  	v49 =	vor.u32 v29, v46  }
0x4a4: {  	v41 =	vor.u32 v35, v8;
	[tilespmem:v20+s18+$0x0] =	vst.idx.msk $0xffff, v23;
	v63 =	vor.u32 v33, v3  }
0x4a5: {  	v54 =	vor.u32 v35, v44;
	v18 =	vand.u32 $0xF98, v41;
	v20 =	vor.u32 v32, v5;
	[tilespmem:v16+s18+$0x0] =	vst.idx.msk $0xffff, v21  }
0x4a6: {  	v50 =	vld.idx.msk [tilespmem:v62+s23+$0x0], $0xffff;
	v18 =	vor.u32 v18, v9;
	v16 =	vand.u32 $0xFA8, v20;
	[tilespmem:v22+s18+$0x0] =	vst.idx.msk $0xffff, v17  }
0x4a7: {  	v17 =	vand.u32 $0xF98, v54;
	v45 =	vor.u32 v34, v4;
	v19 =	vld.idx.msk [tilespmem:v19+s23+$0x0], $0xffff;
	v16 =	vor.u32 v16, v7  }
0x4a8: {  	v22 =	vld.idx.msk [tilespmem:v49+s23+$0x0], $0xffff;
	v17 =	vor.u32 v17, v42;
	v15 =	vand.u32 $0xFB8, v45  }
0x4a9: {  	v20 =	vor.u32 v0, v10;
	v15 =	vor.u32 v15, v2;
	v51 =	vld.idx.msk [tilespmem:v63+s23+$0x0], $0xffff;
	_ =	sdelay $0x1  }
0x4aa: {  	[tilespmem:v18+s18+$0x0] =	vst.idx.msk $0xffff, v50  }
0x4ab: {  	v35 =	vld [tilespmem:$0x1FCB0];
	[tilespmem:v16+s18+$0x0] =	vst.idx.msk $0xffff, v19  }
0x4ac: {  	v57 =	vor.u32 v32, v8;
	v55 =	vor.u32 v33, v6;
	[tilespmem:v17+s18+$0x0] =	vst.idx.msk $0xffff, v22  }
0x4ad: {  	v58 =	vor.u32 v0, v46;
	v18 =	vand.u32 $0xFA8, v57;
	v20 =	vld.idx.msk [tilespmem:v20+s23+$0x0], $0xffff;
	[tilespmem:v15+s18+$0x0] =	vst.idx.msk $0xffff, v51  }
0x4ae: {  	v18 =	vor.u32 v18, v9;
	v39 =	vld [tilespmem:$0x1FCC0]  }
0x4af: {  	v62 =	vor.u32 v34, v5;
	v19 =	vor.u32 v33, v10  }
0x4b0: {  	v0 =	vor.u32 v32, v44;
	v16 =	vand.u32 $0xFB8, v62;
	v59 =	vor.u32 v35, v3  }
0x4b1: {  	v17 =	vand.u32 $0xFA8, v0;
	v63 =	vld.idx.msk [tilespmem:v55+s23+$0x0], $0xffff;
	v16 =	vor.u32 v16, v7  }
0x4b2: {  	v49 =	vor.u32 v34, v8;
	v21 =	vld.idx.msk [tilespmem:v58+s23+$0x0], $0xffff;
	v17 =	vor.u32 v17, v42  }
0x4b3: {  	[tilespmem:v18+s18+$0x0] =	vst.idx.msk $0xffff, v20;
	v18 =	vand.u32 $0xFB8, v49;
	v45 =	vor.u32 v39, v4  }
0x4b4: {  	v19 =	vld.idx.msk [tilespmem:v19+s23+$0x0], $0xffff;
	v18 =	vor.u32 v18, v9;
	v22 =	vand.u32 $0xFC8, v45  }
0x4b5: {  	v23 =	vld.idx.msk [tilespmem:v59+s23+$0x0], $0xffff;
	v22 =	vor.u32 v22, v2  }
0x4b6: {  	[tilespmem:v16+s18+$0x0] =	vst.idx.msk $0xffff, v63  }
0x4b7: {  	[tilespmem:v17+s18+$0x0] =	vst.idx.msk $0xffff, v21  }
0x4b8: {  	v57 =	vld [tilespmem:$0x1FCD0]  }
0x4b9: {  	v32 =	vor.u32 v35, v6;
	[tilespmem:v18+s18+$0x0] =	vst.idx.msk $0xffff, v19  }
0x4ba: {  	[tilespmem:v22+s18+$0x0] =	vst.idx.msk $0xffff, v23  }
0x4bb: {  	v20 =	vor.u32 v33, v46;
	v63 =	vld [tilespmem:$0x1FCE0]  }
0x4bc: {  	v16 =	vor.u32 v35, v10;
	v50 =	vor.u32 v39, v5  }
0x4bd: {  	v51 =	vand.u32 $0xFC8, v50;
	v17 =	vor.u32 v57, v3  }
0x4be: {  	v55 =	vor.u32 v34, v44;
	v54 =	vld.idx.msk [tilespmem:v32+s23+$0x0], $0xffff;
	v15 =	vor.u32 v51, v7  }
0x4bf: {  	v58 =	vand.u32 $0xFB8, v55;
	v59 =	vor.u32 v39, v8  }
0x4c0: {  	v21 =	vor.u32 v58, v42;
	v20 =	vld.idx.msk [tilespmem:v20+s23+$0x0], $0xffff;
	v19 =	vand.u32 $0xFC8, v59;
	v41 =	vor.u32 v63, v4  }
0x4c1: {  	v16 =	vld.idx.msk [tilespmem:v16+s23+$0x0], $0xffff;
	v19 =	vor.u32 v19, v9;
	v23 =	vand.u32 $0xFD8, v41  }
0x4c2: {  	v18 =	vor.u32 v57, v6;
	v17 =	vld.idx.msk [tilespmem:v17+s23+$0x0], $0xffff;
	v23 =	vor.u32 v23, v2  }
0x4c3: {  	[tilespmem:v15+s18+$0x0] =	vst.idx.msk $0xffff, v54  }
0x4c4: {  	v62 =	vor.u32 v35, v46;
	v49 =	vld [tilespmem:$0x1FCF0]  }
0x4c5: {  	v45 =	vor.u32 v57, v10;
	[tilespmem:v21+s18+$0x0] =	vst.idx.msk $0xffff, v20  }
0x4c6: {  	[tilespmem:v19+s18+$0x0] =	vst.idx.msk $0xffff, v16;
	v51 =	vor.u32 v63, v5  }
0x4c7: {  	v20 =	vor.u32 v39, v44;
	v18 =	vld.idx.msk [tilespmem:v18+s23+$0x0], $0xffff;
	v25 =	vand.u32 $0xFD8, v51;
	[tilespmem:v23+s18+$0x0] =	vst.idx.msk $0xffff, v17  }
0x4c8: {  	v20 =	vand.u32 $0xFC8, v20;
	v55 =	vor.u32 v63, v8;
	v54 =	vor.u32 v25, v7;
	v59 =	vld [tilespmem:$0x1FD00]  }
0x4c9: {  	v19 =	vld.idx.msk [tilespmem:v62+s23+$0x0], $0xffff;
	v20 =	vor.u32 v20, v42;
	v50 =	vor.u32 v49, v3;
	v16 =	vand.u32 $0xFD8, v55  }
0x4ca: {  	v15 =	vld.idx.msk [tilespmem:v45+s23+$0x0], $0xffff;
	v16 =	vor.u32 v16, v9  }
0x4cb: {  	v13 =	vand.u32 $0xFE8, v13;
	v57 =	vor.u32 v57, v46  }
0x4cc: {  	v13 =	vor.u32 v13, v1;
	v58 =	vor.u32 v49, v6  }
0x4cd: {  	v14 =	vld.idx.msk [tilespmem:v14+s23+$0x0], $0xffff;
	v62 =	vor.u32 v49, v10;
	[tilespmem:v54+s18+$0x0] =	vst.idx.msk $0xffff, v18;
	v17 =	vor.u32 v59, v4  }
0x4ce: {  	v63 =	vor.u32 v63, v44;
	[tilespmem:v20+s18+$0x0] =	vst.idx.msk $0xffff, v19;
	v19 =	vld.idx.msk [tilespmem:v50+s23+$0x0], $0xffff;
	v17 =	vand.u32 $0xFE8, v17  }
0x4cf: {  	v20 =	vand.u32 $0xFD8, v63;
	[tilespmem:v16+s18+$0x0] =	vst.idx.msk $0xffff, v15;
	v18 =	vor.u32 v59, v5;
	v17 =	vor.u32 v17, v2  }
0x4d0: {  	v16 =	vld.idx.msk [tilespmem:v57+s23+$0x0], $0xffff;
	v20 =	vor.u32 v20, v42;
	v24 =	vor.u32 v59, v8;
	v18 =	vand.u32 $0xFE8, v18  }
0x4d1: {  	v27 =	vld.idx.msk [tilespmem:v58+s23+$0x0], $0xffff;
	v15 =	vand.u32 $0xFE8, v24;
	v18 =	vor.u32 v18, v7  }
0x4d2: {  	v23 =	vld.idx.msk [tilespmem:v62+s23+$0x0], $0xffff;
	v15 =	vor.u32 v15, v9  }
0x4d3: {  	[tilespmem:v13+s18+$0x0] =	vst.idx.msk $0xffff, v14  }
0x4d4: {  	[tilespmem:v17+s18+$0x0] =	vst.idx.msk $0xffff, v19  }
0x4d5: {  	v17 =	vld [tilespmem:$0x1FD10];
	[tilespmem:v20+s18+$0x0] =	vst.idx.msk $0xffff, v16  }
0x4d6: {  	[tilespmem:v18+s18+$0x0] =	vst.idx.msk $0xffff, v27  }
0x4d7: {  	v32 =	vor.u32 v49, v46;
	[tilespmem:v15+s18+$0x0] =	vst.idx.msk $0xffff, v23  }
0x4d8: {  	v45 =	vld [tilespmem:$0x1FC00];
	_ =	sdelay $0x1  }
0x4d9: {  	v34 =	vor.u32 v59, v44;
	v33 =	vor.u32 v17, v3  }
0x4da: {  	v13 =	vand.u32 $0xFE8, v34;
	v35 =	vor.u32 v17, v6  }
0x4db: {  	v13 =	vor.u32 v13, v42;
	v41 =	vld.idx.msk [tilespmem:v32+s23+$0x0], $0xffff;
	v39 =	vor.u32 v17, v10  }
0x4dc: {  	v11 =	vand.u32 $0xFF8, v11;
	v50 =	vor.u32 v17, v46;
	v49 =	vor.u32 v45, v4  }
0x4dd: {  	v51 =	vor.u32 v11, v1;
	v54 =	vld.idx.msk [tilespmem:v12+s23+$0x0], $0xffff;
	v55 =	vor.u32 v45, v5;
	v4 =	vand.u32 $0xFF8, v49  }
0x4de: {  	v59 =	vor.u32 v45, v8;
	v58 =	vand.u32 $0xFF8, v55;
	v57 =	vor.u32 v4, v2;
	v3 =	vld.idx.msk [tilespmem:v33+s23+$0x0], $0xffff  }
0x4df: {  	v0 =	vor.u32 v45, v44;
	v5 =	vand.u32 $0xFF8, v59;
	v4 =	vor.u32 v58, v7;
	v6 =	vld.idx.msk [tilespmem:v35+s23+$0x0], $0xffff  }
0x4e0: {  	[tilespmem:v13+s18+$0x0] =	vst.idx.msk $0xffff, v41;
	v0 =	vand.u32 $0xFF8, v0;
	v5 =	vor.u32 v5, v9;
	v62 =	vld.idx.msk [tilespmem:v39+s23+$0x0], $0xffff  }
0x4e1: {  	v0 =	vor.u32 v0, v42;
	v63 =	vld.idx.msk [tilespmem:v50+s23+$0x0], $0xffff  }
0x4e2: {  	[tilespmem:v51+s18+$0x0] =	vst.idx.msk $0xffff, v54  }
0x4e3: {  	[tilespmem:v57+s18+$0x0] =	vst.idx.msk $0xffff, v3  }
0x4e4: {  	[tilespmem:v4+s18+$0x0] =	vst.idx.msk $0xffff, v6  }
.Ltmp6:
0x4e5: {  	[tilespmem:v5+s18+$0x0] =	vst.idx.msk $0xffff, v62;
	(pc) =	sbr.rel @p0 .LBB2_11-.Ltmp6, $4  }
0x4e6: {  	[tilespmem:v0+s18+$0x0] =	vst.idx.msk $0xffff, v63  }
0x4e7: {  	v32 =	vld [tilespmem:$0x1FFB0]  }
0x4e8: {  	s1 =	sadd.s32 s3, s11;
	v30 =	vmov v28;
	v19 =	vmov v36;
	v54 =	vmov v43;
	v44 =	vld [tilespmem:$0x1FFC0]  }
0x4e9: {  	v33 =	vmovc v61;
	v50 =	vmovc v47;
	v58 =	vmov v38;
	v57 =	vmov v52;
	v52 =	vmov v40;
	[hbm4b:s1+s2] =	stream.strided.scatter [tilespmem:s18], [sflag:$0x4], $0x4000, s16, s2, $0x38;
	v59 =	vld [tilespmem:$0x1FF90]  }
0x4ea: {  	_ =	swait.ge [sflag:s22], $0x200  }
0x4eb: {  	v36 =	vld [tilespmem:$0x1FF40]  }
0x4ec: {  	v34 =	vld [tilespmem:$0x1FD20]  }
0x4ed: {  	v6 =	vld [tilespmem:$0x1FD30]  }
0x4ee: {  	v41 =	vld [tilespmem:$0x1FD40]  }
0x4ef: {  	v43 =	vld [tilespmem:$0x1FD50]  }
0x4f0: {  	v45 =	vld [tilespmem:$0x1FD60]  }
0x4f1: {  	v47 =	vld [tilespmem:$0x1FD70]  }
0x4f2: {  	v49 =	vld [tilespmem:$0x1FD80]  }
0x4f3: {  	v38 =	vld [tilespmem:$0x1FD90]  }
0x4f4: {  	v11 =	vld [tilespmem:$0x1FDA0]  }
0x4f5: {  	v55 =	vld [tilespmem:$0x1FDB0]  }
0x4f6: {  	v61 =	vld [tilespmem:$0x1FDC0]  }
0x4f7: {  	v62 =	vld [tilespmem:$0x1FDD0]  }
0x4f8: {  	v21 =	vld [tilespmem:$0x1FDE0]  }
0x4f9: {  	v12 =	vld [tilespmem:$0x1FDF0]  }
0x4fa: {  	[sflag:s22] =	ssyncset.done $0x0;
	v51 =	vld [tilespmem:$0x1FE00]  }
0x4fb: {  	v35 =	vld [tilespmem:$0x1FF30];
	[sflag:s22] =	ssyncadd.s32 $0xFFFFFE00  }
0x4fc: {  	v16 =	vld [tilespmem:$0x1FE10];
	[tilespmem:s23], [sflag:$0x2] =	stream.indirect.gather [hbm4b:s7+s14], $0x20, s21, s14, $0xb8  }
0x4fd: {  	v25 =	vld [tilespmem:$0x1FE20]  }
0x4fe: {  	v26 =	vld [tilespmem:$0x1FE30];
	[tilespmem:s25], [sflag:$0x2] =	stream.indirect.gather [hbm4b:s7+s14], $0x20, s24, s14, $0xb8  }
.Ltmp7:
0x4ff: {  	v20 =	vld [tilespmem:$0x1FE40];
	(pc) =	sbr.rel .LBB2_2-.Ltmp7, $4  }
0x500: {  	v24 =	vld [tilespmem:$0x1FE50]  }
0x501: {  	v46 =	vld [tilespmem:$0x1FE60];
	[tilespmem:s28], [sflag:$0x2] =	stream.indirect.gather [hbm4b:s7+s14], $0x20, s26, s14, $0xb8  }
0x502: {  	s12 =	sadd.s32 $0x1, s12;
	v22 =	vld [tilespmem:$0x1FEB0]  }
0x503: {  	v23 =	vld [tilespmem:$0x1FEC0];
	[tilespmem:s30], [sflag:$0x2] =	stream.indirect.gather [hbm4b:s7+s14], $0x20, s29, s14, $0xb8  }
.LBB2_12:
0x504: {  	_ =	sfence.sel $0x180000  }
0x505: {  	[bflag:$0x0] =	sbarrier.arrive $0xFFFF  }
0x506: {  	_ =	strace $0x90000047  }
0x507: {  	s0 =	stileid.u32;
	[bflag:$0x2] =	sbarrier.arrive $0xFFFF  }
0x508: {  	p0 =	sne.s32 s0, $0x0;
	s0 =	rddreg [dreg:$0x2]  }
0x509: {  	s0 =	sadd.s32 @!p0 $0x100000, s0  }
0x50a: {  	[sflag:s0] =	ssyncadd.tile.s32 @!p0 $0x1;
	_ =	shalt  }
.Lfunc_end2:
_tile_overlayer_lowered:
.L_overlay_start_2:
0x50b: {  	(tag) =	ssettag $0x2  }
0x50c: {  	s0 =	rddreg [dreg:$0x0];
	s2 =	stileid.u32  }
0x50d: {  	s1 =	rddreg [dreg:$0x1];
	p0 =	sne.s32 s2, $0x0  }
0x50e: {  	s3 =	rddreg [dreg:$0x2];
	[bflag:$0x3] =	sbarrier.arrive $0xFFFF;
	s2 =	simm.s32 @!p0 $0x1C07  }
0x50f: {  	[timem:s3], [sflag:s2] =	dma.local @!p0 [hbm:s0], s1  }
0x510: {  	s0 =	simm.s32 @!p0 $0x7  }
0x511: {  	_ =	swait.ge @!p0 [sflag:s0], s1  }
0x512: {  	s1 =	ssub.s32 @!p0 $0x0, s1;
	[sflag:s0] =	ssyncset.done @!p0 $0x0  }
0x513: {  	[sflag:s0] =	ssyncadd.s32 @!p0 s1  }
0x514: {  	[bflag:$0x3] =	sbarrier.arrive $0xFFFF  }
0x515: {  	_ =	shalt  }

</sc_bundles>
